<compile_context>
chip_gen: v7x
topology: tpu7x:2x2x1
jax: 0.10.2.dev20260603
libtpu: 0.0.44.dev20260713+nightly
codegen_flags: <defaults>
</compile_context>

<pallas_src>
import functools

import jax
import jax.numpy as jnp
from jax import lax
from jax.experimental import pallas as pl
from jax.experimental.pallas import tpu as pltpu
from jax.experimental.pallas import tpu_sc as plsc

N = 10000
NP = 10240
D = 128
E = 320000
NC = 2
NS = 16
NW = NC * NS
EPW = E // NW
CS = 128
WCH = 8
NWIN = 10
NCH = NWIN * WCH
EPAD = 240
RPS = NP // NS
BN = 1024

_mesh = plsc.VectorSubcoreMesh(core_axis_name="c", subcore_axis_name="s")


def _make_agg(compute_deg):
  out_type = [jax.ShapeDtypeStruct((NC, NP, D), jnp.float32)]
  scratch = [
      pltpu.VMEM((2, WCH, CS), jnp.int32),
      pltpu.VMEM((2, WCH, CS), jnp.int32),
      pltpu.VMEM((2, CS, D), jnp.float32),
      pltpu.VMEM_SHARED((NP, D), jnp.float32),
      pltpu.SemaphoreType.DMA,
      pltpu.SemaphoreType.DMA,
      pltpu.SemaphoreType.DMA,
  ]
  if compute_deg:
    out_type.append(jax.ShapeDtypeStruct((NW, NP), jnp.float32))
    scratch.insert(3, pltpu.VMEM((NP,), jnp.float32))

  @functools.partial(pl.kernel, mesh=_mesh, out_type=out_type,
                     scratch_types=scratch)
  def agg(*refs):
    if compute_deg:
      (x_hbm, src_hbm, dst_hbm, aggr_out, deg_out,
       src_v, dst_v, rows_v, deg_v, acc_sh, sem_g, sem_s, sem_i) = refs
    else:
      (x_hbm, src_hbm, dst_hbm, aggr_out,
       src_v, dst_v, rows_v, acc_sh, sem_g, sem_s, sem_i) = refs

    c = lax.axis_index("c")
    s = lax.axis_index("s")
    w = c * NS + s

    z16 = jnp.zeros((16,), jnp.float32)

    def zrow(i, carry):
      for l in range(D // 16):
        rows_v[0, i, pl.ds(l * 16, 16)] = z16
      return carry
    lax.fori_loop(0, CS, zrow, 0)
    for t in range(RPS // CS):
      pltpu.sync_copy(rows_v.at[0], acc_sh.at[pl.ds(s * RPS + t * CS, CS)])
    if compute_deg:
      def zdeg(i, carry):
        deg_v[pl.ds(i * 16, 16)] = z16
        return carry
      lax.fori_loop(0, NP // 16, zdeg, 0)
    plsc.subcore_barrier()

    onehot = jnp.where(lax.iota(jnp.int32, 16) == 0, 1.0, 0.0)

    def hist(b, j):
      if compute_deg:
        for l in range(CS // 16):
          dvec = dst_v[b, j, pl.ds(l * 16, 16)]
          for q in range(16):
            d = dvec[q]
            deg_v[pl.ds(d, 16)] = deg_v[pl.ds(d, 16)] + onehot

    def drain(sem):
      pltpu.make_async_copy(x_hbm.at[src_v.at[0].at[0]], rows_v.at[0],
                            sem).wait()

    def drain_idx():
      pltpu.make_async_copy(src_hbm.at[w, 0], src_v.at[0], sem_i).wait()

    pltpu.sync_copy(src_hbm.at[w, 0], src_v.at[0])
    pltpu.sync_copy(dst_hbm.at[w, 0], dst_v.at[0])
    pltpu.async_copy(x_hbm.at[src_v.at[0].at[0]], rows_v.at[0], sem_g).wait()

    def chunk(g, carry):
      t = g // WCH
      j = lax.rem(g, WCH)
      b = lax.rem(t, 2)
      p = lax.rem(g, 2)
      tn = (g + 1) // WCH
      jn = lax.rem(g + 1, WCH)
      bn = lax.rem(tn, 2)

      @pl.when(jnp.logical_and(j == 0, t + 1 < NWIN))
      def _():
        pltpu.async_copy(src_hbm.at[w, t + 1], src_v.at[1 - b], sem_i)
        pltpu.async_copy(dst_hbm.at[w, t + 1], dst_v.at[1 - b], sem_i)

      @pl.when(jnp.logical_and(g + 1 < NCH, jn == 0))
      def _():
        drain_idx()
        drain_idx()

      @pl.when(g + 1 < NCH)
      def _():
        pltpu.async_copy(x_hbm.at[src_v.at[bn].at[jn]], rows_v.at[1 - p],
                         sem_g)
      pltpu.async_copy(rows_v.at[p], acc_sh.at[dst_v.at[b].at[j]], sem_s,
                       add=True)
      hist(b, j)
      drain(sem_s)

      @pl.when(g + 1 < NCH)
      def _():
        drain(sem_g)
      return carry
    lax.fori_loop(0, NCH, chunk, 0)

    plsc.subcore_barrier()
    pltpu.sync_copy(acc_sh.at[pl.ds(s * RPS, RPS)],
                    aggr_out.at[c, pl.ds(s * RPS, RPS)])
    if compute_deg:
      pltpu.sync_copy(deg_v, deg_out.at[w])

  return agg


_agg_with_deg = _make_agg(True)
_agg_no_deg = _make_agg(False)


def _mm_body(relu, aggrp_ref, deg_ref, x_ref, wl_ref, wr_ref, b_ref, out_ref):
  a = aggrp_ref[0] + aggrp_ref[1]
  deg = jnp.sum(deg_ref[...], axis=0)
  inv = 1.0 / jnp.maximum(deg, 1.0)
  m = a * inv[:, None]
  acc = jnp.dot(m, wl_ref[...], preferred_element_type=jnp.float32)
  acc = acc + jnp.dot(x_ref[...], wr_ref[...],
                      preferred_element_type=jnp.float32)
  acc = acc + b_ref[...]
  if relu:
    acc = jnp.maximum(acc, 0.0)
  out_ref[...] = acc


def _mm(aggrp, degp, x, wl, wr, b, relu):
  grid = (pl.cdiv(N, BN),)
  return pl.pallas_call(
      functools.partial(_mm_body, relu),
      grid=grid,
      in_specs=[
          pl.BlockSpec((NC, BN, D), lambda i: (0, i, 0)),
          pl.BlockSpec((NW, BN), lambda i: (0, i)),
          pl.BlockSpec((BN, D), lambda i: (i, 0)),
          pl.BlockSpec((D, D), lambda i: (0, 0)),
          pl.BlockSpec((D, D), lambda i: (0, 0)),
          pl.BlockSpec((1, D), lambda i: (0, 0)),
      ],
      out_specs=pl.BlockSpec((BN, D), lambda i: (i, 0)),
      out_shape=jax.ShapeDtypeStruct((N, D), jnp.float32),
  )(aggrp, degp, x, wl, wr, b)


def kernel(x, edge_index, layer, Wl_stack, Wr_stack, b_stack, W2_l, W2_r, b2):
  src = edge_index[0].astype(jnp.int32).reshape(NW, EPW)
  dst = edge_index[1].astype(jnp.int32).reshape(NW, EPW)
  pad_dst = N + (jnp.arange(EPAD, dtype=jnp.int32) % 224)
  pad_src = jnp.arange(EPAD, dtype=jnp.int32) * 41 % N
  src = jnp.concatenate(
      [src, jnp.broadcast_to(pad_src, (NW, EPAD))], axis=1
  ).reshape(NW, NWIN, WCH, CS)
  dst = jnp.concatenate(
      [dst, jnp.broadcast_to(pad_dst, (NW, EPAD))], axis=1
  ).reshape(NW, NWIN, WCH, CS)
  Wl = Wl_stack[layer]
  Wr = Wr_stack[layer]
  b = b_stack[layer]

  aggr1, degp = _agg_with_deg(x, src, dst)
  h = _mm(aggr1, degp, x, Wl, Wr, b.reshape(1, D), relu=True)
  (aggr2,) = _agg_no_deg(h, src, dst)
  out = _mm(aggr2, degp, h, W2_l, W2_r, b2.reshape(1, D), relu=False)
  return out

# --- scband reference (transcript-rebuilt; emitter-appended) ---
"""Pipeline reference for scband-gnn-pretrain-83150566851430 (READ-ONLY COPY).

The authoritative reference and input builder live on the scoring server;
editing this copy changes nothing except your own understanding.
"""

import jax, jax.numpy as jnp
import numpy as np

N = 10000
E = 320000
D = 128
H = 128
O = 128
L = 3


def setup_inputs(seed: int = 0) -> dict:
    key = jax.random.key(seed)
    ks = jax.random.split(key, 10)
    x = jax.random.normal(ks[0], (N, D), dtype=jnp.float32)
    edge_index = jax.random.randint(ks[1], (2, E), 0, N, dtype=jnp.int32).astype(jnp.int64)
    layer = 0
    Wl_stack = jax.random.normal(ks[2], (L, D, H), dtype=jnp.float32) * 0.05
    Wr_stack = jax.random.normal(ks[3], (L, D, H), dtype=jnp.float32) * 0.05
    b_stack = jnp.zeros((L, H), dtype=jnp.float32)
    W2_l = jax.random.normal(ks[4], (H, O), dtype=jnp.float32) * 0.05
    W2_r = jax.random.normal(ks[5], (H, O), dtype=jnp.float32) * 0.05
    b2 = jnp.zeros((O,), dtype=jnp.float32)
    return {"x": x, "edge_index": edge_index, "layer": layer,
            "Wl_stack": Wl_stack, "Wr_stack": Wr_stack, "b_stack": b_stack,
            "W2_l": W2_l, "W2_r": W2_r, "b2": b2}


def _sage_conv(x, src, dst, Wl, Wr, b, num_nodes):
    # PyG SAGEConv with mean aggregation: lin_l(mean_j x_j) + lin_r(x_i) + b
    ones = jnp.ones((src.shape[0],), dtype=x.dtype)
    deg = jax.ops.segment_sum(ones, dst, num_segments=num_nodes)
    aggr = jax.ops.segment_sum(x[src], dst, num_segments=num_nodes)
    aggr = aggr / jnp.clip(deg, 1.0)[:, None]
    return aggr @ Wl + x @ Wr + b


def reference(x, edge_index, layer, Wl_stack, Wr_stack, b_stack, W2_l, W2_r, b2):
    src = edge_index[0]
    dst = edge_index[1]
    n = x.shape[0]
    h = _sage_conv(x, src, dst, Wl_stack[layer], Wr_stack[layer], b_stack[layer], n)
    h = jax.nn.relu(h)
    out = _sage_conv(h, src, dst, W2_l, W2_r, b2, n)
    return out

if __name__ == "__main__":
    import jax
    _d = setup_inputs()
    print(jax.jit(kernel)(*tuple(_d.values())))

</pallas_src>

<mosaic_0001>
#map = affine_map<(d0, d1) -> (0, 0)>
#map1 = affine_map<(d0, d1) -> (0, 0, 0, 0)>
#map2 = affine_map<(d0, d1) -> (0, 0, 0)>
module attributes {stable_mosaic.version = 14 : i64} {
  func.func @agg(%arg0: i32, %arg1: i32, %arg2: memref<10000x128xf32, #tpu.memory_space<hbm>>, %arg3: memref<32x10x8x128xi32, #tpu.memory_space<hbm>>, %arg4: memref<32x10x8x128xi32, #tpu.memory_space<hbm>>, %arg5: memref<2x10240x128xf32, #tpu.memory_space<hbm>>, %arg6: memref<32x10240xf32, #tpu.memory_space<hbm>>, %arg7: memref<2x8x128xi32, #tpu.memory_space<vmem>>, %arg8: memref<2x8x128xi32, #tpu.memory_space<vmem>>, %arg9: memref<2x128x128xf32, #tpu.memory_space<vmem>>, %arg10: memref<10240xf32, #tpu.memory_space<vmem>>, %arg11: memref<10240x128xf32, #tpu.memory_space<vmem_shared>>, %arg12: memref<!tpu.dma_semaphore, #tpu.memory_space<semaphore_mem>>, %arg13: memref<!tpu.dma_semaphore, #tpu.memory_space<semaphore_mem>>, %arg14: memref<!tpu.dma_semaphore, #tpu.memory_space<semaphore_mem>>) attributes {dimension_semantics = [#tpu.dimension_semantics<core_parallel>, #tpu.dimension_semantics<subcore_parallel>], iteration_bounds = array<i64: 2, 16>, scalar_prefetch = 0 : i64, scratch_operands = 8 : i64, tpu.core_type = #tpu.core_type<sc_vector_subcore>, window_params = [{transform_indices = #map}, {transform_indices = #map1}, {transform_indices = #map1}, {transform_indices = #map2}, {transform_indices = #map}]} {
    %mul3A = arith.constant 16 : i32
    %mul3A_0 = arith.muli %arg0, %mul3A : i32
    %add3A = arith.addi %mul3A_0, %arg1 : i32
    %broadcast_in_dim3A = arith.constant 0.000000e+00 : f32
    %broadcast_in_dim3A_1 = vector.broadcast %broadcast_in_dim3A : f32 to vector<16xf32>
    %scan3A = arith.constant 0 : i32
    %scan3A_2 = arith.constant 0 : i32
    %scan3A_3 = arith.constant 128 : i32
    %scan3A_4 = arith.addi %scan3A_2, %scan3A_3 : i32
    %scan3A_5 = arith.constant 1 : i32
    scf.for %scan3A_89 = %scan3A_2 to %scan3A_4 step %scan3A_5  : i32 {
      %swap3A = arith.constant 0 : i32
      %swap3A_90 = arith.index_cast %swap3A : i32 to index
      %swap3A_91 = arith.index_cast %scan3A_89 : i32 to index
      %swap3A_92 = arith.constant 0 : index
      %swap3A_93 = tpu.vector_load %arg9[%swap3A_90, %swap3A_91, %swap3A_92] {strides = array<i32>} : memref<2x128x128xf32, #tpu.memory_space<vmem>>, vector<1x1x16xf32>,
      %swap3A_94 = vector.shape_cast %swap3A_93 : vector<1x1x16xf32> to vector<16xf32>
      %swap3A_95 = vector.shape_cast %broadcast_in_dim3A_1 : vector<16xf32> to vector<1x1x16xf32>
      tpu.vector_store %arg9[%swap3A_90, %swap3A_91, %swap3A_92], %swap3A_95 {strides = array<i32>} : memref<2x128x128xf32, #tpu.memory_space<vmem>>, vector<1x1x16xf32>,
      %swap3A_96 = arith.constant 0 : i32
      %swap3A_97 = arith.index_cast %swap3A_96 : i32 to index
      %swap3A_98 = arith.index_cast %scan3A_89 : i32 to index
      %swap3A_99 = arith.constant 16 : index
      %swap3A_100 = tpu.vector_load %arg9[%swap3A_97, %swap3A_98, %swap3A_99] {strides = array<i32>} : memref<2x128x128xf32, #tpu.memory_space<vmem>>, vector<1x1x16xf32>,
      %swap3A_101 = vector.shape_cast %swap3A_100 : vector<1x1x16xf32> to vector<16xf32>
      %swap3A_102 = vector.shape_cast %broadcast_in_dim3A_1 : vector<16xf32> to vector<1x1x16xf32>
      tpu.vector_store %arg9[%swap3A_97, %swap3A_98, %swap3A_99], %swap3A_102 {strides = array<i32>} : memref<2x128x128xf32, #tpu.memory_space<vmem>>, vector<1x1x16xf32>,
      %swap3A_103 = arith.constant 0 : i32
      %swap3A_104 = arith.index_cast %swap3A_103 : i32 to index
      %swap3A_105 = arith.index_cast %scan3A_89 : i32 to index
      %swap3A_106 = arith.constant 32 : index
      %swap3A_107 = tpu.vector_load %arg9[%swap3A_104, %swap3A_105, %swap3A_106] {strides = array<i32>} : memref<2x128x128xf32, #tpu.memory_space<vmem>>, vector<1x1x16xf32>,
      %swap3A_108 = vector.shape_cast %swap3A_107 : vector<1x1x16xf32> to vector<16xf32>
      %swap3A_109 = vector.shape_cast %broadcast_in_dim3A_1 : vector<16xf32> to vector<1x1x16xf32>
      tpu.vector_store %arg9[%swap3A_104, %swap3A_105, %swap3A_106], %swap3A_109 {strides = array<i32>} : memref<2x128x128xf32, #tpu.memory_space<vmem>>, vector<1x1x16xf32>,
      %swap3A_110 = arith.constant 0 : i32
      %swap3A_111 = arith.index_cast %swap3A_110 : i32 to index
      %swap3A_112 = arith.index_cast %scan3A_89 : i32 to index
      %swap3A_113 = arith.constant 48 : index
      %swap3A_114 = tpu.vector_load %arg9[%swap3A_111, %swap3A_112, %swap3A_113] {strides = array<i32>} : memref<2x128x128xf32, #tpu.memory_space<vmem>>, vector<1x1x16xf32>,
      %swap3A_115 = vector.shape_cast %swap3A_114 : vector<1x1x16xf32> to vector<16xf32>
      %swap3A_116 = vector.shape_cast %broadcast_in_dim3A_1 : vector<16xf32> to vector<1x1x16xf32>
      tpu.vector_store %arg9[%swap3A_111, %swap3A_112, %swap3A_113], %swap3A_116 {strides = array<i32>} : memref<2x128x128xf32, #tpu.memory_space<vmem>>, vector<1x1x16xf32>,
      %swap3A_117 = arith.constant 0 : i32
      %swap3A_118 = arith.index_cast %swap3A_117 : i32 to index
      %swap3A_119 = arith.index_cast %scan3A_89 : i32 to index
      %swap3A_120 = arith.constant 64 : index
      %swap3A_121 = tpu.vector_load %arg9[%swap3A_118, %swap3A_119, %swap3A_120] {strides = array<i32>} : memref<2x128x128xf32, #tpu.memory_space<vmem>>, vector<1x1x16xf32>,
      %swap3A_122 = vector.shape_cast %swap3A_121 : vector<1x1x16xf32> to vector<16xf32>
      %swap3A_123 = vector.shape_cast %broadcast_in_dim3A_1 : vector<16xf32> to vector<1x1x16xf32>
      tpu.vector_store %arg9[%swap3A_118, %swap3A_119, %swap3A_120], %swap3A_123 {strides = array<i32>} : memref<2x128x128xf32, #tpu.memory_space<vmem>>, vector<1x1x16xf32>,
      %swap3A_124 = arith.constant 0 : i32
      %swap3A_125 = arith.index_cast %swap3A_124 : i32 to index
      %swap3A_126 = arith.index_cast %scan3A_89 : i32 to index
      %swap3A_127 = arith.constant 80 : index
      %swap3A_128 = tpu.vector_load %arg9[%swap3A_125, %swap3A_126, %swap3A_127] {strides = array<i32>} : memref<2x128x128xf32, #tpu.memory_space<vmem>>, vector<1x1x16xf32>,
      %swap3A_129 = vector.shape_cast %swap3A_128 : vector<1x1x16xf32> to vector<16xf32>
      %swap3A_130 = vector.shape_cast %broadcast_in_dim3A_1 : vector<16xf32> to vector<1x1x16xf32>
      tpu.vector_store %arg9[%swap3A_125, %swap3A_126, %swap3A_127], %swap3A_130 {strides = array<i32>} : memref<2x128x128xf32, #tpu.memory_space<vmem>>, vector<1x1x16xf32>,
      %swap3A_131 = arith.constant 0 : i32
      %swap3A_132 = arith.index_cast %swap3A_131 : i32 to index
      %swap3A_133 = arith.index_cast %scan3A_89 : i32 to index
      %swap3A_134 = arith.constant 96 : index
      %swap3A_135 = tpu.vector_load %arg9[%swap3A_132, %swap3A_133, %swap3A_134] {strides = array<i32>} : memref<2x128x128xf32, #tpu.memory_space<vmem>>, vector<1x1x16xf32>,
      %swap3A_136 = vector.shape_cast %swap3A_135 : vector<1x1x16xf32> to vector<16xf32>
      %swap3A_137 = vector.shape_cast %broadcast_in_dim3A_1 : vector<16xf32> to vector<1x1x16xf32>
      tpu.vector_store %arg9[%swap3A_132, %swap3A_133, %swap3A_134], %swap3A_137 {strides = array<i32>} : memref<2x128x128xf32, #tpu.memory_space<vmem>>, vector<1x1x16xf32>,
      %swap3A_138 = arith.constant 0 : i32
      %swap3A_139 = arith.index_cast %swap3A_138 : i32 to index
      %swap3A_140 = arith.index_cast %scan3A_89 : i32 to index
      %swap3A_141 = arith.constant 112 : index
      %swap3A_142 = tpu.vector_load %arg9[%swap3A_139, %swap3A_140, %swap3A_141] {strides = array<i32>} : memref<2x128x128xf32, #tpu.memory_space<vmem>>, vector<1x1x16xf32>,
      %swap3A_143 = vector.shape_cast %swap3A_142 : vector<1x1x16xf32> to vector<16xf32>
      %swap3A_144 = vector.shape_cast %broadcast_in_dim3A_1 : vector<16xf32> to vector<1x1x16xf32>
      tpu.vector_store %arg9[%swap3A_139, %swap3A_140, %swap3A_141], %swap3A_144 {strides = array<i32>} : memref<2x128x128xf32, #tpu.memory_space<vmem>>, vector<1x1x16xf32>,
    }
    %scan3A_6 = arith.constant 128 : i32
    %mul3A_7 = arith.constant 640 : i32
    %mul3A_8 = arith.muli %arg1, %mul3A_7 : i32
    %add3A_9 = arith.constant 0 : i32
    %add3A_10 = arith.addi %mul3A_8, %add3A_9 : i32
    %run_scoped3A = arith.constant 0 : i32
    "tpu.region"() ({
      %run_scoped3A_89 = tpu.sem_alloc : memref<!tpu.dma_semaphore, #tpu.memory_space<semaphore_mem>>
      %dma_start3A_90 = arith.constant 0 : i32
      %dma_start3A_91 = arith.constant 0 : i32
      %dma_start3A_92 = tpu.memref_slice %arg9[%run_scoped3A, %dma_start3A_90, %dma_start3A_91] : memref<2x128x128xf32, #tpu.memory_space<vmem>> -> memref<1x128x128xf32, #tpu.memory_space<vmem>>
      %dma_start3A_93 = tpu.memref_squeeze %dma_start3A_92 : memref<1x128x128xf32, #tpu.memory_space<vmem>> -> memref<128x128xf32, #tpu.memory_space<vmem>>
      %dma_start3A_94 = arith.constant 0 : i32
      %dma_start3A_95 = tpu.memref_slice %arg11[%add3A_10, %dma_start3A_94] : memref<10240x128xf32, #tpu.memory_space<vmem_shared>> -> memref<128x128xf32, #tpu.memory_space<vmem_shared>>
      %dma_start3A_96 = arith.constant 0 : i32
      %dma_start3A_97 = tpu.memref_slice %arg11[%add3A_10, %dma_start3A_96] : memref<10240x128xf32, #tpu.memory_space<vmem_shared>> -> memref<128x128xf32, #tpu.memory_space<vmem_shared>>
      %dma_start3A_98 = arith.constant 0 : i32
      %dma_start3A_99 = arith.constant 0 : i32
      %dma_start3A_100 = tpu.memref_slice %arg9[%run_scoped3A, %dma_start3A_98, %dma_start3A_99] : memref<2x128x128xf32, #tpu.memory_space<vmem>> -> memref<1x128x128xf32, #tpu.memory_space<vmem>>
      %dma_start3A_101 = tpu.memref_squeeze %dma_start3A_100 : memref<1x128x128xf32, #tpu.memory_space<vmem>> -> memref<128x128xf32, #tpu.memory_space<vmem>>
      tpu.enqueue_dma source(%dma_start3A_101 : memref<128x128xf32, #tpu.memory_space<vmem>>) target(%dma_start3A_97 : memref<128x128xf32, #tpu.memory_space<vmem_shared>>) target_semaphore(%run_scoped3A_89 : memref<!tpu.dma_semaphore, #tpu.memory_space<semaphore_mem>>)
      %dma_wait3A_102 = arith.constant 0 : i32
      %dma_wait3A_103 = arith.constant 0 : i32
      %dma_wait3A_104 = tpu.memref_slice %arg9[%run_scoped3A, %dma_wait3A_102, %dma_wait3A_103] : memref<2x128x128xf32, #tpu.memory_space<vmem>> -> memref<1x128x128xf32, #tpu.memory_space<vmem>>
      %dma_wait3A_105 = tpu.memref_squeeze %dma_wait3A_104 : memref<1x128x128xf32, #tpu.memory_space<vmem>> -> memref<128x128xf32, #tpu.memory_space<vmem>>
      %dma_wait3A_106 = arith.constant 0 : i32
      %dma_wait3A_107 = tpu.memref_slice %arg11[%add3A_10, %dma_wait3A_106] : memref<10240x128xf32, #tpu.memory_space<vmem_shared>> -> memref<128x128xf32, #tpu.memory_space<vmem_shared>>
      %dma_wait3A_108 = arith.constant 0 : i32
      %dma_wait3A_109 = tpu.memref_slice %arg11[%add3A_10, %dma_wait3A_108] : memref<10240x128xf32, #tpu.memory_space<vmem_shared>> -> memref<128x128xf32, #tpu.memory_space<vmem_shared>>
      %dma_wait3A_110 = arith.constant 0 : i32
      %dma_wait3A_111 = arith.constant 0 : i32
      %dma_wait3A_112 = tpu.memref_slice %arg9[%run_scoped3A, %dma_wait3A_110, %dma_wait3A_111] : memref<2x128x128xf32, #tpu.memory_space<vmem>> -> memref<1x128x128xf32, #tpu.memory_space<vmem>>
      %dma_wait3A_113 = tpu.memref_squeeze %dma_wait3A_112 : memref<1x128x128xf32, #tpu.memory_space<vmem>> -> memref<128x128xf32, #tpu.memory_space<vmem>>
      tpu.wait_dma2 semaphore(%run_scoped3A_89 : memref<!tpu.dma_semaphore, #tpu.memory_space<semaphore_mem>>) src(%dma_wait3A_113 : memref<128x128xf32, #tpu.memory_space<vmem>>) dst(%dma_wait3A_109 : memref<128x128xf32, #tpu.memory_space<vmem_shared>>)
      tpu.yield
    }) : () -> ()
    %mul3A_11 = arith.constant 640 : i32
    %mul3A_12 = arith.muli %arg1, %mul3A_11 : i32
    %add3A_13 = arith.constant 128 : i32
    %add3A_14 = arith.addi %mul3A_12, %add3A_13 : i32
    %run_scoped3A_15 = arith.constant 0 : i32
    "tpu.region"() ({
      %run_scoped3A_89 = tpu.sem_alloc : memref<!tpu.dma_semaphore, #tpu.memory_space<semaphore_mem>>
      %dma_start3A_90 = arith.constant 0 : i32
      %dma_start3A_91 = arith.constant 0 : i32
      %dma_start3A_92 = tpu.memref_slice %arg9[%run_scoped3A_15, %dma_start3A_90, %dma_start3A_91] : memref<2x128x128xf32, #tpu.memory_space<vmem>> -> memref<1x128x128xf32, #tpu.memory_space<vmem>>
      %dma_start3A_93 = tpu.memref_squeeze %dma_start3A_92 : memref<1x128x128xf32, #tpu.memory_space<vmem>> -> memref<128x128xf32, #tpu.memory_space<vmem>>
      %dma_start3A_94 = arith.constant 0 : i32
      %dma_start3A_95 = tpu.memref_slice %arg11[%add3A_14, %dma_start3A_94] : memref<10240x128xf32, #tpu.memory_space<vmem_shared>> -> memref<128x128xf32, #tpu.memory_space<vmem_shared>>
      %dma_start3A_96 = arith.constant 0 : i32
      %dma_start3A_97 = tpu.memref_slice %arg11[%add3A_14, %dma_start3A_96] : memref<10240x128xf32, #tpu.memory_space<vmem_shared>> -> memref<128x128xf32, #tpu.memory_space<vmem_shared>>
      %dma_start3A_98 = arith.constant 0 : i32
      %dma_start3A_99 = arith.constant 0 : i32
      %dma_start3A_100 = tpu.memref_slice %arg9[%run_scoped3A_15, %dma_start3A_98, %dma_start3A_99] : memref<2x128x128xf32, #tpu.memory_space<vmem>> -> memref<1x128x128xf32, #tpu.memory_space<vmem>>
      %dma_start3A_101 = tpu.memref_squeeze %dma_start3A_100 : memref<1x128x128xf32, #tpu.memory_space<vmem>> -> memref<128x128xf32, #tpu.memory_space<vmem>>
      tpu.enqueue_dma source(%dma_start3A_101 : memref<128x128xf32, #tpu.memory_space<vmem>>) target(%dma_start3A_97 : memref<128x128xf32, #tpu.memory_space<vmem_shared>>) target_semaphore(%run_scoped3A_89 : memref<!tpu.dma_semaphore, #tpu.memory_space<semaphore_mem>>)
      %dma_wait3A_102 = arith.constant 0 : i32
      %dma_wait3A_103 = arith.constant 0 : i32
      %dma_wait3A_104 = tpu.memref_slice %arg9[%run_scoped3A_15, %dma_wait3A_102, %dma_wait3A_103] : memref<2x128x128xf32, #tpu.memory_space<vmem>> -> memref<1x128x128xf32, #tpu.memory_space<vmem>>
      %dma_wait3A_105 = tpu.memref_squeeze %dma_wait3A_104 : memref<1x128x128xf32, #tpu.memory_space<vmem>> -> memref<128x128xf32, #tpu.memory_space<vmem>>
      %dma_wait3A_106 = arith.constant 0 : i32
      %dma_wait3A_107 = tpu.memref_slice %arg11[%add3A_14, %dma_wait3A_106] : memref<10240x128xf32, #tpu.memory_space<vmem_shared>> -> memref<128x128xf32, #tpu.memory_space<vmem_shared>>
      %dma_wait3A_108 = arith.constant 0 : i32
      %dma_wait3A_109 = tpu.memref_slice %arg11[%add3A_14, %dma_wait3A_108] : memref<10240x128xf32, #tpu.memory_space<vmem_shared>> -> memref<128x128xf32, #tpu.memory_space<vmem_shared>>
      %dma_wait3A_110 = arith.constant 0 : i32
      %dma_wait3A_111 = arith.constant 0 : i32
      %dma_wait3A_112 = tpu.memref_slice %arg9[%run_scoped3A_15, %dma_wait3A_110, %dma_wait3A_111] : memref<2x128x128xf32, #tpu.memory_space<vmem>> -> memref<1x128x128xf32, #tpu.memory_space<vmem>>
      %dma_wait3A_113 = tpu.memref_squeeze %dma_wait3A_112 : memref<1x128x128xf32, #tpu.memory_space<vmem>> -> memref<128x128xf32, #tpu.memory_space<vmem>>
      tpu.wait_dma2 semaphore(%run_scoped3A_89 : memref<!tpu.dma_semaphore, #tpu.memory_space<semaphore_mem>>) src(%dma_wait3A_113 : memref<128x128xf32, #tpu.memory_space<vmem>>) dst(%dma_wait3A_109 : memref<128x128xf32, #tpu.memory_space<vmem_shared>>)
      tpu.yield
    }) : () -> ()
    %mul3A_16 = arith.constant 640 : i32
    %mul3A_17 = arith.muli %arg1, %mul3A_16 : i32
    %add3A_18 = arith.constant 256 : i32
    %add3A_19 = arith.addi %mul3A_17, %add3A_18 : i32
    %run_scoped3A_20 = arith.constant 0 : i32
    "tpu.region"() ({
      %run_scoped3A_89 = tpu.sem_alloc : memref<!tpu.dma_semaphore, #tpu.memory_space<semaphore_mem>>
      %dma_start3A_90 = arith.constant 0 : i32
      %dma_start3A_91 = arith.constant 0 : i32
      %dma_start3A_92 = tpu.memref_slice %arg9[%run_scoped3A_20, %dma_start3A_90, %dma_start3A_91] : memref<2x128x128xf32, #tpu.memory_space<vmem>> -> memref<1x128x128xf32, #tpu.memory_space<vmem>>
      %dma_start3A_93 = tpu.memref_squeeze %dma_start3A_92 : memref<1x128x128xf32, #tpu.memory_space<vmem>> -> memref<128x128xf32, #tpu.memory_space<vmem>>
      %dma_start3A_94 = arith.constant 0 : i32
      %dma_start3A_95 = tpu.memref_slice %arg11[%add3A_19, %dma_start3A_94] : memref<10240x128xf32, #tpu.memory_space<vmem_shared>> -> memref<128x128xf32, #tpu.memory_space<vmem_shared>>
      %dma_start3A_96 = arith.constant 0 : i32
      %dma_start3A_97 = tpu.memref_slice %arg11[%add3A_19, %dma_start3A_96] : memref<10240x128xf32, #tpu.memory_space<vmem_shared>> -> memref<128x128xf32, #tpu.memory_space<vmem_shared>>
      %dma_start3A_98 = arith.constant 0 : i32
      %dma_start3A_99 = arith.constant 0 : i32
      %dma_start3A_100 = tpu.memref_slice %arg9[%run_scoped3A_20, %dma_start3A_98, %dma_start3A_99] : memref<2x128x128xf32, #tpu.memory_space<vmem>> -> memref<1x128x128xf32, #tpu.memory_space<vmem>>
      %dma_start3A_101 = tpu.memref_squeeze %dma_start3A_100 : memref<1x128x128xf32, #tpu.memory_space<vmem>> -> memref<128x128xf32, #tpu.memory_space<vmem>>
      tpu.enqueue_dma source(%dma_start3A_101 : memref<128x128xf32, #tpu.memory_space<vmem>>) target(%dma_start3A_97 : memref<128x128xf32, #tpu.memory_space<vmem_shared>>) target_semaphore(%run_scoped3A_89 : memref<!tpu.dma_semaphore, #tpu.memory_space<semaphore_mem>>)
      %dma_wait3A_102 = arith.constant 0 : i32
      %dma_wait3A_103 = arith.constant 0 : i32
      %dma_wait3A_104 = tpu.memref_slice %arg9[%run_scoped3A_20, %dma_wait3A_102, %dma_wait3A_103] : memref<2x128x128xf32, #tpu.memory_space<vmem>> -> memref<1x128x128xf32, #tpu.memory_space<vmem>>
      %dma_wait3A_105 = tpu.memref_squeeze %dma_wait3A_104 : memref<1x128x128xf32, #tpu.memory_space<vmem>> -> memref<128x128xf32, #tpu.memory_space<vmem>>
      %dma_wait3A_106 = arith.constant 0 : i32
      %dma_wait3A_107 = tpu.memref_slice %arg11[%add3A_19, %dma_wait3A_106] : memref<10240x128xf32, #tpu.memory_space<vmem_shared>> -> memref<128x128xf32, #tpu.memory_space<vmem_shared>>
      %dma_wait3A_108 = arith.constant 0 : i32
      %dma_wait3A_109 = tpu.memref_slice %arg11[%add3A_19, %dma_wait3A_108] : memref<10240x128xf32, #tpu.memory_space<vmem_shared>> -> memref<128x128xf32, #tpu.memory_space<vmem_shared>>
      %dma_wait3A_110 = arith.constant 0 : i32
      %dma_wait3A_111 = arith.constant 0 : i32
      %dma_wait3A_112 = tpu.memref_slice %arg9[%run_scoped3A_20, %dma_wait3A_110, %dma_wait3A_111] : memref<2x128x128xf32, #tpu.memory_space<vmem>> -> memref<1x128x128xf32, #tpu.memory_space<vmem>>
      %dma_wait3A_113 = tpu.memref_squeeze %dma_wait3A_112 : memref<1x128x128xf32, #tpu.memory_space<vmem>> -> memref<128x128xf32, #tpu.memory_space<vmem>>
      tpu.wait_dma2 semaphore(%run_scoped3A_89 : memref<!tpu.dma_semaphore, #tpu.memory_space<semaphore_mem>>) src(%dma_wait3A_113 : memref<128x128xf32, #tpu.memory_space<vmem>>) dst(%dma_wait3A_109 : memref<128x128xf32, #tpu.memory_space<vmem_shared>>)
      tpu.yield
    }) : () -> ()
    %mul3A_21 = arith.constant 640 : i32
    %mul3A_22 = arith.muli %arg1, %mul3A_21 : i32
    %add3A_23 = arith.constant 384 : i32
    %add3A_24 = arith.addi %mul3A_22, %add3A_23 : i32
    %run_scoped3A_25 = arith.constant 0 : i32
    "tpu.region"() ({
      %run_scoped3A_89 = tpu.sem_alloc : memref<!tpu.dma_semaphore, #tpu.memory_space<semaphore_mem>>
      %dma_start3A_90 = arith.constant 0 : i32
      %dma_start3A_91 = arith.constant 0 : i32
      %dma_start3A_92 = tpu.memref_slice %arg9[%run_scoped3A_25, %dma_start3A_90, %dma_start3A_91] : memref<2x128x128xf32, #tpu.memory_space<vmem>> -> memref<1x128x128xf32, #tpu.memory_space<vmem>>
      %dma_start3A_93 = tpu.memref_squeeze %dma_start3A_92 : memref<1x128x128xf32, #tpu.memory_space<vmem>> -> memref<128x128xf32, #tpu.memory_space<vmem>>
      %dma_start3A_94 = arith.constant 0 : i32
      %dma_start3A_95 = tpu.memref_slice %arg11[%add3A_24, %dma_start3A_94] : memref<10240x128xf32, #tpu.memory_space<vmem_shared>> -> memref<128x128xf32, #tpu.memory_space<vmem_shared>>
      %dma_start3A_96 = arith.constant 0 : i32
      %dma_start3A_97 = tpu.memref_slice %arg11[%add3A_24, %dma_start3A_96] : memref<10240x128xf32, #tpu.memory_space<vmem_shared>> -> memref<128x128xf32, #tpu.memory_space<vmem_shared>>
      %dma_start3A_98 = arith.constant 0 : i32
      %dma_start3A_99 = arith.constant 0 : i32
      %dma_start3A_100 = tpu.memref_slice %arg9[%run_scoped3A_25, %dma_start3A_98, %dma_start3A_99] : memref<2x128x128xf32, #tpu.memory_space<vmem>> -> memref<1x128x128xf32, #tpu.memory_space<vmem>>
      %dma_start3A_101 = tpu.memref_squeeze %dma_start3A_100 : memref<1x128x128xf32, #tpu.memory_space<vmem>> -> memref<128x128xf32, #tpu.memory_space<vmem>>
      tpu.enqueue_dma source(%dma_start3A_101 : memref<128x128xf32, #tpu.memory_space<vmem>>) target(%dma_start3A_97 : memref<128x128xf32, #tpu.memory_space<vmem_shared>>) target_semaphore(%run_scoped3A_89 : memref<!tpu.dma_semaphore, #tpu.memory_space<semaphore_mem>>)
      %dma_wait3A_102 = arith.constant 0 : i32
      %dma_wait3A_103 = arith.constant 0 : i32
      %dma_wait3A_104 = tpu.memref_slice %arg9[%run_scoped3A_25, %dma_wait3A_102, %dma_wait3A_103] : memref<2x128x128xf32, #tpu.memory_space<vmem>> -> memref<1x128x128xf32, #tpu.memory_space<vmem>>
      %dma_wait3A_105 = tpu.memref_squeeze %dma_wait3A_104 : memref<1x128x128xf32, #tpu.memory_space<vmem>> -> memref<128x128xf32, #tpu.memory_space<vmem>>
      %dma_wait3A_106 = arith.constant 0 : i32
      %dma_wait3A_107 = tpu.memref_slice %arg11[%add3A_24, %dma_wait3A_106] : memref<10240x128xf32, #tpu.memory_space<vmem_shared>> -> memref<128x128xf32, #tpu.memory_space<vmem_shared>>
      %dma_wait3A_108 = arith.constant 0 : i32
      %dma_wait3A_109 = tpu.memref_slice %arg11[%add3A_24, %dma_wait3A_108] : memref<10240x128xf32, #tpu.memory_space<vmem_shared>> -> memref<128x128xf32, #tpu.memory_space<vmem_shared>>
      %dma_wait3A_110 = arith.constant 0 : i32
      %dma_wait3A_111 = arith.constant 0 : i32
      %dma_wait3A_112 = tpu.memref_slice %arg9[%run_scoped3A_25, %dma_wait3A_110, %dma_wait3A_111] : memref<2x128x128xf32, #tpu.memory_space<vmem>> -> memref<1x128x128xf32, #tpu.memory_space<vmem>>
      %dma_wait3A_113 = tpu.memref_squeeze %dma_wait3A_112 : memref<1x128x128xf32, #tpu.memory_space<vmem>> -> memref<128x128xf32, #tpu.memory_space<vmem>>
      tpu.wait_dma2 semaphore(%run_scoped3A_89 : memref<!tpu.dma_semaphore, #tpu.memory_space<semaphore_mem>>) src(%dma_wait3A_113 : memref<128x128xf32, #tpu.memory_space<vmem>>) dst(%dma_wait3A_109 : memref<128x128xf32, #tpu.memory_space<vmem_shared>>)
      tpu.yield
    }) : () -> ()
    %mul3A_26 = arith.constant 640 : i32
    %mul3A_27 = arith.muli %arg1, %mul3A_26 : i32
    %add3A_28 = arith.constant 512 : i32
    %add3A_29 = arith.addi %mul3A_27, %add3A_28 : i32
    %run_scoped3A_30 = arith.constant 0 : i32
    "tpu.region"() ({
      %run_scoped3A_89 = tpu.sem_alloc : memref<!tpu.dma_semaphore, #tpu.memory_space<semaphore_mem>>
      %dma_start3A_90 = arith.constant 0 : i32
      %dma_start3A_91 = arith.constant 0 : i32
      %dma_start3A_92 = tpu.memref_slice %arg9[%run_scoped3A_30, %dma_start3A_90, %dma_start3A_91] : memref<2x128x128xf32, #tpu.memory_space<vmem>> -> memref<1x128x128xf32, #tpu.memory_space<vmem>>
      %dma_start3A_93 = tpu.memref_squeeze %dma_start3A_92 : memref<1x128x128xf32, #tpu.memory_space<vmem>> -> memref<128x128xf32, #tpu.memory_space<vmem>>
      %dma_start3A_94 = arith.constant 0 : i32
      %dma_start3A_95 = tpu.memref_slice %arg11[%add3A_29, %dma_start3A_94] : memref<10240x128xf32, #tpu.memory_space<vmem_shared>> -> memref<128x128xf32, #tpu.memory_space<vmem_shared>>
      %dma_start3A_96 = arith.constant 0 : i32
      %dma_start3A_97 = tpu.memref_slice %arg11[%add3A_29, %dma_start3A_96] : memref<10240x128xf32, #tpu.memory_space<vmem_shared>> -> memref<128x128xf32, #tpu.memory_space<vmem_shared>>
      %dma_start3A_98 = arith.constant 0 : i32
      %dma_start3A_99 = arith.constant 0 : i32
      %dma_start3A_100 = tpu.memref_slice %arg9[%run_scoped3A_30, %dma_start3A_98, %dma_start3A_99] : memref<2x128x128xf32, #tpu.memory_space<vmem>> -> memref<1x128x128xf32, #tpu.memory_space<vmem>>
      %dma_start3A_101 = tpu.memref_squeeze %dma_start3A_100 : memref<1x128x128xf32, #tpu.memory_space<vmem>> -> memref<128x128xf32, #tpu.memory_space<vmem>>
      tpu.enqueue_dma source(%dma_start3A_101 : memref<128x128xf32, #tpu.memory_space<vmem>>) target(%dma_start3A_97 : memref<128x128xf32, #tpu.memory_space<vmem_shared>>) target_semaphore(%run_scoped3A_89 : memref<!tpu.dma_semaphore, #tpu.memory_space<semaphore_mem>>)
      %dma_wait3A_102 = arith.constant 0 : i32
      %dma_wait3A_103 = arith.constant 0 : i32
      %dma_wait3A_104 = tpu.memref_slice %arg9[%run_scoped3A_30, %dma_wait3A_102, %dma_wait3A_103] : memref<2x128x128xf32, #tpu.memory_space<vmem>> -> memref<1x128x128xf32, #tpu.memory_space<vmem>>
      %dma_wait3A_105 = tpu.memref_squeeze %dma_wait3A_104 : memref<1x128x128xf32, #tpu.memory_space<vmem>> -> memref<128x128xf32, #tpu.memory_space<vmem>>
      %dma_wait3A_106 = arith.constant 0 : i32
      %dma_wait3A_107 = tpu.memref_slice %arg11[%add3A_29, %dma_wait3A_106] : memref<10240x128xf32, #tpu.memory_space<vmem_shared>> -> memref<128x128xf32, #tpu.memory_space<vmem_shared>>
      %dma_wait3A_108 = arith.constant 0 : i32
      %dma_wait3A_109 = tpu.memref_slice %arg11[%add3A_29, %dma_wait3A_108] : memref<10240x128xf32, #tpu.memory_space<vmem_shared>> -> memref<128x128xf32, #tpu.memory_space<vmem_shared>>
      %dma_wait3A_110 = arith.constant 0 : i32
      %dma_wait3A_111 = arith.constant 0 : i32
      %dma_wait3A_112 = tpu.memref_slice %arg9[%run_scoped3A_30, %dma_wait3A_110, %dma_wait3A_111] : memref<2x128x128xf32, #tpu.memory_space<vmem>> -> memref<1x128x128xf32, #tpu.memory_space<vmem>>
      %dma_wait3A_113 = tpu.memref_squeeze %dma_wait3A_112 : memref<1x128x128xf32, #tpu.memory_space<vmem>> -> memref<128x128xf32, #tpu.memory_space<vmem>>
      tpu.wait_dma2 semaphore(%run_scoped3A_89 : memref<!tpu.dma_semaphore, #tpu.memory_space<semaphore_mem>>) src(%dma_wait3A_113 : memref<128x128xf32, #tpu.memory_space<vmem>>) dst(%dma_wait3A_109 : memref<128x128xf32, #tpu.memory_space<vmem_shared>>)
      tpu.yield
    }) : () -> ()
    %scan3A_31 = arith.constant 0 : i32
    %scan3A_32 = arith.constant 0 : i32
    %scan3A_33 = arith.constant 640 : i32
    %scan3A_34 = arith.addi %scan3A_32, %scan3A_33 : i32
    %scan3A_35 = arith.constant 1 : i32
    scf.for %scan3A_89 = %scan3A_32 to %scan3A_34 step %scan3A_35  : i32 {
      %mul3A_90 = arith.constant 16 : i32
      %mul3A_91 = arith.muli %scan3A_89, %mul3A_90 : i32
      %swap3A = arith.index_cast %mul3A_91 : i32 to index
      %swap3A_92 = tpu.vector_load %arg10[%swap3A] {strides = array<i32>} : memref<10240xf32, #tpu.memory_space<vmem>>, vector<16xf32>,
      %swap3A_93 = vector.shape_cast %swap3A_92 : vector<16xf32> to vector<16xf32>
      %swap3A_94 = vector.shape_cast %broadcast_in_dim3A_1 : vector<16xf32> to vector<16xf32>
      tpu.vector_store %arg10[%swap3A], %swap3A_94 {strides = array<i32>} : memref<10240xf32, #tpu.memory_space<vmem>>, vector<16xf32>,
    }
    %scan3A_36 = arith.constant 640 : i32
    %barrier3A = arith.constant 0 : index
    tpu.barrier barrier_id(%barrier3A)
    %iota3A = tpu.iota {dimensions = array<i32: 0>} : vector<16xi32>
    %eq3A = arith.constant 0 : i32
    %eq3A_37 = vector.broadcast %eq3A : i32 to vector<16xi32>
    %eq3A_38 = arith.cmpi eq, %iota3A, %eq3A_37 : vector<16xi32>
    %jit3A = arith.constant 1.000000e+00 : f32
    %jit3A_39 = arith.constant 0.000000e+00 : f32
    %broadcast_in_dim3A_40 = vector.broadcast %jit3A : f32 to vector<16xf32>
    %broadcast_in_dim3A_41 = vector.broadcast %jit3A_39 : f32 to vector<16xf32>
    %select_n3A = arith.select %eq3A_38, %broadcast_in_dim3A_40, %broadcast_in_dim3A_41 : vector<16xi1>, vector<16xf32>
    %run_scoped3A_42 = arith.constant 0 : i32
    %run_scoped3A_43 = arith.constant 0 : i32
    "tpu.region"() ({
      %run_scoped3A_89 = tpu.sem_alloc : memref<!tpu.dma_semaphore, #tpu.memory_space<semaphore_mem>>
      %dma_start3A_90 = arith.constant 0 : i32
      %dma_start3A_91 = arith.constant 0 : i32
      %dma_start3A_92 = tpu.memref_slice %arg7[%run_scoped3A_43, %dma_start3A_90, %dma_start3A_91] : memref<2x8x128xi32, #tpu.memory_space<vmem>> -> memref<1x8x128xi32, #tpu.memory_space<vmem>>
      %dma_start3A_93 = tpu.memref_squeeze %dma_start3A_92 : memref<1x8x128xi32, #tpu.memory_space<vmem>> -> memref<8x128xi32, #tpu.memory_space<vmem>>
      %dma_start3A_94 = arith.constant 0 : i32
      %dma_start3A_95 = arith.constant 0 : i32
      %dma_start3A_96 = tpu.memref_slice %arg3[%add3A, %run_scoped3A_42, %dma_start3A_94, %dma_start3A_95] : memref<32x10x8x128xi32, #tpu.memory_space<hbm>> -> memref<1x1x8x128xi32, #tpu.memory_space<hbm>>
      %dma_start3A_97 = tpu.memref_squeeze %dma_start3A_96 : memref<1x1x8x128xi32, #tpu.memory_space<hbm>> -> memref<8x128xi32, #tpu.memory_space<hbm>>
      %dma_start3A_98 = arith.constant 0 : i32
      %dma_start3A_99 = arith.constant 0 : i32
      %dma_start3A_100 = tpu.memref_slice %arg7[%run_scoped3A_43, %dma_start3A_98, %dma_start3A_99] : memref<2x8x128xi32, #tpu.memory_space<vmem>> -> memref<1x8x128xi32, #tpu.memory_space<vmem>>
      %dma_start3A_101 = tpu.memref_squeeze %dma_start3A_100 : memref<1x8x128xi32, #tpu.memory_space<vmem>> -> memref<8x128xi32, #tpu.memory_space<vmem>>
      %dma_start3A_102 = arith.constant 0 : i32
      %dma_start3A_103 = arith.constant 0 : i32
      %dma_start3A_104 = tpu.memref_slice %arg3[%add3A, %run_scoped3A_42, %dma_start3A_102, %dma_start3A_103] : memref<32x10x8x128xi32, #tpu.memory_space<hbm>> -> memref<1x1x8x128xi32, #tpu.memory_space<hbm>>
      %dma_start3A_105 = tpu.memref_squeeze %dma_start3A_104 : memref<1x1x8x128xi32, #tpu.memory_space<hbm>> -> memref<8x128xi32, #tpu.memory_space<hbm>>
      tpu.enqueue_dma source(%dma_start3A_105 : memref<8x128xi32, #tpu.memory_space<hbm>>) target(%dma_start3A_101 : memref<8x128xi32, #tpu.memory_space<vmem>>) target_semaphore(%run_scoped3A_89 : memref<!tpu.dma_semaphore, #tpu.memory_space<semaphore_mem>>)
      %dma_wait3A_106 = arith.constant 0 : i32
      %dma_wait3A_107 = arith.constant 0 : i32
      %dma_wait3A_108 = tpu.memref_slice %arg7[%run_scoped3A_43, %dma_wait3A_106, %dma_wait3A_107] : memref<2x8x128xi32, #tpu.memory_space<vmem>> -> memref<1x8x128xi32, #tpu.memory_space<vmem>>
      %dma_wait3A_109 = tpu.memref_squeeze %dma_wait3A_108 : memref<1x8x128xi32, #tpu.memory_space<vmem>> -> memref<8x128xi32, #tpu.memory_space<vmem>>
      %dma_wait3A_110 = arith.constant 0 : i32
      %dma_wait3A_111 = arith.constant 0 : i32
      %dma_wait3A_112 = tpu.memref_slice %arg3[%add3A, %run_scoped3A_42, %dma_wait3A_110, %dma_wait3A_111] : memref<32x10x8x128xi32, #tpu.memory_space<hbm>> -> memref<1x1x8x128xi32, #tpu.memory_space<hbm>>
      %dma_wait3A_113 = tpu.memref_squeeze %dma_wait3A_112 : memref<1x1x8x128xi32, #tpu.memory_space<hbm>> -> memref<8x128xi32, #tpu.memory_space<hbm>>
      %dma_wait3A_114 = arith.constant 0 : i32
      %dma_wait3A_115 = arith.constant 0 : i32
      %dma_wait3A_116 = tpu.memref_slice %arg7[%run_scoped3A_43, %dma_wait3A_114, %dma_wait3A_115] : memref<2x8x128xi32, #tpu.memory_space<vmem>> -> memref<1x8x128xi32, #tpu.memory_space<vmem>>
      %dma_wait3A_117 = tpu.memref_squeeze %dma_wait3A_116 : memref<1x8x128xi32, #tpu.memory_space<vmem>> -> memref<8x128xi32, #tpu.memory_space<vmem>>
      %dma_wait3A_118 = arith.constant 0 : i32
      %dma_wait3A_119 = arith.constant 0 : i32
      %dma_wait3A_120 = tpu.memref_slice %arg3[%add3A, %run_scoped3A_42, %dma_wait3A_118, %dma_wait3A_119] : memref<32x10x8x128xi32, #tpu.memory_space<hbm>> -> memref<1x1x8x128xi32, #tpu.memory_space<hbm>>
      %dma_wait3A_121 = tpu.memref_squeeze %dma_wait3A_120 : memref<1x1x8x128xi32, #tpu.memory_space<hbm>> -> memref<8x128xi32, #tpu.memory_space<hbm>>
      tpu.wait_dma2 semaphore(%run_scoped3A_89 : memref<!tpu.dma_semaphore, #tpu.memory_space<semaphore_mem>>) src(%dma_wait3A_121 : memref<8x128xi32, #tpu.memory_space<hbm>>) dst(%dma_wait3A_117 : memref<8x128xi32, #tpu.memory_space<vmem>>)
      tpu.yield
    }) : () -> ()
    %run_scoped3A_44 = arith.constant 0 : i32
    %run_scoped3A_45 = arith.constant 0 : i32
    "tpu.region"() ({
      %run_scoped3A_89 = tpu.sem_alloc : memref<!tpu.dma_semaphore, #tpu.memory_space<semaphore_mem>>
      %dma_start3A_90 = arith.constant 0 : i32
      %dma_start3A_91 = arith.constant 0 : i32
      %dma_start3A_92 = tpu.memref_slice %arg8[%run_scoped3A_45, %dma_start3A_90, %dma_start3A_91] : memref<2x8x128xi32, #tpu.memory_space<vmem>> -> memref<1x8x128xi32, #tpu.memory_space<vmem>>
      %dma_start3A_93 = tpu.memref_squeeze %dma_start3A_92 : memref<1x8x128xi32, #tpu.memory_space<vmem>> -> memref<8x128xi32, #tpu.memory_space<vmem>>
      %dma_start3A_94 = arith.constant 0 : i32
      %dma_start3A_95 = arith.constant 0 : i32
      %dma_start3A_96 = tpu.memref_slice %arg4[%add3A, %run_scoped3A_44, %dma_start3A_94, %dma_start3A_95] : memref<32x10x8x128xi32, #tpu.memory_space<hbm>> -> memref<1x1x8x128xi32, #tpu.memory_space<hbm>>
      %dma_start3A_97 = tpu.memref_squeeze %dma_start3A_96 : memref<1x1x8x128xi32, #tpu.memory_space<hbm>> -> memref<8x128xi32, #tpu.memory_space<hbm>>
      %dma_start3A_98 = arith.constant 0 : i32
      %dma_start3A_99 = arith.constant 0 : i32
      %dma_start3A_100 = tpu.memref_slice %arg8[%run_scoped3A_45, %dma_start3A_98, %dma_start3A_99] : memref<2x8x128xi32, #tpu.memory_space<vmem>> -> memref<1x8x128xi32, #tpu.memory_space<vmem>>
      %dma_start3A_101 = tpu.memref_squeeze %dma_start3A_100 : memref<1x8x128xi32, #tpu.memory_space<vmem>> -> memref<8x128xi32, #tpu.memory_space<vmem>>
      %dma_start3A_102 = arith.constant 0 : i32
      %dma_start3A_103 = arith.constant 0 : i32
      %dma_start3A_104 = tpu.memref_slice %arg4[%add3A, %run_scoped3A_44, %dma_start3A_102, %dma_start3A_103] : memref<32x10x8x128xi32, #tpu.memory_space<hbm>> -> memref<1x1x8x128xi32, #tpu.memory_space<hbm>>
      %dma_start3A_105 = tpu.memref_squeeze %dma_start3A_104 : memref<1x1x8x128xi32, #tpu.memory_space<hbm>> -> memref<8x128xi32, #tpu.memory_space<hbm>>
      tpu.enqueue_dma source(%dma_start3A_105 : memref<8x128xi32, #tpu.memory_space<hbm>>) target(%dma_start3A_101 : memref<8x128xi32, #tpu.memory_space<vmem>>) target_semaphore(%run_scoped3A_89 : memref<!tpu.dma_semaphore, #tpu.memory_space<semaphore_mem>>)
      %dma_wait3A_106 = arith.constant 0 : i32
      %dma_wait3A_107 = arith.constant 0 : i32
      %dma_wait3A_108 = tpu.memref_slice %arg8[%run_scoped3A_45, %dma_wait3A_106, %dma_wait3A_107] : memref<2x8x128xi32, #tpu.memory_space<vmem>> -> memref<1x8x128xi32, #tpu.memory_space<vmem>>
      %dma_wait3A_109 = tpu.memref_squeeze %dma_wait3A_108 : memref<1x8x128xi32, #tpu.memory_space<vmem>> -> memref<8x128xi32, #tpu.memory_space<vmem>>
      %dma_wait3A_110 = arith.constant 0 : i32
      %dma_wait3A_111 = arith.constant 0 : i32
      %dma_wait3A_112 = tpu.memref_slice %arg4[%add3A, %run_scoped3A_44, %dma_wait3A_110, %dma_wait3A_111] : memref<32x10x8x128xi32, #tpu.memory_space<hbm>> -> memref<1x1x8x128xi32, #tpu.memory_space<hbm>>
      %dma_wait3A_113 = tpu.memref_squeeze %dma_wait3A_112 : memref<1x1x8x128xi32, #tpu.memory_space<hbm>> -> memref<8x128xi32, #tpu.memory_space<hbm>>
      %dma_wait3A_114 = arith.constant 0 : i32
      %dma_wait3A_115 = arith.constant 0 : i32
      %dma_wait3A_116 = tpu.memref_slice %arg8[%run_scoped3A_45, %dma_wait3A_114, %dma_wait3A_115] : memref<2x8x128xi32, #tpu.memory_space<vmem>> -> memref<1x8x128xi32, #tpu.memory_space<vmem>>
      %dma_wait3A_117 = tpu.memref_squeeze %dma_wait3A_116 : memref<1x8x128xi32, #tpu.memory_space<vmem>> -> memref<8x128xi32, #tpu.memory_space<vmem>>
      %dma_wait3A_118 = arith.constant 0 : i32
      %dma_wait3A_119 = arith.constant 0 : i32
      %dma_wait3A_120 = tpu.memref_slice %arg4[%add3A, %run_scoped3A_44, %dma_wait3A_118, %dma_wait3A_119] : memref<32x10x8x128xi32, #tpu.memory_space<hbm>> -> memref<1x1x8x128xi32, #tpu.memory_space<hbm>>
      %dma_wait3A_121 = tpu.memref_squeeze %dma_wait3A_120 : memref<1x1x8x128xi32, #tpu.memory_space<hbm>> -> memref<8x128xi32, #tpu.memory_space<hbm>>
      tpu.wait_dma2 semaphore(%run_scoped3A_89 : memref<!tpu.dma_semaphore, #tpu.memory_space<semaphore_mem>>) src(%dma_wait3A_121 : memref<8x128xi32, #tpu.memory_space<hbm>>) dst(%dma_wait3A_117 : memref<8x128xi32, #tpu.memory_space<vmem>>)
      tpu.yield
    }) : () -> ()
    %dma_start3A = arith.constant 0 : i32
    %dma_start3A_46 = arith.constant 0 : i32
    %dma_start3A_47 = arith.constant 0 : i32
    %dma_start3A_48 = arith.constant 0 : i32
    %dma_start3A_49 = arith.constant 0 : i32
    %dma_start3A_50 = tpu.memref_slice %arg9[%dma_start3A_47, %dma_start3A_48, %dma_start3A_49] : memref<2x128x128xf32, #tpu.memory_space<vmem>> -> memref<1x128x128xf32, #tpu.memory_space<vmem>>
    %dma_start3A_51 = tpu.memref_squeeze %dma_start3A_50 : memref<1x128x128xf32, #tpu.memory_space<vmem>> -> memref<128x128xf32, #tpu.memory_space<vmem>>
    %dma_start3A_52 = arith.constant 0 : i32
    %dma_start3A_53 = arith.constant 0 : i32
    %dma_start3A_54 = tpu.memref_slice %arg7[%dma_start3A, %dma_start3A_52, %dma_start3A_53] : memref<2x8x128xi32, #tpu.memory_space<vmem>> -> memref<1x8x128xi32, #tpu.memory_space<vmem>>
    %dma_start3A_55 = tpu.memref_squeeze %dma_start3A_54 : memref<1x8x128xi32, #tpu.memory_space<vmem>> -> memref<8x128xi32, #tpu.memory_space<vmem>>
    %dma_start3A_56 = arith.constant 0 : i32
    %dma_start3A_57 = tpu.memref_slice %dma_start3A_55[%dma_start3A_46, %dma_start3A_56] : memref<8x128xi32, #tpu.memory_space<vmem>> -> memref<1x128xi32, #tpu.memory_space<vmem>>
    %dma_start3A_58 = tpu.memref_squeeze %dma_start3A_57 : memref<1x128xi32, #tpu.memory_space<vmem>> -> memref<128xi32, #tpu.memory_space<vmem>>
    %dma_start3A_59 = arith.constant 0 : i32
    %dma_start3A_60 = arith.constant 0 : i32
    %dma_start3A_61 = tpu.memref_slice %arg2[%dma_start3A_59, %dma_start3A_60] : memref<10000x128xf32, #tpu.memory_space<hbm>> -> memref<10000x128xf32, #tpu.memory_space<hbm>>
    tpu.enqueue_indirect_dma source(%dma_start3A_61 : memref<10000x128xf32, #tpu.memory_space<hbm>>) target(%dma_start3A_51 : memref<128x128xf32, #tpu.memory_space<vmem>>) offsets(%dma_start3A_58 : memref<128xi32, #tpu.memory_space<vmem>>) semaphore(%arg12 : memref<!tpu.dma_semaphore, #tpu.memory_space<semaphore_mem>>)
    %dma_wait3A = arith.constant 0 : i32
    %dma_wait3A_62 = arith.constant 0 : i32
    %dma_wait3A_63 = arith.constant 0 : i32
    %dma_wait3A_64 = arith.constant 0 : i32
    %dma_wait3A_65 = arith.constant 0 : i32
    %dma_wait3A_66 = tpu.memref_slice %arg9[%dma_wait3A_63, %dma_wait3A_64, %dma_wait3A_65] : memref<2x128x128xf32, #tpu.memory_space<vmem>> -> memref<1x128x128xf32, #tpu.memory_space<vmem>>
    %dma_wait3A_67 = tpu.memref_squeeze %dma_wait3A_66 : memref<1x128x128xf32, #tpu.memory_space<vmem>> -> memref<128x128xf32, #tpu.memory_space<vmem>>
    %dma_wait3A_68 = arith.constant 0 : i32
    %dma_wait3A_69 = arith.constant 0 : i32
    %dma_wait3A_70 = tpu.memref_slice %arg7[%dma_wait3A, %dma_wait3A_68, %dma_wait3A_69] : memref<2x8x128xi32, #tpu.memory_space<vmem>> -> memref<1x8x128xi32, #tpu.memory_space<vmem>>
    %dma_wait3A_71 = tpu.memref_squeeze %dma_wait3A_70 : memref<1x8x128xi32, #tpu.memory_space<vmem>> -> memref<8x128xi32, #tpu.memory_space<vmem>>
    %dma_wait3A_72 = arith.constant 0 : i32
    %dma_wait3A_73 = tpu.memref_slice %dma_wait3A_71[%dma_wait3A_62, %dma_wait3A_72] : memref<8x128xi32, #tpu.memory_space<vmem>> -> memref<1x128xi32, #tpu.memory_space<vmem>>
    %dma_wait3A_74 = tpu.memref_squeeze %dma_wait3A_73 : memref<1x128xi32, #tpu.memory_space<vmem>> -> memref<128xi32, #tpu.memory_space<vmem>>
    %dma_wait3A_75 = arith.constant 0 : i32
    %dma_wait3A_76 = arith.constant 0 : i32
    %dma_wait3A_77 = tpu.memref_slice %arg2[%dma_wait3A_75, %dma_wait3A_76] : memref<10000x128xf32, #tpu.memory_space<hbm>> -> memref<10000x128xf32, #tpu.memory_space<hbm>>
    tpu.wait_indirect_dma semaphore(%arg12 : memref<!tpu.dma_semaphore, #tpu.memory_space<semaphore_mem>>) src(%dma_wait3A_77 : memref<10000x128xf32, #tpu.memory_space<hbm>>) dst(%dma_wait3A_67 : memref<128x128xf32, #tpu.memory_space<vmem>>)
    %scan3A_78 = arith.constant 0 : i32
    %scan3A_79 = arith.constant 0 : i32
    %scan3A_80 = arith.constant 80 : i32
    %scan3A_81 = arith.addi %scan3A_79, %scan3A_80 : i32
    %scan3A_82 = arith.constant 1 : i32
    scf.for %scan3A_89 = %scan3A_79 to %scan3A_81 step %scan3A_82  : i32 {
      %jit3A_90 = arith.constant 8 : i32
      %div3A = arith.divsi %scan3A_89, %jit3A_90 : i32
      %sign3A = arith.constant 0 : i32
      %sign3A_91 = arith.cmpi sgt, %scan3A_89, %sign3A : i32
      %sign3A_92 = arith.extui %sign3A_91 : i1 to i32
      %sign3A_93 = arith.constant 0 : i32
      %sign3A_94 = arith.cmpi slt, %scan3A_89, %sign3A_93 : i32
      %sign3A_95 = arith.extui %sign3A_94 : i1 to i32
      %sign3A_96 = arith.subi %sign3A_92, %sign3A_95 : i32
      %sign3A_97 = arith.constant 0 : i32
      %sign3A_98 = arith.cmpi sgt, %jit3A_90, %sign3A_97 : i32
      %sign3A_99 = arith.extui %sign3A_98 : i1 to i32
      %sign3A_100 = arith.constant 0 : i32
      %sign3A_101 = arith.cmpi slt, %jit3A_90, %sign3A_100 : i32
      %sign3A_102 = arith.extui %sign3A_101 : i1 to i32
      %sign3A_103 = arith.subi %sign3A_99, %sign3A_102 : i32
      %ne3A = arith.cmpi ne, %sign3A_96, %sign3A_103 : i32
      %rem3A = arith.remsi %scan3A_89, %jit3A_90 : i32
      %ne3A_104 = arith.constant 0 : i32
      %ne3A_105 = arith.cmpi ne, %rem3A, %ne3A_104 : i32
      %and3A = arith.andi %ne3A, %ne3A_105 : i1
      %sub3A = arith.constant 1 : i32
      %sub3A_106 = arith.subi %div3A, %sub3A : i32
      %select_n3A_107 = arith.select %and3A, %sub3A_106, %div3A : i32
      %rem3A_108 = arith.constant 8 : i32
      %rem3A_109 = arith.remsi %scan3A_89, %rem3A_108 : i32
      %rem3A_110 = arith.constant 2 : i32
      %rem3A_111 = arith.remsi %select_n3A_107, %rem3A_110 : i32
      %rem3A_112 = arith.constant 2 : i32
      %rem3A_113 = arith.remsi %scan3A_89, %rem3A_112 : i32
      %add3A_114 = arith.constant 1 : i32
      %add3A_115 = arith.addi %scan3A_89, %add3A_114 : i32
      %jit3A_116 = arith.constant 8 : i32
      %div3A_117 = arith.divsi %add3A_115, %jit3A_116 : i32
      %sign3A_118 = arith.constant 0 : i32
      %sign3A_119 = arith.cmpi sgt, %add3A_115, %sign3A_118 : i32
      %sign3A_120 = arith.extui %sign3A_119 : i1 to i32
      %sign3A_121 = arith.constant 0 : i32
      %sign3A_122 = arith.cmpi slt, %add3A_115, %sign3A_121 : i32
      %sign3A_123 = arith.extui %sign3A_122 : i1 to i32
      %sign3A_124 = arith.subi %sign3A_120, %sign3A_123 : i32
      %sign3A_125 = arith.constant 0 : i32
      %sign3A_126 = arith.cmpi sgt, %jit3A_116, %sign3A_125 : i32
      %sign3A_127 = arith.extui %sign3A_126 : i1 to i32
      %sign3A_128 = arith.constant 0 : i32
      %sign3A_129 = arith.cmpi slt, %jit3A_116, %sign3A_128 : i32
      %sign3A_130 = arith.extui %sign3A_129 : i1 to i32
      %sign3A_131 = arith.subi %sign3A_127, %sign3A_130 : i32
      %ne3A_132 = arith.cmpi ne, %sign3A_124, %sign3A_131 : i32
      %rem3A_133 = arith.remsi %add3A_115, %jit3A_116 : i32
      %ne3A_134 = arith.constant 0 : i32
      %ne3A_135 = arith.cmpi ne, %rem3A_133, %ne3A_134 : i32
      %and3A_136 = arith.andi %ne3A_132, %ne3A_135 : i1
      %sub3A_137 = arith.constant 1 : i32
      %sub3A_138 = arith.subi %div3A_117, %sub3A_137 : i32
      %select_n3A_139 = arith.select %and3A_136, %sub3A_138, %div3A_117 : i32
      %add3A_140 = arith.constant 1 : i32
      %add3A_141 = arith.addi %scan3A_89, %add3A_140 : i32
      %rem3A_142 = arith.constant 8 : i32
      %rem3A_143 = arith.remsi %add3A_141, %rem3A_142 : i32
      %rem3A_144 = arith.constant 2 : i32
      %rem3A_145 = arith.remsi %select_n3A_139, %rem3A_144 : i32
      %eq3A_146 = arith.constant 0 : i32
      %eq3A_147 = arith.cmpi eq, %rem3A_109, %eq3A_146 : i32
      %add3A_148 = arith.constant 1 : i32
      %add3A_149 = arith.addi %select_n3A_107, %add3A_148 : i32
      %lt3A = arith.constant 10 : i32
      %lt3A_150 = arith.cmpi slt, %add3A_149, %lt3A : i32
      %and3A_151 = arith.andi %eq3A_147, %lt3A_150 : i1
      %convert_element_type3A = arith.extui %and3A_151 : i1 to i32
      %cond3A = arith.constant 0 : i32
      %cond3A_152 = arith.cmpi ne, %convert_element_type3A, %cond3A : i32
      scf.if %cond3A_152 {
        %add3A_1524 = arith.constant 1 : i32
        %add3A_1525 = arith.addi %select_n3A_107, %add3A_1524 : i32
        %sub3A_1526 = arith.constant 1 : i32
        %sub3A_1527 = arith.subi %sub3A_1526, %rem3A_111 : i32
        %dma_start3A_1528 = arith.constant 0 : i32
        %dma_start3A_1529 = arith.constant 0 : i32
        %dma_start3A_1530 = tpu.memref_slice %arg7[%sub3A_1527, %dma_start3A_1528, %dma_start3A_1529] : memref<2x8x128xi32, #tpu.memory_space<vmem>> -> memref<1x8x128xi32, #tpu.memory_space<vmem>>
        %dma_start3A_1531 = tpu.memref_squeeze %dma_start3A_1530 : memref<1x8x128xi32, #tpu.memory_space<vmem>> -> memref<8x128xi32, #tpu.memory_space<vmem>>
        %dma_start3A_1532 = arith.constant 0 : i32
        %dma_start3A_1533 = arith.constant 0 : i32
        %dma_start3A_1534 = tpu.memref_slice %arg3[%add3A, %add3A_1525, %dma_start3A_1532, %dma_start3A_1533] : memref<32x10x8x128xi32, #tpu.memory_space<hbm>> -> memref<1x1x8x128xi32, #tpu.memory_space<hbm>>
        %dma_start3A_1535 = tpu.memref_squeeze %dma_start3A_1534 : memref<1x1x8x128xi32, #tpu.memory_space<hbm>> -> memref<8x128xi32, #tpu.memory_space<hbm>>
        %dma_start3A_1536 = arith.constant 0 : i32
        %dma_start3A_1537 = arith.constant 0 : i32
        %dma_start3A_1538 = tpu.memref_slice %arg7[%sub3A_1527, %dma_start3A_1536, %dma_start3A_1537] : memref<2x8x128xi32, #tpu.memory_space<vmem>> -> memref<1x8x128xi32, #tpu.memory_space<vmem>>
        %dma_start3A_1539 = tpu.memref_squeeze %dma_start3A_1538 : memref<1x8x128xi32, #tpu.memory_space<vmem>> -> memref<8x128xi32, #tpu.memory_space<vmem>>
        %dma_start3A_1540 = arith.constant 0 : i32
        %dma_start3A_1541 = arith.constant 0 : i32
        %dma_start3A_1542 = tpu.memref_slice %arg3[%add3A, %add3A_1525, %dma_start3A_1540, %dma_start3A_1541] : memref<32x10x8x128xi32, #tpu.memory_space<hbm>> -> memref<1x1x8x128xi32, #tpu.memory_space<hbm>>
        %dma_start3A_1543 = tpu.memref_squeeze %dma_start3A_1542 : memref<1x1x8x128xi32, #tpu.memory_space<hbm>> -> memref<8x128xi32, #tpu.memory_space<hbm>>
        tpu.enqueue_dma source(%dma_start3A_1543 : memref<8x128xi32, #tpu.memory_space<hbm>>) target(%dma_start3A_1539 : memref<8x128xi32, #tpu.memory_space<vmem>>) target_semaphore(%arg14 : memref<!tpu.dma_semaphore, #tpu.memory_space<semaphore_mem>>)
        %add3A_1544 = arith.constant 1 : i32
        %add3A_1545 = arith.addi %select_n3A_107, %add3A_1544 : i32
        %sub3A_1546 = arith.constant 1 : i32
        %sub3A_1547 = arith.subi %sub3A_1546, %rem3A_111 : i32
        %dma_start3A_1548 = arith.constant 0 : i32
        %dma_start3A_1549 = arith.constant 0 : i32
        %dma_start3A_1550 = tpu.memref_slice %arg8[%sub3A_1547, %dma_start3A_1548, %dma_start3A_1549] : memref<2x8x128xi32, #tpu.memory_space<vmem>> -> memref<1x8x128xi32, #tpu.memory_space<vmem>>
        %dma_start3A_1551 = tpu.memref_squeeze %dma_start3A_1550 : memref<1x8x128xi32, #tpu.memory_space<vmem>> -> memref<8x128xi32, #tpu.memory_space<vmem>>
        %dma_start3A_1552 = arith.constant 0 : i32
        %dma_start3A_1553 = arith.constant 0 : i32
        %dma_start3A_1554 = tpu.memref_slice %arg4[%add3A, %add3A_1545, %dma_start3A_1552, %dma_start3A_1553] : memref<32x10x8x128xi32, #tpu.memory_space<hbm>> -> memref<1x1x8x128xi32, #tpu.memory_space<hbm>>
        %dma_start3A_1555 = tpu.memref_squeeze %dma_start3A_1554 : memref<1x1x8x128xi32, #tpu.memory_space<hbm>> -> memref<8x128xi32, #tpu.memory_space<hbm>>
        %dma_start3A_1556 = arith.constant 0 : i32
        %dma_start3A_1557 = arith.constant 0 : i32
        %dma_start3A_1558 = tpu.memref_slice %arg8[%sub3A_1547, %dma_start3A_1556, %dma_start3A_1557] : memref<2x8x128xi32, #tpu.memory_space<vmem>> -> memref<1x8x128xi32, #tpu.memory_space<vmem>>
        %dma_start3A_1559 = tpu.memref_squeeze %dma_start3A_1558 : memref<1x8x128xi32, #tpu.memory_space<vmem>> -> memref<8x128xi32, #tpu.memory_space<vmem>>
        %dma_start3A_1560 = arith.constant 0 : i32
        %dma_start3A_1561 = arith.constant 0 : i32
        %dma_start3A_1562 = tpu.memref_slice %arg4[%add3A, %add3A_1545, %dma_start3A_1560, %dma_start3A_1561] : memref<32x10x8x128xi32, #tpu.memory_space<hbm>> -> memref<1x1x8x128xi32, #tpu.memory_space<hbm>>
        %dma_start3A_1563 = tpu.memref_squeeze %dma_start3A_1562 : memref<1x1x8x128xi32, #tpu.memory_space<hbm>> -> memref<8x128xi32, #tpu.memory_space<hbm>>
        tpu.enqueue_dma source(%dma_start3A_1563 : memref<8x128xi32, #tpu.memory_space<hbm>>) target(%dma_start3A_1559 : memref<8x128xi32, #tpu.memory_space<vmem>>) target_semaphore(%arg14 : memref<!tpu.dma_semaphore, #tpu.memory_space<semaphore_mem>>)
      } else {
      }
      %add3A_153 = arith.constant 1 : i32
      %add3A_154 = arith.addi %scan3A_89, %add3A_153 : i32
      %lt3A_155 = arith.constant 80 : i32
      %lt3A_156 = arith.cmpi slt, %add3A_154, %lt3A_155 : i32
      %eq3A_157 = arith.constant 0 : i32
      %eq3A_158 = arith.cmpi eq, %rem3A_143, %eq3A_157 : i32
      %and3A_159 = arith.andi %lt3A_156, %eq3A_158 : i1
      %convert_element_type3A_160 = arith.extui %and3A_159 : i1 to i32
      %cond3A_161 = arith.constant 0 : i32
      %cond3A_162 = arith.cmpi ne, %convert_element_type3A_160, %cond3A_161 : i32
      scf.if %cond3A_162 {
        %dma_wait3A_1524 = arith.constant 0 : i32
        %dma_wait3A_1525 = arith.constant 0 : i32
        %dma_wait3A_1526 = arith.constant 0 : i32
        %dma_wait3A_1527 = arith.constant 0 : i32
        %dma_wait3A_1528 = tpu.memref_slice %arg7[%dma_wait3A_1525, %dma_wait3A_1526, %dma_wait3A_1527] : memref<2x8x128xi32, #tpu.memory_space<vmem>> -> memref<1x8x128xi32, #tpu.memory_space<vmem>>
        %dma_wait3A_1529 = tpu.memref_squeeze %dma_wait3A_1528 : memref<1x8x128xi32, #tpu.memory_space<vmem>> -> memref<8x128xi32, #tpu.memory_space<vmem>>
        %dma_wait3A_1530 = arith.constant 0 : i32
        %dma_wait3A_1531 = arith.constant 0 : i32
        %dma_wait3A_1532 = tpu.memref_slice %arg3[%add3A, %dma_wait3A_1524, %dma_wait3A_1530, %dma_wait3A_1531] : memref<32x10x8x128xi32, #tpu.memory_space<hbm>> -> memref<1x1x8x128xi32, #tpu.memory_space<hbm>>
        %dma_wait3A_1533 = tpu.memref_squeeze %dma_wait3A_1532 : memref<1x1x8x128xi32, #tpu.memory_space<hbm>> -> memref<8x128xi32, #tpu.memory_space<hbm>>
        %dma_wait3A_1534 = arith.constant 0 : i32
        %dma_wait3A_1535 = arith.constant 0 : i32
        %dma_wait3A_1536 = tpu.memref_slice %arg7[%dma_wait3A_1525, %dma_wait3A_1534, %dma_wait3A_1535] : memref<2x8x128xi32, #tpu.memory_space<vmem>> -> memref<1x8x128xi32, #tpu.memory_space<vmem>>
        %dma_wait3A_1537 = tpu.memref_squeeze %dma_wait3A_1536 : memref<1x8x128xi32, #tpu.memory_space<vmem>> -> memref<8x128xi32, #tpu.memory_space<vmem>>
        %dma_wait3A_1538 = arith.constant 0 : i32
        %dma_wait3A_1539 = arith.constant 0 : i32
        %dma_wait3A_1540 = tpu.memref_slice %arg3[%add3A, %dma_wait3A_1524, %dma_wait3A_1538, %dma_wait3A_1539] : memref<32x10x8x128xi32, #tpu.memory_space<hbm>> -> memref<1x1x8x128xi32, #tpu.memory_space<hbm>>
        %dma_wait3A_1541 = tpu.memref_squeeze %dma_wait3A_1540 : memref<1x1x8x128xi32, #tpu.memory_space<hbm>> -> memref<8x128xi32, #tpu.memory_space<hbm>>
        tpu.wait_dma2 semaphore(%arg14 : memref<!tpu.dma_semaphore, #tpu.memory_space<semaphore_mem>>) src(%dma_wait3A_1541 : memref<8x128xi32, #tpu.memory_space<hbm>>) dst(%dma_wait3A_1537 : memref<8x128xi32, #tpu.memory_space<vmem>>)
        %dma_wait3A_1542 = arith.constant 0 : i32
        %dma_wait3A_1543 = arith.constant 0 : i32
        %dma_wait3A_1544 = arith.constant 0 : i32
        %dma_wait3A_1545 = arith.constant 0 : i32
        %dma_wait3A_1546 = tpu.memref_slice %arg7[%dma_wait3A_1543, %dma_wait3A_1544, %dma_wait3A_1545] : memref<2x8x128xi32, #tpu.memory_space<vmem>> -> memref<1x8x128xi32, #tpu.memory_space<vmem>>
        %dma_wait3A_1547 = tpu.memref_squeeze %dma_wait3A_1546 : memref<1x8x128xi32, #tpu.memory_space<vmem>> -> memref<8x128xi32, #tpu.memory_space<vmem>>
        %dma_wait3A_1548 = arith.constant 0 : i32
        %dma_wait3A_1549 = arith.constant 0 : i32
        %dma_wait3A_1550 = tpu.memref_slice %arg3[%add3A, %dma_wait3A_1542, %dma_wait3A_1548, %dma_wait3A_1549] : memref<32x10x8x128xi32, #tpu.memory_space<hbm>> -> memref<1x1x8x128xi32, #tpu.memory_space<hbm>>
        %dma_wait3A_1551 = tpu.memref_squeeze %dma_wait3A_1550 : memref<1x1x8x128xi32, #tpu.memory_space<hbm>> -> memref<8x128xi32, #tpu.memory_space<hbm>>
        %dma_wait3A_1552 = arith.constant 0 : i32
        %dma_wait3A_1553 = arith.constant 0 : i32
        %dma_wait3A_1554 = tpu.memref_slice %arg7[%dma_wait3A_1543, %dma_wait3A_1552, %dma_wait3A_1553] : memref<2x8x128xi32, #tpu.memory_space<vmem>> -> memref<1x8x128xi32, #tpu.memory_space<vmem>>
        %dma_wait3A_1555 = tpu.memref_squeeze %dma_wait3A_1554 : memref<1x8x128xi32, #tpu.memory_space<vmem>> -> memref<8x128xi32, #tpu.memory_space<vmem>>
        %dma_wait3A_1556 = arith.constant 0 : i32
        %dma_wait3A_1557 = arith.constant 0 : i32
        %dma_wait3A_1558 = tpu.memref_slice %arg3[%add3A, %dma_wait3A_1542, %dma_wait3A_1556, %dma_wait3A_1557] : memref<32x10x8x128xi32, #tpu.memory_space<hbm>> -> memref<1x1x8x128xi32, #tpu.memory_space<hbm>>
        %dma_wait3A_1559 = tpu.memref_squeeze %dma_wait3A_1558 : memref<1x1x8x128xi32, #tpu.memory_space<hbm>> -> memref<8x128xi32, #tpu.memory_space<hbm>>
        tpu.wait_dma2 semaphore(%arg14 : memref<!tpu.dma_semaphore, #tpu.memory_space<semaphore_mem>>) src(%dma_wait3A_1559 : memref<8x128xi32, #tpu.memory_space<hbm>>) dst(%dma_wait3A_1555 : memref<8x128xi32, #tpu.memory_space<vmem>>)
      } else {
      }
      %add3A_163 = arith.constant 1 : i32
      %add3A_164 = arith.addi %scan3A_89, %add3A_163 : i32
      %lt3A_165 = arith.constant 80 : i32
      %lt3A_166 = arith.cmpi slt, %add3A_164, %lt3A_165 : i32
      %convert_element_type3A_167 = arith.extui %lt3A_166 : i1 to i32
      %cond3A_168 = arith.constant 0 : i32
      %cond3A_169 = arith.cmpi ne, %convert_element_type3A_167, %cond3A_168 : i32
      scf.if %cond3A_169 {
        %sub3A_1524 = arith.constant 1 : i32
        %sub3A_1525 = arith.subi %sub3A_1524, %rem3A_113 : i32
        %dma_start3A_1526 = arith.constant 0 : i32
        %dma_start3A_1527 = arith.constant 0 : i32
        %dma_start3A_1528 = tpu.memref_slice %arg9[%sub3A_1525, %dma_start3A_1526, %dma_start3A_1527] : memref<2x128x128xf32, #tpu.memory_space<vmem>> -> memref<1x128x128xf32, #tpu.memory_space<vmem>>
        %dma_start3A_1529 = tpu.memref_squeeze %dma_start3A_1528 : memref<1x128x128xf32, #tpu.memory_space<vmem>> -> memref<128x128xf32, #tpu.memory_space<vmem>>
        %dma_start3A_1530 = arith.constant 0 : i32
        %dma_start3A_1531 = arith.constant 0 : i32
        %dma_start3A_1532 = tpu.memref_slice %arg7[%rem3A_145, %dma_start3A_1530, %dma_start3A_1531] : memref<2x8x128xi32, #tpu.memory_space<vmem>> -> memref<1x8x128xi32, #tpu.memory_space<vmem>>
        %dma_start3A_1533 = tpu.memref_squeeze %dma_start3A_1532 : memref<1x8x128xi32, #tpu.memory_space<vmem>> -> memref<8x128xi32, #tpu.memory_space<vmem>>
        %dma_start3A_1534 = arith.constant 0 : i32
        %dma_start3A_1535 = tpu.memref_slice %dma_start3A_1533[%rem3A_143, %dma_start3A_1534] : memref<8x128xi32, #tpu.memory_space<vmem>> -> memref<1x128xi32, #tpu.memory_space<vmem>>
        %dma_start3A_1536 = tpu.memref_squeeze %dma_start3A_1535 : memref<1x128xi32, #tpu.memory_space<vmem>> -> memref<128xi32, #tpu.memory_space<vmem>>
        %dma_start3A_1537 = arith.constant 0 : i32
        %dma_start3A_1538 = arith.constant 0 : i32
        %dma_start3A_1539 = tpu.memref_slice %arg2[%dma_start3A_1537, %dma_start3A_1538] : memref<10000x128xf32, #tpu.memory_space<hbm>> -> memref<10000x128xf32, #tpu.memory_space<hbm>>
        tpu.enqueue_indirect_dma source(%dma_start3A_1539 : memref<10000x128xf32, #tpu.memory_space<hbm>>) target(%dma_start3A_1529 : memref<128x128xf32, #tpu.memory_space<vmem>>) offsets(%dma_start3A_1536 : memref<128xi32, #tpu.memory_space<vmem>>) semaphore(%arg12 : memref<!tpu.dma_semaphore, #tpu.memory_space<semaphore_mem>>)
      } else {
      }
      %dma_start3A_170 = arith.constant 0 : i32
      %dma_start3A_171 = arith.constant 0 : i32
      %dma_start3A_172 = tpu.memref_slice %arg9[%rem3A_113, %dma_start3A_170, %dma_start3A_171] : memref<2x128x128xf32, #tpu.memory_space<vmem>> -> memref<1x128x128xf32, #tpu.memory_space<vmem>>
      %dma_start3A_173 = tpu.memref_squeeze %dma_start3A_172 : memref<1x128x128xf32, #tpu.memory_space<vmem>> -> memref<128x128xf32, #tpu.memory_space<vmem>>
      %dma_start3A_174 = arith.constant 0 : i32
      %dma_start3A_175 = arith.constant 0 : i32
      %dma_start3A_176 = tpu.memref_slice %arg8[%rem3A_111, %dma_start3A_174, %dma_start3A_175] : memref<2x8x128xi32, #tpu.memory_space<vmem>> -> memref<1x8x128xi32, #tpu.memory_space<vmem>>
      %dma_start3A_177 = tpu.memref_squeeze %dma_start3A_176 : memref<1x8x128xi32, #tpu.memory_space<vmem>> -> memref<8x128xi32, #tpu.memory_space<vmem>>
      %dma_start3A_178 = arith.constant 0 : i32
      %dma_start3A_179 = tpu.memref_slice %dma_start3A_177[%rem3A_109, %dma_start3A_178] : memref<8x128xi32, #tpu.memory_space<vmem>> -> memref<1x128xi32, #tpu.memory_space<vmem>>
      %dma_start3A_180 = tpu.memref_squeeze %dma_start3A_179 : memref<1x128xi32, #tpu.memory_space<vmem>> -> memref<128xi32, #tpu.memory_space<vmem>>
      %dma_start3A_181 = arith.constant 0 : i32
      %dma_start3A_182 = arith.constant 0 : i32
      %dma_start3A_183 = tpu.memref_slice %arg11[%dma_start3A_181, %dma_start3A_182] : memref<10240x128xf32, #tpu.memory_space<vmem_shared>> -> memref<10240x128xf32, #tpu.memory_space<vmem_shared>>
      tpu.enqueue_indirect_dma source(%dma_start3A_173 : memref<128x128xf32, #tpu.memory_space<vmem>>) target(%dma_start3A_183 : memref<10240x128xf32, #tpu.memory_space<vmem_shared>>) offsets(%dma_start3A_180 : memref<128xi32, #tpu.memory_space<vmem>>) semaphore(%arg13 : memref<!tpu.dma_semaphore, #tpu.memory_space<semaphore_mem>>) {add = true}
      %get3A = arith.index_cast %rem3A_111 : i32 to index
      %get3A_184 = arith.index_cast %rem3A_109 : i32 to index
      %get3A_185 = arith.constant 0 : index
      %get3A_186 = tpu.vector_load %arg8[%get3A, %get3A_184, %get3A_185] {strides = array<i32>} : memref<2x8x128xi32, #tpu.memory_space<vmem>>, vector<1x1x16xi32>,
      %get3A_187 = vector.shape_cast %get3A_186 : vector<1x1x16xi32> to vector<16xi32>
      %slice3A = vector.extract_strided_slice %get3A_187 {offsets = [0], sizes = [1], strides = [1]} : vector<16xi32> to vector<1xi32>
      %squeeze3A = vector.extract %slice3A[0] : i32 from vector<1xi32>
      %get3A_188 = arith.index_cast %squeeze3A : i32 to index
      %get3A_189 = tpu.vector_load %arg10[%get3A_188] {strides = array<i32>} : memref<10240xf32, #tpu.memory_space<vmem>>, vector<16xf32>,
      %get3A_190 = vector.shape_cast %get3A_189 : vector<16xf32> to vector<16xf32>
      %add3A_191 = arith.addf %get3A_190, %select_n3A : vector<16xf32>
      %swap3A = arith.index_cast %squeeze3A : i32 to index
      %swap3A_192 = tpu.vector_load %arg10[%swap3A] {strides = array<i32>} : memref<10240xf32, #tpu.memory_space<vmem>>, vector<16xf32>,
      %swap3A_193 = vector.shape_cast %swap3A_192 : vector<16xf32> to vector<16xf32>
      %swap3A_194 = vector.shape_cast %add3A_191 : vector<16xf32> to vector<16xf32>
      tpu.vector_store %arg10[%swap3A], %swap3A_194 {strides = array<i32>} : memref<10240xf32, #tpu.memory_space<vmem>>, vector<16xf32>,
      %slice3A_195 = vector.extract_strided_slice %get3A_187 {offsets = [1], sizes = [1], strides = [1]} : vector<16xi32> to vector<1xi32>
      %squeeze3A_196 = vector.extract %slice3A_195[0] : i32 from vector<1xi32>
      %get3A_197 = arith.index_cast %squeeze3A_196 : i32 to index
      %get3A_198 = tpu.vector_load %arg10[%get3A_197] {strides = array<i32>} : memref<10240xf32, #tpu.memory_space<vmem>>, vector<16xf32>,
      %get3A_199 = vector.shape_cast %get3A_198 : vector<16xf32> to vector<16xf32>
      %add3A_200 = arith.addf %get3A_199, %select_n3A : vector<16xf32>
      %swap3A_201 = arith.index_cast %squeeze3A_196 : i32 to index
      %swap3A_202 = tpu.vector_load %arg10[%swap3A_201] {strides = array<i32>} : memref<10240xf32, #tpu.memory_space<vmem>>, vector<16xf32>,
      %swap3A_203 = vector.shape_cast %swap3A_202 : vector<16xf32> to vector<16xf32>
      %swap3A_204 = vector.shape_cast %add3A_200 : vector<16xf32> to vector<16xf32>
      tpu.vector_store %arg10[%swap3A_201], %swap3A_204 {strides = array<i32>} : memref<10240xf32, #tpu.memory_space<vmem>>, vector<16xf32>,
      %slice3A_205 = vector.extract_strided_slice %get3A_187 {offsets = [2], sizes = [1], strides = [1]} : vector<16xi32> to vector<1xi32>
      %squeeze3A_206 = vector.extract %slice3A_205[0] : i32 from vector<1xi32>
      %get3A_207 = arith.index_cast %squeeze3A_206 : i32 to index
      %get3A_208 = tpu.vector_load %arg10[%get3A_207] {strides = array<i32>} : memref<10240xf32, #tpu.memory_space<vmem>>, vector<16xf32>,
      %get3A_209 = vector.shape_cast %get3A_208 : vector<16xf32> to vector<16xf32>
      %add3A_210 = arith.addf %get3A_209, %select_n3A : vector<16xf32>
      %swap3A_211 = arith.index_cast %squeeze3A_206 : i32 to index
      %swap3A_212 = tpu.vector_load %arg10[%swap3A_211] {strides = array<i32>} : memref<10240xf32, #tpu.memory_space<vmem>>, vector<16xf32>,
      %swap3A_213 = vector.shape_cast %swap3A_212 : vector<16xf32> to vector<16xf32>
      %swap3A_214 = vector.shape_cast %add3A_210 : vector<16xf32> to vector<16xf32>
      tpu.vector_store %arg10[%swap3A_211], %swap3A_214 {strides = array<i32>} : memref<10240xf32, #tpu.memory_space<vmem>>, vector<16xf32>,
      %slice3A_215 = vector.extract_strided_slice %get3A_187 {offsets = [3], sizes = [1], strides = [1]} : vector<16xi32> to vector<1xi32>
      %squeeze3A_216 = vector.extract %slice3A_215[0] : i32 from vector<1xi32>
      %get3A_217 = arith.index_cast %squeeze3A_216 : i32 to index
      %get3A_218 = tpu.vector_load %arg10[%get3A_217] {strides = array<i32>} : memref<10240xf32, #tpu.memory_space<vmem>>, vector<16xf32>,
      %get3A_219 = vector.shape_cast %get3A_218 : vector<16xf32> to vector<16xf32>
      %add3A_220 = arith.addf %get3A_219, %select_n3A : vector<16xf32>
      %swap3A_221 = arith.index_cast %squeeze3A_216 : i32 to index
      %swap3A_222 = tpu.vector_load %arg10[%swap3A_221] {strides = array<i32>} : memref<10240xf32, #tpu.memory_space<vmem>>, vector<16xf32>,
      %swap3A_223 = vector.shape_cast %swap3A_222 : vector<16xf32> to vector<16xf32>
      %swap3A_224 = vector.shape_cast %add3A_220 : vector<16xf32> to vector<16xf32>
      tpu.vector_store %arg10[%swap3A_221], %swap3A_224 {strides = array<i32>} : memref<10240xf32, #tpu.memory_space<vmem>>, vector<16xf32>,
      %slice3A_225 = vector.extract_strided_slice %get3A_187 {offsets = [4], sizes = [1], strides = [1]} : vector<16xi32> to vector<1xi32>
      %squeeze3A_226 = vector.extract %slice3A_225[0] : i32 from vector<1xi32>
      %get3A_227 = arith.index_cast %squeeze3A_226 : i32 to index
      %get3A_228 = tpu.vector_load %arg10[%get3A_227] {strides = array<i32>} : memref<10240xf32, #tpu.memory_space<vmem>>, vector<16xf32>,
      %get3A_229 = vector.shape_cast %get3A_228 : vector<16xf32> to vector<16xf32>
      %add3A_230 = arith.addf %get3A_229, %select_n3A : vector<16xf32>
      %swap3A_231 = arith.index_cast %squeeze3A_226 : i32 to index
      %swap3A_232 = tpu.vector_load %arg10[%swap3A_231] {strides = array<i32>} : memref<10240xf32, #tpu.memory_space<vmem>>, vector<16xf32>,
      %swap3A_233 = vector.shape_cast %swap3A_232 : vector<16xf32> to vector<16xf32>
      %swap3A_234 = vector.shape_cast %add3A_230 : vector<16xf32> to vector<16xf32>
      tpu.vector_store %arg10[%swap3A_231], %swap3A_234 {strides = array<i32>} : memref<10240xf32, #tpu.memory_space<vmem>>, vector<16xf32>,
      %slice3A_235 = vector.extract_strided_slice %get3A_187 {offsets = [5], sizes = [1], strides = [1]} : vector<16xi32> to vector<1xi32>
      %squeeze3A_236 = vector.extract %slice3A_235[0] : i32 from vector<1xi32>
      %get3A_237 = arith.index_cast %squeeze3A_236 : i32 to index
      %get3A_238 = tpu.vector_load %arg10[%get3A_237] {strides = array<i32>} : memref<10240xf32, #tpu.memory_space<vmem>>, vector<16xf32>,
      %get3A_239 = vector.shape_cast %get3A_238 : vector<16xf32> to vector<16xf32>
      %add3A_240 = arith.addf %get3A_239, %select_n3A : vector<16xf32>
      %swap3A_241 = arith.index_cast %squeeze3A_236 : i32 to index
      %swap3A_242 = tpu.vector_load %arg10[%swap3A_241] {strides = array<i32>} : memref<10240xf32, #tpu.memory_space<vmem>>, vector<16xf32>,
      %swap3A_243 = vector.shape_cast %swap3A_242 : vector<16xf32> to vector<16xf32>
      %swap3A_244 = vector.shape_cast %add3A_240 : vector<16xf32> to vector<16xf32>
      tpu.vector_store %arg10[%swap3A_241], %swap3A_244 {strides = array<i32>} : memref<10240xf32, #tpu.memory_space<vmem>>, vector<16xf32>,
      %slice3A_245 = vector.extract_strided_slice %get3A_187 {offsets = [6], sizes = [1], strides = [1]} : vector<16xi32> to vector<1xi32>
      %squeeze3A_246 = vector.extract %slice3A_245[0] : i32 from vector<1xi32>
      %get3A_247 = arith.index_cast %squeeze3A_246 : i32 to index
      %get3A_248 = tpu.vector_load %arg10[%get3A_247] {strides = array<i32>} : memref<10240xf32, #tpu.memory_space<vmem>>, vector<16xf32>,
      %get3A_249 = vector.shape_cast %get3A_248 : vector<16xf32> to vector<16xf32>
      %add3A_250 = arith.addf %get3A_249, %select_n3A : vector<16xf32>
      %swap3A_251 = arith.index_cast %squeeze3A_246 : i32 to index
      %swap3A_252 = tpu.vector_load %arg10[%swap3A_251] {strides = array<i32>} : memref<10240xf32, #tpu.memory_space<vmem>>, vector<16xf32>,
      %swap3A_253 = vector.shape_cast %swap3A_252 : vector<16xf32> to vector<16xf32>
      %swap3A_254 = vector.shape_cast %add3A_250 : vector<16xf32> to vector<16xf32>
      tpu.vector_store %arg10[%swap3A_251], %swap3A_254 {strides = array<i32>} : memref<10240xf32, #tpu.memory_space<vmem>>, vector<16xf32>,
      %slice3A_255 = vector.extract_strided_slice %get3A_187 {offsets = [7], sizes = [1], strides = [1]} : vector<16xi32> to vector<1xi32>
      %squeeze3A_256 = vector.extract %slice3A_255[0] : i32 from vector<1xi32>
      %get3A_257 = arith.index_cast %squeeze3A_256 : i32 to index
      %get3A_258 = tpu.vector_load %arg10[%get3A_257] {strides = array<i32>} : memref<10240xf32, #tpu.memory_space<vmem>>, vector<16xf32>,
      %get3A_259 = vector.shape_cast %get3A_258 : vector<16xf32> to vector<16xf32>
      %add3A_260 = arith.addf %get3A_259, %select_n3A : vector<16xf32>
      %swap3A_261 = arith.index_cast %squeeze3A_256 : i32 to index
      %swap3A_262 = tpu.vector_load %arg10[%swap3A_261] {strides = array<i32>} : memref<10240xf32, #tpu.memory_space<vmem>>, vector<16xf32>,
      %swap3A_263 = vector.shape_cast %swap3A_262 : vector<16xf32> to vector<16xf32>
      %swap3A_264 = vector.shape_cast %add3A_260 : vector<16xf32> to vector<16xf32>
      tpu.vector_store %arg10[%swap3A_261], %swap3A_264 {strides = array<i32>} : memref<10240xf32, #tpu.memory_space<vmem>>, vector<16xf32>,
      %slice3A_265 = vector.extract_strided_slice %get3A_187 {offsets = [8], sizes = [1], strides = [1]} : vector<16xi32> to vector<1xi32>
      %squeeze3A_266 = vector.extract %slice3A_265[0] : i32 from vector<1xi32>
      %get3A_267 = arith.index_cast %squeeze3A_266 : i32 to index
      %get3A_268 = tpu.vector_load %arg10[%get3A_267] {strides = array<i32>} : memref<10240xf32, #tpu.memory_space<vmem>>, vector<16xf32>,
      %get3A_269 = vector.shape_cast %get3A_268 : vector<16xf32> to vector<16xf32>
      %add3A_270 = arith.addf %get3A_269, %select_n3A : vector<16xf32>
      %swap3A_271 = arith.index_cast %squeeze3A_266 : i32 to index
      %swap3A_272 = tpu.vector_load %arg10[%swap3A_271] {strides = array<i32>} : memref<10240xf32, #tpu.memory_space<vmem>>, vector<16xf32>,
      %swap3A_273 = vector.shape_cast %swap3A_272 : vector<16xf32> to vector<16xf32>
      %swap3A_274 = vector.shape_cast %add3A_270 : vector<16xf32> to vector<16xf32>
      tpu.vector_store %arg10[%swap3A_271], %swap3A_274 {strides = array<i32>} : memref<10240xf32, #tpu.memory_space<vmem>>, vector<16xf32>,
      %slice3A_275 = vector.extract_strided_slice %get3A_187 {offsets = [9], sizes = [1], strides = [1]} : vector<16xi32> to vector<1xi32>
      %squeeze3A_276 = vector.extract %slice3A_275[0] : i32 from vector<1xi32>
      %get3A_277 = arith.index_cast %squeeze3A_276 : i32 to index
      %get3A_278 = tpu.vector_load %arg10[%get3A_277] {strides = array<i32>} : memref<10240xf32, #tpu.memory_space<vmem>>, vector<16xf32>,
      %get3A_279 = vector.shape_cast %get3A_278 : vector<16xf32> to vector<16xf32>
      %add3A_280 = arith.addf %get3A_279, %select_n3A : vector<16xf32>
      %swap3A_281 = arith.index_cast %squeeze3A_276 : i32 to index
      %swap3A_282 = tpu.vector_load %arg10[%swap3A_281] {strides = array<i32>} : memref<10240xf32, #tpu.memory_space<vmem>>, vector<16xf32>,
      %swap3A_283 = vector.shape_cast %swap3A_282 : vector<16xf32> to vector<16xf32>
      %swap3A_284 = vector.shape_cast %add3A_280 : vector<16xf32> to vector<16xf32>
      tpu.vector_store %arg10[%swap3A_281], %swap3A_284 {strides = array<i32>} : memref<10240xf32, #tpu.memory_space<vmem>>, vector<16xf32>,
      %slice3A_285 = vector.extract_strided_slice %get3A_187 {offsets = [10], sizes = [1], strides = [1]} : vector<16xi32> to vector<1xi32>
      %squeeze3A_286 = vector.extract %slice3A_285[0] : i32 from vector<1xi32>
      %get3A_287 = arith.index_cast %squeeze3A_286 : i32 to index
      %get3A_288 = tpu.vector_load %arg10[%get3A_287] {strides = array<i32>} : memref<10240xf32, #tpu.memory_space<vmem>>, vector<16xf32>,
      %get3A_289 = vector.shape_cast %get3A_288 : vector<16xf32> to vector<16xf32>
      %add3A_290 = arith.addf %get3A_289, %select_n3A : vector<16xf32>
      %swap3A_291 = arith.index_cast %squeeze3A_286 : i32 to index
      %swap3A_292 = tpu.vector_load %arg10[%swap3A_291] {strides = array<i32>} : memref<10240xf32, #tpu.memory_space<vmem>>, vector<16xf32>,
      %swap3A_293 = vector.shape_cast %swap3A_292 : vector<16xf32> to vector<16xf32>
      %swap3A_294 = vector.shape_cast %add3A_290 : vector<16xf32> to vector<16xf32>
      tpu.vector_store %arg10[%swap3A_291], %swap3A_294 {strides = array<i32>} : memref<10240xf32, #tpu.memory_space<vmem>>, vector<16xf32>,
      %slice3A_295 = vector.extract_strided_slice %get3A_187 {offsets = [11], sizes = [1], strides = [1]} : vector<16xi32> to vector<1xi32>
      %squeeze3A_296 = vector.extract %slice3A_295[0] : i32 from vector<1xi32>
      %get3A_297 = arith.index_cast %squeeze3A_296 : i32 to index
      %get3A_298 = tpu.vector_load %arg10[%get3A_297] {strides = array<i32>} : memref<10240xf32, #tpu.memory_space<vmem>>, vector<16xf32>,
      %get3A_299 = vector.shape_cast %get3A_298 : vector<16xf32> to vector<16xf32>
      %add3A_300 = arith.addf %get3A_299, %select_n3A : vector<16xf32>
      %swap3A_301 = arith.index_cast %squeeze3A_296 : i32 to index
      %swap3A_302 = tpu.vector_load %arg10[%swap3A_301] {strides = array<i32>} : memref<10240xf32, #tpu.memory_space<vmem>>, vector<16xf32>,
      %swap3A_303 = vector.shape_cast %swap3A_302 : vector<16xf32> to vector<16xf32>
      %swap3A_304 = vector.shape_cast %add3A_300 : vector<16xf32> to vector<16xf32>
      tpu.vector_store %arg10[%swap3A_301], %swap3A_304 {strides = array<i32>} : memref<10240xf32, #tpu.memory_space<vmem>>, vector<16xf32>,
      %slice3A_305 = vector.extract_strided_slice %get3A_187 {offsets = [12], sizes = [1], strides = [1]} : vector<16xi32> to vector<1xi32>
      %squeeze3A_306 = vector.extract %slice3A_305[0] : i32 from vector<1xi32>
      %get3A_307 = arith.index_cast %squeeze3A_306 : i32 to index
      %get3A_308 = tpu.vector_load %arg10[%get3A_307] {strides = array<i32>} : memref<10240xf32, #tpu.memory_space<vmem>>, vector<16xf32>,
      %get3A_309 = vector.shape_cast %get3A_308 : vector<16xf32> to vector<16xf32>
      %add3A_310 = arith.addf %get3A_309, %select_n3A : vector<16xf32>
      %swap3A_311 = arith.index_cast %squeeze3A_306 : i32 to index
      %swap3A_312 = tpu.vector_load %arg10[%swap3A_311] {strides = array<i32>} : memref<10240xf32, #tpu.memory_space<vmem>>, vector<16xf32>,
      %swap3A_313 = vector.shape_cast %swap3A_312 : vector<16xf32> to vector<16xf32>
      %swap3A_314 = vector.shape_cast %add3A_310 : vector<16xf32> to vector<16xf32>
      tpu.vector_store %arg10[%swap3A_311], %swap3A_314 {strides = array<i32>} : memref<10240xf32, #tpu.memory_space<vmem>>, vector<16xf32>,
      %slice3A_315 = vector.extract_strided_slice %get3A_187 {offsets = [13], sizes = [1], strides = [1]} : vector<16xi32> to vector<1xi32>
      %squeeze3A_316 = vector.extract %slice3A_315[0] : i32 from vector<1xi32>
      %get3A_317 = arith.index_cast %squeeze3A_316 : i32 to index
      %get3A_318 = tpu.vector_load %arg10[%get3A_317] {strides = array<i32>} : memref<10240xf32, #tpu.memory_space<vmem>>, vector<16xf32>,
      %get3A_319 = vector.shape_cast %get3A_318 : vector<16xf32> to vector<16xf32>
      %add3A_320 = arith.addf %get3A_319, %select_n3A : vector<16xf32>
      %swap3A_321 = arith.index_cast %squeeze3A_316 : i32 to index
      %swap3A_322 = tpu.vector_load %arg10[%swap3A_321] {strides = array<i32>} : memref<10240xf32, #tpu.memory_space<vmem>>, vector<16xf32>,
      %swap3A_323 = vector.shape_cast %swap3A_322 : vector<16xf32> to vector<16xf32>
      %swap3A_324 = vector.shape_cast %add3A_320 : vector<16xf32> to vector<16xf32>
      tpu.vector_store %arg10[%swap3A_321], %swap3A_324 {strides = array<i32>} : memref<10240xf32, #tpu.memory_space<vmem>>, vector<16xf32>,
      %slice3A_325 = vector.extract_strided_slice %get3A_187 {offsets = [14], sizes = [1], strides = [1]} : vector<16xi32> to vector<1xi32>
      %squeeze3A_326 = vector.extract %slice3A_325[0] : i32 from vector<1xi32>
      %get3A_327 = arith.index_cast %squeeze3A_326 : i32 to index
      %get3A_328 = tpu.vector_load %arg10[%get3A_327] {strides = array<i32>} : memref<10240xf32, #tpu.memory_space<vmem>>, vector<16xf32>,
      %get3A_329 = vector.shape_cast %get3A_328 : vector<16xf32> to vector<16xf32>
      %add3A_330 = arith.addf %get3A_329, %select_n3A : vector<16xf32>
      %swap3A_331 = arith.index_cast %squeeze3A_326 : i32 to index
      %swap3A_332 = tpu.vector_load %arg10[%swap3A_331] {strides = array<i32>} : memref<10240xf32, #tpu.memory_space<vmem>>, vector<16xf32>,
      %swap3A_333 = vector.shape_cast %swap3A_332 : vector<16xf32> to vector<16xf32>
      %swap3A_334 = vector.shape_cast %add3A_330 : vector<16xf32> to vector<16xf32>
      tpu.vector_store %arg10[%swap3A_331], %swap3A_334 {strides = array<i32>} : memref<10240xf32, #tpu.memory_space<vmem>>, vector<16xf32>,
      %slice3A_335 = vector.extract_strided_slice %get3A_187 {offsets = [15], sizes = [1], strides = [1]} : vector<16xi32> to vector<1xi32>
      %squeeze3A_336 = vector.extract %slice3A_335[0] : i32 from vector<1xi32>
      %get3A_337 = arith.index_cast %squeeze3A_336 : i32 to index
      %get3A_338 = tpu.vector_load %arg10[%get3A_337] {strides = array<i32>} : memref<10240xf32, #tpu.memory_space<vmem>>, vector<16xf32>,
      %get3A_339 = vector.shape_cast %get3A_338 : vector<16xf32> to vector<16xf32>
      %add3A_340 = arith.addf %get3A_339, %select_n3A : vector<16xf32>
      %swap3A_341 = arith.index_cast %squeeze3A_336 : i32 to index
      %swap3A_342 = tpu.vector_load %arg10[%swap3A_341] {strides = array<i32>} : memref<10240xf32, #tpu.memory_space<vmem>>, vector<16xf32>,
      %swap3A_343 = vector.shape_cast %swap3A_342 : vector<16xf32> to vector<16xf32>
      %swap3A_344 = vector.shape_cast %add3A_340 : vector<16xf32> to vector<16xf32>
      tpu.vector_store %arg10[%swap3A_341], %swap3A_344 {strides = array<i32>} : memref<10240xf32, #tpu.memory_space<vmem>>, vector<16xf32>,
      %get3A_345 = arith.index_cast %rem3A_111 : i32 to index
      %get3A_346 = arith.index_cast %rem3A_109 : i32 to index
      %get3A_347 = arith.constant 16 : index
      %get3A_348 = tpu.vector_load %arg8[%get3A_345, %get3A_346, %get3A_347] {strides = array<i32>} : memref<2x8x128xi32, #tpu.memory_space<vmem>>, vector<1x1x16xi32>,
      %get3A_349 = vector.shape_cast %get3A_348 : vector<1x1x16xi32> to vector<16xi32>
      %slice3A_350 = vector.extract_strided_slice %get3A_349 {offsets = [0], sizes = [1], strides = [1]} : vector<16xi32> to vector<1xi32>
      %squeeze3A_351 = vector.extract %slice3A_350[0] : i32 from vector<1xi32>
      %get3A_352 = arith.index_cast %squeeze3A_351 : i32 to index
      %get3A_353 = tpu.vector_load %arg10[%get3A_352] {strides = array<i32>} : memref<10240xf32, #tpu.memory_space<vmem>>, vector<16xf32>,
      %get3A_354 = vector.shape_cast %get3A_353 : vector<16xf32> to vector<16xf32>
      %add3A_355 = arith.addf %get3A_354, %select_n3A : vector<16xf32>
      %swap3A_356 = arith.index_cast %squeeze3A_351 : i32 to index
      %swap3A_357 = tpu.vector_load %arg10[%swap3A_356] {strides = array<i32>} : memref<10240xf32, #tpu.memory_space<vmem>>, vector<16xf32>,
      %swap3A_358 = vector.shape_cast %swap3A_357 : vector<16xf32> to vector<16xf32>
      %swap3A_359 = vector.shape_cast %add3A_355 : vector<16xf32> to vector<16xf32>
      tpu.vector_store %arg10[%swap3A_356], %swap3A_359 {strides = array<i32>} : memref<10240xf32, #tpu.memory_space<vmem>>, vector<16xf32>,
      %slice3A_360 = vector.extract_strided_slice %get3A_349 {offsets = [1], sizes = [1], strides = [1]} : vector<16xi32> to vector<1xi32>
      %squeeze3A_361 = vector.extract %slice3A_360[0] : i32 from vector<1xi32>
      %get3A_362 = arith.index_cast %squeeze3A_361 : i32 to index
      %get3A_363 = tpu.vector_load %arg10[%get3A_362] {strides = array<i32>} : memref<10240xf32, #tpu.memory_space<vmem>>, vector<16xf32>,
      %get3A_364 = vector.shape_cast %get3A_363 : vector<16xf32> to vector<16xf32>
      %add3A_365 = arith.addf %get3A_364, %select_n3A : vector<16xf32>
      %swap3A_366 = arith.index_cast %squeeze3A_361 : i32 to index
      %swap3A_367 = tpu.vector_load %arg10[%swap3A_366] {strides = array<i32>} : memref<10240xf32, #tpu.memory_space<vmem>>, vector<16xf32>,
      %swap3A_368 = vector.shape_cast %swap3A_367 : vector<16xf32> to vector<16xf32>
      %swap3A_369 = vector.shape_cast %add3A_365 : vector<16xf32> to vector<16xf32>
      tpu.vector_store %arg10[%swap3A_366], %swap3A_369 {strides = array<i32>} : memref<10240xf32, #tpu.memory_space<vmem>>, vector<16xf32>,
      %slice3A_370 = vector.extract_strided_slice %get3A_349 {offsets = [2], sizes = [1], strides = [1]} : vector<16xi32> to vector<1xi32>
      %squeeze3A_371 = vector.extract %slice3A_370[0] : i32 from vector<1xi32>
      %get3A_372 = arith.index_cast %squeeze3A_371 : i32 to index
      %get3A_373 = tpu.vector_load %arg10[%get3A_372] {strides = array<i32>} : memref<10240xf32, #tpu.memory_space<vmem>>, vector<16xf32>,
      %get3A_374 = vector.shape_cast %get3A_373 : vector<16xf32> to vector<16xf32>
      %add3A_375 = arith.addf %get3A_374, %select_n3A : vector<16xf32>
      %swap3A_376 = arith.index_cast %squeeze3A_371 : i32 to index
      %swap3A_377 = tpu.vector_load %arg10[%swap3A_376] {strides = array<i32>} : memref<10240xf32, #tpu.memory_space<vmem>>, vector<16xf32>,
      %swap3A_378 = vector.shape_cast %swap3A_377 : vector<16xf32> to vector<16xf32>
      %swap3A_379 = vector.shape_cast %add3A_375 : vector<16xf32> to vector<16xf32>
      tpu.vector_store %arg10[%swap3A_376], %swap3A_379 {strides = array<i32>} : memref<10240xf32, #tpu.memory_space<vmem>>, vector<16xf32>,
      %slice3A_380 = vector.extract_strided_slice %get3A_349 {offsets = [3], sizes = [1], strides = [1]} : vector<16xi32> to vector<1xi32>
      %squeeze3A_381 = vector.extract %slice3A_380[0] : i32 from vector<1xi32>
      %get3A_382 = arith.index_cast %squeeze3A_381 : i32 to index
      %get3A_383 = tpu.vector_load %arg10[%get3A_382] {strides = array<i32>} : memref<10240xf32, #tpu.memory_space<vmem>>, vector<16xf32>,
      %get3A_384 = vector.shape_cast %get3A_383 : vector<16xf32> to vector<16xf32>
      %add3A_385 = arith.addf %get3A_384, %select_n3A : vector<16xf32>
      %swap3A_386 = arith.index_cast %squeeze3A_381 : i32 to index
      %swap3A_387 = tpu.vector_load %arg10[%swap3A_386] {strides = array<i32>} : memref<10240xf32, #tpu.memory_space<vmem>>, vector<16xf32>,
      %swap3A_388 = vector.shape_cast %swap3A_387 : vector<16xf32> to vector<16xf32>
      %swap3A_389 = vector.shape_cast %add3A_385 : vector<16xf32> to vector<16xf32>
      tpu.vector_store %arg10[%swap3A_386], %swap3A_389 {strides = array<i32>} : memref<10240xf32, #tpu.memory_space<vmem>>, vector<16xf32>,
      %slice3A_390 = vector.extract_strided_slice %get3A_349 {offsets = [4], sizes = [1], strides = [1]} : vector<16xi32> to vector<1xi32>
      %squeeze3A_391 = vector.extract %slice3A_390[0] : i32 from vector<1xi32>
      %get3A_392 = arith.index_cast %squeeze3A_391 : i32 to index
      %get3A_393 = tpu.vector_load %arg10[%get3A_392] {strides = array<i32>} : memref<10240xf32, #tpu.memory_space<vmem>>, vector<16xf32>,
      %get3A_394 = vector.shape_cast %get3A_393 : vector<16xf32> to vector<16xf32>
      %add3A_395 = arith.addf %get3A_394, %select_n3A : vector<16xf32>
      %swap3A_396 = arith.index_cast %squeeze3A_391 : i32 to index
      %swap3A_397 = tpu.vector_load %arg10[%swap3A_396] {strides = array<i32>} : memref<10240xf32, #tpu.memory_space<vmem>>, vector<16xf32>,
      %swap3A_398 = vector.shape_cast %swap3A_397 : vector<16xf32> to vector<16xf32>
      %swap3A_399 = vector.shape_cast %add3A_395 : vector<16xf32> to vector<16xf32>
      tpu.vector_store %arg10[%swap3A_396], %swap3A_399 {strides = array<i32>} : memref<10240xf32, #tpu.memory_space<vmem>>, vector<16xf32>,
      %slice3A_400 = vector.extract_strided_slice %get3A_349 {offsets = [5], sizes = [1], strides = [1]} : vector<16xi32> to vector<1xi32>
      %squeeze3A_401 = vector.extract %slice3A_400[0] : i32 from vector<1xi32>
      %get3A_402 = arith.index_cast %squeeze3A_401 : i32 to index
      %get3A_403 = tpu.vector_load %arg10[%get3A_402] {strides = array<i32>} : memref<10240xf32, #tpu.memory_space<vmem>>, vector<16xf32>,
      %get3A_404 = vector.shape_cast %get3A_403 : vector<16xf32> to vector<16xf32>
      %add3A_405 = arith.addf %get3A_404, %select_n3A : vector<16xf32>
      %swap3A_406 = arith.index_cast %squeeze3A_401 : i32 to index
      %swap3A_407 = tpu.vector_load %arg10[%swap3A_406] {strides = array<i32>} : memref<10240xf32, #tpu.memory_space<vmem>>, vector<16xf32>,
      %swap3A_408 = vector.shape_cast %swap3A_407 : vector<16xf32> to vector<16xf32>
      %swap3A_409 = vector.shape_cast %add3A_405 : vector<16xf32> to vector<16xf32>
      tpu.vector_store %arg10[%swap3A_406], %swap3A_409 {strides = array<i32>} : memref<10240xf32, #tpu.memory_space<vmem>>, vector<16xf32>,
      %slice3A_410 = vector.extract_strided_slice %get3A_349 {offsets = [6], sizes = [1], strides = [1]} : vector<16xi32> to vector<1xi32>
      %squeeze3A_411 = vector.extract %slice3A_410[0] : i32 from vector<1xi32>
      %get3A_412 = arith.index_cast %squeeze3A_411 : i32 to index
      %get3A_413 = tpu.vector_load %arg10[%get3A_412] {strides = array<i32>} : memref<10240xf32, #tpu.memory_space<vmem>>, vector<16xf32>,
      %get3A_414 = vector.shape_cast %get3A_413 : vector<16xf32> to vector<16xf32>
      %add3A_415 = arith.addf %get3A_414, %select_n3A : vector<16xf32>
      %swap3A_416 = arith.index_cast %squeeze3A_411 : i32 to index
      %swap3A_417 = tpu.vector_load %arg10[%swap3A_416] {strides = array<i32>} : memref<10240xf32, #tpu.memory_space<vmem>>, vector<16xf32>,
      %swap3A_418 = vector.shape_cast %swap3A_417 : vector<16xf32> to vector<16xf32>
      %swap3A_419 = vector.shape_cast %add3A_415 : vector<16xf32> to vector<16xf32>
      tpu.vector_store %arg10[%swap3A_416], %swap3A_419 {strides = array<i32>} : memref<10240xf32, #tpu.memory_space<vmem>>, vector<16xf32>,
      %slice3A_420 = vector.extract_strided_slice %get3A_349 {offsets = [7], sizes = [1], strides = [1]} : vector<16xi32> to vector<1xi32>
      %squeeze3A_421 = vector.extract %slice3A_420[0] : i32 from vector<1xi32>
      %get3A_422 = arith.index_cast %squeeze3A_421 : i32 to index
      %get3A_423 = tpu.vector_load %arg10[%get3A_422] {strides = array<i32>} : memref<10240xf32, #tpu.memory_space<vmem>>, vector<16xf32>,
      %get3A_424 = vector.shape_cast %get3A_423 : vector<16xf32> to vector<16xf32>
      %add3A_425 = arith.addf %get3A_424, %select_n3A : vector<16xf32>
      %swap3A_426 = arith.index_cast %squeeze3A_421 : i32 to index
      %swap3A_427 = tpu.vector_load %arg10[%swap3A_426] {strides = array<i32>} : memref<10240xf32, #tpu.memory_space<vmem>>, vector<16xf32>,
      %swap3A_428 = vector.shape_cast %swap3A_427 : vector<16xf32> to vector<16xf32>
      %swap3A_429 = vector.shape_cast %add3A_425 : vector<16xf32> to vector<16xf32>
      tpu.vector_store %arg10[%swap3A_426], %swap3A_429 {strides = array<i32>} : memref<10240xf32, #tpu.memory_space<vmem>>, vector<16xf32>,
      %slice3A_430 = vector.extract_strided_slice %get3A_349 {offsets = [8], sizes = [1], strides = [1]} : vector<16xi32> to vector<1xi32>
      %squeeze3A_431 = vector.extract %slice3A_430[0] : i32 from vector<1xi32>
      %get3A_432 = arith.index_cast %squeeze3A_431 : i32 to index
      %get3A_433 = tpu.vector_load %arg10[%get3A_432] {strides = array<i32>} : memref<10240xf32, #tpu.memory_space<vmem>>, vector<16xf32>,
      %get3A_434 = vector.shape_cast %get3A_433 : vector<16xf32> to vector<16xf32>
      %add3A_435 = arith.addf %get3A_434, %select_n3A : vector<16xf32>
      %swap3A_436 = arith.index_cast %squeeze3A_431 : i32 to index
      %swap3A_437 = tpu.vector_load %arg10[%swap3A_436] {strides = array<i32>} : memref<10240xf32, #tpu.memory_space<vmem>>, vector<16xf32>,
      %swap3A_438 = vector.shape_cast %swap3A_437 : vector<16xf32> to vector<16xf32>
      %swap3A_439 = vector.shape_cast %add3A_435 : vector<16xf32> to vector<16xf32>
      tpu.vector_store %arg10[%swap3A_436], %swap3A_439 {strides = array<i32>} : memref<10240xf32, #tpu.memory_space<vmem>>, vector<16xf32>,
      %slice3A_440 = vector.extract_strided_slice %get3A_349 {offsets = [9], sizes = [1], strides = [1]} : vector<16xi32> to vector<1xi32>
      %squeeze3A_441 = vector.extract %slice3A_440[0] : i32 from vector<1xi32>
      %get3A_442 = arith.index_cast %squeeze3A_441 : i32 to index
      %get3A_443 = tpu.vector_load %arg10[%get3A_442] {strides = array<i32>} : memref<10240xf32, #tpu.memory_space<vmem>>, vector<16xf32>,
      %get3A_444 = vector.shape_cast %get3A_443 : vector<16xf32> to vector<16xf32>
      %add3A_445 = arith.addf %get3A_444, %select_n3A : vector<16xf32>
      %swap3A_446 = arith.index_cast %squeeze3A_441 : i32 to index
      %swap3A_447 = tpu.vector_load %arg10[%swap3A_446] {strides = array<i32>} : memref<10240xf32, #tpu.memory_space<vmem>>, vector<16xf32>,
      %swap3A_448 = vector.shape_cast %swap3A_447 : vector<16xf32> to vector<16xf32>
      %swap3A_449 = vector.shape_cast %add3A_445 : vector<16xf32> to vector<16xf32>
      tpu.vector_store %arg10[%swap3A_446], %swap3A_449 {strides = array<i32>} : memref<10240xf32, #tpu.memory_space<vmem>>, vector<16xf32>,
      %slice3A_450 = vector.extract_strided_slice %get3A_349 {offsets = [10], sizes = [1], strides = [1]} : vector<16xi32> to vector<1xi32>
      %squeeze3A_451 = vector.extract %slice3A_450[0] : i32 from vector<1xi32>
      %get3A_452 = arith.index_cast %squeeze3A_451 : i32 to index
      %get3A_453 = tpu.vector_load %arg10[%get3A_452] {strides = array<i32>} : memref<10240xf32, #tpu.memory_space<vmem>>, vector<16xf32>,
      %get3A_454 = vector.shape_cast %get3A_453 : vector<16xf32> to vector<16xf32>
      %add3A_455 = arith.addf %get3A_454, %select_n3A : vector<16xf32>
      %swap3A_456 = arith.index_cast %squeeze3A_451 : i32 to index
      %swap3A_457 = tpu.vector_load %arg10[%swap3A_456] {strides = array<i32>} : memref<10240xf32, #tpu.memory_space<vmem>>, vector<16xf32>,
      %swap3A_458 = vector.shape_cast %swap3A_457 : vector<16xf32> to vector<16xf32>
      %swap3A_459 = vector.shape_cast %add3A_455 : vector<16xf32> to vector<16xf32>
      tpu.vector_store %arg10[%swap3A_456], %swap3A_459 {strides = array<i32>} : memref<10240xf32, #tpu.memory_space<vmem>>, vector<16xf32>,
      %slice3A_460 = vector.extract_strided_slice %get3A_349 {offsets = [11], sizes = [1], strides = [1]} : vector<16xi32> to vector<1xi32>
      %squeeze3A_461 = vector.extract %slice3A_460[0] : i32 from vector<1xi32>
      %get3A_462 = arith.index_cast %squeeze3A_461 : i32 to index
      %get3A_463 = tpu.vector_load %arg10[%get3A_462] {strides = array<i32>} : memref<10240xf32, #tpu.memory_space<vmem>>, vector<16xf32>,
      %get3A_464 = vector.shape_cast %get3A_463 : vector<16xf32> to vector<16xf32>
      %add3A_465 = arith.addf %get3A_464, %select_n3A : vector<16xf32>
      %swap3A_466 = arith.index_cast %squeeze3A_461 : i32 to index
      %swap3A_467 = tpu.vector_load %arg10[%swap3A_466] {strides = array<i32>} : memref<10240xf32, #tpu.memory_space<vmem>>, vector<16xf32>,
      %swap3A_468 = vector.shape_cast %swap3A_467 : vector<16xf32> to vector<16xf32>
      %swap3A_469 = vector.shape_cast %add3A_465 : vector<16xf32> to vector<16xf32>
      tpu.vector_store %arg10[%swap3A_466], %swap3A_469 {strides = array<i32>} : memref<10240xf32, #tpu.memory_space<vmem>>, vector<16xf32>,
      %slice3A_470 = vector.extract_strided_slice %get3A_349 {offsets = [12], sizes = [1], strides = [1]} : vector<16xi32> to vector<1xi32>
      %squeeze3A_471 = vector.extract %slice3A_470[0] : i32 from vector<1xi32>
      %get3A_472 = arith.index_cast %squeeze3A_471 : i32 to index
      %get3A_473 = tpu.vector_load %arg10[%get3A_472] {strides = array<i32>} : memref<10240xf32, #tpu.memory_space<vmem>>, vector<16xf32>,
      %get3A_474 = vector.shape_cast %get3A_473 : vector<16xf32> to vector<16xf32>
      %add3A_475 = arith.addf %get3A_474, %select_n3A : vector<16xf32>
      %swap3A_476 = arith.index_cast %squeeze3A_471 : i32 to index
      %swap3A_477 = tpu.vector_load %arg10[%swap3A_476] {strides = array<i32>} : memref<10240xf32, #tpu.memory_space<vmem>>, vector<16xf32>,
      %swap3A_478 = vector.shape_cast %swap3A_477 : vector<16xf32> to vector<16xf32>
      %swap3A_479 = vector.shape_cast %add3A_475 : vector<16xf32> to vector<16xf32>
      tpu.vector_store %arg10[%swap3A_476], %swap3A_479 {strides = array<i32>} : memref<10240xf32, #tpu.memory_space<vmem>>, vector<16xf32>,
      %slice3A_480 = vector.extract_strided_slice %get3A_349 {offsets = [13], sizes = [1], strides = [1]} : vector<16xi32> to vector<1xi32>
      %squeeze3A_481 = vector.extract %slice3A_480[0] : i32 from vector<1xi32>
      %get3A_482 = arith.index_cast %squeeze3A_481 : i32 to index
      %get3A_483 = tpu.vector_load %arg10[%get3A_482] {strides = array<i32>} : memref<10240xf32, #tpu.memory_space<vmem>>, vector<16xf32>,
      %get3A_484 = vector.shape_cast %get3A_483 : vector<16xf32> to vector<16xf32>
      %add3A_485 = arith.addf %get3A_484, %select_n3A : vector<16xf32>
      %swap3A_486 = arith.index_cast %squeeze3A_481 : i32 to index
      %swap3A_487 = tpu.vector_load %arg10[%swap3A_486] {strides = array<i32>} : memref<10240xf32, #tpu.memory_space<vmem>>, vector<16xf32>,
      %swap3A_488 = vector.shape_cast %swap3A_487 : vector<16xf32> to vector<16xf32>
      %swap3A_489 = vector.shape_cast %add3A_485 : vector<16xf32> to vector<16xf32>
      tpu.vector_store %arg10[%swap3A_486], %swap3A_489 {strides = array<i32>} : memref<10240xf32, #tpu.memory_space<vmem>>, vector<16xf32>,
      %slice3A_490 = vector.extract_strided_slice %get3A_349 {offsets = [14], sizes = [1], strides = [1]} : vector<16xi32> to vector<1xi32>
      %squeeze3A_491 = vector.extract %slice3A_490[0] : i32 from vector<1xi32>
      %get3A_492 = arith.index_cast %squeeze3A_491 : i32 to index
      %get3A_493 = tpu.vector_load %arg10[%get3A_492] {strides = array<i32>} : memref<10240xf32, #tpu.memory_space<vmem>>, vector<16xf32>,
      %get3A_494 = vector.shape_cast %get3A_493 : vector<16xf32> to vector<16xf32>
      %add3A_495 = arith.addf %get3A_494, %select_n3A : vector<16xf32>
      %swap3A_496 = arith.index_cast %squeeze3A_491 : i32 to index
      %swap3A_497 = tpu.vector_load %arg10[%swap3A_496] {strides = array<i32>} : memref<10240xf32, #tpu.memory_space<vmem>>, vector<16xf32>,
      %swap3A_498 = vector.shape_cast %swap3A_497 : vector<16xf32> to vector<16xf32>
      %swap3A_499 = vector.shape_cast %add3A_495 : vector<16xf32> to vector<16xf32>
      tpu.vector_store %arg10[%swap3A_496], %swap3A_499 {strides = array<i32>} : memref<10240xf32, #tpu.memory_space<vmem>>, vector<16xf32>,
      %slice3A_500 = vector.extract_strided_slice %get3A_349 {offsets = [15], sizes = [1], strides = [1]} : vector<16xi32> to vector<1xi32>
      %squeeze3A_501 = vector.extract %slice3A_500[0] : i32 from vector<1xi32>
      %get3A_502 = arith.index_cast %squeeze3A_501 : i32 to index
      %get3A_503 = tpu.vector_load %arg10[%get3A_502] {strides = array<i32>} : memref<10240xf32, #tpu.memory_space<vmem>>, vector<16xf32>,
      %get3A_504 = vector.shape_cast %get3A_503 : vector<16xf32> to vector<16xf32>
      %add3A_505 = arith.addf %get3A_504, %select_n3A : vector<16xf32>
      %swap3A_506 = arith.index_cast %squeeze3A_501 : i32 to index
      %swap3A_507 = tpu.vector_load %arg10[%swap3A_506] {strides = array<i32>} : memref<10240xf32, #tpu.memory_space<vmem>>, vector<16xf32>,
      %swap3A_508 = vector.shape_cast %swap3A_507 : vector<16xf32> to vector<16xf32>
      %swap3A_509 = vector.shape_cast %add3A_505 : vector<16xf32> to vector<16xf32>
      tpu.vector_store %arg10[%swap3A_506], %swap3A_509 {strides = array<i32>} : memref<10240xf32, #tpu.memory_space<vmem>>, vector<16xf32>,
      %get3A_510 = arith.index_cast %rem3A_111 : i32 to index
      %get3A_511 = arith.index_cast %rem3A_109 : i32 to index
      %get3A_512 = arith.constant 32 : index
      %get3A_513 = tpu.vector_load %arg8[%get3A_510, %get3A_511, %get3A_512] {strides = array<i32>} : memref<2x8x128xi32, #tpu.memory_space<vmem>>, vector<1x1x16xi32>,
      %get3A_514 = vector.shape_cast %get3A_513 : vector<1x1x16xi32> to vector<16xi32>
      %slice3A_515 = vector.extract_strided_slice %get3A_514 {offsets = [0], sizes = [1], strides = [1]} : vector<16xi32> to vector<1xi32>
      %squeeze3A_516 = vector.extract %slice3A_515[0] : i32 from vector<1xi32>
      %get3A_517 = arith.index_cast %squeeze3A_516 : i32 to index
      %get3A_518 = tpu.vector_load %arg10[%get3A_517] {strides = array<i32>} : memref<10240xf32, #tpu.memory_space<vmem>>, vector<16xf32>,
      %get3A_519 = vector.shape_cast %get3A_518 : vector<16xf32> to vector<16xf32>
      %add3A_520 = arith.addf %get3A_519, %select_n3A : vector<16xf32>
      %swap3A_521 = arith.index_cast %squeeze3A_516 : i32 to index
      %swap3A_522 = tpu.vector_load %arg10[%swap3A_521] {strides = array<i32>} : memref<10240xf32, #tpu.memory_space<vmem>>, vector<16xf32>,
      %swap3A_523 = vector.shape_cast %swap3A_522 : vector<16xf32> to vector<16xf32>
      %swap3A_524 = vector.shape_cast %add3A_520 : vector<16xf32> to vector<16xf32>
      tpu.vector_store %arg10[%swap3A_521], %swap3A_524 {strides = array<i32>} : memref<10240xf32, #tpu.memory_space<vmem>>, vector<16xf32>,
      %slice3A_525 = vector.extract_strided_slice %get3A_514 {offsets = [1], sizes = [1], strides = [1]} : vector<16xi32> to vector<1xi32>
      %squeeze3A_526 = vector.extract %slice3A_525[0] : i32 from vector<1xi32>
      %get3A_527 = arith.index_cast %squeeze3A_526 : i32 to index
      %get3A_528 = tpu.vector_load %arg10[%get3A_527] {strides = array<i32>} : memref<10240xf32, #tpu.memory_space<vmem>>, vector<16xf32>,
      %get3A_529 = vector.shape_cast %get3A_528 : vector<16xf32> to vector<16xf32>
      %add3A_530 = arith.addf %get3A_529, %select_n3A : vector<16xf32>
      %swap3A_531 = arith.index_cast %squeeze3A_526 : i32 to index
      %swap3A_532 = tpu.vector_load %arg10[%swap3A_531] {strides = array<i32>} : memref<10240xf32, #tpu.memory_space<vmem>>, vector<16xf32>,
      %swap3A_533 = vector.shape_cast %swap3A_532 : vector<16xf32> to vector<16xf32>
      %swap3A_534 = vector.shape_cast %add3A_530 : vector<16xf32> to vector<16xf32>
      tpu.vector_store %arg10[%swap3A_531], %swap3A_534 {strides = array<i32>} : memref<10240xf32, #tpu.memory_space<vmem>>, vector<16xf32>,
      %slice3A_535 = vector.extract_strided_slice %get3A_514 {offsets = [2], sizes = [1], strides = [1]} : vector<16xi32> to vector<1xi32>
      %squeeze3A_536 = vector.extract %slice3A_535[0] : i32 from vector<1xi32>
      %get3A_537 = arith.index_cast %squeeze3A_536 : i32 to index
      %get3A_538 = tpu.vector_load %arg10[%get3A_537] {strides = array<i32>} : memref<10240xf32, #tpu.memory_space<vmem>>, vector<16xf32>,
      %get3A_539 = vector.shape_cast %get3A_538 : vector<16xf32> to vector<16xf32>
      %add3A_540 = arith.addf %get3A_539, %select_n3A : vector<16xf32>
      %swap3A_541 = arith.index_cast %squeeze3A_536 : i32 to index
      %swap3A_542 = tpu.vector_load %arg10[%swap3A_541] {strides = array<i32>} : memref<10240xf32, #tpu.memory_space<vmem>>, vector<16xf32>,
      %swap3A_543 = vector.shape_cast %swap3A_542 : vector<16xf32> to vector<16xf32>
      %swap3A_544 = vector.shape_cast %add3A_540 : vector<16xf32> to vector<16xf32>
      tpu.vector_store %arg10[%swap3A_541], %swap3A_544 {strides = array<i32>} : memref<10240xf32, #tpu.memory_space<vmem>>, vector<16xf32>,
      %slice3A_545 = vector.extract_strided_slice %get3A_514 {offsets = [3], sizes = [1], strides = [1]} : vector<16xi32> to vector<1xi32>
      %squeeze3A_546 = vector.extract %slice3A_545[0] : i32 from vector<1xi32>
      %get3A_547 = arith.index_cast %squeeze3A_546 : i32 to index
      %get3A_548 = tpu.vector_load %arg10[%get3A_547] {strides = array<i32>} : memref<10240xf32, #tpu.memory_space<vmem>>, vector<16xf32>,
      %get3A_549 = vector.shape_cast %get3A_548 : vector<16xf32> to vector<16xf32>
      %add3A_550 = arith.addf %get3A_549, %select_n3A : vector<16xf32>
      %swap3A_551 = arith.index_cast %squeeze3A_546 : i32 to index
      %swap3A_552 = tpu.vector_load %arg10[%swap3A_551] {strides = array<i32>} : memref<10240xf32, #tpu.memory_space<vmem>>, vector<16xf32>,
      %swap3A_553 = vector.shape_cast %swap3A_552 : vector<16xf32> to vector<16xf32>
      %swap3A_554 = vector.shape_cast %add3A_550 : vector<16xf32> to vector<16xf32>
      tpu.vector_store %arg10[%swap3A_551], %swap3A_554 {strides = array<i32>} : memref<10240xf32, #tpu.memory_space<vmem>>, vector<16xf32>,
      %slice3A_555 = vector.extract_strided_slice %get3A_514 {offsets = [4], sizes = [1], strides = [1]} : vector<16xi32> to vector<1xi32>
      %squeeze3A_556 = vector.extract %slice3A_555[0] : i32 from vector<1xi32>
      %get3A_557 = arith.index_cast %squeeze3A_556 : i32 to index
      %get3A_558 = tpu.vector_load %arg10[%get3A_557] {strides = array<i32>} : memref<10240xf32, #tpu.memory_space<vmem>>, vector<16xf32>,
      %get3A_559 = vector.shape_cast %get3A_558 : vector<16xf32> to vector<16xf32>
      %add3A_560 = arith.addf %get3A_559, %select_n3A : vector<16xf32>
      %swap3A_561 = arith.index_cast %squeeze3A_556 : i32 to index
      %swap3A_562 = tpu.vector_load %arg10[%swap3A_561] {strides = array<i32>} : memref<10240xf32, #tpu.memory_space<vmem>>, vector<16xf32>,
      %swap3A_563 = vector.shape_cast %swap3A_562 : vector<16xf32> to vector<16xf32>
      %swap3A_564 = vector.shape_cast %add3A_560 : vector<16xf32> to vector<16xf32>
      tpu.vector_store %arg10[%swap3A_561], %swap3A_564 {strides = array<i32>} : memref<10240xf32, #tpu.memory_space<vmem>>, vector<16xf32>,
      %slice3A_565 = vector.extract_strided_slice %get3A_514 {offsets = [5], sizes = [1], strides = [1]} : vector<16xi32> to vector<1xi32>
      %squeeze3A_566 = vector.extract %slice3A_565[0] : i32 from vector<1xi32>
      %get3A_567 = arith.index_cast %squeeze3A_566 : i32 to index
      %get3A_568 = tpu.vector_load %arg10[%get3A_567] {strides = array<i32>} : memref<10240xf32, #tpu.memory_space<vmem>>, vector<16xf32>,
      %get3A_569 = vector.shape_cast %get3A_568 : vector<16xf32> to vector<16xf32>
      %add3A_570 = arith.addf %get3A_569, %select_n3A : vector<16xf32>
      %swap3A_571 = arith.index_cast %squeeze3A_566 : i32 to index
      %swap3A_572 = tpu.vector_load %arg10[%swap3A_571] {strides = array<i32>} : memref<10240xf32, #tpu.memory_space<vmem>>, vector<16xf32>,
      %swap3A_573 = vector.shape_cast %swap3A_572 : vector<16xf32> to vector<16xf32>
      %swap3A_574 = vector.shape_cast %add3A_570 : vector<16xf32> to vector<16xf32>
      tpu.vector_store %arg10[%swap3A_571], %swap3A_574 {strides = array<i32>} : memref<10240xf32, #tpu.memory_space<vmem>>, vector<16xf32>,
      %slice3A_575 = vector.extract_strided_slice %get3A_514 {offsets = [6], sizes = [1], strides = [1]} : vector<16xi32> to vector<1xi32>
      %squeeze3A_576 = vector.extract %slice3A_575[0] : i32 from vector<1xi32>
      %get3A_577 = arith.index_cast %squeeze3A_576 : i32 to index
      %get3A_578 = tpu.vector_load %arg10[%get3A_577] {strides = array<i32>} : memref<10240xf32, #tpu.memory_space<vmem>>, vector<16xf32>,
      %get3A_579 = vector.shape_cast %get3A_578 : vector<16xf32> to vector<16xf32>
      %add3A_580 = arith.addf %get3A_579, %select_n3A : vector<16xf32>
      %swap3A_581 = arith.index_cast %squeeze3A_576 : i32 to index
      %swap3A_582 = tpu.vector_load %arg10[%swap3A_581] {strides = array<i32>} : memref<10240xf32, #tpu.memory_space<vmem>>, vector<16xf32>,
      %swap3A_583 = vector.shape_cast %swap3A_582 : vector<16xf32> to vector<16xf32>
      %swap3A_584 = vector.shape_cast %add3A_580 : vector<16xf32> to vector<16xf32>
      tpu.vector_store %arg10[%swap3A_581], %swap3A_584 {strides = array<i32>} : memref<10240xf32, #tpu.memory_space<vmem>>, vector<16xf32>,
      %slice3A_585 = vector.extract_strided_slice %get3A_514 {offsets = [7], sizes = [1], strides = [1]} : vector<16xi32> to vector<1xi32>
      %squeeze3A_586 = vector.extract %slice3A_585[0] : i32 from vector<1xi32>
      %get3A_587 = arith.index_cast %squeeze3A_586 : i32 to index
      %get3A_588 = tpu.vector_load %arg10[%get3A_587] {strides = array<i32>} : memref<10240xf32, #tpu.memory_space<vmem>>, vector<16xf32>,
      %get3A_589 = vector.shape_cast %get3A_588 : vector<16xf32> to vector<16xf32>
      %add3A_590 = arith.addf %get3A_589, %select_n3A : vector<16xf32>
      %swap3A_591 = arith.index_cast %squeeze3A_586 : i32 to index
      %swap3A_592 = tpu.vector_load %arg10[%swap3A_591] {strides = array<i32>} : memref<10240xf32, #tpu.memory_space<vmem>>, vector<16xf32>,
      %swap3A_593 = vector.shape_cast %swap3A_592 : vector<16xf32> to vector<16xf32>
      %swap3A_594 = vector.shape_cast %add3A_590 : vector<16xf32> to vector<16xf32>
      tpu.vector_store %arg10[%swap3A_591], %swap3A_594 {strides = array<i32>} : memref<10240xf32, #tpu.memory_space<vmem>>, vector<16xf32>,
      %slice3A_595 = vector.extract_strided_slice %get3A_514 {offsets = [8], sizes = [1], strides = [1]} : vector<16xi32> to vector<1xi32>
      %squeeze3A_596 = vector.extract %slice3A_595[0] : i32 from vector<1xi32>
      %get3A_597 = arith.index_cast %squeeze3A_596 : i32 to index
      %get3A_598 = tpu.vector_load %arg10[%get3A_597] {strides = array<i32>} : memref<10240xf32, #tpu.memory_space<vmem>>, vector<16xf32>,
      %get3A_599 = vector.shape_cast %get3A_598 : vector<16xf32> to vector<16xf32>
      %add3A_600 = arith.addf %get3A_599, %select_n3A : vector<16xf32>
      %swap3A_601 = arith.index_cast %squeeze3A_596 : i32 to index
      %swap3A_602 = tpu.vector_load %arg10[%swap3A_601] {strides = array<i32>} : memref<10240xf32, #tpu.memory_space<vmem>>, vector<16xf32>,
      %swap3A_603 = vector.shape_cast %swap3A_602 : vector<16xf32> to vector<16xf32>
      %swap3A_604 = vector.shape_cast %add3A_600 : vector<16xf32> to vector<16xf32>
      tpu.vector_store %arg10[%swap3A_601], %swap3A_604 {strides = array<i32>} : memref<10240xf32, #tpu.memory_space<vmem>>, vector<16xf32>,
      %slice3A_605 = vector.extract_strided_slice %get3A_514 {offsets = [9], sizes = [1], strides = [1]} : vector<16xi32> to vector<1xi32>
      %squeeze3A_606 = vector.extract %slice3A_605[0] : i32 from vector<1xi32>
      %get3A_607 = arith.index_cast %squeeze3A_606 : i32 to index
      %get3A_608 = tpu.vector_load %arg10[%get3A_607] {strides = array<i32>} : memref<10240xf32, #tpu.memory_space<vmem>>, vector<16xf32>,
      %get3A_609 = vector.shape_cast %get3A_608 : vector<16xf32> to vector<16xf32>
      %add3A_610 = arith.addf %get3A_609, %select_n3A : vector<16xf32>
      %swap3A_611 = arith.index_cast %squeeze3A_606 : i32 to index
      %swap3A_612 = tpu.vector_load %arg10[%swap3A_611] {strides = array<i32>} : memref<10240xf32, #tpu.memory_space<vmem>>, vector<16xf32>,
      %swap3A_613 = vector.shape_cast %swap3A_612 : vector<16xf32> to vector<16xf32>
      %swap3A_614 = vector.shape_cast %add3A_610 : vector<16xf32> to vector<16xf32>
      tpu.vector_store %arg10[%swap3A_611], %swap3A_614 {strides = array<i32>} : memref<10240xf32, #tpu.memory_space<vmem>>, vector<16xf32>,
      %slice3A_615 = vector.extract_strided_slice %get3A_514 {offsets = [10], sizes = [1], strides = [1]} : vector<16xi32> to vector<1xi32>
      %squeeze3A_616 = vector.extract %slice3A_615[0] : i32 from vector<1xi32>
      %get3A_617 = arith.index_cast %squeeze3A_616 : i32 to index
      %get3A_618 = tpu.vector_load %arg10[%get3A_617] {strides = array<i32>} : memref<10240xf32, #tpu.memory_space<vmem>>, vector<16xf32>,
      %get3A_619 = vector.shape_cast %get3A_618 : vector<16xf32> to vector<16xf32>
      %add3A_620 = arith.addf %get3A_619, %select_n3A : vector<16xf32>
      %swap3A_621 = arith.index_cast %squeeze3A_616 : i32 to index
      %swap3A_622 = tpu.vector_load %arg10[%swap3A_621] {strides = array<i32>} : memref<10240xf32, #tpu.memory_space<vmem>>, vector<16xf32>,
      %swap3A_623 = vector.shape_cast %swap3A_622 : vector<16xf32> to vector<16xf32>
      %swap3A_624 = vector.shape_cast %add3A_620 : vector<16xf32> to vector<16xf32>
      tpu.vector_store %arg10[%swap3A_621], %swap3A_624 {strides = array<i32>} : memref<10240xf32, #tpu.memory_space<vmem>>, vector<16xf32>,
      %slice3A_625 = vector.extract_strided_slice %get3A_514 {offsets = [11], sizes = [1], strides = [1]} : vector<16xi32> to vector<1xi32>
      %squeeze3A_626 = vector.extract %slice3A_625[0] : i32 from vector<1xi32>
      %get3A_627 = arith.index_cast %squeeze3A_626 : i32 to index
      %get3A_628 = tpu.vector_load %arg10[%get3A_627] {strides = array<i32>} : memref<10240xf32, #tpu.memory_space<vmem>>, vector<16xf32>,
      %get3A_629 = vector.shape_cast %get3A_628 : vector<16xf32> to vector<16xf32>
      %add3A_630 = arith.addf %get3A_629, %select_n3A : vector<16xf32>
      %swap3A_631 = arith.index_cast %squeeze3A_626 : i32 to index
      %swap3A_632 = tpu.vector_load %arg10[%swap3A_631] {strides = array<i32>} : memref<10240xf32, #tpu.memory_space<vmem>>, vector<16xf32>,
      %swap3A_633 = vector.shape_cast %swap3A_632 : vector<16xf32> to vector<16xf32>
      %swap3A_634 = vector.shape_cast %add3A_630 : vector<16xf32> to vector<16xf32>
      tpu.vector_store %arg10[%swap3A_631], %swap3A_634 {strides = array<i32>} : memref<10240xf32, #tpu.memory_space<vmem>>, vector<16xf32>,
      %slice3A_635 = vector.extract_strided_slice %get3A_514 {offsets = [12], sizes = [1], strides = [1]} : vector<16xi32> to vector<1xi32>
      %squeeze3A_636 = vector.extract %slice3A_635[0] : i32 from vector<1xi32>
      %get3A_637 = arith.index_cast %squeeze3A_636 : i32 to index
      %get3A_638 = tpu.vector_load %arg10[%get3A_637] {strides = array<i32>} : memref<10240xf32, #tpu.memory_space<vmem>>, vector<16xf32>,
      %get3A_639 = vector.shape_cast %get3A_638 : vector<16xf32> to vector<16xf32>
      %add3A_640 = arith.addf %get3A_639, %select_n3A : vector<16xf32>
      %swap3A_641 = arith.index_cast %squeeze3A_636 : i32 to index
      %swap3A_642 = tpu.vector_load %arg10[%swap3A_641] {strides = array<i32>} : memref<10240xf32, #tpu.memory_space<vmem>>, vector<16xf32>,
      %swap3A_643 = vector.shape_cast %swap3A_642 : vector<16xf32> to vector<16xf32>
      %swap3A_644 = vector.shape_cast %add3A_640 : vector<16xf32> to vector<16xf32>
      tpu.vector_store %arg10[%swap3A_641], %swap3A_644 {strides = array<i32>} : memref<10240xf32, #tpu.memory_space<vmem>>, vector<16xf32>,
      %slice3A_645 = vector.extract_strided_slice %get3A_514 {offsets = [13], sizes = [1], strides = [1]} : vector<16xi32> to vector<1xi32>
      %squeeze3A_646 = vector.extract %slice3A_645[0] : i32 from vector<1xi32>
      %get3A_647 = arith.index_cast %squeeze3A_646 : i32 to index
      %get3A_648 = tpu.vector_load %arg10[%get3A_647] {strides = array<i32>} : memref<10240xf32, #tpu.memory_space<vmem>>, vector<16xf32>,
      %get3A_649 = vector.shape_cast %get3A_648 : vector<16xf32> to vector<16xf32>
      %add3A_650 = arith.addf %get3A_649, %select_n3A : vector<16xf32>
      %swap3A_651 = arith.index_cast %squeeze3A_646 : i32 to index
      %swap3A_652 = tpu.vector_load %arg10[%swap3A_651] {strides = array<i32>} : memref<10240xf32, #tpu.memory_space<vmem>>, vector<16xf32>,
      %swap3A_653 = vector.shape_cast %swap3A_652 : vector<16xf32> to vector<16xf32>
      %swap3A_654 = vector.shape_cast %add3A_650 : vector<16xf32> to vector<16xf32>
      tpu.vector_store %arg10[%swap3A_651], %swap3A_654 {strides = array<i32>} : memref<10240xf32, #tpu.memory_space<vmem>>, vector<16xf32>,
      %slice3A_655 = vector.extract_strided_slice %get3A_514 {offsets = [14], sizes = [1], strides = [1]} : vector<16xi32> to vector<1xi32>
      %squeeze3A_656 = vector.extract %slice3A_655[0] : i32 from vector<1xi32>
      %get3A_657 = arith.index_cast %squeeze3A_656 : i32 to index
      %get3A_658 = tpu.vector_load %arg10[%get3A_657] {strides = array<i32>} : memref<10240xf32, #tpu.memory_space<vmem>>, vector<16xf32>,
      %get3A_659 = vector.shape_cast %get3A_658 : vector<16xf32> to vector<16xf32>
      %add3A_660 = arith.addf %get3A_659, %select_n3A : vector<16xf32>
      %swap3A_661 = arith.index_cast %squeeze3A_656 : i32 to index
      %swap3A_662 = tpu.vector_load %arg10[%swap3A_661] {strides = array<i32>} : memref<10240xf32, #tpu.memory_space<vmem>>, vector<16xf32>,
      %swap3A_663 = vector.shape_cast %swap3A_662 : vector<16xf32> to vector<16xf32>
      %swap3A_664 = vector.shape_cast %add3A_660 : vector<16xf32> to vector<16xf32>
      tpu.vector_store %arg10[%swap3A_661], %swap3A_664 {strides = array<i32>} : memref<10240xf32, #tpu.memory_space<vmem>>, vector<16xf32>,
      %slice3A_665 = vector.extract_strided_slice %get3A_514 {offsets = [15], sizes = [1], strides = [1]} : vector<16xi32> to vector<1xi32>
      %squeeze3A_666 = vector.extract %slice3A_665[0] : i32 from vector<1xi32>
      %get3A_667 = arith.index_cast %squeeze3A_666 : i32 to index
      %get3A_668 = tpu.vector_load %arg10[%get3A_667] {strides = array<i32>} : memref<10240xf32, #tpu.memory_space<vmem>>, vector<16xf32>,
      %get3A_669 = vector.shape_cast %get3A_668 : vector<16xf32> to vector<16xf32>
      %add3A_670 = arith.addf %get3A_669, %select_n3A : vector<16xf32>
      %swap3A_671 = arith.index_cast %squeeze3A_666 : i32 to index
      %swap3A_672 = tpu.vector_load %arg10[%swap3A_671] {strides = array<i32>} : memref<10240xf32, #tpu.memory_space<vmem>>, vector<16xf32>,
      %swap3A_673 = vector.shape_cast %swap3A_672 : vector<16xf32> to vector<16xf32>
      %swap3A_674 = vector.shape_cast %add3A_670 : vector<16xf32> to vector<16xf32>
      tpu.vector_store %arg10[%swap3A_671], %swap3A_674 {strides = array<i32>} : memref<10240xf32, #tpu.memory_space<vmem>>, vector<16xf32>,
      %get3A_675 = arith.index_cast %rem3A_111 : i32 to index
      %get3A_676 = arith.index_cast %rem3A_109 : i32 to index
      %get3A_677 = arith.constant 48 : index
      %get3A_678 = tpu.vector_load %arg8[%get3A_675, %get3A_676, %get3A_677] {strides = array<i32>} : memref<2x8x128xi32, #tpu.memory_space<vmem>>, vector<1x1x16xi32>,
      %get3A_679 = vector.shape_cast %get3A_678 : vector<1x1x16xi32> to vector<16xi32>
      %slice3A_680 = vector.extract_strided_slice %get3A_679 {offsets = [0], sizes = [1], strides = [1]} : vector<16xi32> to vector<1xi32>
      %squeeze3A_681 = vector.extract %slice3A_680[0] : i32 from vector<1xi32>
      %get3A_682 = arith.index_cast %squeeze3A_681 : i32 to index
      %get3A_683 = tpu.vector_load %arg10[%get3A_682] {strides = array<i32>} : memref<10240xf32, #tpu.memory_space<vmem>>, vector<16xf32>,
      %get3A_684 = vector.shape_cast %get3A_683 : vector<16xf32> to vector<16xf32>
      %add3A_685 = arith.addf %get3A_684, %select_n3A : vector<16xf32>
      %swap3A_686 = arith.index_cast %squeeze3A_681 : i32 to index
      %swap3A_687 = tpu.vector_load %arg10[%swap3A_686] {strides = array<i32>} : memref<10240xf32, #tpu.memory_space<vmem>>, vector<16xf32>,
      %swap3A_688 = vector.shape_cast %swap3A_687 : vector<16xf32> to vector<16xf32>
      %swap3A_689 = vector.shape_cast %add3A_685 : vector<16xf32> to vector<16xf32>
      tpu.vector_store %arg10[%swap3A_686], %swap3A_689 {strides = array<i32>} : memref<10240xf32, #tpu.memory_space<vmem>>, vector<16xf32>,
      %slice3A_690 = vector.extract_strided_slice %get3A_679 {offsets = [1], sizes = [1], strides = [1]} : vector<16xi32> to vector<1xi32>
      %squeeze3A_691 = vector.extract %slice3A_690[0] : i32 from vector<1xi32>
      %get3A_692 = arith.index_cast %squeeze3A_691 : i32 to index
      %get3A_693 = tpu.vector_load %arg10[%get3A_692] {strides = array<i32>} : memref<10240xf32, #tpu.memory_space<vmem>>, vector<16xf32>,
      %get3A_694 = vector.shape_cast %get3A_693 : vector<16xf32> to vector<16xf32>
      %add3A_695 = arith.addf %get3A_694, %select_n3A : vector<16xf32>
      %swap3A_696 = arith.index_cast %squeeze3A_691 : i32 to index
      %swap3A_697 = tpu.vector_load %arg10[%swap3A_696] {strides = array<i32>} : memref<10240xf32, #tpu.memory_space<vmem>>, vector<16xf32>,
      %swap3A_698 = vector.shape_cast %swap3A_697 : vector<16xf32> to vector<16xf32>
      %swap3A_699 = vector.shape_cast %add3A_695 : vector<16xf32> to vector<16xf32>
      tpu.vector_store %arg10[%swap3A_696], %swap3A_699 {strides = array<i32>} : memref<10240xf32, #tpu.memory_space<vmem>>, vector<16xf32>,
      %slice3A_700 = vector.extract_strided_slice %get3A_679 {offsets = [2], sizes = [1], strides = [1]} : vector<16xi32> to vector<1xi32>
      %squeeze3A_701 = vector.extract %slice3A_700[0] : i32 from vector<1xi32>
      %get3A_702 = arith.index_cast %squeeze3A_701 : i32 to index
      %get3A_703 = tpu.vector_load %arg10[%get3A_702] {strides = array<i32>} : memref<10240xf32, #tpu.memory_space<vmem>>, vector<16xf32>,
      %get3A_704 = vector.shape_cast %get3A_703 : vector<16xf32> to vector<16xf32>
      %add3A_705 = arith.addf %get3A_704, %select_n3A : vector<16xf32>
      %swap3A_706 = arith.index_cast %squeeze3A_701 : i32 to index
      %swap3A_707 = tpu.vector_load %arg10[%swap3A_706] {strides = array<i32>} : memref<10240xf32, #tpu.memory_space<vmem>>, vector<16xf32>,
      %swap3A_708 = vector.shape_cast %swap3A_707 : vector<16xf32> to vector<16xf32>
      %swap3A_709 = vector.shape_cast %add3A_705 : vector<16xf32> to vector<16xf32>
      tpu.vector_store %arg10[%swap3A_706], %swap3A_709 {strides = array<i32>} : memref<10240xf32, #tpu.memory_space<vmem>>, vector<16xf32>,
      %slice3A_710 = vector.extract_strided_slice %get3A_679 {offsets = [3], sizes = [1], strides = [1]} : vector<16xi32> to vector<1xi32>
      %squeeze3A_711 = vector.extract %slice3A_710[0] : i32 from vector<1xi32>
      %get3A_712 = arith.index_cast %squeeze3A_711 : i32 to index
      %get3A_713 = tpu.vector_load %arg10[%get3A_712] {strides = array<i32>} : memref<10240xf32, #tpu.memory_space<vmem>>, vector<16xf32>,
      %get3A_714 = vector.shape_cast %get3A_713 : vector<16xf32> to vector<16xf32>
      %add3A_715 = arith.addf %get3A_714, %select_n3A : vector<16xf32>
      %swap3A_716 = arith.index_cast %squeeze3A_711 : i32 to index
      %swap3A_717 = tpu.vector_load %arg10[%swap3A_716] {strides = array<i32>} : memref<10240xf32, #tpu.memory_space<vmem>>, vector<16xf32>,
      %swap3A_718 = vector.shape_cast %swap3A_717 : vector<16xf32> to vector<16xf32>
      %swap3A_719 = vector.shape_cast %add3A_715 : vector<16xf32> to vector<16xf32>
      tpu.vector_store %arg10[%swap3A_716], %swap3A_719 {strides = array<i32>} : memref<10240xf32, #tpu.memory_space<vmem>>, vector<16xf32>,
      %slice3A_720 = vector.extract_strided_slice %get3A_679 {offsets = [4], sizes = [1], strides = [1]} : vector<16xi32> to vector<1xi32>
      %squeeze3A_721 = vector.extract %slice3A_720[0] : i32 from vector<1xi32>
      %get3A_722 = arith.index_cast %squeeze3A_721 : i32 to index
      %get3A_723 = tpu.vector_load %arg10[%get3A_722] {strides = array<i32>} : memref<10240xf32, #tpu.memory_space<vmem>>, vector<16xf32>,
      %get3A_724 = vector.shape_cast %get3A_723 : vector<16xf32> to vector<16xf32>
      %add3A_725 = arith.addf %get3A_724, %select_n3A : vector<16xf32>
      %swap3A_726 = arith.index_cast %squeeze3A_721 : i32 to index
      %swap3A_727 = tpu.vector_load %arg10[%swap3A_726] {strides = array<i32>} : memref<10240xf32, #tpu.memory_space<vmem>>, vector<16xf32>,
      %swap3A_728 = vector.shape_cast %swap3A_727 : vector<16xf32> to vector<16xf32>
      %swap3A_729 = vector.shape_cast %add3A_725 : vector<16xf32> to vector<16xf32>
      tpu.vector_store %arg10[%swap3A_726], %swap3A_729 {strides = array<i32>} : memref<10240xf32, #tpu.memory_space<vmem>>, vector<16xf32>,
      %slice3A_730 = vector.extract_strided_slice %get3A_679 {offsets = [5], sizes = [1], strides = [1]} : vector<16xi32> to vector<1xi32>
      %squeeze3A_731 = vector.extract %slice3A_730[0] : i32 from vector<1xi32>
      %get3A_732 = arith.index_cast %squeeze3A_731 : i32 to index
      %get3A_733 = tpu.vector_load %arg10[%get3A_732] {strides = array<i32>} : memref<10240xf32, #tpu.memory_space<vmem>>, vector<16xf32>,
      %get3A_734 = vector.shape_cast %get3A_733 : vector<16xf32> to vector<16xf32>
      %add3A_735 = arith.addf %get3A_734, %select_n3A : vector<16xf32>
      %swap3A_736 = arith.index_cast %squeeze3A_731 : i32 to index
      %swap3A_737 = tpu.vector_load %arg10[%swap3A_736] {strides = array<i32>} : memref<10240xf32, #tpu.memory_space<vmem>>, vector<16xf32>,
      %swap3A_738 = vector.shape_cast %swap3A_737 : vector<16xf32> to vector<16xf32>
      %swap3A_739 = vector.shape_cast %add3A_735 : vector<16xf32> to vector<16xf32>
      tpu.vector_store %arg10[%swap3A_736], %swap3A_739 {strides = array<i32>} : memref<10240xf32, #tpu.memory_space<vmem>>, vector<16xf32>,
      %slice3A_740 = vector.extract_strided_slice %get3A_679 {offsets = [6], sizes = [1], strides = [1]} : vector<16xi32> to vector<1xi32>
      %squeeze3A_741 = vector.extract %slice3A_740[0] : i32 from vector<1xi32>
      %get3A_742 = arith.index_cast %squeeze3A_741 : i32 to index
      %get3A_743 = tpu.vector_load %arg10[%get3A_742] {strides = array<i32>} : memref<10240xf32, #tpu.memory_space<vmem>>, vector<16xf32>,
      %get3A_744 = vector.shape_cast %get3A_743 : vector<16xf32> to vector<16xf32>
      %add3A_745 = arith.addf %get3A_744, %select_n3A : vector<16xf32>
      %swap3A_746 = arith.index_cast %squeeze3A_741 : i32 to index
      %swap3A_747 = tpu.vector_load %arg10[%swap3A_746] {strides = array<i32>} : memref<10240xf32, #tpu.memory_space<vmem>>, vector<16xf32>,
      %swap3A_748 = vector.shape_cast %swap3A_747 : vector<16xf32> to vector<16xf32>
      %swap3A_749 = vector.shape_cast %add3A_745 : vector<16xf32> to vector<16xf32>
      tpu.vector_store %arg10[%swap3A_746], %swap3A_749 {strides = array<i32>} : memref<10240xf32, #tpu.memory_space<vmem>>, vector<16xf32>,
      %slice3A_750 = vector.extract_strided_slice %get3A_679 {offsets = [7], sizes = [1], strides = [1]} : vector<16xi32> to vector<1xi32>
      %squeeze3A_751 = vector.extract %slice3A_750[0] : i32 from vector<1xi32>
      %get3A_752 = arith.index_cast %squeeze3A_751 : i32 to index
      %get3A_753 = tpu.vector_load %arg10[%get3A_752] {strides = array<i32>} : memref<10240xf32, #tpu.memory_space<vmem>>, vector<16xf32>,
      %get3A_754 = vector.shape_cast %get3A_753 : vector<16xf32> to vector<16xf32>
      %add3A_755 = arith.addf %get3A_754, %select_n3A : vector<16xf32>
      %swap3A_756 = arith.index_cast %squeeze3A_751 : i32 to index
      %swap3A_757 = tpu.vector_load %arg10[%swap3A_756] {strides = array<i32>} : memref<10240xf32, #tpu.memory_space<vmem>>, vector<16xf32>,
      %swap3A_758 = vector.shape_cast %swap3A_757 : vector<16xf32> to vector<16xf32>
      %swap3A_759 = vector.shape_cast %add3A_755 : vector<16xf32> to vector<16xf32>
      tpu.vector_store %arg10[%swap3A_756], %swap3A_759 {strides = array<i32>} : memref<10240xf32, #tpu.memory_space<vmem>>, vector<16xf32>,
      %slice3A_760 = vector.extract_strided_slice %get3A_679 {offsets = [8], sizes = [1], strides = [1]} : vector<16xi32> to vector<1xi32>
      %squeeze3A_761 = vector.extract %slice3A_760[0] : i32 from vector<1xi32>
      %get3A_762 = arith.index_cast %squeeze3A_761 : i32 to index
      %get3A_763 = tpu.vector_load %arg10[%get3A_762] {strides = array<i32>} : memref<10240xf32, #tpu.memory_space<vmem>>, vector<16xf32>,
      %get3A_764 = vector.shape_cast %get3A_763 : vector<16xf32> to vector<16xf32>
      %add3A_765 = arith.addf %get3A_764, %select_n3A : vector<16xf32>
      %swap3A_766 = arith.index_cast %squeeze3A_761 : i32 to index
      %swap3A_767 = tpu.vector_load %arg10[%swap3A_766] {strides = array<i32>} : memref<10240xf32, #tpu.memory_space<vmem>>, vector<16xf32>,
      %swap3A_768 = vector.shape_cast %swap3A_767 : vector<16xf32> to vector<16xf32>
      %swap3A_769 = vector.shape_cast %add3A_765 : vector<16xf32> to vector<16xf32>
      tpu.vector_store %arg10[%swap3A_766], %swap3A_769 {strides = array<i32>} : memref<10240xf32, #tpu.memory_space<vmem>>, vector<16xf32>,
      %slice3A_770 = vector.extract_strided_slice %get3A_679 {offsets = [9], sizes = [1], strides = [1]} : vector<16xi32> to vector<1xi32>
      %squeeze3A_771 = vector.extract %slice3A_770[0] : i32 from vector<1xi32>
      %get3A_772 = arith.index_cast %squeeze3A_771 : i32 to index
      %get3A_773 = tpu.vector_load %arg10[%get3A_772] {strides = array<i32>} : memref<10240xf32, #tpu.memory_space<vmem>>, vector<16xf32>,
      %get3A_774 = vector.shape_cast %get3A_773 : vector<16xf32> to vector<16xf32>
      %add3A_775 = arith.addf %get3A_774, %select_n3A : vector<16xf32>
      %swap3A_776 = arith.index_cast %squeeze3A_771 : i32 to index
      %swap3A_777 = tpu.vector_load %arg10[%swap3A_776] {strides = array<i32>} : memref<10240xf32, #tpu.memory_space<vmem>>, vector<16xf32>,
      %swap3A_778 = vector.shape_cast %swap3A_777 : vector<16xf32> to vector<16xf32>
      %swap3A_779 = vector.shape_cast %add3A_775 : vector<16xf32> to vector<16xf32>
      tpu.vector_store %arg10[%swap3A_776], %swap3A_779 {strides = array<i32>} : memref<10240xf32, #tpu.memory_space<vmem>>, vector<16xf32>,
      %slice3A_780 = vector.extract_strided_slice %get3A_679 {offsets = [10], sizes = [1], strides = [1]} : vector<16xi32> to vector<1xi32>
      %squeeze3A_781 = vector.extract %slice3A_780[0] : i32 from vector<1xi32>
      %get3A_782 = arith.index_cast %squeeze3A_781 : i32 to index
      %get3A_783 = tpu.vector_load %arg10[%get3A_782] {strides = array<i32>} : memref<10240xf32, #tpu.memory_space<vmem>>, vector<16xf32>,
      %get3A_784 = vector.shape_cast %get3A_783 : vector<16xf32> to vector<16xf32>
      %add3A_785 = arith.addf %get3A_784, %select_n3A : vector<16xf32>
      %swap3A_786 = arith.index_cast %squeeze3A_781 : i32 to index
      %swap3A_787 = tpu.vector_load %arg10[%swap3A_786] {strides = array<i32>} : memref<10240xf32, #tpu.memory_space<vmem>>, vector<16xf32>,
      %swap3A_788 = vector.shape_cast %swap3A_787 : vector<16xf32> to vector<16xf32>
      %swap3A_789 = vector.shape_cast %add3A_785 : vector<16xf32> to vector<16xf32>
      tpu.vector_store %arg10[%swap3A_786], %swap3A_789 {strides = array<i32>} : memref<10240xf32, #tpu.memory_space<vmem>>, vector<16xf32>,
      %slice3A_790 = vector.extract_strided_slice %get3A_679 {offsets = [11], sizes = [1], strides = [1]} : vector<16xi32> to vector<1xi32>
      %squeeze3A_791 = vector.extract %slice3A_790[0] : i32 from vector<1xi32>
      %get3A_792 = arith.index_cast %squeeze3A_791 : i32 to index
      %get3A_793 = tpu.vector_load %arg10[%get3A_792] {strides = array<i32>} : memref<10240xf32, #tpu.memory_space<vmem>>, vector<16xf32>,
      %get3A_794 = vector.shape_cast %get3A_793 : vector<16xf32> to vector<16xf32>
      %add3A_795 = arith.addf %get3A_794, %select_n3A : vector<16xf32>
      %swap3A_796 = arith.index_cast %squeeze3A_791 : i32 to index
      %swap3A_797 = tpu.vector_load %arg10[%swap3A_796] {strides = array<i32>} : memref<10240xf32, #tpu.memory_space<vmem>>, vector<16xf32>,
      %swap3A_798 = vector.shape_cast %swap3A_797 : vector<16xf32> to vector<16xf32>
      %swap3A_799 = vector.shape_cast %add3A_795 : vector<16xf32> to vector<16xf32>
      tpu.vector_store %arg10[%swap3A_796], %swap3A_799 {strides = array<i32>} : memref<10240xf32, #tpu.memory_space<vmem>>, vector<16xf32>,
      %slice3A_800 = vector.extract_strided_slice %get3A_679 {offsets = [12], sizes = [1], strides = [1]} : vector<16xi32> to vector<1xi32>
      %squeeze3A_801 = vector.extract %slice3A_800[0] : i32 from vector<1xi32>
      %get3A_802 = arith.index_cast %squeeze3A_801 : i32 to index
      %get3A_803 = tpu.vector_load %arg10[%get3A_802] {strides = array<i32>} : memref<10240xf32, #tpu.memory_space<vmem>>, vector<16xf32>,
      %get3A_804 = vector.shape_cast %get3A_803 : vector<16xf32> to vector<16xf32>
      %add3A_805 = arith.addf %get3A_804, %select_n3A : vector<16xf32>
      %swap3A_806 = arith.index_cast %squeeze3A_801 : i32 to index
      %swap3A_807 = tpu.vector_load %arg10[%swap3A_806] {strides = array<i32>} : memref<10240xf32, #tpu.memory_space<vmem>>, vector<16xf32>,
      %swap3A_808 = vector.shape_cast %swap3A_807 : vector<16xf32> to vector<16xf32>
      %swap3A_809 = vector.shape_cast %add3A_805 : vector<16xf32> to vector<16xf32>
      tpu.vector_store %arg10[%swap3A_806], %swap3A_809 {strides = array<i32>} : memref<10240xf32, #tpu.memory_space<vmem>>, vector<16xf32>,
      %slice3A_810 = vector.extract_strided_slice %get3A_679 {offsets = [13], sizes = [1], strides = [1]} : vector<16xi32> to vector<1xi32>
      %squeeze3A_811 = vector.extract %slice3A_810[0] : i32 from vector<1xi32>
      %get3A_812 = arith.index_cast %squeeze3A_811 : i32 to index
      %get3A_813 = tpu.vector_load %arg10[%get3A_812] {strides = array<i32>} : memref<10240xf32, #tpu.memory_space<vmem>>, vector<16xf32>,
      %get3A_814 = vector.shape_cast %get3A_813 : vector<16xf32> to vector<16xf32>
      %add3A_815 = arith.addf %get3A_814, %select_n3A : vector<16xf32>
      %swap3A_816 = arith.index_cast %squeeze3A_811 : i32 to index
      %swap3A_817 = tpu.vector_load %arg10[%swap3A_816] {strides = array<i32>} : memref<10240xf32, #tpu.memory_space<vmem>>, vector<16xf32>,
      %swap3A_818 = vector.shape_cast %swap3A_817 : vector<16xf32> to vector<16xf32>
      %swap3A_819 = vector.shape_cast %add3A_815 : vector<16xf32> to vector<16xf32>
      tpu.vector_store %arg10[%swap3A_816], %swap3A_819 {strides = array<i32>} : memref<10240xf32, #tpu.memory_space<vmem>>, vector<16xf32>,
      %slice3A_820 = vector.extract_strided_slice %get3A_679 {offsets = [14], sizes = [1], strides = [1]} : vector<16xi32> to vector<1xi32>
      %squeeze3A_821 = vector.extract %slice3A_820[0] : i32 from vector<1xi32>
      %get3A_822 = arith.index_cast %squeeze3A_821 : i32 to index
      %get3A_823 = tpu.vector_load %arg10[%get3A_822] {strides = array<i32>} : memref<10240xf32, #tpu.memory_space<vmem>>, vector<16xf32>,
      %get3A_824 = vector.shape_cast %get3A_823 : vector<16xf32> to vector<16xf32>
      %add3A_825 = arith.addf %get3A_824, %select_n3A : vector<16xf32>
      %swap3A_826 = arith.index_cast %squeeze3A_821 : i32 to index
      %swap3A_827 = tpu.vector_load %arg10[%swap3A_826] {strides = array<i32>} : memref<10240xf32, #tpu.memory_space<vmem>>, vector<16xf32>,
      %swap3A_828 = vector.shape_cast %swap3A_827 : vector<16xf32> to vector<16xf32>
      %swap3A_829 = vector.shape_cast %add3A_825 : vector<16xf32> to vector<16xf32>
      tpu.vector_store %arg10[%swap3A_826], %swap3A_829 {strides = array<i32>} : memref<10240xf32, #tpu.memory_space<vmem>>, vector<16xf32>,
      %slice3A_830 = vector.extract_strided_slice %get3A_679 {offsets = [15], sizes = [1], strides = [1]} : vector<16xi32> to vector<1xi32>
      %squeeze3A_831 = vector.extract %slice3A_830[0] : i32 from vector<1xi32>
      %get3A_832 = arith.index_cast %squeeze3A_831 : i32 to index
      %get3A_833 = tpu.vector_load %arg10[%get3A_832] {strides = array<i32>} : memref<10240xf32, #tpu.memory_space<vmem>>, vector<16xf32>,
      %get3A_834 = vector.shape_cast %get3A_833 : vector<16xf32> to vector<16xf32>
      %add3A_835 = arith.addf %get3A_834, %select_n3A : vector<16xf32>
      %swap3A_836 = arith.index_cast %squeeze3A_831 : i32 to index
      %swap3A_837 = tpu.vector_load %arg10[%swap3A_836] {strides = array<i32>} : memref<10240xf32, #tpu.memory_space<vmem>>, vector<16xf32>,
      %swap3A_838 = vector.shape_cast %swap3A_837 : vector<16xf32> to vector<16xf32>
      %swap3A_839 = vector.shape_cast %add3A_835 : vector<16xf32> to vector<16xf32>
      tpu.vector_store %arg10[%swap3A_836], %swap3A_839 {strides = array<i32>} : memref<10240xf32, #tpu.memory_space<vmem>>, vector<16xf32>,
      %get3A_840 = arith.index_cast %rem3A_111 : i32 to index
      %get3A_841 = arith.index_cast %rem3A_109 : i32 to index
      %get3A_842 = arith.constant 64 : index
      %get3A_843 = tpu.vector_load %arg8[%get3A_840, %get3A_841, %get3A_842] {strides = array<i32>} : memref<2x8x128xi32, #tpu.memory_space<vmem>>, vector<1x1x16xi32>,
      %get3A_844 = vector.shape_cast %get3A_843 : vector<1x1x16xi32> to vector<16xi32>
      %slice3A_845 = vector.extract_strided_slice %get3A_844 {offsets = [0], sizes = [1], strides = [1]} : vector<16xi32> to vector<1xi32>
      %squeeze3A_846 = vector.extract %slice3A_845[0] : i32 from vector<1xi32>
      %get3A_847 = arith.index_cast %squeeze3A_846 : i32 to index
      %get3A_848 = tpu.vector_load %arg10[%get3A_847] {strides = array<i32>} : memref<10240xf32, #tpu.memory_space<vmem>>, vector<16xf32>,
      %get3A_849 = vector.shape_cast %get3A_848 : vector<16xf32> to vector<16xf32>
      %add3A_850 = arith.addf %get3A_849, %select_n3A : vector<16xf32>
      %swap3A_851 = arith.index_cast %squeeze3A_846 : i32 to index
      %swap3A_852 = tpu.vector_load %arg10[%swap3A_851] {strides = array<i32>} : memref<10240xf32, #tpu.memory_space<vmem>>, vector<16xf32>,
      %swap3A_853 = vector.shape_cast %swap3A_852 : vector<16xf32> to vector<16xf32>
      %swap3A_854 = vector.shape_cast %add3A_850 : vector<16xf32> to vector<16xf32>
      tpu.vector_store %arg10[%swap3A_851], %swap3A_854 {strides = array<i32>} : memref<10240xf32, #tpu.memory_space<vmem>>, vector<16xf32>,
      %slice3A_855 = vector.extract_strided_slice %get3A_844 {offsets = [1], sizes = [1], strides = [1]} : vector<16xi32> to vector<1xi32>
      %squeeze3A_856 = vector.extract %slice3A_855[0] : i32 from vector<1xi32>
      %get3A_857 = arith.index_cast %squeeze3A_856 : i32 to index
      %get3A_858 = tpu.vector_load %arg10[%get3A_857] {strides = array<i32>} : memref<10240xf32, #tpu.memory_space<vmem>>, vector<16xf32>,
      %get3A_859 = vector.shape_cast %get3A_858 : vector<16xf32> to vector<16xf32>
      %add3A_860 = arith.addf %get3A_859, %select_n3A : vector<16xf32>
      %swap3A_861 = arith.index_cast %squeeze3A_856 : i32 to index
      %swap3A_862 = tpu.vector_load %arg10[%swap3A_861] {strides = array<i32>} : memref<10240xf32, #tpu.memory_space<vmem>>, vector<16xf32>,
      %swap3A_863 = vector.shape_cast %swap3A_862 : vector<16xf32> to vector<16xf32>
      %swap3A_864 = vector.shape_cast %add3A_860 : vector<16xf32> to vector<16xf32>
      tpu.vector_store %arg10[%swap3A_861], %swap3A_864 {strides = array<i32>} : memref<10240xf32, #tpu.memory_space<vmem>>, vector<16xf32>,
      %slice3A_865 = vector.extract_strided_slice %get3A_844 {offsets = [2], sizes = [1], strides = [1]} : vector<16xi32> to vector<1xi32>
      %squeeze3A_866 = vector.extract %slice3A_865[0] : i32 from vector<1xi32>
      %get3A_867 = arith.index_cast %squeeze3A_866 : i32 to index
      %get3A_868 = tpu.vector_load %arg10[%get3A_867] {strides = array<i32>} : memref<10240xf32, #tpu.memory_space<vmem>>, vector<16xf32>,
      %get3A_869 = vector.shape_cast %get3A_868 : vector<16xf32> to vector<16xf32>
      %add3A_870 = arith.addf %get3A_869, %select_n3A : vector<16xf32>
      %swap3A_871 = arith.index_cast %squeeze3A_866 : i32 to index
      %swap3A_872 = tpu.vector_load %arg10[%swap3A_871] {strides = array<i32>} : memref<10240xf32, #tpu.memory_space<vmem>>, vector<16xf32>,
      %swap3A_873 = vector.shape_cast %swap3A_872 : vector<16xf32> to vector<16xf32>
      %swap3A_874 = vector.shape_cast %add3A_870 : vector<16xf32> to vector<16xf32>
      tpu.vector_store %arg10[%swap3A_871], %swap3A_874 {strides = array<i32>} : memref<10240xf32, #tpu.memory_space<vmem>>, vector<16xf32>,
      %slice3A_875 = vector.extract_strided_slice %get3A_844 {offsets = [3], sizes = [1], strides = [1]} : vector<16xi32> to vector<1xi32>
      %squeeze3A_876 = vector.extract %slice3A_875[0] : i32 from vector<1xi32>
      %get3A_877 = arith.index_cast %squeeze3A_876 : i32 to index
      %get3A_878 = tpu.vector_load %arg10[%get3A_877] {strides = array<i32>} : memref<10240xf32, #tpu.memory_space<vmem>>, vector<16xf32>,
      %get3A_879 = vector.shape_cast %get3A_878 : vector<16xf32> to vector<16xf32>
      %add3A_880 = arith.addf %get3A_879, %select_n3A : vector<16xf32>
      %swap3A_881 = arith.index_cast %squeeze3A_876 : i32 to index
      %swap3A_882 = tpu.vector_load %arg10[%swap3A_881] {strides = array<i32>} : memref<10240xf32, #tpu.memory_space<vmem>>, vector<16xf32>,
      %swap3A_883 = vector.shape_cast %swap3A_882 : vector<16xf32> to vector<16xf32>
      %swap3A_884 = vector.shape_cast %add3A_880 : vector<16xf32> to vector<16xf32>
      tpu.vector_store %arg10[%swap3A_881], %swap3A_884 {strides = array<i32>} : memref<10240xf32, #tpu.memory_space<vmem>>, vector<16xf32>,
      %slice3A_885 = vector.extract_strided_slice %get3A_844 {offsets = [4], sizes = [1], strides = [1]} : vector<16xi32> to vector<1xi32>
      %squeeze3A_886 = vector.extract %slice3A_885[0] : i32 from vector<1xi32>
      %get3A_887 = arith.index_cast %squeeze3A_886 : i32 to index
      %get3A_888 = tpu.vector_load %arg10[%get3A_887] {strides = array<i32>} : memref<10240xf32, #tpu.memory_space<vmem>>, vector<16xf32>,
      %get3A_889 = vector.shape_cast %get3A_888 : vector<16xf32> to vector<16xf32>
      %add3A_890 = arith.addf %get3A_889, %select_n3A : vector<16xf32>
      %swap3A_891 = arith.index_cast %squeeze3A_886 : i32 to index
      %swap3A_892 = tpu.vector_load %arg10[%swap3A_891] {strides = array<i32>} : memref<10240xf32, #tpu.memory_space<vmem>>, vector<16xf32>,
      %swap3A_893 = vector.shape_cast %swap3A_892 : vector<16xf32> to vector<16xf32>
      %swap3A_894 = vector.shape_cast %add3A_890 : vector<16xf32> to vector<16xf32>
      tpu.vector_store %arg10[%swap3A_891], %swap3A_894 {strides = array<i32>} : memref<10240xf32, #tpu.memory_space<vmem>>, vector<16xf32>,
      %slice3A_895 = vector.extract_strided_slice %get3A_844 {offsets = [5], sizes = [1], strides = [1]} : vector<16xi32> to vector<1xi32>
      %squeeze3A_896 = vector.extract %slice3A_895[0] : i32 from vector<1xi32>
      %get3A_897 = arith.index_cast %squeeze3A_896 : i32 to index
      %get3A_898 = tpu.vector_load %arg10[%get3A_897] {strides = array<i32>} : memref<10240xf32, #tpu.memory_space<vmem>>, vector<16xf32>,
      %get3A_899 = vector.shape_cast %get3A_898 : vector<16xf32> to vector<16xf32>
      %add3A_900 = arith.addf %get3A_899, %select_n3A : vector<16xf32>
      %swap3A_901 = arith.index_cast %squeeze3A_896 : i32 to index
      %swap3A_902 = tpu.vector_load %arg10[%swap3A_901] {strides = array<i32>} : memref<10240xf32, #tpu.memory_space<vmem>>, vector<16xf32>,
      %swap3A_903 = vector.shape_cast %swap3A_902 : vector<16xf32> to vector<16xf32>
      %swap3A_904 = vector.shape_cast %add3A_900 : vector<16xf32> to vector<16xf32>
      tpu.vector_store %arg10[%swap3A_901], %swap3A_904 {strides = array<i32>} : memref<10240xf32, #tpu.memory_space<vmem>>, vector<16xf32>,
      %slice3A_905 = vector.extract_strided_slice %get3A_844 {offsets = [6], sizes = [1], strides = [1]} : vector<16xi32> to vector<1xi32>
      %squeeze3A_906 = vector.extract %slice3A_905[0] : i32 from vector<1xi32>
      %get3A_907 = arith.index_cast %squeeze3A_906 : i32 to index
      %get3A_908 = tpu.vector_load %arg10[%get3A_907] {strides = array<i32>} : memref<10240xf32, #tpu.memory_space<vmem>>, vector<16xf32>,
      %get3A_909 = vector.shape_cast %get3A_908 : vector<16xf32> to vector<16xf32>
      %add3A_910 = arith.addf %get3A_909, %select_n3A : vector<16xf32>
      %swap3A_911 = arith.index_cast %squeeze3A_906 : i32 to index
      %swap3A_912 = tpu.vector_load %arg10[%swap3A_911] {strides = array<i32>} : memref<10240xf32, #tpu.memory_space<vmem>>, vector<16xf32>,
      %swap3A_913 = vector.shape_cast %swap3A_912 : vector<16xf32> to vector<16xf32>
      %swap3A_914 = vector.shape_cast %add3A_910 : vector<16xf32> to vector<16xf32>
      tpu.vector_store %arg10[%swap3A_911], %swap3A_914 {strides = array<i32>} : memref<10240xf32, #tpu.memory_space<vmem>>, vector<16xf32>,
      %slice3A_915 = vector.extract_strided_slice %get3A_844 {offsets = [7], sizes = [1], strides = [1]} : vector<16xi32> to vector<1xi32>
      %squeeze3A_916 = vector.extract %slice3A_915[0] : i32 from vector<1xi32>
      %get3A_917 = arith.index_cast %squeeze3A_916 : i32 to index
      %get3A_918 = tpu.vector_load %arg10[%get3A_917] {strides = array<i32>} : memref<10240xf32, #tpu.memory_space<vmem>>, vector<16xf32>,
      %get3A_919 = vector.shape_cast %get3A_918 : vector<16xf32> to vector<16xf32>
      %add3A_920 = arith.addf %get3A_919, %select_n3A : vector<16xf32>
      %swap3A_921 = arith.index_cast %squeeze3A_916 : i32 to index
      %swap3A_922 = tpu.vector_load %arg10[%swap3A_921] {strides = array<i32>} : memref<10240xf32, #tpu.memory_space<vmem>>, vector<16xf32>,
      %swap3A_923 = vector.shape_cast %swap3A_922 : vector<16xf32> to vector<16xf32>
      %swap3A_924 = vector.shape_cast %add3A_920 : vector<16xf32> to vector<16xf32>
      tpu.vector_store %arg10[%swap3A_921], %swap3A_924 {strides = array<i32>} : memref<10240xf32, #tpu.memory_space<vmem>>, vector<16xf32>,
      %slice3A_925 = vector.extract_strided_slice %get3A_844 {offsets = [8], sizes = [1], strides = [1]} : vector<16xi32> to vector<1xi32>
      %squeeze3A_926 = vector.extract %slice3A_925[0] : i32 from vector<1xi32>
      %get3A_927 = arith.index_cast %squeeze3A_926 : i32 to index
      %get3A_928 = tpu.vector_load %arg10[%get3A_927] {strides = array<i32>} : memref<10240xf32, #tpu.memory_space<vmem>>, vector<16xf32>,
      %get3A_929 = vector.shape_cast %get3A_928 : vector<16xf32> to vector<16xf32>
      %add3A_930 = arith.addf %get3A_929, %select_n3A : vector<16xf32>
      %swap3A_931 = arith.index_cast %squeeze3A_926 : i32 to index
      %swap3A_932 = tpu.vector_load %arg10[%swap3A_931] {strides = array<i32>} : memref<10240xf32, #tpu.memory_space<vmem>>, vector<16xf32>,
      %swap3A_933 = vector.shape_cast %swap3A_932 : vector<16xf32> to vector<16xf32>
      %swap3A_934 = vector.shape_cast %add3A_930 : vector<16xf32> to vector<16xf32>
      tpu.vector_store %arg10[%swap3A_931], %swap3A_934 {strides = array<i32>} : memref<10240xf32, #tpu.memory_space<vmem>>, vector<16xf32>,
      %slice3A_935 = vector.extract_strided_slice %get3A_844 {offsets = [9], sizes = [1], strides = [1]} : vector<16xi32> to vector<1xi32>
      %squeeze3A_936 = vector.extract %slice3A_935[0] : i32 from vector<1xi32>
      %get3A_937 = arith.index_cast %squeeze3A_936 : i32 to index
      %get3A_938 = tpu.vector_load %arg10[%get3A_937] {strides = array<i32>} : memref<10240xf32, #tpu.memory_space<vmem>>, vector<16xf32>,
      %get3A_939 = vector.shape_cast %get3A_938 : vector<16xf32> to vector<16xf32>
      %add3A_940 = arith.addf %get3A_939, %select_n3A : vector<16xf32>
      %swap3A_941 = arith.index_cast %squeeze3A_936 : i32 to index
      %swap3A_942 = tpu.vector_load %arg10[%swap3A_941] {strides = array<i32>} : memref<10240xf32, #tpu.memory_space<vmem>>, vector<16xf32>,
      %swap3A_943 = vector.shape_cast %swap3A_942 : vector<16xf32> to vector<16xf32>
      %swap3A_944 = vector.shape_cast %add3A_940 : vector<16xf32> to vector<16xf32>
      tpu.vector_store %arg10[%swap3A_941], %swap3A_944 {strides = array<i32>} : memref<10240xf32, #tpu.memory_space<vmem>>, vector<16xf32>,
      %slice3A_945 = vector.extract_strided_slice %get3A_844 {offsets = [10], sizes = [1], strides = [1]} : vector<16xi32> to vector<1xi32>
      %squeeze3A_946 = vector.extract %slice3A_945[0] : i32 from vector<1xi32>
      %get3A_947 = arith.index_cast %squeeze3A_946 : i32 to index
      %get3A_948 = tpu.vector_load %arg10[%get3A_947] {strides = array<i32>} : memref<10240xf32, #tpu.memory_space<vmem>>, vector<16xf32>,
      %get3A_949 = vector.shape_cast %get3A_948 : vector<16xf32> to vector<16xf32>
      %add3A_950 = arith.addf %get3A_949, %select_n3A : vector<16xf32>
      %swap3A_951 = arith.index_cast %squeeze3A_946 : i32 to index
      %swap3A_952 = tpu.vector_load %arg10[%swap3A_951] {strides = array<i32>} : memref<10240xf32, #tpu.memory_space<vmem>>, vector<16xf32>,
      %swap3A_953 = vector.shape_cast %swap3A_952 : vector<16xf32> to vector<16xf32>
      %swap3A_954 = vector.shape_cast %add3A_950 : vector<16xf32> to vector<16xf32>
      tpu.vector_store %arg10[%swap3A_951], %swap3A_954 {strides = array<i32>} : memref<10240xf32, #tpu.memory_space<vmem>>, vector<16xf32>,
      %slice3A_955 = vector.extract_strided_slice %get3A_844 {offsets = [11], sizes = [1], strides = [1]} : vector<16xi32> to vector<1xi32>
      %squeeze3A_956 = vector.extract %slice3A_955[0] : i32 from vector<1xi32>
      %get3A_957 = arith.index_cast %squeeze3A_956 : i32 to index
      %get3A_958 = tpu.vector_load %arg10[%get3A_957] {strides = array<i32>} : memref<10240xf32, #tpu.memory_space<vmem>>, vector<16xf32>,
      %get3A_959 = vector.shape_cast %get3A_958 : vector<16xf32> to vector<16xf32>
      %add3A_960 = arith.addf %get3A_959, %select_n3A : vector<16xf32>
      %swap3A_961 = arith.index_cast %squeeze3A_956 : i32 to index
      %swap3A_962 = tpu.vector_load %arg10[%swap3A_961] {strides = array<i32>} : memref<10240xf32, #tpu.memory_space<vmem>>, vector<16xf32>,
      %swap3A_963 = vector.shape_cast %swap3A_962 : vector<16xf32> to vector<16xf32>
      %swap3A_964 = vector.shape_cast %add3A_960 : vector<16xf32> to vector<16xf32>
      tpu.vector_store %arg10[%swap3A_961], %swap3A_964 {strides = array<i32>} : memref<10240xf32, #tpu.memory_space<vmem>>, vector<16xf32>,
      %slice3A_965 = vector.extract_strided_slice %get3A_844 {offsets = [12], sizes = [1], strides = [1]} : vector<16xi32> to vector<1xi32>
      %squeeze3A_966 = vector.extract %slice3A_965[0] : i32 from vector<1xi32>
      %get3A_967 = arith.index_cast %squeeze3A_966 : i32 to index
      %get3A_968 = tpu.vector_load %arg10[%get3A_967] {strides = array<i32>} : memref<10240xf32, #tpu.memory_space<vmem>>, vector<16xf32>,
      %get3A_969 = vector.shape_cast %get3A_968 : vector<16xf32> to vector<16xf32>
      %add3A_970 = arith.addf %get3A_969, %select_n3A : vector<16xf32>
      %swap3A_971 = arith.index_cast %squeeze3A_966 : i32 to index
      %swap3A_972 = tpu.vector_load %arg10[%swap3A_971] {strides = array<i32>} : memref<10240xf32, #tpu.memory_space<vmem>>, vector<16xf32>,
      %swap3A_973 = vector.shape_cast %swap3A_972 : vector<16xf32> to vector<16xf32>
      %swap3A_974 = vector.shape_cast %add3A_970 : vector<16xf32> to vector<16xf32>
      tpu.vector_store %arg10[%swap3A_971], %swap3A_974 {strides = array<i32>} : memref<10240xf32, #tpu.memory_space<vmem>>, vector<16xf32>,
      %slice3A_975 = vector.extract_strided_slice %get3A_844 {offsets = [13], sizes = [1], strides = [1]} : vector<16xi32> to vector<1xi32>
      %squeeze3A_976 = vector.extract %slice3A_975[0] : i32 from vector<1xi32>
      %get3A_977 = arith.index_cast %squeeze3A_976 : i32 to index
      %get3A_978 = tpu.vector_load %arg10[%get3A_977] {strides = array<i32>} : memref<10240xf32, #tpu.memory_space<vmem>>, vector<16xf32>,
      %get3A_979 = vector.shape_cast %get3A_978 : vector<16xf32> to vector<16xf32>
      %add3A_980 = arith.addf %get3A_979, %select_n3A : vector<16xf32>
      %swap3A_981 = arith.index_cast %squeeze3A_976 : i32 to index
      %swap3A_982 = tpu.vector_load %arg10[%swap3A_981] {strides = array<i32>} : memref<10240xf32, #tpu.memory_space<vmem>>, vector<16xf32>,
      %swap3A_983 = vector.shape_cast %swap3A_982 : vector<16xf32> to vector<16xf32>
      %swap3A_984 = vector.shape_cast %add3A_980 : vector<16xf32> to vector<16xf32>
      tpu.vector_store %arg10[%swap3A_981], %swap3A_984 {strides = array<i32>} : memref<10240xf32, #tpu.memory_space<vmem>>, vector<16xf32>,
      %slice3A_985 = vector.extract_strided_slice %get3A_844 {offsets = [14], sizes = [1], strides = [1]} : vector<16xi32> to vector<1xi32>
      %squeeze3A_986 = vector.extract %slice3A_985[0] : i32 from vector<1xi32>
      %get3A_987 = arith.index_cast %squeeze3A_986 : i32 to index
      %get3A_988 = tpu.vector_load %arg10[%get3A_987] {strides = array<i32>} : memref<10240xf32, #tpu.memory_space<vmem>>, vector<16xf32>,
      %get3A_989 = vector.shape_cast %get3A_988 : vector<16xf32> to vector<16xf32>
      %add3A_990 = arith.addf %get3A_989, %select_n3A : vector<16xf32>
      %swap3A_991 = arith.index_cast %squeeze3A_986 : i32 to index
      %swap3A_992 = tpu.vector_load %arg10[%swap3A_991] {strides = array<i32>} : memref<10240xf32, #tpu.memory_space<vmem>>, vector<16xf32>,
      %swap3A_993 = vector.shape_cast %swap3A_992 : vector<16xf32> to vector<16xf32>
      %swap3A_994 = vector.shape_cast %add3A_990 : vector<16xf32> to vector<16xf32>
      tpu.vector_store %arg10[%swap3A_991], %swap3A_994 {strides = array<i32>} : memref<10240xf32, #tpu.memory_space<vmem>>, vector<16xf32>,
      %slice3A_995 = vector.extract_strided_slice %get3A_844 {offsets = [15], sizes = [1], strides = [1]} : vector<16xi32> to vector<1xi32>
      %squeeze3A_996 = vector.extract %slice3A_995[0] : i32 from vector<1xi32>
      %get3A_997 = arith.index_cast %squeeze3A_996 : i32 to index
      %get3A_998 = tpu.vector_load %arg10[%get3A_997] {strides = array<i32>} : memref<10240xf32, #tpu.memory_space<vmem>>, vector<16xf32>,
      %get3A_999 = vector.shape_cast %get3A_998 : vector<16xf32> to vector<16xf32>
      %add3A_1000 = arith.addf %get3A_999, %select_n3A : vector<16xf32>
      %swap3A_1001 = arith.index_cast %squeeze3A_996 : i32 to index
      %swap3A_1002 = tpu.vector_load %arg10[%swap3A_1001] {strides = array<i32>} : memref<10240xf32, #tpu.memory_space<vmem>>, vector<16xf32>,
      %swap3A_1003 = vector.shape_cast %swap3A_1002 : vector<16xf32> to vector<16xf32>
      %swap3A_1004 = vector.shape_cast %add3A_1000 : vector<16xf32> to vector<16xf32>
      tpu.vector_store %arg10[%swap3A_1001], %swap3A_1004 {strides = array<i32>} : memref<10240xf32, #tpu.memory_space<vmem>>, vector<16xf32>,
      %get3A_1005 = arith.index_cast %rem3A_111 : i32 to index
      %get3A_1006 = arith.index_cast %rem3A_109 : i32 to index
      %get3A_1007 = arith.constant 80 : index
      %get3A_1008 = tpu.vector_load %arg8[%get3A_1005, %get3A_1006, %get3A_1007] {strides = array<i32>} : memref<2x8x128xi32, #tpu.memory_space<vmem>>, vector<1x1x16xi32>,
      %get3A_1009 = vector.shape_cast %get3A_1008 : vector<1x1x16xi32> to vector<16xi32>
      %slice3A_1010 = vector.extract_strided_slice %get3A_1009 {offsets = [0], sizes = [1], strides = [1]} : vector<16xi32> to vector<1xi32>
      %squeeze3A_1011 = vector.extract %slice3A_1010[0] : i32 from vector<1xi32>
      %get3A_1012 = arith.index_cast %squeeze3A_1011 : i32 to index
      %get3A_1013 = tpu.vector_load %arg10[%get3A_1012] {strides = array<i32>} : memref<10240xf32, #tpu.memory_space<vmem>>, vector<16xf32>,
      %get3A_1014 = vector.shape_cast %get3A_1013 : vector<16xf32> to vector<16xf32>
      %add3A_1015 = arith.addf %get3A_1014, %select_n3A : vector<16xf32>
      %swap3A_1016 = arith.index_cast %squeeze3A_1011 : i32 to index
      %swap3A_1017 = tpu.vector_load %arg10[%swap3A_1016] {strides = array<i32>} : memref<10240xf32, #tpu.memory_space<vmem>>, vector<16xf32>,
      %swap3A_1018 = vector.shape_cast %swap3A_1017 : vector<16xf32> to vector<16xf32>
      %swap3A_1019 = vector.shape_cast %add3A_1015 : vector<16xf32> to vector<16xf32>
      tpu.vector_store %arg10[%swap3A_1016], %swap3A_1019 {strides = array<i32>} : memref<10240xf32, #tpu.memory_space<vmem>>, vector<16xf32>,
      %slice3A_1020 = vector.extract_strided_slice %get3A_1009 {offsets = [1], sizes = [1], strides = [1]} : vector<16xi32> to vector<1xi32>
      %squeeze3A_1021 = vector.extract %slice3A_1020[0] : i32 from vector<1xi32>
      %get3A_1022 = arith.index_cast %squeeze3A_1021 : i32 to index
      %get3A_1023 = tpu.vector_load %arg10[%get3A_1022] {strides = array<i32>} : memref<10240xf32, #tpu.memory_space<vmem>>, vector<16xf32>,
      %get3A_1024 = vector.shape_cast %get3A_1023 : vector<16xf32> to vector<16xf32>
      %add3A_1025 = arith.addf %get3A_1024, %select_n3A : vector<16xf32>
      %swap3A_1026 = arith.index_cast %squeeze3A_1021 : i32 to index
      %swap3A_1027 = tpu.vector_load %arg10[%swap3A_1026] {strides = array<i32>} : memref<10240xf32, #tpu.memory_space<vmem>>, vector<16xf32>,
      %swap3A_1028 = vector.shape_cast %swap3A_1027 : vector<16xf32> to vector<16xf32>
      %swap3A_1029 = vector.shape_cast %add3A_1025 : vector<16xf32> to vector<16xf32>
      tpu.vector_store %arg10[%swap3A_1026], %swap3A_1029 {strides = array<i32>} : memref<10240xf32, #tpu.memory_space<vmem>>, vector<16xf32>,
      %slice3A_1030 = vector.extract_strided_slice %get3A_1009 {offsets = [2], sizes = [1], strides = [1]} : vector<16xi32> to vector<1xi32>
      %squeeze3A_1031 = vector.extract %slice3A_1030[0] : i32 from vector<1xi32>
      %get3A_1032 = arith.index_cast %squeeze3A_1031 : i32 to index
      %get3A_1033 = tpu.vector_load %arg10[%get3A_1032] {strides = array<i32>} : memref<10240xf32, #tpu.memory_space<vmem>>, vector<16xf32>,
      %get3A_1034 = vector.shape_cast %get3A_1033 : vector<16xf32> to vector<16xf32>
      %add3A_1035 = arith.addf %get3A_1034, %select_n3A : vector<16xf32>
      %swap3A_1036 = arith.index_cast %squeeze3A_1031 : i32 to index
      %swap3A_1037 = tpu.vector_load %arg10[%swap3A_1036] {strides = array<i32>} : memref<10240xf32, #tpu.memory_space<vmem>>, vector<16xf32>,
      %swap3A_1038 = vector.shape_cast %swap3A_1037 : vector<16xf32> to vector<16xf32>
      %swap3A_1039 = vector.shape_cast %add3A_1035 : vector<16xf32> to vector<16xf32>
      tpu.vector_store %arg10[%swap3A_1036], %swap3A_1039 {strides = array<i32>} : memref<10240xf32, #tpu.memory_space<vmem>>, vector<16xf32>,
      %slice3A_1040 = vector.extract_strided_slice %get3A_1009 {offsets = [3], sizes = [1], strides = [1]} : vector<16xi32> to vector<1xi32>
      %squeeze3A_1041 = vector.extract %slice3A_1040[0] : i32 from vector<1xi32>
      %get3A_1042 = arith.index_cast %squeeze3A_1041 : i32 to index
      %get3A_1043 = tpu.vector_load %arg10[%get3A_1042] {strides = array<i32>} : memref<10240xf32, #tpu.memory_space<vmem>>, vector<16xf32>,
      %get3A_1044 = vector.shape_cast %get3A_1043 : vector<16xf32> to vector<16xf32>
      %add3A_1045 = arith.addf %get3A_1044, %select_n3A : vector<16xf32>
      %swap3A_1046 = arith.index_cast %squeeze3A_1041 : i32 to index
      %swap3A_1047 = tpu.vector_load %arg10[%swap3A_1046] {strides = array<i32>} : memref<10240xf32, #tpu.memory_space<vmem>>, vector<16xf32>,
      %swap3A_1048 = vector.shape_cast %swap3A_1047 : vector<16xf32> to vector<16xf32>
      %swap3A_1049 = vector.shape_cast %add3A_1045 : vector<16xf32> to vector<16xf32>
      tpu.vector_store %arg10[%swap3A_1046], %swap3A_1049 {strides = array<i32>} : memref<10240xf32, #tpu.memory_space<vmem>>, vector<16xf32>,
      %slice3A_1050 = vector.extract_strided_slice %get3A_1009 {offsets = [4], sizes = [1], strides = [1]} : vector<16xi32> to vector<1xi32>
      %squeeze3A_1051 = vector.extract %slice3A_1050[0] : i32 from vector<1xi32>
      %get3A_1052 = arith.index_cast %squeeze3A_1051 : i32 to index
      %get3A_1053 = tpu.vector_load %arg10[%get3A_1052] {strides = array<i32>} : memref<10240xf32, #tpu.memory_space<vmem>>, vector<16xf32>,
      %get3A_1054 = vector.shape_cast %get3A_1053 : vector<16xf32> to vector<16xf32>
      %add3A_1055 = arith.addf %get3A_1054, %select_n3A : vector<16xf32>
      %swap3A_1056 = arith.index_cast %squeeze3A_1051 : i32 to index
      %swap3A_1057 = tpu.vector_load %arg10[%swap3A_1056] {strides = array<i32>} : memref<10240xf32, #tpu.memory_space<vmem>>, vector<16xf32>,
      %swap3A_1058 = vector.shape_cast %swap3A_1057 : vector<16xf32> to vector<16xf32>
      %swap3A_1059 = vector.shape_cast %add3A_1055 : vector<16xf32> to vector<16xf32>
      tpu.vector_store %arg10[%swap3A_1056], %swap3A_1059 {strides = array<i32>} : memref<10240xf32, #tpu.memory_space<vmem>>, vector<16xf32>,
      %slice3A_1060 = vector.extract_strided_slice %get3A_1009 {offsets = [5], sizes = [1], strides = [1]} : vector<16xi32> to vector<1xi32>
      %squeeze3A_1061 = vector.extract %slice3A_1060[0] : i32 from vector<1xi32>
      %get3A_1062 = arith.index_cast %squeeze3A_1061 : i32 to index
      %get3A_1063 = tpu.vector_load %arg10[%get3A_1062] {strides = array<i32>} : memref<10240xf32, #tpu.memory_space<vmem>>, vector<16xf32>,
      %get3A_1064 = vector.shape_cast %get3A_1063 : vector<16xf32> to vector<16xf32>
      %add3A_1065 = arith.addf %get3A_1064, %select_n3A : vector<16xf32>
      %swap3A_1066 = arith.index_cast %squeeze3A_1061 : i32 to index
      %swap3A_1067 = tpu.vector_load %arg10[%swap3A_1066] {strides = array<i32>} : memref<10240xf32, #tpu.memory_space<vmem>>, vector<16xf32>,
      %swap3A_1068 = vector.shape_cast %swap3A_1067 : vector<16xf32> to vector<16xf32>
      %swap3A_1069 = vector.shape_cast %add3A_1065 : vector<16xf32> to vector<16xf32>
      tpu.vector_store %arg10[%swap3A_1066], %swap3A_1069 {strides = array<i32>} : memref<10240xf32, #tpu.memory_space<vmem>>, vector<16xf32>,
      %slice3A_1070 = vector.extract_strided_slice %get3A_1009 {offsets = [6], sizes = [1], strides = [1]} : vector<16xi32> to vector<1xi32>
      %squeeze3A_1071 = vector.extract %slice3A_1070[0] : i32 from vector<1xi32>
      %get3A_1072 = arith.index_cast %squeeze3A_1071 : i32 to index
      %get3A_1073 = tpu.vector_load %arg10[%get3A_1072] {strides = array<i32>} : memref<10240xf32, #tpu.memory_space<vmem>>, vector<16xf32>,
      %get3A_1074 = vector.shape_cast %get3A_1073 : vector<16xf32> to vector<16xf32>
      %add3A_1075 = arith.addf %get3A_1074, %select_n3A : vector<16xf32>
      %swap3A_1076 = arith.index_cast %squeeze3A_1071 : i32 to index
      %swap3A_1077 = tpu.vector_load %arg10[%swap3A_1076] {strides = array<i32>} : memref<10240xf32, #tpu.memory_space<vmem>>, vector<16xf32>,
      %swap3A_1078 = vector.shape_cast %swap3A_1077 : vector<16xf32> to vector<16xf32>
      %swap3A_1079 = vector.shape_cast %add3A_1075 : vector<16xf32> to vector<16xf32>
      tpu.vector_store %arg10[%swap3A_1076], %swap3A_1079 {strides = array<i32>} : memref<10240xf32, #tpu.memory_space<vmem>>, vector<16xf32>,
      %slice3A_1080 = vector.extract_strided_slice %get3A_1009 {offsets = [7], sizes = [1], strides = [1]} : vector<16xi32> to vector<1xi32>
      %squeeze3A_1081 = vector.extract %slice3A_1080[0] : i32 from vector<1xi32>
      %get3A_1082 = arith.index_cast %squeeze3A_1081 : i32 to index
      %get3A_1083 = tpu.vector_load %arg10[%get3A_1082] {strides = array<i32>} : memref<10240xf32, #tpu.memory_space<vmem>>, vector<16xf32>,
      %get3A_1084 = vector.shape_cast %get3A_1083 : vector<16xf32> to vector<16xf32>
      %add3A_1085 = arith.addf %get3A_1084, %select_n3A : vector<16xf32>
      %swap3A_1086 = arith.index_cast %squeeze3A_1081 : i32 to index
      %swap3A_1087 = tpu.vector_load %arg10[%swap3A_1086] {strides = array<i32>} : memref<10240xf32, #tpu.memory_space<vmem>>, vector<16xf32>,
      %swap3A_1088 = vector.shape_cast %swap3A_1087 : vector<16xf32> to vector<16xf32>
      %swap3A_1089 = vector.shape_cast %add3A_1085 : vector<16xf32> to vector<16xf32>
      tpu.vector_store %arg10[%swap3A_1086], %swap3A_1089 {strides = array<i32>} : memref<10240xf32, #tpu.memory_space<vmem>>, vector<16xf32>,
      %slice3A_1090 = vector.extract_strided_slice %get3A_1009 {offsets = [8], sizes = [1], strides = [1]} : vector<16xi32> to vector<1xi32>
      %squeeze3A_1091 = vector.extract %slice3A_1090[0] : i32 from vector<1xi32>
      %get3A_1092 = arith.index_cast %squeeze3A_1091 : i32 to index
      %get3A_1093 = tpu.vector_load %arg10[%get3A_1092] {strides = array<i32>} : memref<10240xf32, #tpu.memory_space<vmem>>, vector<16xf32>,
      %get3A_1094 = vector.shape_cast %get3A_1093 : vector<16xf32> to vector<16xf32>
      %add3A_1095 = arith.addf %get3A_1094, %select_n3A : vector<16xf32>
      %swap3A_1096 = arith.index_cast %squeeze3A_1091 : i32 to index
      %swap3A_1097 = tpu.vector_load %arg10[%swap3A_1096] {strides = array<i32>} : memref<10240xf32, #tpu.memory_space<vmem>>, vector<16xf32>,
      %swap3A_1098 = vector.shape_cast %swap3A_1097 : vector<16xf32> to vector<16xf32>
      %swap3A_1099 = vector.shape_cast %add3A_1095 : vector<16xf32> to vector<16xf32>
      tpu.vector_store %arg10[%swap3A_1096], %swap3A_1099 {strides = array<i32>} : memref<10240xf32, #tpu.memory_space<vmem>>, vector<16xf32>,
      %slice3A_1100 = vector.extract_strided_slice %get3A_1009 {offsets = [9], sizes = [1], strides = [1]} : vector<16xi32> to vector<1xi32>
      %squeeze3A_1101 = vector.extract %slice3A_1100[0] : i32 from vector<1xi32>
      %get3A_1102 = arith.index_cast %squeeze3A_1101 : i32 to index
      %get3A_1103 = tpu.vector_load %arg10[%get3A_1102] {strides = array<i32>} : memref<10240xf32, #tpu.memory_space<vmem>>, vector<16xf32>,
      %get3A_1104 = vector.shape_cast %get3A_1103 : vector<16xf32> to vector<16xf32>
      %add3A_1105 = arith.addf %get3A_1104, %select_n3A : vector<16xf32>
      %swap3A_1106 = arith.index_cast %squeeze3A_1101 : i32 to index
      %swap3A_1107 = tpu.vector_load %arg10[%swap3A_1106] {strides = array<i32>} : memref<10240xf32, #tpu.memory_space<vmem>>, vector<16xf32>,
      %swap3A_1108 = vector.shape_cast %swap3A_1107 : vector<16xf32> to vector<16xf32>
      %swap3A_1109 = vector.shape_cast %add3A_1105 : vector<16xf32> to vector<16xf32>
      tpu.vector_store %arg10[%swap3A_1106], %swap3A_1109 {strides = array<i32>} : memref<10240xf32, #tpu.memory_space<vmem>>, vector<16xf32>,
      %slice3A_1110 = vector.extract_strided_slice %get3A_1009 {offsets = [10], sizes = [1], strides = [1]} : vector<16xi32> to vector<1xi32>
      %squeeze3A_1111 = vector.extract %slice3A_1110[0] : i32 from vector<1xi32>
      %get3A_1112 = arith.index_cast %squeeze3A_1111 : i32 to index
      %get3A_1113 = tpu.vector_load %arg10[%get3A_1112] {strides = array<i32>} : memref<10240xf32, #tpu.memory_space<vmem>>, vector<16xf32>,
      %get3A_1114 = vector.shape_cast %get3A_1113 : vector<16xf32> to vector<16xf32>
      %add3A_1115 = arith.addf %get3A_1114, %select_n3A : vector<16xf32>
      %swap3A_1116 = arith.index_cast %squeeze3A_1111 : i32 to index
      %swap3A_1117 = tpu.vector_load %arg10[%swap3A_1116] {strides = array<i32>} : memref<10240xf32, #tpu.memory_space<vmem>>, vector<16xf32>,
      %swap3A_1118 = vector.shape_cast %swap3A_1117 : vector<16xf32> to vector<16xf32>
      %swap3A_1119 = vector.shape_cast %add3A_1115 : vector<16xf32> to vector<16xf32>
      tpu.vector_store %arg10[%swap3A_1116], %swap3A_1119 {strides = array<i32>} : memref<10240xf32, #tpu.memory_space<vmem>>, vector<16xf32>,
      %slice3A_1120 = vector.extract_strided_slice %get3A_1009 {offsets = [11], sizes = [1], strides = [1]} : vector<16xi32> to vector<1xi32>
      %squeeze3A_1121 = vector.extract %slice3A_1120[0] : i32 from vector<1xi32>
      %get3A_1122 = arith.index_cast %squeeze3A_1121 : i32 to index
      %get3A_1123 = tpu.vector_load %arg10[%get3A_1122] {strides = array<i32>} : memref<10240xf32, #tpu.memory_space<vmem>>, vector<16xf32>,
      %get3A_1124 = vector.shape_cast %get3A_1123 : vector<16xf32> to vector<16xf32>
      %add3A_1125 = arith.addf %get3A_1124, %select_n3A : vector<16xf32>
      %swap3A_1126 = arith.index_cast %squeeze3A_1121 : i32 to index
      %swap3A_1127 = tpu.vector_load %arg10[%swap3A_1126] {strides = array<i32>} : memref<10240xf32, #tpu.memory_space<vmem>>, vector<16xf32>,
      %swap3A_1128 = vector.shape_cast %swap3A_1127 : vector<16xf32> to vector<16xf32>
      %swap3A_1129 = vector.shape_cast %add3A_1125 : vector<16xf32> to vector<16xf32>
      tpu.vector_store %arg10[%swap3A_1126], %swap3A_1129 {strides = array<i32>} : memref<10240xf32, #tpu.memory_space<vmem>>, vector<16xf32>,
      %slice3A_1130 = vector.extract_strided_slice %get3A_1009 {offsets = [12], sizes = [1], strides = [1]} : vector<16xi32> to vector<1xi32>
      %squeeze3A_1131 = vector.extract %slice3A_1130[0] : i32 from vector<1xi32>
      %get3A_1132 = arith.index_cast %squeeze3A_1131 : i32 to index
      %get3A_1133 = tpu.vector_load %arg10[%get3A_1132] {strides = array<i32>} : memref<10240xf32, #tpu.memory_space<vmem>>, vector<16xf32>,
      %get3A_1134 = vector.shape_cast %get3A_1133 : vector<16xf32> to vector<16xf32>
      %add3A_1135 = arith.addf %get3A_1134, %select_n3A : vector<16xf32>
      %swap3A_1136 = arith.index_cast %squeeze3A_1131 : i32 to index
      %swap3A_1137 = tpu.vector_load %arg10[%swap3A_1136] {strides = array<i32>} : memref<10240xf32, #tpu.memory_space<vmem>>, vector<16xf32>,
      %swap3A_1138 = vector.shape_cast %swap3A_1137 : vector<16xf32> to vector<16xf32>
      %swap3A_1139 = vector.shape_cast %add3A_1135 : vector<16xf32> to vector<16xf32>
      tpu.vector_store %arg10[%swap3A_1136], %swap3A_1139 {strides = array<i32>} : memref<10240xf32, #tpu.memory_space<vmem>>, vector<16xf32>,
      %slice3A_1140 = vector.extract_strided_slice %get3A_1009 {offsets = [13], sizes = [1], strides = [1]} : vector<16xi32> to vector<1xi32>
      %squeeze3A_1141 = vector.extract %slice3A_1140[0] : i32 from vector<1xi32>
      %get3A_1142 = arith.index_cast %squeeze3A_1141 : i32 to index
      %get3A_1143 = tpu.vector_load %arg10[%get3A_1142] {strides = array<i32>} : memref<10240xf32, #tpu.memory_space<vmem>>, vector<16xf32>,
      %get3A_1144 = vector.shape_cast %get3A_1143 : vector<16xf32> to vector<16xf32>
      %add3A_1145 = arith.addf %get3A_1144, %select_n3A : vector<16xf32>
      %swap3A_1146 = arith.index_cast %squeeze3A_1141 : i32 to index
      %swap3A_1147 = tpu.vector_load %arg10[%swap3A_1146] {strides = array<i32>} : memref<10240xf32, #tpu.memory_space<vmem>>, vector<16xf32>,
      %swap3A_1148 = vector.shape_cast %swap3A_1147 : vector<16xf32> to vector<16xf32>
      %swap3A_1149 = vector.shape_cast %add3A_1145 : vector<16xf32> to vector<16xf32>
      tpu.vector_store %arg10[%swap3A_1146], %swap3A_1149 {strides = array<i32>} : memref<10240xf32, #tpu.memory_space<vmem>>, vector<16xf32>,
      %slice3A_1150 = vector.extract_strided_slice %get3A_1009 {offsets = [14], sizes = [1], strides = [1]} : vector<16xi32> to vector<1xi32>
      %squeeze3A_1151 = vector.extract %slice3A_1150[0] : i32 from vector<1xi32>
      %get3A_1152 = arith.index_cast %squeeze3A_1151 : i32 to index
      %get3A_1153 = tpu.vector_load %arg10[%get3A_1152] {strides = array<i32>} : memref<10240xf32, #tpu.memory_space<vmem>>, vector<16xf32>,
      %get3A_1154 = vector.shape_cast %get3A_1153 : vector<16xf32> to vector<16xf32>
      %add3A_1155 = arith.addf %get3A_1154, %select_n3A : vector<16xf32>
      %swap3A_1156 = arith.index_cast %squeeze3A_1151 : i32 to index
      %swap3A_1157 = tpu.vector_load %arg10[%swap3A_1156] {strides = array<i32>} : memref<10240xf32, #tpu.memory_space<vmem>>, vector<16xf32>,
      %swap3A_1158 = vector.shape_cast %swap3A_1157 : vector<16xf32> to vector<16xf32>
      %swap3A_1159 = vector.shape_cast %add3A_1155 : vector<16xf32> to vector<16xf32>
      tpu.vector_store %arg10[%swap3A_1156], %swap3A_1159 {strides = array<i32>} : memref<10240xf32, #tpu.memory_space<vmem>>, vector<16xf32>,
      %slice3A_1160 = vector.extract_strided_slice %get3A_1009 {offsets = [15], sizes = [1], strides = [1]} : vector<16xi32> to vector<1xi32>
      %squeeze3A_1161 = vector.extract %slice3A_1160[0] : i32 from vector<1xi32>
      %get3A_1162 = arith.index_cast %squeeze3A_1161 : i32 to index
      %get3A_1163 = tpu.vector_load %arg10[%get3A_1162] {strides = array<i32>} : memref<10240xf32, #tpu.memory_space<vmem>>, vector<16xf32>,
      %get3A_1164 = vector.shape_cast %get3A_1163 : vector<16xf32> to vector<16xf32>
      %add3A_1165 = arith.addf %get3A_1164, %select_n3A : vector<16xf32>
      %swap3A_1166 = arith.index_cast %squeeze3A_1161 : i32 to index
      %swap3A_1167 = tpu.vector_load %arg10[%swap3A_1166] {strides = array<i32>} : memref<10240xf32, #tpu.memory_space<vmem>>, vector<16xf32>,
      %swap3A_1168 = vector.shape_cast %swap3A_1167 : vector<16xf32> to vector<16xf32>
      %swap3A_1169 = vector.shape_cast %add3A_1165 : vector<16xf32> to vector<16xf32>
      tpu.vector_store %arg10[%swap3A_1166], %swap3A_1169 {strides = array<i32>} : memref<10240xf32, #tpu.memory_space<vmem>>, vector<16xf32>,
      %get3A_1170 = arith.index_cast %rem3A_111 : i32 to index
      %get3A_1171 = arith.index_cast %rem3A_109 : i32 to index
      %get3A_1172 = arith.constant 96 : index
      %get3A_1173 = tpu.vector_load %arg8[%get3A_1170, %get3A_1171, %get3A_1172] {strides = array<i32>} : memref<2x8x128xi32, #tpu.memory_space<vmem>>, vector<1x1x16xi32>,
      %get3A_1174 = vector.shape_cast %get3A_1173 : vector<1x1x16xi32> to vector<16xi32>
      %slice3A_1175 = vector.extract_strided_slice %get3A_1174 {offsets = [0], sizes = [1], strides = [1]} : vector<16xi32> to vector<1xi32>
      %squeeze3A_1176 = vector.extract %slice3A_1175[0] : i32 from vector<1xi32>
      %get3A_1177 = arith.index_cast %squeeze3A_1176 : i32 to index
      %get3A_1178 = tpu.vector_load %arg10[%get3A_1177] {strides = array<i32>} : memref<10240xf32, #tpu.memory_space<vmem>>, vector<16xf32>,
      %get3A_1179 = vector.shape_cast %get3A_1178 : vector<16xf32> to vector<16xf32>
      %add3A_1180 = arith.addf %get3A_1179, %select_n3A : vector<16xf32>
      %swap3A_1181 = arith.index_cast %squeeze3A_1176 : i32 to index
      %swap3A_1182 = tpu.vector_load %arg10[%swap3A_1181] {strides = array<i32>} : memref<10240xf32, #tpu.memory_space<vmem>>, vector<16xf32>,
      %swap3A_1183 = vector.shape_cast %swap3A_1182 : vector<16xf32> to vector<16xf32>
      %swap3A_1184 = vector.shape_cast %add3A_1180 : vector<16xf32> to vector<16xf32>
      tpu.vector_store %arg10[%swap3A_1181], %swap3A_1184 {strides = array<i32>} : memref<10240xf32, #tpu.memory_space<vmem>>, vector<16xf32>,
      %slice3A_1185 = vector.extract_strided_slice %get3A_1174 {offsets = [1], sizes = [1], strides = [1]} : vector<16xi32> to vector<1xi32>
      %squeeze3A_1186 = vector.extract %slice3A_1185[0] : i32 from vector<1xi32>
      %get3A_1187 = arith.index_cast %squeeze3A_1186 : i32 to index
      %get3A_1188 = tpu.vector_load %arg10[%get3A_1187] {strides = array<i32>} : memref<10240xf32, #tpu.memory_space<vmem>>, vector<16xf32>,
      %get3A_1189 = vector.shape_cast %get3A_1188 : vector<16xf32> to vector<16xf32>
      %add3A_1190 = arith.addf %get3A_1189, %select_n3A : vector<16xf32>
      %swap3A_1191 = arith.index_cast %squeeze3A_1186 : i32 to index
      %swap3A_1192 = tpu.vector_load %arg10[%swap3A_1191] {strides = array<i32>} : memref<10240xf32, #tpu.memory_space<vmem>>, vector<16xf32>,
      %swap3A_1193 = vector.shape_cast %swap3A_1192 : vector<16xf32> to vector<16xf32>
      %swap3A_1194 = vector.shape_cast %add3A_1190 : vector<16xf32> to vector<16xf32>
      tpu.vector_store %arg10[%swap3A_1191], %swap3A_1194 {strides = array<i32>} : memref<10240xf32, #tpu.memory_space<vmem>>, vector<16xf32>,
      %slice3A_1195 = vector.extract_strided_slice %get3A_1174 {offsets = [2], sizes = [1], strides = [1]} : vector<16xi32> to vector<1xi32>
      %squeeze3A_1196 = vector.extract %slice3A_1195[0] : i32 from vector<1xi32>
      %get3A_1197 = arith.index_cast %squeeze3A_1196 : i32 to index
      %get3A_1198 = tpu.vector_load %arg10[%get3A_1197] {strides = array<i32>} : memref<10240xf32, #tpu.memory_space<vmem>>, vector<16xf32>,
      %get3A_1199 = vector.shape_cast %get3A_1198 : vector<16xf32> to vector<16xf32>
      %add3A_1200 = arith.addf %get3A_1199, %select_n3A : vector<16xf32>
      %swap3A_1201 = arith.index_cast %squeeze3A_1196 : i32 to index
      %swap3A_1202 = tpu.vector_load %arg10[%swap3A_1201] {strides = array<i32>} : memref<10240xf32, #tpu.memory_space<vmem>>, vector<16xf32>,
      %swap3A_1203 = vector.shape_cast %swap3A_1202 : vector<16xf32> to vector<16xf32>
      %swap3A_1204 = vector.shape_cast %add3A_1200 : vector<16xf32> to vector<16xf32>
      tpu.vector_store %arg10[%swap3A_1201], %swap3A_1204 {strides = array<i32>} : memref<10240xf32, #tpu.memory_space<vmem>>, vector<16xf32>,
      %slice3A_1205 = vector.extract_strided_slice %get3A_1174 {offsets = [3], sizes = [1], strides = [1]} : vector<16xi32> to vector<1xi32>
      %squeeze3A_1206 = vector.extract %slice3A_1205[0] : i32 from vector<1xi32>
      %get3A_1207 = arith.index_cast %squeeze3A_1206 : i32 to index
      %get3A_1208 = tpu.vector_load %arg10[%get3A_1207] {strides = array<i32>} : memref<10240xf32, #tpu.memory_space<vmem>>, vector<16xf32>,
      %get3A_1209 = vector.shape_cast %get3A_1208 : vector<16xf32> to vector<16xf32>
      %add3A_1210 = arith.addf %get3A_1209, %select_n3A : vector<16xf32>
      %swap3A_1211 = arith.index_cast %squeeze3A_1206 : i32 to index
      %swap3A_1212 = tpu.vector_load %arg10[%swap3A_1211] {strides = array<i32>} : memref<10240xf32, #tpu.memory_space<vmem>>, vector<16xf32>,
      %swap3A_1213 = vector.shape_cast %swap3A_1212 : vector<16xf32> to vector<16xf32>
      %swap3A_1214 = vector.shape_cast %add3A_1210 : vector<16xf32> to vector<16xf32>
      tpu.vector_store %arg10[%swap3A_1211], %swap3A_1214 {strides = array<i32>} : memref<10240xf32, #tpu.memory_space<vmem>>, vector<16xf32>,
      %slice3A_1215 = vector.extract_strided_slice %get3A_1174 {offsets = [4], sizes = [1], strides = [1]} : vector<16xi32> to vector<1xi32>
      %squeeze3A_1216 = vector.extract %slice3A_1215[0] : i32 from vector<1xi32>
      %get3A_1217 = arith.index_cast %squeeze3A_1216 : i32 to index
      %get3A_1218 = tpu.vector_load %arg10[%get3A_1217] {strides = array<i32>} : memref<10240xf32, #tpu.memory_space<vmem>>, vector<16xf32>,
      %get3A_1219 = vector.shape_cast %get3A_1218 : vector<16xf32> to vector<16xf32>
      %add3A_1220 = arith.addf %get3A_1219, %select_n3A : vector<16xf32>
      %swap3A_1221 = arith.index_cast %squeeze3A_1216 : i32 to index
      %swap3A_1222 = tpu.vector_load %arg10[%swap3A_1221] {strides = array<i32>} : memref<10240xf32, #tpu.memory_space<vmem>>, vector<16xf32>,
      %swap3A_1223 = vector.shape_cast %swap3A_1222 : vector<16xf32> to vector<16xf32>
      %swap3A_1224 = vector.shape_cast %add3A_1220 : vector<16xf32> to vector<16xf32>
      tpu.vector_store %arg10[%swap3A_1221], %swap3A_1224 {strides = array<i32>} : memref<10240xf32, #tpu.memory_space<vmem>>, vector<16xf32>,
      %slice3A_1225 = vector.extract_strided_slice %get3A_1174 {offsets = [5], sizes = [1], strides = [1]} : vector<16xi32> to vector<1xi32>
      %squeeze3A_1226 = vector.extract %slice3A_1225[0] : i32 from vector<1xi32>
      %get3A_1227 = arith.index_cast %squeeze3A_1226 : i32 to index
      %get3A_1228 = tpu.vector_load %arg10[%get3A_1227] {strides = array<i32>} : memref<10240xf32, #tpu.memory_space<vmem>>, vector<16xf32>,
      %get3A_1229 = vector.shape_cast %get3A_1228 : vector<16xf32> to vector<16xf32>
      %add3A_1230 = arith.addf %get3A_1229, %select_n3A : vector<16xf32>
      %swap3A_1231 = arith.index_cast %squeeze3A_1226 : i32 to index
      %swap3A_1232 = tpu.vector_load %arg10[%swap3A_1231] {strides = array<i32>} : memref<10240xf32, #tpu.memory_space<vmem>>, vector<16xf32>,
      %swap3A_1233 = vector.shape_cast %swap3A_1232 : vector<16xf32> to vector<16xf32>
      %swap3A_1234 = vector.shape_cast %add3A_1230 : vector<16xf32> to vector<16xf32>
      tpu.vector_store %arg10[%swap3A_1231], %swap3A_1234 {strides = array<i32>} : memref<10240xf32, #tpu.memory_space<vmem>>, vector<16xf32>,
      %slice3A_1235 = vector.extract_strided_slice %get3A_1174 {offsets = [6], sizes = [1], strides = [1]} : vector<16xi32> to vector<1xi32>
      %squeeze3A_1236 = vector.extract %slice3A_1235[0] : i32 from vector<1xi32>
      %get3A_1237 = arith.index_cast %squeeze3A_1236 : i32 to index
      %get3A_1238 = tpu.vector_load %arg10[%get3A_1237] {strides = array<i32>} : memref<10240xf32, #tpu.memory_space<vmem>>, vector<16xf32>,
      %get3A_1239 = vector.shape_cast %get3A_1238 : vector<16xf32> to vector<16xf32>
      %add3A_1240 = arith.addf %get3A_1239, %select_n3A : vector<16xf32>
      %swap3A_1241 = arith.index_cast %squeeze3A_1236 : i32 to index
      %swap3A_1242 = tpu.vector_load %arg10[%swap3A_1241] {strides = array<i32>} : memref<10240xf32, #tpu.memory_space<vmem>>, vector<16xf32>,
      %swap3A_1243 = vector.shape_cast %swap3A_1242 : vector<16xf32> to vector<16xf32>
      %swap3A_1244 = vector.shape_cast %add3A_1240 : vector<16xf32> to vector<16xf32>
      tpu.vector_store %arg10[%swap3A_1241], %swap3A_1244 {strides = array<i32>} : memref<10240xf32, #tpu.memory_space<vmem>>, vector<16xf32>,
      %slice3A_1245 = vector.extract_strided_slice %get3A_1174 {offsets = [7], sizes = [1], strides = [1]} : vector<16xi32> to vector<1xi32>
      %squeeze3A_1246 = vector.extract %slice3A_1245[0] : i32 from vector<1xi32>
      %get3A_1247 = arith.index_cast %squeeze3A_1246 : i32 to index
      %get3A_1248 = tpu.vector_load %arg10[%get3A_1247] {strides = array<i32>} : memref<10240xf32, #tpu.memory_space<vmem>>, vector<16xf32>,
      %get3A_1249 = vector.shape_cast %get3A_1248 : vector<16xf32> to vector<16xf32>
      %add3A_1250 = arith.addf %get3A_1249, %select_n3A : vector<16xf32>
      %swap3A_1251 = arith.index_cast %squeeze3A_1246 : i32 to index
      %swap3A_1252 = tpu.vector_load %arg10[%swap3A_1251] {strides = array<i32>} : memref<10240xf32, #tpu.memory_space<vmem>>, vector<16xf32>,
      %swap3A_1253 = vector.shape_cast %swap3A_1252 : vector<16xf32> to vector<16xf32>
      %swap3A_1254 = vector.shape_cast %add3A_1250 : vector<16xf32> to vector<16xf32>
      tpu.vector_store %arg10[%swap3A_1251], %swap3A_1254 {strides = array<i32>} : memref<10240xf32, #tpu.memory_space<vmem>>, vector<16xf32>,
      %slice3A_1255 = vector.extract_strided_slice %get3A_1174 {offsets = [8], sizes = [1], strides = [1]} : vector<16xi32> to vector<1xi32>
      %squeeze3A_1256 = vector.extract %slice3A_1255[0] : i32 from vector<1xi32>
      %get3A_1257 = arith.index_cast %squeeze3A_1256 : i32 to index
      %get3A_1258 = tpu.vector_load %arg10[%get3A_1257] {strides = array<i32>} : memref<10240xf32, #tpu.memory_space<vmem>>, vector<16xf32>,
      %get3A_1259 = vector.shape_cast %get3A_1258 : vector<16xf32> to vector<16xf32>
      %add3A_1260 = arith.addf %get3A_1259, %select_n3A : vector<16xf32>
      %swap3A_1261 = arith.index_cast %squeeze3A_1256 : i32 to index
      %swap3A_1262 = tpu.vector_load %arg10[%swap3A_1261] {strides = array<i32>} : memref<10240xf32, #tpu.memory_space<vmem>>, vector<16xf32>,
      %swap3A_1263 = vector.shape_cast %swap3A_1262 : vector<16xf32> to vector<16xf32>
      %swap3A_1264 = vector.shape_cast %add3A_1260 : vector<16xf32> to vector<16xf32>
      tpu.vector_store %arg10[%swap3A_1261], %swap3A_1264 {strides = array<i32>} : memref<10240xf32, #tpu.memory_space<vmem>>, vector<16xf32>,
      %slice3A_1265 = vector.extract_strided_slice %get3A_1174 {offsets = [9], sizes = [1], strides = [1]} : vector<16xi32> to vector<1xi32>
      %squeeze3A_1266 = vector.extract %slice3A_1265[0] : i32 from vector<1xi32>
      %get3A_1267 = arith.index_cast %squeeze3A_1266 : i32 to index
      %get3A_1268 = tpu.vector_load %arg10[%get3A_1267] {strides = array<i32>} : memref<10240xf32, #tpu.memory_space<vmem>>, vector<16xf32>,
      %get3A_1269 = vector.shape_cast %get3A_1268 : vector<16xf32> to vector<16xf32>
      %add3A_1270 = arith.addf %get3A_1269, %select_n3A : vector<16xf32>
      %swap3A_1271 = arith.index_cast %squeeze3A_1266 : i32 to index
      %swap3A_1272 = tpu.vector_load %arg10[%swap3A_1271] {strides = array<i32>} : memref<10240xf32, #tpu.memory_space<vmem>>, vector<16xf32>,
      %swap3A_1273 = vector.shape_cast %swap3A_1272 : vector<16xf32> to vector<16xf32>
      %swap3A_1274 = vector.shape_cast %add3A_1270 : vector<16xf32> to vector<16xf32>
      tpu.vector_store %arg10[%swap3A_1271], %swap3A_1274 {strides = array<i32>} : memref<10240xf32, #tpu.memory_space<vmem>>, vector<16xf32>,
      %slice3A_1275 = vector.extract_strided_slice %get3A_1174 {offsets = [10], sizes = [1], strides = [1]} : vector<16xi32> to vector<1xi32>
      %squeeze3A_1276 = vector.extract %slice3A_1275[0] : i32 from vector<1xi32>
      %get3A_1277 = arith.index_cast %squeeze3A_1276 : i32 to index
      %get3A_1278 = tpu.vector_load %arg10[%get3A_1277] {strides = array<i32>} : memref<10240xf32, #tpu.memory_space<vmem>>, vector<16xf32>,
      %get3A_1279 = vector.shape_cast %get3A_1278 : vector<16xf32> to vector<16xf32>
      %add3A_1280 = arith.addf %get3A_1279, %select_n3A : vector<16xf32>
      %swap3A_1281 = arith.index_cast %squeeze3A_1276 : i32 to index
      %swap3A_1282 = tpu.vector_load %arg10[%swap3A_1281] {strides = array<i32>} : memref<10240xf32, #tpu.memory_space<vmem>>, vector<16xf32>,
      %swap3A_1283 = vector.shape_cast %swap3A_1282 : vector<16xf32> to vector<16xf32>
      %swap3A_1284 = vector.shape_cast %add3A_1280 : vector<16xf32> to vector<16xf32>
      tpu.vector_store %arg10[%swap3A_1281], %swap3A_1284 {strides = array<i32>} : memref<10240xf32, #tpu.memory_space<vmem>>, vector<16xf32>,
      %slice3A_1285 = vector.extract_strided_slice %get3A_1174 {offsets = [11], sizes = [1], strides = [1]} : vector<16xi32> to vector<1xi32>
      %squeeze3A_1286 = vector.extract %slice3A_1285[0] : i32 from vector<1xi32>
      %get3A_1287 = arith.index_cast %squeeze3A_1286 : i32 to index
      %get3A_1288 = tpu.vector_load %arg10[%get3A_1287] {strides = array<i32>} : memref<10240xf32, #tpu.memory_space<vmem>>, vector<16xf32>,
      %get3A_1289 = vector.shape_cast %get3A_1288 : vector<16xf32> to vector<16xf32>
      %add3A_1290 = arith.addf %get3A_1289, %select_n3A : vector<16xf32>
      %swap3A_1291 = arith.index_cast %squeeze3A_1286 : i32 to index
      %swap3A_1292 = tpu.vector_load %arg10[%swap3A_1291] {strides = array<i32>} : memref<10240xf32, #tpu.memory_space<vmem>>, vector<16xf32>,
      %swap3A_1293 = vector.shape_cast %swap3A_1292 : vector<16xf32> to vector<16xf32>
      %swap3A_1294 = vector.shape_cast %add3A_1290 : vector<16xf32> to vector<16xf32>
      tpu.vector_store %arg10[%swap3A_1291], %swap3A_1294 {strides = array<i32>} : memref<10240xf32, #tpu.memory_space<vmem>>, vector<16xf32>,
      %slice3A_1295 = vector.extract_strided_slice %get3A_1174 {offsets = [12], sizes = [1], strides = [1]} : vector<16xi32> to vector<1xi32>
      %squeeze3A_1296 = vector.extract %slice3A_1295[0] : i32 from vector<1xi32>
      %get3A_1297 = arith.index_cast %squeeze3A_1296 : i32 to index
      %get3A_1298 = tpu.vector_load %arg10[%get3A_1297] {strides = array<i32>} : memref<10240xf32, #tpu.memory_space<vmem>>, vector<16xf32>,
      %get3A_1299 = vector.shape_cast %get3A_1298 : vector<16xf32> to vector<16xf32>
      %add3A_1300 = arith.addf %get3A_1299, %select_n3A : vector<16xf32>
      %swap3A_1301 = arith.index_cast %squeeze3A_1296 : i32 to index
      %swap3A_1302 = tpu.vector_load %arg10[%swap3A_1301] {strides = array<i32>} : memref<10240xf32, #tpu.memory_space<vmem>>, vector<16xf32>,
      %swap3A_1303 = vector.shape_cast %swap3A_1302 : vector<16xf32> to vector<16xf32>
      %swap3A_1304 = vector.shape_cast %add3A_1300 : vector<16xf32> to vector<16xf32>
      tpu.vector_store %arg10[%swap3A_1301], %swap3A_1304 {strides = array<i32>} : memref<10240xf32, #tpu.memory_space<vmem>>, vector<16xf32>,
      %slice3A_1305 = vector.extract_strided_slice %get3A_1174 {offsets = [13], sizes = [1], strides = [1]} : vector<16xi32> to vector<1xi32>
      %squeeze3A_1306 = vector.extract %slice3A_1305[0] : i32 from vector<1xi32>
      %get3A_1307 = arith.index_cast %squeeze3A_1306 : i32 to index
      %get3A_1308 = tpu.vector_load %arg10[%get3A_1307] {strides = array<i32>} : memref<10240xf32, #tpu.memory_space<vmem>>, vector<16xf32>,
      %get3A_1309 = vector.shape_cast %get3A_1308 : vector<16xf32> to vector<16xf32>
      %add3A_1310 = arith.addf %get3A_1309, %select_n3A : vector<16xf32>
      %swap3A_1311 = arith.index_cast %squeeze3A_1306 : i32 to index
      %swap3A_1312 = tpu.vector_load %arg10[%swap3A_1311] {strides = array<i32>} : memref<10240xf32, #tpu.memory_space<vmem>>, vector<16xf32>,
      %swap3A_1313 = vector.shape_cast %swap3A_1312 : vector<16xf32> to vector<16xf32>
      %swap3A_1314 = vector.shape_cast %add3A_1310 : vector<16xf32> to vector<16xf32>
      tpu.vector_store %arg10[%swap3A_1311], %swap3A_1314 {strides = array<i32>} : memref<10240xf32, #tpu.memory_space<vmem>>, vector<16xf32>,
      %slice3A_1315 = vector.extract_strided_slice %get3A_1174 {offsets = [14], sizes = [1], strides = [1]} : vector<16xi32> to vector<1xi32>
      %squeeze3A_1316 = vector.extract %slice3A_1315[0] : i32 from vector<1xi32>
      %get3A_1317 = arith.index_cast %squeeze3A_1316 : i32 to index
      %get3A_1318 = tpu.vector_load %arg10[%get3A_1317] {strides = array<i32>} : memref<10240xf32, #tpu.memory_space<vmem>>, vector<16xf32>,
      %get3A_1319 = vector.shape_cast %get3A_1318 : vector<16xf32> to vector<16xf32>
      %add3A_1320 = arith.addf %get3A_1319, %select_n3A : vector<16xf32>
      %swap3A_1321 = arith.index_cast %squeeze3A_1316 : i32 to index
      %swap3A_1322 = tpu.vector_load %arg10[%swap3A_1321] {strides = array<i32>} : memref<10240xf32, #tpu.memory_space<vmem>>, vector<16xf32>,
      %swap3A_1323 = vector.shape_cast %swap3A_1322 : vector<16xf32> to vector<16xf32>
      %swap3A_1324 = vector.shape_cast %add3A_1320 : vector<16xf32> to vector<16xf32>
      tpu.vector_store %arg10[%swap3A_1321], %swap3A_1324 {strides = array<i32>} : memref<10240xf32, #tpu.memory_space<vmem>>, vector<16xf32>,
      %slice3A_1325 = vector.extract_strided_slice %get3A_1174 {offsets = [15], sizes = [1], strides = [1]} : vector<16xi32> to vector<1xi32>
      %squeeze3A_1326 = vector.extract %slice3A_1325[0] : i32 from vector<1xi32>
      %get3A_1327 = arith.index_cast %squeeze3A_1326 : i32 to index
      %get3A_1328 = tpu.vector_load %arg10[%get3A_1327] {strides = array<i32>} : memref<10240xf32, #tpu.memory_space<vmem>>, vector<16xf32>,
      %get3A_1329 = vector.shape_cast %get3A_1328 : vector<16xf32> to vector<16xf32>
      %add3A_1330 = arith.addf %get3A_1329, %select_n3A : vector<16xf32>
      %swap3A_1331 = arith.index_cast %squeeze3A_1326 : i32 to index
      %swap3A_1332 = tpu.vector_load %arg10[%swap3A_1331] {strides = array<i32>} : memref<10240xf32, #tpu.memory_space<vmem>>, vector<16xf32>,
      %swap3A_1333 = vector.shape_cast %swap3A_1332 : vector<16xf32> to vector<16xf32>
      %swap3A_1334 = vector.shape_cast %add3A_1330 : vector<16xf32> to vector<16xf32>
      tpu.vector_store %arg10[%swap3A_1331], %swap3A_1334 {strides = array<i32>} : memref<10240xf32, #tpu.memory_space<vmem>>, vector<16xf32>,
      %get3A_1335 = arith.index_cast %rem3A_111 : i32 to index
      %get3A_1336 = arith.index_cast %rem3A_109 : i32 to index
      %get3A_1337 = arith.constant 112 : index
      %get3A_1338 = tpu.vector_load %arg8[%get3A_1335, %get3A_1336, %get3A_1337] {strides = array<i32>} : memref<2x8x128xi32, #tpu.memory_space<vmem>>, vector<1x1x16xi32>,
      %get3A_1339 = vector.shape_cast %get3A_1338 : vector<1x1x16xi32> to vector<16xi32>
      %slice3A_1340 = vector.extract_strided_slice %get3A_1339 {offsets = [0], sizes = [1], strides = [1]} : vector<16xi32> to vector<1xi32>
      %squeeze3A_1341 = vector.extract %slice3A_1340[0] : i32 from vector<1xi32>
      %get3A_1342 = arith.index_cast %squeeze3A_1341 : i32 to index
      %get3A_1343 = tpu.vector_load %arg10[%get3A_1342] {strides = array<i32>} : memref<10240xf32, #tpu.memory_space<vmem>>, vector<16xf32>,
      %get3A_1344 = vector.shape_cast %get3A_1343 : vector<16xf32> to vector<16xf32>
      %add3A_1345 = arith.addf %get3A_1344, %select_n3A : vector<16xf32>
      %swap3A_1346 = arith.index_cast %squeeze3A_1341 : i32 to index
      %swap3A_1347 = tpu.vector_load %arg10[%swap3A_1346] {strides = array<i32>} : memref<10240xf32, #tpu.memory_space<vmem>>, vector<16xf32>,
      %swap3A_1348 = vector.shape_cast %swap3A_1347 : vector<16xf32> to vector<16xf32>
      %swap3A_1349 = vector.shape_cast %add3A_1345 : vector<16xf32> to vector<16xf32>
      tpu.vector_store %arg10[%swap3A_1346], %swap3A_1349 {strides = array<i32>} : memref<10240xf32, #tpu.memory_space<vmem>>, vector<16xf32>,
      %slice3A_1350 = vector.extract_strided_slice %get3A_1339 {offsets = [1], sizes = [1], strides = [1]} : vector<16xi32> to vector<1xi32>
      %squeeze3A_1351 = vector.extract %slice3A_1350[0] : i32 from vector<1xi32>
      %get3A_1352 = arith.index_cast %squeeze3A_1351 : i32 to index
      %get3A_1353 = tpu.vector_load %arg10[%get3A_1352] {strides = array<i32>} : memref<10240xf32, #tpu.memory_space<vmem>>, vector<16xf32>,
      %get3A_1354 = vector.shape_cast %get3A_1353 : vector<16xf32> to vector<16xf32>
      %add3A_1355 = arith.addf %get3A_1354, %select_n3A : vector<16xf32>
      %swap3A_1356 = arith.index_cast %squeeze3A_1351 : i32 to index
      %swap3A_1357 = tpu.vector_load %arg10[%swap3A_1356] {strides = array<i32>} : memref<10240xf32, #tpu.memory_space<vmem>>, vector<16xf32>,
      %swap3A_1358 = vector.shape_cast %swap3A_1357 : vector<16xf32> to vector<16xf32>
      %swap3A_1359 = vector.shape_cast %add3A_1355 : vector<16xf32> to vector<16xf32>
      tpu.vector_store %arg10[%swap3A_1356], %swap3A_1359 {strides = array<i32>} : memref<10240xf32, #tpu.memory_space<vmem>>, vector<16xf32>,
      %slice3A_1360 = vector.extract_strided_slice %get3A_1339 {offsets = [2], sizes = [1], strides = [1]} : vector<16xi32> to vector<1xi32>
      %squeeze3A_1361 = vector.extract %slice3A_1360[0] : i32 from vector<1xi32>
      %get3A_1362 = arith.index_cast %squeeze3A_1361 : i32 to index
      %get3A_1363 = tpu.vector_load %arg10[%get3A_1362] {strides = array<i32>} : memref<10240xf32, #tpu.memory_space<vmem>>, vector<16xf32>,
      %get3A_1364 = vector.shape_cast %get3A_1363 : vector<16xf32> to vector<16xf32>
      %add3A_1365 = arith.addf %get3A_1364, %select_n3A : vector<16xf32>
      %swap3A_1366 = arith.index_cast %squeeze3A_1361 : i32 to index
      %swap3A_1367 = tpu.vector_load %arg10[%swap3A_1366] {strides = array<i32>} : memref<10240xf32, #tpu.memory_space<vmem>>, vector<16xf32>,
      %swap3A_1368 = vector.shape_cast %swap3A_1367 : vector<16xf32> to vector<16xf32>
      %swap3A_1369 = vector.shape_cast %add3A_1365 : vector<16xf32> to vector<16xf32>
      tpu.vector_store %arg10[%swap3A_1366], %swap3A_1369 {strides = array<i32>} : memref<10240xf32, #tpu.memory_space<vmem>>, vector<16xf32>,
      %slice3A_1370 = vector.extract_strided_slice %get3A_1339 {offsets = [3], sizes = [1], strides = [1]} : vector<16xi32> to vector<1xi32>
      %squeeze3A_1371 = vector.extract %slice3A_1370[0] : i32 from vector<1xi32>
      %get3A_1372 = arith.index_cast %squeeze3A_1371 : i32 to index
      %get3A_1373 = tpu.vector_load %arg10[%get3A_1372] {strides = array<i32>} : memref<10240xf32, #tpu.memory_space<vmem>>, vector<16xf32>,
      %get3A_1374 = vector.shape_cast %get3A_1373 : vector<16xf32> to vector<16xf32>
      %add3A_1375 = arith.addf %get3A_1374, %select_n3A : vector<16xf32>
      %swap3A_1376 = arith.index_cast %squeeze3A_1371 : i32 to index
      %swap3A_1377 = tpu.vector_load %arg10[%swap3A_1376] {strides = array<i32>} : memref<10240xf32, #tpu.memory_space<vmem>>, vector<16xf32>,
      %swap3A_1378 = vector.shape_cast %swap3A_1377 : vector<16xf32> to vector<16xf32>
      %swap3A_1379 = vector.shape_cast %add3A_1375 : vector<16xf32> to vector<16xf32>
      tpu.vector_store %arg10[%swap3A_1376], %swap3A_1379 {strides = array<i32>} : memref<10240xf32, #tpu.memory_space<vmem>>, vector<16xf32>,
      %slice3A_1380 = vector.extract_strided_slice %get3A_1339 {offsets = [4], sizes = [1], strides = [1]} : vector<16xi32> to vector<1xi32>
      %squeeze3A_1381 = vector.extract %slice3A_1380[0] : i32 from vector<1xi32>
      %get3A_1382 = arith.index_cast %squeeze3A_1381 : i32 to index
      %get3A_1383 = tpu.vector_load %arg10[%get3A_1382] {strides = array<i32>} : memref<10240xf32, #tpu.memory_space<vmem>>, vector<16xf32>,
      %get3A_1384 = vector.shape_cast %get3A_1383 : vector<16xf32> to vector<16xf32>
      %add3A_1385 = arith.addf %get3A_1384, %select_n3A : vector<16xf32>
      %swap3A_1386 = arith.index_cast %squeeze3A_1381 : i32 to index
      %swap3A_1387 = tpu.vector_load %arg10[%swap3A_1386] {strides = array<i32>} : memref<10240xf32, #tpu.memory_space<vmem>>, vector<16xf32>,
      %swap3A_1388 = vector.shape_cast %swap3A_1387 : vector<16xf32> to vector<16xf32>
      %swap3A_1389 = vector.shape_cast %add3A_1385 : vector<16xf32> to vector<16xf32>
      tpu.vector_store %arg10[%swap3A_1386], %swap3A_1389 {strides = array<i32>} : memref<10240xf32, #tpu.memory_space<vmem>>, vector<16xf32>,
      %slice3A_1390 = vector.extract_strided_slice %get3A_1339 {offsets = [5], sizes = [1], strides = [1]} : vector<16xi32> to vector<1xi32>
      %squeeze3A_1391 = vector.extract %slice3A_1390[0] : i32 from vector<1xi32>
      %get3A_1392 = arith.index_cast %squeeze3A_1391 : i32 to index
      %get3A_1393 = tpu.vector_load %arg10[%get3A_1392] {strides = array<i32>} : memref<10240xf32, #tpu.memory_space<vmem>>, vector<16xf32>,
      %get3A_1394 = vector.shape_cast %get3A_1393 : vector<16xf32> to vector<16xf32>
      %add3A_1395 = arith.addf %get3A_1394, %select_n3A : vector<16xf32>
      %swap3A_1396 = arith.index_cast %squeeze3A_1391 : i32 to index
      %swap3A_1397 = tpu.vector_load %arg10[%swap3A_1396] {strides = array<i32>} : memref<10240xf32, #tpu.memory_space<vmem>>, vector<16xf32>,
      %swap3A_1398 = vector.shape_cast %swap3A_1397 : vector<16xf32> to vector<16xf32>
      %swap3A_1399 = vector.shape_cast %add3A_1395 : vector<16xf32> to vector<16xf32>
      tpu.vector_store %arg10[%swap3A_1396], %swap3A_1399 {strides = array<i32>} : memref<10240xf32, #tpu.memory_space<vmem>>, vector<16xf32>,
      %slice3A_1400 = vector.extract_strided_slice %get3A_1339 {offsets = [6], sizes = [1], strides = [1]} : vector<16xi32> to vector<1xi32>
      %squeeze3A_1401 = vector.extract %slice3A_1400[0] : i32 from vector<1xi32>
      %get3A_1402 = arith.index_cast %squeeze3A_1401 : i32 to index
      %get3A_1403 = tpu.vector_load %arg10[%get3A_1402] {strides = array<i32>} : memref<10240xf32, #tpu.memory_space<vmem>>, vector<16xf32>,
      %get3A_1404 = vector.shape_cast %get3A_1403 : vector<16xf32> to vector<16xf32>
      %add3A_1405 = arith.addf %get3A_1404, %select_n3A : vector<16xf32>
      %swap3A_1406 = arith.index_cast %squeeze3A_1401 : i32 to index
      %swap3A_1407 = tpu.vector_load %arg10[%swap3A_1406] {strides = array<i32>} : memref<10240xf32, #tpu.memory_space<vmem>>, vector<16xf32>,
      %swap3A_1408 = vector.shape_cast %swap3A_1407 : vector<16xf32> to vector<16xf32>
      %swap3A_1409 = vector.shape_cast %add3A_1405 : vector<16xf32> to vector<16xf32>
      tpu.vector_store %arg10[%swap3A_1406], %swap3A_1409 {strides = array<i32>} : memref<10240xf32, #tpu.memory_space<vmem>>, vector<16xf32>,
      %slice3A_1410 = vector.extract_strided_slice %get3A_1339 {offsets = [7], sizes = [1], strides = [1]} : vector<16xi32> to vector<1xi32>
      %squeeze3A_1411 = vector.extract %slice3A_1410[0] : i32 from vector<1xi32>
      %get3A_1412 = arith.index_cast %squeeze3A_1411 : i32 to index
      %get3A_1413 = tpu.vector_load %arg10[%get3A_1412] {strides = array<i32>} : memref<10240xf32, #tpu.memory_space<vmem>>, vector<16xf32>,
      %get3A_1414 = vector.shape_cast %get3A_1413 : vector<16xf32> to vector<16xf32>
      %add3A_1415 = arith.addf %get3A_1414, %select_n3A : vector<16xf32>
      %swap3A_1416 = arith.index_cast %squeeze3A_1411 : i32 to index
      %swap3A_1417 = tpu.vector_load %arg10[%swap3A_1416] {strides = array<i32>} : memref<10240xf32, #tpu.memory_space<vmem>>, vector<16xf32>,
      %swap3A_1418 = vector.shape_cast %swap3A_1417 : vector<16xf32> to vector<16xf32>
      %swap3A_1419 = vector.shape_cast %add3A_1415 : vector<16xf32> to vector<16xf32>
      tpu.vector_store %arg10[%swap3A_1416], %swap3A_1419 {strides = array<i32>} : memref<10240xf32, #tpu.memory_space<vmem>>, vector<16xf32>,
      %slice3A_1420 = vector.extract_strided_slice %get3A_1339 {offsets = [8], sizes = [1], strides = [1]} : vector<16xi32> to vector<1xi32>
      %squeeze3A_1421 = vector.extract %slice3A_1420[0] : i32 from vector<1xi32>
      %get3A_1422 = arith.index_cast %squeeze3A_1421 : i32 to index
      %get3A_1423 = tpu.vector_load %arg10[%get3A_1422] {strides = array<i32>} : memref<10240xf32, #tpu.memory_space<vmem>>, vector<16xf32>,
      %get3A_1424 = vector.shape_cast %get3A_1423 : vector<16xf32> to vector<16xf32>
      %add3A_1425 = arith.addf %get3A_1424, %select_n3A : vector<16xf32>
      %swap3A_1426 = arith.index_cast %squeeze3A_1421 : i32 to index
      %swap3A_1427 = tpu.vector_load %arg10[%swap3A_1426] {strides = array<i32>} : memref<10240xf32, #tpu.memory_space<vmem>>, vector<16xf32>,
      %swap3A_1428 = vector.shape_cast %swap3A_1427 : vector<16xf32> to vector<16xf32>
      %swap3A_1429 = vector.shape_cast %add3A_1425 : vector<16xf32> to vector<16xf32>
      tpu.vector_store %arg10[%swap3A_1426], %swap3A_1429 {strides = array<i32>} : memref<10240xf32, #tpu.memory_space<vmem>>, vector<16xf32>,
      %slice3A_1430 = vector.extract_strided_slice %get3A_1339 {offsets = [9], sizes = [1], strides = [1]} : vector<16xi32> to vector<1xi32>
      %squeeze3A_1431 = vector.extract %slice3A_1430[0] : i32 from vector<1xi32>
      %get3A_1432 = arith.index_cast %squeeze3A_1431 : i32 to index
      %get3A_1433 = tpu.vector_load %arg10[%get3A_1432] {strides = array<i32>} : memref<10240xf32, #tpu.memory_space<vmem>>, vector<16xf32>,
      %get3A_1434 = vector.shape_cast %get3A_1433 : vector<16xf32> to vector<16xf32>
      %add3A_1435 = arith.addf %get3A_1434, %select_n3A : vector<16xf32>
      %swap3A_1436 = arith.index_cast %squeeze3A_1431 : i32 to index
      %swap3A_1437 = tpu.vector_load %arg10[%swap3A_1436] {strides = array<i32>} : memref<10240xf32, #tpu.memory_space<vmem>>, vector<16xf32>,
      %swap3A_1438 = vector.shape_cast %swap3A_1437 : vector<16xf32> to vector<16xf32>
      %swap3A_1439 = vector.shape_cast %add3A_1435 : vector<16xf32> to vector<16xf32>
      tpu.vector_store %arg10[%swap3A_1436], %swap3A_1439 {strides = array<i32>} : memref<10240xf32, #tpu.memory_space<vmem>>, vector<16xf32>,
      %slice3A_1440 = vector.extract_strided_slice %get3A_1339 {offsets = [10], sizes = [1], strides = [1]} : vector<16xi32> to vector<1xi32>
      %squeeze3A_1441 = vector.extract %slice3A_1440[0] : i32 from vector<1xi32>
      %get3A_1442 = arith.index_cast %squeeze3A_1441 : i32 to index
      %get3A_1443 = tpu.vector_load %arg10[%get3A_1442] {strides = array<i32>} : memref<10240xf32, #tpu.memory_space<vmem>>, vector<16xf32>,
      %get3A_1444 = vector.shape_cast %get3A_1443 : vector<16xf32> to vector<16xf32>
      %add3A_1445 = arith.addf %get3A_1444, %select_n3A : vector<16xf32>
      %swap3A_1446 = arith.index_cast %squeeze3A_1441 : i32 to index
      %swap3A_1447 = tpu.vector_load %arg10[%swap3A_1446] {strides = array<i32>} : memref<10240xf32, #tpu.memory_space<vmem>>, vector<16xf32>,
      %swap3A_1448 = vector.shape_cast %swap3A_1447 : vector<16xf32> to vector<16xf32>
      %swap3A_1449 = vector.shape_cast %add3A_1445 : vector<16xf32> to vector<16xf32>
      tpu.vector_store %arg10[%swap3A_1446], %swap3A_1449 {strides = array<i32>} : memref<10240xf32, #tpu.memory_space<vmem>>, vector<16xf32>,
      %slice3A_1450 = vector.extract_strided_slice %get3A_1339 {offsets = [11], sizes = [1], strides = [1]} : vector<16xi32> to vector<1xi32>
      %squeeze3A_1451 = vector.extract %slice3A_1450[0] : i32 from vector<1xi32>
      %get3A_1452 = arith.index_cast %squeeze3A_1451 : i32 to index
      %get3A_1453 = tpu.vector_load %arg10[%get3A_1452] {strides = array<i32>} : memref<10240xf32, #tpu.memory_space<vmem>>, vector<16xf32>,
      %get3A_1454 = vector.shape_cast %get3A_1453 : vector<16xf32> to vector<16xf32>
      %add3A_1455 = arith.addf %get3A_1454, %select_n3A : vector<16xf32>
      %swap3A_1456 = arith.index_cast %squeeze3A_1451 : i32 to index
      %swap3A_1457 = tpu.vector_load %arg10[%swap3A_1456] {strides = array<i32>} : memref<10240xf32, #tpu.memory_space<vmem>>, vector<16xf32>,
      %swap3A_1458 = vector.shape_cast %swap3A_1457 : vector<16xf32> to vector<16xf32>
      %swap3A_1459 = vector.shape_cast %add3A_1455 : vector<16xf32> to vector<16xf32>
      tpu.vector_store %arg10[%swap3A_1456], %swap3A_1459 {strides = array<i32>} : memref<10240xf32, #tpu.memory_space<vmem>>, vector<16xf32>,
      %slice3A_1460 = vector.extract_strided_slice %get3A_1339 {offsets = [12], sizes = [1], strides = [1]} : vector<16xi32> to vector<1xi32>
      %squeeze3A_1461 = vector.extract %slice3A_1460[0] : i32 from vector<1xi32>
      %get3A_1462 = arith.index_cast %squeeze3A_1461 : i32 to index
      %get3A_1463 = tpu.vector_load %arg10[%get3A_1462] {strides = array<i32>} : memref<10240xf32, #tpu.memory_space<vmem>>, vector<16xf32>,
      %get3A_1464 = vector.shape_cast %get3A_1463 : vector<16xf32> to vector<16xf32>
      %add3A_1465 = arith.addf %get3A_1464, %select_n3A : vector<16xf32>
      %swap3A_1466 = arith.index_cast %squeeze3A_1461 : i32 to index
      %swap3A_1467 = tpu.vector_load %arg10[%swap3A_1466] {strides = array<i32>} : memref<10240xf32, #tpu.memory_space<vmem>>, vector<16xf32>,
      %swap3A_1468 = vector.shape_cast %swap3A_1467 : vector<16xf32> to vector<16xf32>
      %swap3A_1469 = vector.shape_cast %add3A_1465 : vector<16xf32> to vector<16xf32>
      tpu.vector_store %arg10[%swap3A_1466], %swap3A_1469 {strides = array<i32>} : memref<10240xf32, #tpu.memory_space<vmem>>, vector<16xf32>,
      %slice3A_1470 = vector.extract_strided_slice %get3A_1339 {offsets = [13], sizes = [1], strides = [1]} : vector<16xi32> to vector<1xi32>
      %squeeze3A_1471 = vector.extract %slice3A_1470[0] : i32 from vector<1xi32>
      %get3A_1472 = arith.index_cast %squeeze3A_1471 : i32 to index
      %get3A_1473 = tpu.vector_load %arg10[%get3A_1472] {strides = array<i32>} : memref<10240xf32, #tpu.memory_space<vmem>>, vector<16xf32>,
      %get3A_1474 = vector.shape_cast %get3A_1473 : vector<16xf32> to vector<16xf32>
      %add3A_1475 = arith.addf %get3A_1474, %select_n3A : vector<16xf32>
      %swap3A_1476 = arith.index_cast %squeeze3A_1471 : i32 to index
      %swap3A_1477 = tpu.vector_load %arg10[%swap3A_1476] {strides = array<i32>} : memref<10240xf32, #tpu.memory_space<vmem>>, vector<16xf32>,
      %swap3A_1478 = vector.shape_cast %swap3A_1477 : vector<16xf32> to vector<16xf32>
      %swap3A_1479 = vector.shape_cast %add3A_1475 : vector<16xf32> to vector<16xf32>
      tpu.vector_store %arg10[%swap3A_1476], %swap3A_1479 {strides = array<i32>} : memref<10240xf32, #tpu.memory_space<vmem>>, vector<16xf32>,
      %slice3A_1480 = vector.extract_strided_slice %get3A_1339 {offsets = [14], sizes = [1], strides = [1]} : vector<16xi32> to vector<1xi32>
      %squeeze3A_1481 = vector.extract %slice3A_1480[0] : i32 from vector<1xi32>
      %get3A_1482 = arith.index_cast %squeeze3A_1481 : i32 to index
      %get3A_1483 = tpu.vector_load %arg10[%get3A_1482] {strides = array<i32>} : memref<10240xf32, #tpu.memory_space<vmem>>, vector<16xf32>,
      %get3A_1484 = vector.shape_cast %get3A_1483 : vector<16xf32> to vector<16xf32>
      %add3A_1485 = arith.addf %get3A_1484, %select_n3A : vector<16xf32>
      %swap3A_1486 = arith.index_cast %squeeze3A_1481 : i32 to index
      %swap3A_1487 = tpu.vector_load %arg10[%swap3A_1486] {strides = array<i32>} : memref<10240xf32, #tpu.memory_space<vmem>>, vector<16xf32>,
      %swap3A_1488 = vector.shape_cast %swap3A_1487 : vector<16xf32> to vector<16xf32>
      %swap3A_1489 = vector.shape_cast %add3A_1485 : vector<16xf32> to vector<16xf32>
      tpu.vector_store %arg10[%swap3A_1486], %swap3A_1489 {strides = array<i32>} : memref<10240xf32, #tpu.memory_space<vmem>>, vector<16xf32>,
      %slice3A_1490 = vector.extract_strided_slice %get3A_1339 {offsets = [15], sizes = [1], strides = [1]} : vector<16xi32> to vector<1xi32>
      %squeeze3A_1491 = vector.extract %slice3A_1490[0] : i32 from vector<1xi32>
      %get3A_1492 = arith.index_cast %squeeze3A_1491 : i32 to index
      %get3A_1493 = tpu.vector_load %arg10[%get3A_1492] {strides = array<i32>} : memref<10240xf32, #tpu.memory_space<vmem>>, vector<16xf32>,
      %get3A_1494 = vector.shape_cast %get3A_1493 : vector<16xf32> to vector<16xf32>
      %add3A_1495 = arith.addf %get3A_1494, %select_n3A : vector<16xf32>
      %swap3A_1496 = arith.index_cast %squeeze3A_1491 : i32 to index
      %swap3A_1497 = tpu.vector_load %arg10[%swap3A_1496] {strides = array<i32>} : memref<10240xf32, #tpu.memory_space<vmem>>, vector<16xf32>,
      %swap3A_1498 = vector.shape_cast %swap3A_1497 : vector<16xf32> to vector<16xf32>
      %swap3A_1499 = vector.shape_cast %add3A_1495 : vector<16xf32> to vector<16xf32>
      tpu.vector_store %arg10[%swap3A_1496], %swap3A_1499 {strides = array<i32>} : memref<10240xf32, #tpu.memory_space<vmem>>, vector<16xf32>,
      %dma_wait3A_1500 = arith.constant 0 : i32
      %dma_wait3A_1501 = arith.constant 0 : i32
      %dma_wait3A_1502 = arith.constant 0 : i32
      %dma_wait3A_1503 = arith.constant 0 : i32
      %dma_wait3A_1504 = arith.constant 0 : i32
      %dma_wait3A_1505 = tpu.memref_slice %arg9[%dma_wait3A_1502, %dma_wait3A_1503, %dma_wait3A_1504] : memref<2x128x128xf32, #tpu.memory_space<vmem>> -> memref<1x128x128xf32, #tpu.memory_space<vmem>>
      %dma_wait3A_1506 = tpu.memref_squeeze %dma_wait3A_1505 : memref<1x128x128xf32, #tpu.memory_space<vmem>> -> memref<128x128xf32, #tpu.memory_space<vmem>>
      %dma_wait3A_1507 = arith.constant 0 : i32
      %dma_wait3A_1508 = arith.constant 0 : i32
      %dma_wait3A_1509 = tpu.memref_slice %arg7[%dma_wait3A_1500, %dma_wait3A_1507, %dma_wait3A_1508] : memref<2x8x128xi32, #tpu.memory_space<vmem>> -> memref<1x8x128xi32, #tpu.memory_space<vmem>>
      %dma_wait3A_1510 = tpu.memref_squeeze %dma_wait3A_1509 : memref<1x8x128xi32, #tpu.memory_space<vmem>> -> memref<8x128xi32, #tpu.memory_space<vmem>>
      %dma_wait3A_1511 = arith.constant 0 : i32
      %dma_wait3A_1512 = tpu.memref_slice %dma_wait3A_1510[%dma_wait3A_1501, %dma_wait3A_1511] : memref<8x128xi32, #tpu.memory_space<vmem>> -> memref<1x128xi32, #tpu.memory_space<vmem>>
      %dma_wait3A_1513 = tpu.memref_squeeze %dma_wait3A_1512 : memref<1x128xi32, #tpu.memory_space<vmem>> -> memref<128xi32, #tpu.memory_space<vmem>>
      %dma_wait3A_1514 = arith.constant 0 : i32
      %dma_wait3A_1515 = arith.constant 0 : i32
      %dma_wait3A_1516 = tpu.memref_slice %arg2[%dma_wait3A_1514, %dma_wait3A_1515] : memref<10000x128xf32, #tpu.memory_space<hbm>> -> memref<10000x128xf32, #tpu.memory_space<hbm>>
      tpu.wait_indirect_dma semaphore(%arg13 : memref<!tpu.dma_semaphore, #tpu.memory_space<semaphore_mem>>) src(%dma_wait3A_1516 : memref<10000x128xf32, #tpu.memory_space<hbm>>) dst(%dma_wait3A_1506 : memref<128x128xf32, #tpu.memory_space<vmem>>)
      %add3A_1517 = arith.constant 1 : i32
      %add3A_1518 = arith.addi %scan3A_89, %add3A_1517 : i32
      %lt3A_1519 = arith.constant 80 : i32
      %lt3A_1520 = arith.cmpi slt, %add3A_1518, %lt3A_1519 : i32
      %convert_element_type3A_1521 = arith.extui %lt3A_1520 : i1 to i32
      %cond3A_1522 = arith.constant 0 : i32
      %cond3A_1523 = arith.cmpi ne, %convert_element_type3A_1521, %cond3A_1522 : i32
      scf.if %cond3A_1523 {
        %dma_wait3A_1524 = arith.constant 0 : i32
        %dma_wait3A_1525 = arith.constant 0 : i32
        %dma_wait3A_1526 = arith.constant 0 : i32
        %dma_wait3A_1527 = arith.constant 0 : i32
        %dma_wait3A_1528 = arith.constant 0 : i32
        %dma_wait3A_1529 = tpu.memref_slice %arg9[%dma_wait3A_1526, %dma_wait3A_1527, %dma_wait3A_1528] : memref<2x128x128xf32, #tpu.memory_space<vmem>> -> memref<1x128x128xf32, #tpu.memory_space<vmem>>
        %dma_wait3A_1530 = tpu.memref_squeeze %dma_wait3A_1529 : memref<1x128x128xf32, #tpu.memory_space<vmem>> -> memref<128x128xf32, #tpu.memory_space<vmem>>
        %dma_wait3A_1531 = arith.constant 0 : i32
        %dma_wait3A_1532 = arith.constant 0 : i32
        %dma_wait3A_1533 = tpu.memref_slice %arg7[%dma_wait3A_1524, %dma_wait3A_1531, %dma_wait3A_1532] : memref<2x8x128xi32, #tpu.memory_space<vmem>> -> memref<1x8x128xi32, #tpu.memory_space<vmem>>
        %dma_wait3A_1534 = tpu.memref_squeeze %dma_wait3A_1533 : memref<1x8x128xi32, #tpu.memory_space<vmem>> -> memref<8x128xi32, #tpu.memory_space<vmem>>
        %dma_wait3A_1535 = arith.constant 0 : i32
        %dma_wait3A_1536 = tpu.memref_slice %dma_wait3A_1534[%dma_wait3A_1525, %dma_wait3A_1535] : memref<8x128xi32, #tpu.memory_space<vmem>> -> memref<1x128xi32, #tpu.memory_space<vmem>>
        %dma_wait3A_1537 = tpu.memref_squeeze %dma_wait3A_1536 : memref<1x128xi32, #tpu.memory_space<vmem>> -> memref<128xi32, #tpu.memory_space<vmem>>
        %dma_wait3A_1538 = arith.constant 0 : i32
        %dma_wait3A_1539 = arith.constant 0 : i32
        %dma_wait3A_1540 = tpu.memref_slice %arg2[%dma_wait3A_1538, %dma_wait3A_1539] : memref<10000x128xf32, #tpu.memory_space<hbm>> -> memref<10000x128xf32, #tpu.memory_space<hbm>>
        tpu.wait_indirect_dma semaphore(%arg12 : memref<!tpu.dma_semaphore, #tpu.memory_space<semaphore_mem>>) src(%dma_wait3A_1540 : memref<10000x128xf32, #tpu.memory_space<hbm>>) dst(%dma_wait3A_1530 : memref<128x128xf32, #tpu.memory_space<vmem>>)
      } else {
      }
    }
    %scan3A_83 = arith.constant 80 : i32
    %barrier3A_84 = arith.constant 0 : index
    tpu.barrier barrier_id(%barrier3A_84)
    %mul3A_85 = arith.constant 640 : i32
    %mul3A_86 = arith.muli %arg1, %mul3A_85 : i32
    %mul3A_87 = arith.constant 640 : i32
    %mul3A_88 = arith.muli %arg1, %mul3A_87 : i32
    "tpu.region"() ({
      %run_scoped3A_89 = tpu.sem_alloc : memref<!tpu.dma_semaphore, #tpu.memory_space<semaphore_mem>>
      %dma_start3A_90 = arith.constant 0 : i32
      %dma_start3A_91 = tpu.memref_slice %arg5[%arg0, %mul3A_88, %dma_start3A_90] : memref<2x10240x128xf32, #tpu.memory_space<hbm>> -> memref<1x640x128xf32, #tpu.memory_space<hbm>>
      %dma_start3A_92 = tpu.memref_squeeze %dma_start3A_91 : memref<1x640x128xf32, #tpu.memory_space<hbm>> -> memref<640x128xf32, #tpu.memory_space<hbm>>
      %dma_start3A_93 = arith.constant 0 : i32
      %dma_start3A_94 = tpu.memref_slice %arg11[%mul3A_86, %dma_start3A_93] : memref<10240x128xf32, #tpu.memory_space<vmem_shared>> -> memref<640x128xf32, #tpu.memory_space<vmem_shared>>
      tpu.enqueue_dma source(%dma_start3A_94 : memref<640x128xf32, #tpu.memory_space<vmem_shared>>) target(%dma_start3A_92 : memref<640x128xf32, #tpu.memory_space<hbm>>) target_semaphore(%run_scoped3A_89 : memref<!tpu.dma_semaphore, #tpu.memory_space<semaphore_mem>>)
      %dma_wait3A_95 = arith.constant 0 : i32
      %dma_wait3A_96 = tpu.memref_slice %arg5[%arg0, %mul3A_88, %dma_wait3A_95] : memref<2x10240x128xf32, #tpu.memory_space<hbm>> -> memref<1x640x128xf32, #tpu.memory_space<hbm>>
      %dma_wait3A_97 = tpu.memref_squeeze %dma_wait3A_96 : memref<1x640x128xf32, #tpu.memory_space<hbm>> -> memref<640x128xf32, #tpu.memory_space<hbm>>
      %dma_wait3A_98 = arith.constant 0 : i32
      %dma_wait3A_99 = tpu.memref_slice %arg11[%mul3A_86, %dma_wait3A_98] : memref<10240x128xf32, #tpu.memory_space<vmem_shared>> -> memref<640x128xf32, #tpu.memory_space<vmem_shared>>
      tpu.wait_dma2 semaphore(%run_scoped3A_89 : memref<!tpu.dma_semaphore, #tpu.memory_space<semaphore_mem>>) src(%dma_wait3A_99 : memref<640x128xf32, #tpu.memory_space<vmem_shared>>) dst(%dma_wait3A_97 : memref<640x128xf32, #tpu.memory_space<hbm>>)
      tpu.yield
    }) : () -> ()
    "tpu.region"() ({
      %run_scoped3A_89 = tpu.sem_alloc : memref<!tpu.dma_semaphore, #tpu.memory_space<semaphore_mem>>
      %dma_start3A_90 = arith.constant 0 : i32
      %dma_start3A_91 = tpu.memref_slice %arg6[%add3A, %dma_start3A_90] : memref<32x10240xf32, #tpu.memory_space<hbm>> -> memref<1x10240xf32, #tpu.memory_space<hbm>>
      %dma_start3A_92 = tpu.memref_squeeze %dma_start3A_91 : memref<1x10240xf32, #tpu.memory_space<hbm>> -> memref<10240xf32, #tpu.memory_space<hbm>>
      %dma_start3A_93 = arith.constant 0 : i32
      %dma_start3A_94 = tpu.memref_slice %arg6[%add3A, %dma_start3A_93] : memref<32x10240xf32, #tpu.memory_space<hbm>> -> memref<1x10240xf32, #tpu.memory_space<hbm>>
      %dma_start3A_95 = tpu.memref_squeeze %dma_start3A_94 : memref<1x10240xf32, #tpu.memory_space<hbm>> -> memref<10240xf32, #tpu.memory_space<hbm>>
      tpu.enqueue_dma source(%arg10 : memref<10240xf32, #tpu.memory_space<vmem>>) target(%dma_start3A_95 : memref<10240xf32, #tpu.memory_space<hbm>>) target_semaphore(%run_scoped3A_89 : memref<!tpu.dma_semaphore, #tpu.memory_space<semaphore_mem>>)
      %dma_wait3A_96 = arith.constant 0 : i32
      %dma_wait3A_97 = tpu.memref_slice %arg6[%add3A, %dma_wait3A_96] : memref<32x10240xf32, #tpu.memory_space<hbm>> -> memref<1x10240xf32, #tpu.memory_space<hbm>>
      %dma_wait3A_98 = tpu.memref_squeeze %dma_wait3A_97 : memref<1x10240xf32, #tpu.memory_space<hbm>> -> memref<10240xf32, #tpu.memory_space<hbm>>
      %dma_wait3A_99 = arith.constant 0 : i32
      %dma_wait3A_100 = tpu.memref_slice %arg6[%add3A, %dma_wait3A_99] : memref<32x10240xf32, #tpu.memory_space<hbm>> -> memref<1x10240xf32, #tpu.memory_space<hbm>>
      %dma_wait3A_101 = tpu.memref_squeeze %dma_wait3A_100 : memref<1x10240xf32, #tpu.memory_space<hbm>> -> memref<10240xf32, #tpu.memory_space<hbm>>
      tpu.wait_dma2 semaphore(%run_scoped3A_89 : memref<!tpu.dma_semaphore, #tpu.memory_space<semaphore_mem>>) src(%arg10 : memref<10240xf32, #tpu.memory_space<vmem>>) dst(%dma_wait3A_101 : memref<10240xf32, #tpu.memory_space<hbm>>)
      tpu.yield
    }) : () -> ()
    return
  }
}

#map = affine_map<(d0, d1) -> (0, 0)>
#map1 = affine_map<(d0, d1) -> (0, 0, 0, 0)>
#map2 = affine_map<(d0, d1) -> (0, 0, 0)>
module attributes {stable_mosaic.version = 14 : i64} {
  func.func @agg(%arg0: i32, %arg1: i32, %arg2: memref<10000x128xf32, #tpu.memory_space<hbm>>, %arg3: memref<32x10x8x128xi32, #tpu.memory_space<hbm>>, %arg4: memref<32x10x8x128xi32, #tpu.memory_space<hbm>>, %arg5: memref<2x10240x128xf32, #tpu.memory_space<hbm>>, %arg6: memref<2x8x128xi32, #tpu.memory_space<vmem>>, %arg7: memref<2x8x128xi32, #tpu.memory_space<vmem>>, %arg8: memref<2x128x128xf32, #tpu.memory_space<vmem>>, %arg9: memref<10240x128xf32, #tpu.memory_space<vmem_shared>>, %arg10: memref<!tpu.dma_semaphore, #tpu.memory_space<semaphore_mem>>, %arg11: memref<!tpu.dma_semaphore, #tpu.memory_space<semaphore_mem>>, %arg12: memref<!tpu.dma_semaphore, #tpu.memory_space<semaphore_mem>>) attributes {dimension_semantics = [#tpu.dimension_semantics<core_parallel>, #tpu.dimension_semantics<subcore_parallel>], iteration_bounds = array<i64: 2, 16>, scalar_prefetch = 0 : i64, scratch_operands = 7 : i64, tpu.core_type = #tpu.core_type<sc_vector_subcore>, window_params = [{transform_indices = #map}, {transform_indices = #map1}, {transform_indices = #map1}, {transform_indices = #map2}]} {
    %mul3A = arith.constant 16 : i32
    %mul3A_0 = arith.muli %arg0, %mul3A : i32
    %add3A = arith.addi %mul3A_0, %arg1 : i32
    %broadcast_in_dim3A = arith.constant 0.000000e+00 : f32
    %broadcast_in_dim3A_1 = vector.broadcast %broadcast_in_dim3A : f32 to vector<16xf32>
    %scan3A = arith.constant 0 : i32
    %scan3A_2 = arith.constant 0 : i32
    %scan3A_3 = arith.constant 128 : i32
    %scan3A_4 = arith.addi %scan3A_2, %scan3A_3 : i32
    %scan3A_5 = arith.constant 1 : i32
    scf.for %scan3A_83 = %scan3A_2 to %scan3A_4 step %scan3A_5  : i32 {
      %swap3A = arith.constant 0 : i32
      %swap3A_84 = arith.index_cast %swap3A : i32 to index
      %swap3A_85 = arith.index_cast %scan3A_83 : i32 to index
      %swap3A_86 = arith.constant 0 : index
      %swap3A_87 = tpu.vector_load %arg8[%swap3A_84, %swap3A_85, %swap3A_86] {strides = array<i32>} : memref<2x128x128xf32, #tpu.memory_space<vmem>>, vector<1x1x16xf32>,
      %swap3A_88 = vector.shape_cast %swap3A_87 : vector<1x1x16xf32> to vector<16xf32>
      %swap3A_89 = vector.shape_cast %broadcast_in_dim3A_1 : vector<16xf32> to vector<1x1x16xf32>
      tpu.vector_store %arg8[%swap3A_84, %swap3A_85, %swap3A_86], %swap3A_89 {strides = array<i32>} : memref<2x128x128xf32, #tpu.memory_space<vmem>>, vector<1x1x16xf32>,
      %swap3A_90 = arith.constant 0 : i32
      %swap3A_91 = arith.index_cast %swap3A_90 : i32 to index
      %swap3A_92 = arith.index_cast %scan3A_83 : i32 to index
      %swap3A_93 = arith.constant 16 : index
      %swap3A_94 = tpu.vector_load %arg8[%swap3A_91, %swap3A_92, %swap3A_93] {strides = array<i32>} : memref<2x128x128xf32, #tpu.memory_space<vmem>>, vector<1x1x16xf32>,
      %swap3A_95 = vector.shape_cast %swap3A_94 : vector<1x1x16xf32> to vector<16xf32>
      %swap3A_96 = vector.shape_cast %broadcast_in_dim3A_1 : vector<16xf32> to vector<1x1x16xf32>
      tpu.vector_store %arg8[%swap3A_91, %swap3A_92, %swap3A_93], %swap3A_96 {strides = array<i32>} : memref<2x128x128xf32, #tpu.memory_space<vmem>>, vector<1x1x16xf32>,
      %swap3A_97 = arith.constant 0 : i32
      %swap3A_98 = arith.index_cast %swap3A_97 : i32 to index
      %swap3A_99 = arith.index_cast %scan3A_83 : i32 to index
      %swap3A_100 = arith.constant 32 : index
      %swap3A_101 = tpu.vector_load %arg8[%swap3A_98, %swap3A_99, %swap3A_100] {strides = array<i32>} : memref<2x128x128xf32, #tpu.memory_space<vmem>>, vector<1x1x16xf32>,
      %swap3A_102 = vector.shape_cast %swap3A_101 : vector<1x1x16xf32> to vector<16xf32>
      %swap3A_103 = vector.shape_cast %broadcast_in_dim3A_1 : vector<16xf32> to vector<1x1x16xf32>
      tpu.vector_store %arg8[%swap3A_98, %swap3A_99, %swap3A_100], %swap3A_103 {strides = array<i32>} : memref<2x128x128xf32, #tpu.memory_space<vmem>>, vector<1x1x16xf32>,
      %swap3A_104 = arith.constant 0 : i32
      %swap3A_105 = arith.index_cast %swap3A_104 : i32 to index
      %swap3A_106 = arith.index_cast %scan3A_83 : i32 to index
      %swap3A_107 = arith.constant 48 : index
      %swap3A_108 = tpu.vector_load %arg8[%swap3A_105, %swap3A_106, %swap3A_107] {strides = array<i32>} : memref<2x128x128xf32, #tpu.memory_space<vmem>>, vector<1x1x16xf32>,
      %swap3A_109 = vector.shape_cast %swap3A_108 : vector<1x1x16xf32> to vector<16xf32>
      %swap3A_110 = vector.shape_cast %broadcast_in_dim3A_1 : vector<16xf32> to vector<1x1x16xf32>
      tpu.vector_store %arg8[%swap3A_105, %swap3A_106, %swap3A_107], %swap3A_110 {strides = array<i32>} : memref<2x128x128xf32, #tpu.memory_space<vmem>>, vector<1x1x16xf32>,
      %swap3A_111 = arith.constant 0 : i32
      %swap3A_112 = arith.index_cast %swap3A_111 : i32 to index
      %swap3A_113 = arith.index_cast %scan3A_83 : i32 to index
      %swap3A_114 = arith.constant 64 : index
      %swap3A_115 = tpu.vector_load %arg8[%swap3A_112, %swap3A_113, %swap3A_114] {strides = array<i32>} : memref<2x128x128xf32, #tpu.memory_space<vmem>>, vector<1x1x16xf32>,
      %swap3A_116 = vector.shape_cast %swap3A_115 : vector<1x1x16xf32> to vector<16xf32>
      %swap3A_117 = vector.shape_cast %broadcast_in_dim3A_1 : vector<16xf32> to vector<1x1x16xf32>
      tpu.vector_store %arg8[%swap3A_112, %swap3A_113, %swap3A_114], %swap3A_117 {strides = array<i32>} : memref<2x128x128xf32, #tpu.memory_space<vmem>>, vector<1x1x16xf32>,
      %swap3A_118 = arith.constant 0 : i32
      %swap3A_119 = arith.index_cast %swap3A_118 : i32 to index
      %swap3A_120 = arith.index_cast %scan3A_83 : i32 to index
      %swap3A_121 = arith.constant 80 : index
      %swap3A_122 = tpu.vector_load %arg8[%swap3A_119, %swap3A_120, %swap3A_121] {strides = array<i32>} : memref<2x128x128xf32, #tpu.memory_space<vmem>>, vector<1x1x16xf32>,
      %swap3A_123 = vector.shape_cast %swap3A_122 : vector<1x1x16xf32> to vector<16xf32>
      %swap3A_124 = vector.shape_cast %broadcast_in_dim3A_1 : vector<16xf32> to vector<1x1x16xf32>
      tpu.vector_store %arg8[%swap3A_119, %swap3A_120, %swap3A_121], %swap3A_124 {strides = array<i32>} : memref<2x128x128xf32, #tpu.memory_space<vmem>>, vector<1x1x16xf32>,
      %swap3A_125 = arith.constant 0 : i32
      %swap3A_126 = arith.index_cast %swap3A_125 : i32 to index
      %swap3A_127 = arith.index_cast %scan3A_83 : i32 to index
      %swap3A_128 = arith.constant 96 : index
      %swap3A_129 = tpu.vector_load %arg8[%swap3A_126, %swap3A_127, %swap3A_128] {strides = array<i32>} : memref<2x128x128xf32, #tpu.memory_space<vmem>>, vector<1x1x16xf32>,
      %swap3A_130 = vector.shape_cast %swap3A_129 : vector<1x1x16xf32> to vector<16xf32>
      %swap3A_131 = vector.shape_cast %broadcast_in_dim3A_1 : vector<16xf32> to vector<1x1x16xf32>
      tpu.vector_store %arg8[%swap3A_126, %swap3A_127, %swap3A_128], %swap3A_131 {strides = array<i32>} : memref<2x128x128xf32, #tpu.memory_space<vmem>>, vector<1x1x16xf32>,
      %swap3A_132 = arith.constant 0 : i32
      %swap3A_133 = arith.index_cast %swap3A_132 : i32 to index
      %swap3A_134 = arith.index_cast %scan3A_83 : i32 to index
      %swap3A_135 = arith.constant 112 : index
      %swap3A_136 = tpu.vector_load %arg8[%swap3A_133, %swap3A_134, %swap3A_135] {strides = array<i32>} : memref<2x128x128xf32, #tpu.memory_space<vmem>>, vector<1x1x16xf32>,
      %swap3A_137 = vector.shape_cast %swap3A_136 : vector<1x1x16xf32> to vector<16xf32>
      %swap3A_138 = vector.shape_cast %broadcast_in_dim3A_1 : vector<16xf32> to vector<1x1x16xf32>
      tpu.vector_store %arg8[%swap3A_133, %swap3A_134, %swap3A_135], %swap3A_138 {strides = array<i32>} : memref<2x128x128xf32, #tpu.memory_space<vmem>>, vector<1x1x16xf32>,
    }
    %scan3A_6 = arith.constant 128 : i32
    %mul3A_7 = arith.constant 640 : i32
    %mul3A_8 = arith.muli %arg1, %mul3A_7 : i32
    %add3A_9 = arith.constant 0 : i32
    %add3A_10 = arith.addi %mul3A_8, %add3A_9 : i32
    %run_scoped3A = arith.constant 0 : i32
    "tpu.region"() ({
      %run_scoped3A_83 = tpu.sem_alloc : memref<!tpu.dma_semaphore, #tpu.memory_space<semaphore_mem>>
      %dma_start3A_84 = arith.constant 0 : i32
      %dma_start3A_85 = arith.constant 0 : i32
      %dma_start3A_86 = tpu.memref_slice %arg8[%run_scoped3A, %dma_start3A_84, %dma_start3A_85] : memref<2x128x128xf32, #tpu.memory_space<vmem>> -> memref<1x128x128xf32, #tpu.memory_space<vmem>>
      %dma_start3A_87 = tpu.memref_squeeze %dma_start3A_86 : memref<1x128x128xf32, #tpu.memory_space<vmem>> -> memref<128x128xf32, #tpu.memory_space<vmem>>
      %dma_start3A_88 = arith.constant 0 : i32
      %dma_start3A_89 = tpu.memref_slice %arg9[%add3A_10, %dma_start3A_88] : memref<10240x128xf32, #tpu.memory_space<vmem_shared>> -> memref<128x128xf32, #tpu.memory_space<vmem_shared>>
      %dma_start3A_90 = arith.constant 0 : i32
      %dma_start3A_91 = tpu.memref_slice %arg9[%add3A_10, %dma_start3A_90] : memref<10240x128xf32, #tpu.memory_space<vmem_shared>> -> memref<128x128xf32, #tpu.memory_space<vmem_shared>>
      %dma_start3A_92 = arith.constant 0 : i32
      %dma_start3A_93 = arith.constant 0 : i32
      %dma_start3A_94 = tpu.memref_slice %arg8[%run_scoped3A, %dma_start3A_92, %dma_start3A_93] : memref<2x128x128xf32, #tpu.memory_space<vmem>> -> memref<1x128x128xf32, #tpu.memory_space<vmem>>
      %dma_start3A_95 = tpu.memref_squeeze %dma_start3A_94 : memref<1x128x128xf32, #tpu.memory_space<vmem>> -> memref<128x128xf32, #tpu.memory_space<vmem>>
      tpu.enqueue_dma source(%dma_start3A_95 : memref<128x128xf32, #tpu.memory_space<vmem>>) target(%dma_start3A_91 : memref<128x128xf32, #tpu.memory_space<vmem_shared>>) target_semaphore(%run_scoped3A_83 : memref<!tpu.dma_semaphore, #tpu.memory_space<semaphore_mem>>)
      %dma_wait3A_96 = arith.constant 0 : i32
      %dma_wait3A_97 = arith.constant 0 : i32
      %dma_wait3A_98 = tpu.memref_slice %arg8[%run_scoped3A, %dma_wait3A_96, %dma_wait3A_97] : memref<2x128x128xf32, #tpu.memory_space<vmem>> -> memref<1x128x128xf32, #tpu.memory_space<vmem>>
      %dma_wait3A_99 = tpu.memref_squeeze %dma_wait3A_98 : memref<1x128x128xf32, #tpu.memory_space<vmem>> -> memref<128x128xf32, #tpu.memory_space<vmem>>
      %dma_wait3A_100 = arith.constant 0 : i32
      %dma_wait3A_101 = tpu.memref_slice %arg9[%add3A_10, %dma_wait3A_100] : memref<10240x128xf32, #tpu.memory_space<vmem_shared>> -> memref<128x128xf32, #tpu.memory_space<vmem_shared>>
      %dma_wait3A_102 = arith.constant 0 : i32
      %dma_wait3A_103 = tpu.memref_slice %arg9[%add3A_10, %dma_wait3A_102] : memref<10240x128xf32, #tpu.memory_space<vmem_shared>> -> memref<128x128xf32, #tpu.memory_space<vmem_shared>>
      %dma_wait3A_104 = arith.constant 0 : i32
      %dma_wait3A_105 = arith.constant 0 : i32
      %dma_wait3A_106 = tpu.memref_slice %arg8[%run_scoped3A, %dma_wait3A_104, %dma_wait3A_105] : memref<2x128x128xf32, #tpu.memory_space<vmem>> -> memref<1x128x128xf32, #tpu.memory_space<vmem>>
      %dma_wait3A_107 = tpu.memref_squeeze %dma_wait3A_106 : memref<1x128x128xf32, #tpu.memory_space<vmem>> -> memref<128x128xf32, #tpu.memory_space<vmem>>
      tpu.wait_dma2 semaphore(%run_scoped3A_83 : memref<!tpu.dma_semaphore, #tpu.memory_space<semaphore_mem>>) src(%dma_wait3A_107 : memref<128x128xf32, #tpu.memory_space<vmem>>) dst(%dma_wait3A_103 : memref<128x128xf32, #tpu.memory_space<vmem_shared>>)
      tpu.yield
    }) : () -> ()
    %mul3A_11 = arith.constant 640 : i32
    %mul3A_12 = arith.muli %arg1, %mul3A_11 : i32
    %add3A_13 = arith.constant 128 : i32
    %add3A_14 = arith.addi %mul3A_12, %add3A_13 : i32
    %run_scoped3A_15 = arith.constant 0 : i32
    "tpu.region"() ({
      %run_scoped3A_83 = tpu.sem_alloc : memref<!tpu.dma_semaphore, #tpu.memory_space<semaphore_mem>>
      %dma_start3A_84 = arith.constant 0 : i32
      %dma_start3A_85 = arith.constant 0 : i32
      %dma_start3A_86 = tpu.memref_slice %arg8[%run_scoped3A_15, %dma_start3A_84, %dma_start3A_85] : memref<2x128x128xf32, #tpu.memory_space<vmem>> -> memref<1x128x128xf32, #tpu.memory_space<vmem>>
      %dma_start3A_87 = tpu.memref_squeeze %dma_start3A_86 : memref<1x128x128xf32, #tpu.memory_space<vmem>> -> memref<128x128xf32, #tpu.memory_space<vmem>>
      %dma_start3A_88 = arith.constant 0 : i32
      %dma_start3A_89 = tpu.memref_slice %arg9[%add3A_14, %dma_start3A_88] : memref<10240x128xf32, #tpu.memory_space<vmem_shared>> -> memref<128x128xf32, #tpu.memory_space<vmem_shared>>
      %dma_start3A_90 = arith.constant 0 : i32
      %dma_start3A_91 = tpu.memref_slice %arg9[%add3A_14, %dma_start3A_90] : memref<10240x128xf32, #tpu.memory_space<vmem_shared>> -> memref<128x128xf32, #tpu.memory_space<vmem_shared>>
      %dma_start3A_92 = arith.constant 0 : i32
      %dma_start3A_93 = arith.constant 0 : i32
      %dma_start3A_94 = tpu.memref_slice %arg8[%run_scoped3A_15, %dma_start3A_92, %dma_start3A_93] : memref<2x128x128xf32, #tpu.memory_space<vmem>> -> memref<1x128x128xf32, #tpu.memory_space<vmem>>
      %dma_start3A_95 = tpu.memref_squeeze %dma_start3A_94 : memref<1x128x128xf32, #tpu.memory_space<vmem>> -> memref<128x128xf32, #tpu.memory_space<vmem>>
      tpu.enqueue_dma source(%dma_start3A_95 : memref<128x128xf32, #tpu.memory_space<vmem>>) target(%dma_start3A_91 : memref<128x128xf32, #tpu.memory_space<vmem_shared>>) target_semaphore(%run_scoped3A_83 : memref<!tpu.dma_semaphore, #tpu.memory_space<semaphore_mem>>)
      %dma_wait3A_96 = arith.constant 0 : i32
      %dma_wait3A_97 = arith.constant 0 : i32
      %dma_wait3A_98 = tpu.memref_slice %arg8[%run_scoped3A_15, %dma_wait3A_96, %dma_wait3A_97] : memref<2x128x128xf32, #tpu.memory_space<vmem>> -> memref<1x128x128xf32, #tpu.memory_space<vmem>>
      %dma_wait3A_99 = tpu.memref_squeeze %dma_wait3A_98 : memref<1x128x128xf32, #tpu.memory_space<vmem>> -> memref<128x128xf32, #tpu.memory_space<vmem>>
      %dma_wait3A_100 = arith.constant 0 : i32
      %dma_wait3A_101 = tpu.memref_slice %arg9[%add3A_14, %dma_wait3A_100] : memref<10240x128xf32, #tpu.memory_space<vmem_shared>> -> memref<128x128xf32, #tpu.memory_space<vmem_shared>>
      %dma_wait3A_102 = arith.constant 0 : i32
      %dma_wait3A_103 = tpu.memref_slice %arg9[%add3A_14, %dma_wait3A_102] : memref<10240x128xf32, #tpu.memory_space<vmem_shared>> -> memref<128x128xf32, #tpu.memory_space<vmem_shared>>
      %dma_wait3A_104 = arith.constant 0 : i32
      %dma_wait3A_105 = arith.constant 0 : i32
      %dma_wait3A_106 = tpu.memref_slice %arg8[%run_scoped3A_15, %dma_wait3A_104, %dma_wait3A_105] : memref<2x128x128xf32, #tpu.memory_space<vmem>> -> memref<1x128x128xf32, #tpu.memory_space<vmem>>
      %dma_wait3A_107 = tpu.memref_squeeze %dma_wait3A_106 : memref<1x128x128xf32, #tpu.memory_space<vmem>> -> memref<128x128xf32, #tpu.memory_space<vmem>>
      tpu.wait_dma2 semaphore(%run_scoped3A_83 : memref<!tpu.dma_semaphore, #tpu.memory_space<semaphore_mem>>) src(%dma_wait3A_107 : memref<128x128xf32, #tpu.memory_space<vmem>>) dst(%dma_wait3A_103 : memref<128x128xf32, #tpu.memory_space<vmem_shared>>)
      tpu.yield
    }) : () -> ()
    %mul3A_16 = arith.constant 640 : i32
    %mul3A_17 = arith.muli %arg1, %mul3A_16 : i32
    %add3A_18 = arith.constant 256 : i32
    %add3A_19 = arith.addi %mul3A_17, %add3A_18 : i32
    %run_scoped3A_20 = arith.constant 0 : i32
    "tpu.region"() ({
      %run_scoped3A_83 = tpu.sem_alloc : memref<!tpu.dma_semaphore, #tpu.memory_space<semaphore_mem>>
      %dma_start3A_84 = arith.constant 0 : i32
      %dma_start3A_85 = arith.constant 0 : i32
      %dma_start3A_86 = tpu.memref_slice %arg8[%run_scoped3A_20, %dma_start3A_84, %dma_start3A_85] : memref<2x128x128xf32, #tpu.memory_space<vmem>> -> memref<1x128x128xf32, #tpu.memory_space<vmem>>
      %dma_start3A_87 = tpu.memref_squeeze %dma_start3A_86 : memref<1x128x128xf32, #tpu.memory_space<vmem>> -> memref<128x128xf32, #tpu.memory_space<vmem>>
      %dma_start3A_88 = arith.constant 0 : i32
      %dma_start3A_89 = tpu.memref_slice %arg9[%add3A_19, %dma_start3A_88] : memref<10240x128xf32, #tpu.memory_space<vmem_shared>> -> memref<128x128xf32, #tpu.memory_space<vmem_shared>>
      %dma_start3A_90 = arith.constant 0 : i32
      %dma_start3A_91 = tpu.memref_slice %arg9[%add3A_19, %dma_start3A_90] : memref<10240x128xf32, #tpu.memory_space<vmem_shared>> -> memref<128x128xf32, #tpu.memory_space<vmem_shared>>
      %dma_start3A_92 = arith.constant 0 : i32
      %dma_start3A_93 = arith.constant 0 : i32
      %dma_start3A_94 = tpu.memref_slice %arg8[%run_scoped3A_20, %dma_start3A_92, %dma_start3A_93] : memref<2x128x128xf32, #tpu.memory_space<vmem>> -> memref<1x128x128xf32, #tpu.memory_space<vmem>>
      %dma_start3A_95 = tpu.memref_squeeze %dma_start3A_94 : memref<1x128x128xf32, #tpu.memory_space<vmem>> -> memref<128x128xf32, #tpu.memory_space<vmem>>
      tpu.enqueue_dma source(%dma_start3A_95 : memref<128x128xf32, #tpu.memory_space<vmem>>) target(%dma_start3A_91 : memref<128x128xf32, #tpu.memory_space<vmem_shared>>) target_semaphore(%run_scoped3A_83 : memref<!tpu.dma_semaphore, #tpu.memory_space<semaphore_mem>>)
      %dma_wait3A_96 = arith.constant 0 : i32
      %dma_wait3A_97 = arith.constant 0 : i32
      %dma_wait3A_98 = tpu.memref_slice %arg8[%run_scoped3A_20, %dma_wait3A_96, %dma_wait3A_97] : memref<2x128x128xf32, #tpu.memory_space<vmem>> -> memref<1x128x128xf32, #tpu.memory_space<vmem>>
      %dma_wait3A_99 = tpu.memref_squeeze %dma_wait3A_98 : memref<1x128x128xf32, #tpu.memory_space<vmem>> -> memref<128x128xf32, #tpu.memory_space<vmem>>
      %dma_wait3A_100 = arith.constant 0 : i32
      %dma_wait3A_101 = tpu.memref_slice %arg9[%add3A_19, %dma_wait3A_100] : memref<10240x128xf32, #tpu.memory_space<vmem_shared>> -> memref<128x128xf32, #tpu.memory_space<vmem_shared>>
      %dma_wait3A_102 = arith.constant 0 : i32
      %dma_wait3A_103 = tpu.memref_slice %arg9[%add3A_19, %dma_wait3A_102] : memref<10240x128xf32, #tpu.memory_space<vmem_shared>> -> memref<128x128xf32, #tpu.memory_space<vmem_shared>>
      %dma_wait3A_104 = arith.constant 0 : i32
      %dma_wait3A_105 = arith.constant 0 : i32
      %dma_wait3A_106 = tpu.memref_slice %arg8[%run_scoped3A_20, %dma_wait3A_104, %dma_wait3A_105] : memref<2x128x128xf32, #tpu.memory_space<vmem>> -> memref<1x128x128xf32, #tpu.memory_space<vmem>>
      %dma_wait3A_107 = tpu.memref_squeeze %dma_wait3A_106 : memref<1x128x128xf32, #tpu.memory_space<vmem>> -> memref<128x128xf32, #tpu.memory_space<vmem>>
      tpu.wait_dma2 semaphore(%run_scoped3A_83 : memref<!tpu.dma_semaphore, #tpu.memory_space<semaphore_mem>>) src(%dma_wait3A_107 : memref<128x128xf32, #tpu.memory_space<vmem>>) dst(%dma_wait3A_103 : memref<128x128xf32, #tpu.memory_space<vmem_shared>>)
      tpu.yield
    }) : () -> ()
    %mul3A_21 = arith.constant 640 : i32
    %mul3A_22 = arith.muli %arg1, %mul3A_21 : i32
    %add3A_23 = arith.constant 384 : i32
    %add3A_24 = arith.addi %mul3A_22, %add3A_23 : i32
    %run_scoped3A_25 = arith.constant 0 : i32
    "tpu.region"() ({
      %run_scoped3A_83 = tpu.sem_alloc : memref<!tpu.dma_semaphore, #tpu.memory_space<semaphore_mem>>
      %dma_start3A_84 = arith.constant 0 : i32
      %dma_start3A_85 = arith.constant 0 : i32
      %dma_start3A_86 = tpu.memref_slice %arg8[%run_scoped3A_25, %dma_start3A_84, %dma_start3A_85] : memref<2x128x128xf32, #tpu.memory_space<vmem>> -> memref<1x128x128xf32, #tpu.memory_space<vmem>>
      %dma_start3A_87 = tpu.memref_squeeze %dma_start3A_86 : memref<1x128x128xf32, #tpu.memory_space<vmem>> -> memref<128x128xf32, #tpu.memory_space<vmem>>
      %dma_start3A_88 = arith.constant 0 : i32
      %dma_start3A_89 = tpu.memref_slice %arg9[%add3A_24, %dma_start3A_88] : memref<10240x128xf32, #tpu.memory_space<vmem_shared>> -> memref<128x128xf32, #tpu.memory_space<vmem_shared>>
      %dma_start3A_90 = arith.constant 0 : i32
      %dma_start3A_91 = tpu.memref_slice %arg9[%add3A_24, %dma_start3A_90] : memref<10240x128xf32, #tpu.memory_space<vmem_shared>> -> memref<128x128xf32, #tpu.memory_space<vmem_shared>>
      %dma_start3A_92 = arith.constant 0 : i32
      %dma_start3A_93 = arith.constant 0 : i32
      %dma_start3A_94 = tpu.memref_slice %arg8[%run_scoped3A_25, %dma_start3A_92, %dma_start3A_93] : memref<2x128x128xf32, #tpu.memory_space<vmem>> -> memref<1x128x128xf32, #tpu.memory_space<vmem>>
      %dma_start3A_95 = tpu.memref_squeeze %dma_start3A_94 : memref<1x128x128xf32, #tpu.memory_space<vmem>> -> memref<128x128xf32, #tpu.memory_space<vmem>>
      tpu.enqueue_dma source(%dma_start3A_95 : memref<128x128xf32, #tpu.memory_space<vmem>>) target(%dma_start3A_91 : memref<128x128xf32, #tpu.memory_space<vmem_shared>>) target_semaphore(%run_scoped3A_83 : memref<!tpu.dma_semaphore, #tpu.memory_space<semaphore_mem>>)
      %dma_wait3A_96 = arith.constant 0 : i32
      %dma_wait3A_97 = arith.constant 0 : i32
      %dma_wait3A_98 = tpu.memref_slice %arg8[%run_scoped3A_25, %dma_wait3A_96, %dma_wait3A_97] : memref<2x128x128xf32, #tpu.memory_space<vmem>> -> memref<1x128x128xf32, #tpu.memory_space<vmem>>
      %dma_wait3A_99 = tpu.memref_squeeze %dma_wait3A_98 : memref<1x128x128xf32, #tpu.memory_space<vmem>> -> memref<128x128xf32, #tpu.memory_space<vmem>>
      %dma_wait3A_100 = arith.constant 0 : i32
      %dma_wait3A_101 = tpu.memref_slice %arg9[%add3A_24, %dma_wait3A_100] : memref<10240x128xf32, #tpu.memory_space<vmem_shared>> -> memref<128x128xf32, #tpu.memory_space<vmem_shared>>
      %dma_wait3A_102 = arith.constant 0 : i32
      %dma_wait3A_103 = tpu.memref_slice %arg9[%add3A_24, %dma_wait3A_102] : memref<10240x128xf32, #tpu.memory_space<vmem_shared>> -> memref<128x128xf32, #tpu.memory_space<vmem_shared>>
      %dma_wait3A_104 = arith.constant 0 : i32
      %dma_wait3A_105 = arith.constant 0 : i32
      %dma_wait3A_106 = tpu.memref_slice %arg8[%run_scoped3A_25, %dma_wait3A_104, %dma_wait3A_105] : memref<2x128x128xf32, #tpu.memory_space<vmem>> -> memref<1x128x128xf32, #tpu.memory_space<vmem>>
      %dma_wait3A_107 = tpu.memref_squeeze %dma_wait3A_106 : memref<1x128x128xf32, #tpu.memory_space<vmem>> -> memref<128x128xf32, #tpu.memory_space<vmem>>
      tpu.wait_dma2 semaphore(%run_scoped3A_83 : memref<!tpu.dma_semaphore, #tpu.memory_space<semaphore_mem>>) src(%dma_wait3A_107 : memref<128x128xf32, #tpu.memory_space<vmem>>) dst(%dma_wait3A_103 : memref<128x128xf32, #tpu.memory_space<vmem_shared>>)
      tpu.yield
    }) : () -> ()
    %mul3A_26 = arith.constant 640 : i32
    %mul3A_27 = arith.muli %arg1, %mul3A_26 : i32
    %add3A_28 = arith.constant 512 : i32
    %add3A_29 = arith.addi %mul3A_27, %add3A_28 : i32
    %run_scoped3A_30 = arith.constant 0 : i32
    "tpu.region"() ({
      %run_scoped3A_83 = tpu.sem_alloc : memref<!tpu.dma_semaphore, #tpu.memory_space<semaphore_mem>>
      %dma_start3A_84 = arith.constant 0 : i32
      %dma_start3A_85 = arith.constant 0 : i32
      %dma_start3A_86 = tpu.memref_slice %arg8[%run_scoped3A_30, %dma_start3A_84, %dma_start3A_85] : memref<2x128x128xf32, #tpu.memory_space<vmem>> -> memref<1x128x128xf32, #tpu.memory_space<vmem>>
      %dma_start3A_87 = tpu.memref_squeeze %dma_start3A_86 : memref<1x128x128xf32, #tpu.memory_space<vmem>> -> memref<128x128xf32, #tpu.memory_space<vmem>>
      %dma_start3A_88 = arith.constant 0 : i32
      %dma_start3A_89 = tpu.memref_slice %arg9[%add3A_29, %dma_start3A_88] : memref<10240x128xf32, #tpu.memory_space<vmem_shared>> -> memref<128x128xf32, #tpu.memory_space<vmem_shared>>
      %dma_start3A_90 = arith.constant 0 : i32
      %dma_start3A_91 = tpu.memref_slice %arg9[%add3A_29, %dma_start3A_90] : memref<10240x128xf32, #tpu.memory_space<vmem_shared>> -> memref<128x128xf32, #tpu.memory_space<vmem_shared>>
      %dma_start3A_92 = arith.constant 0 : i32
      %dma_start3A_93 = arith.constant 0 : i32
      %dma_start3A_94 = tpu.memref_slice %arg8[%run_scoped3A_30, %dma_start3A_92, %dma_start3A_93] : memref<2x128x128xf32, #tpu.memory_space<vmem>> -> memref<1x128x128xf32, #tpu.memory_space<vmem>>
      %dma_start3A_95 = tpu.memref_squeeze %dma_start3A_94 : memref<1x128x128xf32, #tpu.memory_space<vmem>> -> memref<128x128xf32, #tpu.memory_space<vmem>>
      tpu.enqueue_dma source(%dma_start3A_95 : memref<128x128xf32, #tpu.memory_space<vmem>>) target(%dma_start3A_91 : memref<128x128xf32, #tpu.memory_space<vmem_shared>>) target_semaphore(%run_scoped3A_83 : memref<!tpu.dma_semaphore, #tpu.memory_space<semaphore_mem>>)
      %dma_wait3A_96 = arith.constant 0 : i32
      %dma_wait3A_97 = arith.constant 0 : i32
      %dma_wait3A_98 = tpu.memref_slice %arg8[%run_scoped3A_30, %dma_wait3A_96, %dma_wait3A_97] : memref<2x128x128xf32, #tpu.memory_space<vmem>> -> memref<1x128x128xf32, #tpu.memory_space<vmem>>
      %dma_wait3A_99 = tpu.memref_squeeze %dma_wait3A_98 : memref<1x128x128xf32, #tpu.memory_space<vmem>> -> memref<128x128xf32, #tpu.memory_space<vmem>>
      %dma_wait3A_100 = arith.constant 0 : i32
      %dma_wait3A_101 = tpu.memref_slice %arg9[%add3A_29, %dma_wait3A_100] : memref<10240x128xf32, #tpu.memory_space<vmem_shared>> -> memref<128x128xf32, #tpu.memory_space<vmem_shared>>
      %dma_wait3A_102 = arith.constant 0 : i32
      %dma_wait3A_103 = tpu.memref_slice %arg9[%add3A_29, %dma_wait3A_102] : memref<10240x128xf32, #tpu.memory_space<vmem_shared>> -> memref<128x128xf32, #tpu.memory_space<vmem_shared>>
      %dma_wait3A_104 = arith.constant 0 : i32
      %dma_wait3A_105 = arith.constant 0 : i32
      %dma_wait3A_106 = tpu.memref_slice %arg8[%run_scoped3A_30, %dma_wait3A_104, %dma_wait3A_105] : memref<2x128x128xf32, #tpu.memory_space<vmem>> -> memref<1x128x128xf32, #tpu.memory_space<vmem>>
      %dma_wait3A_107 = tpu.memref_squeeze %dma_wait3A_106 : memref<1x128x128xf32, #tpu.memory_space<vmem>> -> memref<128x128xf32, #tpu.memory_space<vmem>>
      tpu.wait_dma2 semaphore(%run_scoped3A_83 : memref<!tpu.dma_semaphore, #tpu.memory_space<semaphore_mem>>) src(%dma_wait3A_107 : memref<128x128xf32, #tpu.memory_space<vmem>>) dst(%dma_wait3A_103 : memref<128x128xf32, #tpu.memory_space<vmem_shared>>)
      tpu.yield
    }) : () -> ()
    %barrier3A = arith.constant 0 : index
    tpu.barrier barrier_id(%barrier3A)
    %iota3A = tpu.iota {dimensions = array<i32: 0>} : vector<16xi32>
    %eq3A = arith.constant 0 : i32
    %eq3A_31 = vector.broadcast %eq3A : i32 to vector<16xi32>
    %eq3A_32 = arith.cmpi eq, %iota3A, %eq3A_31 : vector<16xi32>
    %jit3A = arith.constant 1.000000e+00 : f32
    %jit3A_33 = arith.constant 0.000000e+00 : f32
    %broadcast_in_dim3A_34 = vector.broadcast %jit3A : f32 to vector<16xf32>
    %broadcast_in_dim3A_35 = vector.broadcast %jit3A_33 : f32 to vector<16xf32>
    %select_n3A = arith.select %eq3A_32, %broadcast_in_dim3A_34, %broadcast_in_dim3A_35 : vector<16xi1>, vector<16xf32>
    %run_scoped3A_36 = arith.constant 0 : i32
    %run_scoped3A_37 = arith.constant 0 : i32
    "tpu.region"() ({
      %run_scoped3A_83 = tpu.sem_alloc : memref<!tpu.dma_semaphore, #tpu.memory_space<semaphore_mem>>
      %dma_start3A_84 = arith.constant 0 : i32
      %dma_start3A_85 = arith.constant 0 : i32
      %dma_start3A_86 = tpu.memref_slice %arg6[%run_scoped3A_37, %dma_start3A_84, %dma_start3A_85] : memref<2x8x128xi32, #tpu.memory_space<vmem>> -> memref<1x8x128xi32, #tpu.memory_space<vmem>>
      %dma_start3A_87 = tpu.memref_squeeze %dma_start3A_86 : memref<1x8x128xi32, #tpu.memory_space<vmem>> -> memref<8x128xi32, #tpu.memory_space<vmem>>
      %dma_start3A_88 = arith.constant 0 : i32
      %dma_start3A_89 = arith.constant 0 : i32
      %dma_start3A_90 = tpu.memref_slice %arg3[%add3A, %run_scoped3A_36, %dma_start3A_88, %dma_start3A_89] : memref<32x10x8x128xi32, #tpu.memory_space<hbm>> -> memref<1x1x8x128xi32, #tpu.memory_space<hbm>>
      %dma_start3A_91 = tpu.memref_squeeze %dma_start3A_90 : memref<1x1x8x128xi32, #tpu.memory_space<hbm>> -> memref<8x128xi32, #tpu.memory_space<hbm>>
      %dma_start3A_92 = arith.constant 0 : i32
      %dma_start3A_93 = arith.constant 0 : i32
      %dma_start3A_94 = tpu.memref_slice %arg6[%run_scoped3A_37, %dma_start3A_92, %dma_start3A_93] : memref<2x8x128xi32, #tpu.memory_space<vmem>> -> memref<1x8x128xi32, #tpu.memory_space<vmem>>
      %dma_start3A_95 = tpu.memref_squeeze %dma_start3A_94 : memref<1x8x128xi32, #tpu.memory_space<vmem>> -> memref<8x128xi32, #tpu.memory_space<vmem>>
      %dma_start3A_96 = arith.constant 0 : i32
      %dma_start3A_97 = arith.constant 0 : i32
      %dma_start3A_98 = tpu.memref_slice %arg3[%add3A, %run_scoped3A_36, %dma_start3A_96, %dma_start3A_97] : memref<32x10x8x128xi32, #tpu.memory_space<hbm>> -> memref<1x1x8x128xi32, #tpu.memory_space<hbm>>
      %dma_start3A_99 = tpu.memref_squeeze %dma_start3A_98 : memref<1x1x8x128xi32, #tpu.memory_space<hbm>> -> memref<8x128xi32, #tpu.memory_space<hbm>>
      tpu.enqueue_dma source(%dma_start3A_99 : memref<8x128xi32, #tpu.memory_space<hbm>>) target(%dma_start3A_95 : memref<8x128xi32, #tpu.memory_space<vmem>>) target_semaphore(%run_scoped3A_83 : memref<!tpu.dma_semaphore, #tpu.memory_space<semaphore_mem>>)
      %dma_wait3A_100 = arith.constant 0 : i32
      %dma_wait3A_101 = arith.constant 0 : i32
      %dma_wait3A_102 = tpu.memref_slice %arg6[%run_scoped3A_37, %dma_wait3A_100, %dma_wait3A_101] : memref<2x8x128xi32, #tpu.memory_space<vmem>> -> memref<1x8x128xi32, #tpu.memory_space<vmem>>
      %dma_wait3A_103 = tpu.memref_squeeze %dma_wait3A_102 : memref<1x8x128xi32, #tpu.memory_space<vmem>> -> memref<8x128xi32, #tpu.memory_space<vmem>>
      %dma_wait3A_104 = arith.constant 0 : i32
      %dma_wait3A_105 = arith.constant 0 : i32
      %dma_wait3A_106 = tpu.memref_slice %arg3[%add3A, %run_scoped3A_36, %dma_wait3A_104, %dma_wait3A_105] : memref<32x10x8x128xi32, #tpu.memory_space<hbm>> -> memref<1x1x8x128xi32, #tpu.memory_space<hbm>>
      %dma_wait3A_107 = tpu.memref_squeeze %dma_wait3A_106 : memref<1x1x8x128xi32, #tpu.memory_space<hbm>> -> memref<8x128xi32, #tpu.memory_space<hbm>>
      %dma_wait3A_108 = arith.constant 0 : i32
      %dma_wait3A_109 = arith.constant 0 : i32
      %dma_wait3A_110 = tpu.memref_slice %arg6[%run_scoped3A_37, %dma_wait3A_108, %dma_wait3A_109] : memref<2x8x128xi32, #tpu.memory_space<vmem>> -> memref<1x8x128xi32, #tpu.memory_space<vmem>>
      %dma_wait3A_111 = tpu.memref_squeeze %dma_wait3A_110 : memref<1x8x128xi32, #tpu.memory_space<vmem>> -> memref<8x128xi32, #tpu.memory_space<vmem>>
      %dma_wait3A_112 = arith.constant 0 : i32
      %dma_wait3A_113 = arith.constant 0 : i32
      %dma_wait3A_114 = tpu.memref_slice %arg3[%add3A, %run_scoped3A_36, %dma_wait3A_112, %dma_wait3A_113] : memref<32x10x8x128xi32, #tpu.memory_space<hbm>> -> memref<1x1x8x128xi32, #tpu.memory_space<hbm>>
      %dma_wait3A_115 = tpu.memref_squeeze %dma_wait3A_114 : memref<1x1x8x128xi32, #tpu.memory_space<hbm>> -> memref<8x128xi32, #tpu.memory_space<hbm>>
      tpu.wait_dma2 semaphore(%run_scoped3A_83 : memref<!tpu.dma_semaphore, #tpu.memory_space<semaphore_mem>>) src(%dma_wait3A_115 : memref<8x128xi32, #tpu.memory_space<hbm>>) dst(%dma_wait3A_111 : memref<8x128xi32, #tpu.memory_space<vmem>>)
      tpu.yield
    }) : () -> ()
    %run_scoped3A_38 = arith.constant 0 : i32
    %run_scoped3A_39 = arith.constant 0 : i32
    "tpu.region"() ({
      %run_scoped3A_83 = tpu.sem_alloc : memref<!tpu.dma_semaphore, #tpu.memory_space<semaphore_mem>>
      %dma_start3A_84 = arith.constant 0 : i32
      %dma_start3A_85 = arith.constant 0 : i32
      %dma_start3A_86 = tpu.memref_slice %arg7[%run_scoped3A_39, %dma_start3A_84, %dma_start3A_85] : memref<2x8x128xi32, #tpu.memory_space<vmem>> -> memref<1x8x128xi32, #tpu.memory_space<vmem>>
      %dma_start3A_87 = tpu.memref_squeeze %dma_start3A_86 : memref<1x8x128xi32, #tpu.memory_space<vmem>> -> memref<8x128xi32, #tpu.memory_space<vmem>>
      %dma_start3A_88 = arith.constant 0 : i32
      %dma_start3A_89 = arith.constant 0 : i32
      %dma_start3A_90 = tpu.memref_slice %arg4[%add3A, %run_scoped3A_38, %dma_start3A_88, %dma_start3A_89] : memref<32x10x8x128xi32, #tpu.memory_space<hbm>> -> memref<1x1x8x128xi32, #tpu.memory_space<hbm>>
      %dma_start3A_91 = tpu.memref_squeeze %dma_start3A_90 : memref<1x1x8x128xi32, #tpu.memory_space<hbm>> -> memref<8x128xi32, #tpu.memory_space<hbm>>
      %dma_start3A_92 = arith.constant 0 : i32
      %dma_start3A_93 = arith.constant 0 : i32
      %dma_start3A_94 = tpu.memref_slice %arg7[%run_scoped3A_39, %dma_start3A_92, %dma_start3A_93] : memref<2x8x128xi32, #tpu.memory_space<vmem>> -> memref<1x8x128xi32, #tpu.memory_space<vmem>>
      %dma_start3A_95 = tpu.memref_squeeze %dma_start3A_94 : memref<1x8x128xi32, #tpu.memory_space<vmem>> -> memref<8x128xi32, #tpu.memory_space<vmem>>
      %dma_start3A_96 = arith.constant 0 : i32
      %dma_start3A_97 = arith.constant 0 : i32
      %dma_start3A_98 = tpu.memref_slice %arg4[%add3A, %run_scoped3A_38, %dma_start3A_96, %dma_start3A_97] : memref<32x10x8x128xi32, #tpu.memory_space<hbm>> -> memref<1x1x8x128xi32, #tpu.memory_space<hbm>>
      %dma_start3A_99 = tpu.memref_squeeze %dma_start3A_98 : memref<1x1x8x128xi32, #tpu.memory_space<hbm>> -> memref<8x128xi32, #tpu.memory_space<hbm>>
      tpu.enqueue_dma source(%dma_start3A_99 : memref<8x128xi32, #tpu.memory_space<hbm>>) target(%dma_start3A_95 : memref<8x128xi32, #tpu.memory_space<vmem>>) target_semaphore(%run_scoped3A_83 : memref<!tpu.dma_semaphore, #tpu.memory_space<semaphore_mem>>)
      %dma_wait3A_100 = arith.constant 0 : i32
      %dma_wait3A_101 = arith.constant 0 : i32
      %dma_wait3A_102 = tpu.memref_slice %arg7[%run_scoped3A_39, %dma_wait3A_100, %dma_wait3A_101] : memref<2x8x128xi32, #tpu.memory_space<vmem>> -> memref<1x8x128xi32, #tpu.memory_space<vmem>>
      %dma_wait3A_103 = tpu.memref_squeeze %dma_wait3A_102 : memref<1x8x128xi32, #tpu.memory_space<vmem>> -> memref<8x128xi32, #tpu.memory_space<vmem>>
      %dma_wait3A_104 = arith.constant 0 : i32
      %dma_wait3A_105 = arith.constant 0 : i32
      %dma_wait3A_106 = tpu.memref_slice %arg4[%add3A, %run_scoped3A_38, %dma_wait3A_104, %dma_wait3A_105] : memref<32x10x8x128xi32, #tpu.memory_space<hbm>> -> memref<1x1x8x128xi32, #tpu.memory_space<hbm>>
      %dma_wait3A_107 = tpu.memref_squeeze %dma_wait3A_106 : memref<1x1x8x128xi32, #tpu.memory_space<hbm>> -> memref<8x128xi32, #tpu.memory_space<hbm>>
      %dma_wait3A_108 = arith.constant 0 : i32
      %dma_wait3A_109 = arith.constant 0 : i32
      %dma_wait3A_110 = tpu.memref_slice %arg7[%run_scoped3A_39, %dma_wait3A_108, %dma_wait3A_109] : memref<2x8x128xi32, #tpu.memory_space<vmem>> -> memref<1x8x128xi32, #tpu.memory_space<vmem>>
      %dma_wait3A_111 = tpu.memref_squeeze %dma_wait3A_110 : memref<1x8x128xi32, #tpu.memory_space<vmem>> -> memref<8x128xi32, #tpu.memory_space<vmem>>
      %dma_wait3A_112 = arith.constant 0 : i32
      %dma_wait3A_113 = arith.constant 0 : i32
      %dma_wait3A_114 = tpu.memref_slice %arg4[%add3A, %run_scoped3A_38, %dma_wait3A_112, %dma_wait3A_113] : memref<32x10x8x128xi32, #tpu.memory_space<hbm>> -> memref<1x1x8x128xi32, #tpu.memory_space<hbm>>
      %dma_wait3A_115 = tpu.memref_squeeze %dma_wait3A_114 : memref<1x1x8x128xi32, #tpu.memory_space<hbm>> -> memref<8x128xi32, #tpu.memory_space<hbm>>
      tpu.wait_dma2 semaphore(%run_scoped3A_83 : memref<!tpu.dma_semaphore, #tpu.memory_space<semaphore_mem>>) src(%dma_wait3A_115 : memref<8x128xi32, #tpu.memory_space<hbm>>) dst(%dma_wait3A_111 : memref<8x128xi32, #tpu.memory_space<vmem>>)
      tpu.yield
    }) : () -> ()
    %dma_start3A = arith.constant 0 : i32
    %dma_start3A_40 = arith.constant 0 : i32
    %dma_start3A_41 = arith.constant 0 : i32
    %dma_start3A_42 = arith.constant 0 : i32
    %dma_start3A_43 = arith.constant 0 : i32
    %dma_start3A_44 = tpu.memref_slice %arg8[%dma_start3A_41, %dma_start3A_42, %dma_start3A_43] : memref<2x128x128xf32, #tpu.memory_space<vmem>> -> memref<1x128x128xf32, #tpu.memory_space<vmem>>
    %dma_start3A_45 = tpu.memref_squeeze %dma_start3A_44 : memref<1x128x128xf32, #tpu.memory_space<vmem>> -> memref<128x128xf32, #tpu.memory_space<vmem>>
    %dma_start3A_46 = arith.constant 0 : i32
    %dma_start3A_47 = arith.constant 0 : i32
    %dma_start3A_48 = tpu.memref_slice %arg6[%dma_start3A, %dma_start3A_46, %dma_start3A_47] : memref<2x8x128xi32, #tpu.memory_space<vmem>> -> memref<1x8x128xi32, #tpu.memory_space<vmem>>
    %dma_start3A_49 = tpu.memref_squeeze %dma_start3A_48 : memref<1x8x128xi32, #tpu.memory_space<vmem>> -> memref<8x128xi32, #tpu.memory_space<vmem>>
    %dma_start3A_50 = arith.constant 0 : i32
    %dma_start3A_51 = tpu.memref_slice %dma_start3A_49[%dma_start3A_40, %dma_start3A_50] : memref<8x128xi32, #tpu.memory_space<vmem>> -> memref<1x128xi32, #tpu.memory_space<vmem>>
    %dma_start3A_52 = tpu.memref_squeeze %dma_start3A_51 : memref<1x128xi32, #tpu.memory_space<vmem>> -> memref<128xi32, #tpu.memory_space<vmem>>
    %dma_start3A_53 = arith.constant 0 : i32
    %dma_start3A_54 = arith.constant 0 : i32
    %dma_start3A_55 = tpu.memref_slice %arg2[%dma_start3A_53, %dma_start3A_54] : memref<10000x128xf32, #tpu.memory_space<hbm>> -> memref<10000x128xf32, #tpu.memory_space<hbm>>
    tpu.enqueue_indirect_dma source(%dma_start3A_55 : memref<10000x128xf32, #tpu.memory_space<hbm>>) target(%dma_start3A_45 : memref<128x128xf32, #tpu.memory_space<vmem>>) offsets(%dma_start3A_52 : memref<128xi32, #tpu.memory_space<vmem>>) semaphore(%arg10 : memref<!tpu.dma_semaphore, #tpu.memory_space<semaphore_mem>>)
    %dma_wait3A = arith.constant 0 : i32
    %dma_wait3A_56 = arith.constant 0 : i32
    %dma_wait3A_57 = arith.constant 0 : i32
    %dma_wait3A_58 = arith.constant 0 : i32
    %dma_wait3A_59 = arith.constant 0 : i32
    %dma_wait3A_60 = tpu.memref_slice %arg8[%dma_wait3A_57, %dma_wait3A_58, %dma_wait3A_59] : memref<2x128x128xf32, #tpu.memory_space<vmem>> -> memref<1x128x128xf32, #tpu.memory_space<vmem>>
    %dma_wait3A_61 = tpu.memref_squeeze %dma_wait3A_60 : memref<1x128x128xf32, #tpu.memory_space<vmem>> -> memref<128x128xf32, #tpu.memory_space<vmem>>
    %dma_wait3A_62 = arith.constant 0 : i32
    %dma_wait3A_63 = arith.constant 0 : i32
    %dma_wait3A_64 = tpu.memref_slice %arg6[%dma_wait3A, %dma_wait3A_62, %dma_wait3A_63] : memref<2x8x128xi32, #tpu.memory_space<vmem>> -> memref<1x8x128xi32, #tpu.memory_space<vmem>>
    %dma_wait3A_65 = tpu.memref_squeeze %dma_wait3A_64 : memref<1x8x128xi32, #tpu.memory_space<vmem>> -> memref<8x128xi32, #tpu.memory_space<vmem>>
    %dma_wait3A_66 = arith.constant 0 : i32
    %dma_wait3A_67 = tpu.memref_slice %dma_wait3A_65[%dma_wait3A_56, %dma_wait3A_66] : memref<8x128xi32, #tpu.memory_space<vmem>> -> memref<1x128xi32, #tpu.memory_space<vmem>>
    %dma_wait3A_68 = tpu.memref_squeeze %dma_wait3A_67 : memref<1x128xi32, #tpu.memory_space<vmem>> -> memref<128xi32, #tpu.memory_space<vmem>>
    %dma_wait3A_69 = arith.constant 0 : i32
    %dma_wait3A_70 = arith.constant 0 : i32
    %dma_wait3A_71 = tpu.memref_slice %arg2[%dma_wait3A_69, %dma_wait3A_70] : memref<10000x128xf32, #tpu.memory_space<hbm>> -> memref<10000x128xf32, #tpu.memory_space<hbm>>
    tpu.wait_indirect_dma semaphore(%arg10 : memref<!tpu.dma_semaphore, #tpu.memory_space<semaphore_mem>>) src(%dma_wait3A_71 : memref<10000x128xf32, #tpu.memory_space<hbm>>) dst(%dma_wait3A_61 : memref<128x128xf32, #tpu.memory_space<vmem>>)
    %scan3A_72 = arith.constant 0 : i32
    %scan3A_73 = arith.constant 0 : i32
    %scan3A_74 = arith.constant 80 : i32
    %scan3A_75 = arith.addi %scan3A_73, %scan3A_74 : i32
    %scan3A_76 = arith.constant 1 : i32
    scf.for %scan3A_83 = %scan3A_73 to %scan3A_75 step %scan3A_76  : i32 {
      %jit3A_84 = arith.constant 8 : i32
      %div3A = arith.divsi %scan3A_83, %jit3A_84 : i32
      %sign3A = arith.constant 0 : i32
      %sign3A_85 = arith.cmpi sgt, %scan3A_83, %sign3A : i32
      %sign3A_86 = arith.extui %sign3A_85 : i1 to i32
      %sign3A_87 = arith.constant 0 : i32
      %sign3A_88 = arith.cmpi slt, %scan3A_83, %sign3A_87 : i32
      %sign3A_89 = arith.extui %sign3A_88 : i1 to i32
      %sign3A_90 = arith.subi %sign3A_86, %sign3A_89 : i32
      %sign3A_91 = arith.constant 0 : i32
      %sign3A_92 = arith.cmpi sgt, %jit3A_84, %sign3A_91 : i32
      %sign3A_93 = arith.extui %sign3A_92 : i1 to i32
      %sign3A_94 = arith.constant 0 : i32
      %sign3A_95 = arith.cmpi slt, %jit3A_84, %sign3A_94 : i32
      %sign3A_96 = arith.extui %sign3A_95 : i1 to i32
      %sign3A_97 = arith.subi %sign3A_93, %sign3A_96 : i32
      %ne3A = arith.cmpi ne, %sign3A_90, %sign3A_97 : i32
      %rem3A = arith.remsi %scan3A_83, %jit3A_84 : i32
      %ne3A_98 = arith.constant 0 : i32
      %ne3A_99 = arith.cmpi ne, %rem3A, %ne3A_98 : i32
      %and3A = arith.andi %ne3A, %ne3A_99 : i1
      %sub3A = arith.constant 1 : i32
      %sub3A_100 = arith.subi %div3A, %sub3A : i32
      %select_n3A_101 = arith.select %and3A, %sub3A_100, %div3A : i32
      %rem3A_102 = arith.constant 8 : i32
      %rem3A_103 = arith.remsi %scan3A_83, %rem3A_102 : i32
      %rem3A_104 = arith.constant 2 : i32
      %rem3A_105 = arith.remsi %select_n3A_101, %rem3A_104 : i32
      %rem3A_106 = arith.constant 2 : i32
      %rem3A_107 = arith.remsi %scan3A_83, %rem3A_106 : i32
      %add3A_108 = arith.constant 1 : i32
      %add3A_109 = arith.addi %scan3A_83, %add3A_108 : i32
      %jit3A_110 = arith.constant 8 : i32
      %div3A_111 = arith.divsi %add3A_109, %jit3A_110 : i32
      %sign3A_112 = arith.constant 0 : i32
      %sign3A_113 = arith.cmpi sgt, %add3A_109, %sign3A_112 : i32
      %sign3A_114 = arith.extui %sign3A_113 : i1 to i32
      %sign3A_115 = arith.constant 0 : i32
      %sign3A_116 = arith.cmpi slt, %add3A_109, %sign3A_115 : i32
      %sign3A_117 = arith.extui %sign3A_116 : i1 to i32
      %sign3A_118 = arith.subi %sign3A_114, %sign3A_117 : i32
      %sign3A_119 = arith.constant 0 : i32
      %sign3A_120 = arith.cmpi sgt, %jit3A_110, %sign3A_119 : i32
      %sign3A_121 = arith.extui %sign3A_120 : i1 to i32
      %sign3A_122 = arith.constant 0 : i32
      %sign3A_123 = arith.cmpi slt, %jit3A_110, %sign3A_122 : i32
      %sign3A_124 = arith.extui %sign3A_123 : i1 to i32
      %sign3A_125 = arith.subi %sign3A_121, %sign3A_124 : i32
      %ne3A_126 = arith.cmpi ne, %sign3A_118, %sign3A_125 : i32
      %rem3A_127 = arith.remsi %add3A_109, %jit3A_110 : i32
      %ne3A_128 = arith.constant 0 : i32
      %ne3A_129 = arith.cmpi ne, %rem3A_127, %ne3A_128 : i32
      %and3A_130 = arith.andi %ne3A_126, %ne3A_129 : i1
      %sub3A_131 = arith.constant 1 : i32
      %sub3A_132 = arith.subi %div3A_111, %sub3A_131 : i32
      %select_n3A_133 = arith.select %and3A_130, %sub3A_132, %div3A_111 : i32
      %add3A_134 = arith.constant 1 : i32
      %add3A_135 = arith.addi %scan3A_83, %add3A_134 : i32
      %rem3A_136 = arith.constant 8 : i32
      %rem3A_137 = arith.remsi %add3A_135, %rem3A_136 : i32
      %rem3A_138 = arith.constant 2 : i32
      %rem3A_139 = arith.remsi %select_n3A_133, %rem3A_138 : i32
      %eq3A_140 = arith.constant 0 : i32
      %eq3A_141 = arith.cmpi eq, %rem3A_103, %eq3A_140 : i32
      %add3A_142 = arith.constant 1 : i32
      %add3A_143 = arith.addi %select_n3A_101, %add3A_142 : i32
      %lt3A = arith.constant 10 : i32
      %lt3A_144 = arith.cmpi slt, %add3A_143, %lt3A : i32
      %and3A_145 = arith.andi %eq3A_141, %lt3A_144 : i1
      %convert_element_type3A = arith.extui %and3A_145 : i1 to i32
      %cond3A = arith.constant 0 : i32
      %cond3A_146 = arith.cmpi ne, %convert_element_type3A, %cond3A : i32
      scf.if %cond3A_146 {
        %add3A_202 = arith.constant 1 : i32
        %add3A_203 = arith.addi %select_n3A_101, %add3A_202 : i32
        %sub3A_204 = arith.constant 1 : i32
        %sub3A_205 = arith.subi %sub3A_204, %rem3A_105 : i32
        %dma_start3A_206 = arith.constant 0 : i32
        %dma_start3A_207 = arith.constant 0 : i32
        %dma_start3A_208 = tpu.memref_slice %arg6[%sub3A_205, %dma_start3A_206, %dma_start3A_207] : memref<2x8x128xi32, #tpu.memory_space<vmem>> -> memref<1x8x128xi32, #tpu.memory_space<vmem>>
        %dma_start3A_209 = tpu.memref_squeeze %dma_start3A_208 : memref<1x8x128xi32, #tpu.memory_space<vmem>> -> memref<8x128xi32, #tpu.memory_space<vmem>>
        %dma_start3A_210 = arith.constant 0 : i32
        %dma_start3A_211 = arith.constant 0 : i32
        %dma_start3A_212 = tpu.memref_slice %arg3[%add3A, %add3A_203, %dma_start3A_210, %dma_start3A_211] : memref<32x10x8x128xi32, #tpu.memory_space<hbm>> -> memref<1x1x8x128xi32, #tpu.memory_space<hbm>>
        %dma_start3A_213 = tpu.memref_squeeze %dma_start3A_212 : memref<1x1x8x128xi32, #tpu.memory_space<hbm>> -> memref<8x128xi32, #tpu.memory_space<hbm>>
        %dma_start3A_214 = arith.constant 0 : i32
        %dma_start3A_215 = arith.constant 0 : i32
        %dma_start3A_216 = tpu.memref_slice %arg6[%sub3A_205, %dma_start3A_214, %dma_start3A_215] : memref<2x8x128xi32, #tpu.memory_space<vmem>> -> memref<1x8x128xi32, #tpu.memory_space<vmem>>
        %dma_start3A_217 = tpu.memref_squeeze %dma_start3A_216 : memref<1x8x128xi32, #tpu.memory_space<vmem>> -> memref<8x128xi32, #tpu.memory_space<vmem>>
        %dma_start3A_218 = arith.constant 0 : i32
        %dma_start3A_219 = arith.constant 0 : i32
        %dma_start3A_220 = tpu.memref_slice %arg3[%add3A, %add3A_203, %dma_start3A_218, %dma_start3A_219] : memref<32x10x8x128xi32, #tpu.memory_space<hbm>> -> memref<1x1x8x128xi32, #tpu.memory_space<hbm>>
        %dma_start3A_221 = tpu.memref_squeeze %dma_start3A_220 : memref<1x1x8x128xi32, #tpu.memory_space<hbm>> -> memref<8x128xi32, #tpu.memory_space<hbm>>
        tpu.enqueue_dma source(%dma_start3A_221 : memref<8x128xi32, #tpu.memory_space<hbm>>) target(%dma_start3A_217 : memref<8x128xi32, #tpu.memory_space<vmem>>) target_semaphore(%arg12 : memref<!tpu.dma_semaphore, #tpu.memory_space<semaphore_mem>>)
        %add3A_222 = arith.constant 1 : i32
        %add3A_223 = arith.addi %select_n3A_101, %add3A_222 : i32
        %sub3A_224 = arith.constant 1 : i32
        %sub3A_225 = arith.subi %sub3A_224, %rem3A_105 : i32
        %dma_start3A_226 = arith.constant 0 : i32
        %dma_start3A_227 = arith.constant 0 : i32
        %dma_start3A_228 = tpu.memref_slice %arg7[%sub3A_225, %dma_start3A_226, %dma_start3A_227] : memref<2x8x128xi32, #tpu.memory_space<vmem>> -> memref<1x8x128xi32, #tpu.memory_space<vmem>>
        %dma_start3A_229 = tpu.memref_squeeze %dma_start3A_228 : memref<1x8x128xi32, #tpu.memory_space<vmem>> -> memref<8x128xi32, #tpu.memory_space<vmem>>
        %dma_start3A_230 = arith.constant 0 : i32
        %dma_start3A_231 = arith.constant 0 : i32
        %dma_start3A_232 = tpu.memref_slice %arg4[%add3A, %add3A_223, %dma_start3A_230, %dma_start3A_231] : memref<32x10x8x128xi32, #tpu.memory_space<hbm>> -> memref<1x1x8x128xi32, #tpu.memory_space<hbm>>
        %dma_start3A_233 = tpu.memref_squeeze %dma_start3A_232 : memref<1x1x8x128xi32, #tpu.memory_space<hbm>> -> memref<8x128xi32, #tpu.memory_space<hbm>>
        %dma_start3A_234 = arith.constant 0 : i32
        %dma_start3A_235 = arith.constant 0 : i32
        %dma_start3A_236 = tpu.memref_slice %arg7[%sub3A_225, %dma_start3A_234, %dma_start3A_235] : memref<2x8x128xi32, #tpu.memory_space<vmem>> -> memref<1x8x128xi32, #tpu.memory_space<vmem>>
        %dma_start3A_237 = tpu.memref_squeeze %dma_start3A_236 : memref<1x8x128xi32, #tpu.memory_space<vmem>> -> memref<8x128xi32, #tpu.memory_space<vmem>>
        %dma_start3A_238 = arith.constant 0 : i32
        %dma_start3A_239 = arith.constant 0 : i32
        %dma_start3A_240 = tpu.memref_slice %arg4[%add3A, %add3A_223, %dma_start3A_238, %dma_start3A_239] : memref<32x10x8x128xi32, #tpu.memory_space<hbm>> -> memref<1x1x8x128xi32, #tpu.memory_space<hbm>>
        %dma_start3A_241 = tpu.memref_squeeze %dma_start3A_240 : memref<1x1x8x128xi32, #tpu.memory_space<hbm>> -> memref<8x128xi32, #tpu.memory_space<hbm>>
        tpu.enqueue_dma source(%dma_start3A_241 : memref<8x128xi32, #tpu.memory_space<hbm>>) target(%dma_start3A_237 : memref<8x128xi32, #tpu.memory_space<vmem>>) target_semaphore(%arg12 : memref<!tpu.dma_semaphore, #tpu.memory_space<semaphore_mem>>)
      } else {
      }
      %add3A_147 = arith.constant 1 : i32
      %add3A_148 = arith.addi %scan3A_83, %add3A_147 : i32
      %lt3A_149 = arith.constant 80 : i32
      %lt3A_150 = arith.cmpi slt, %add3A_148, %lt3A_149 : i32
      %eq3A_151 = arith.constant 0 : i32
      %eq3A_152 = arith.cmpi eq, %rem3A_137, %eq3A_151 : i32
      %and3A_153 = arith.andi %lt3A_150, %eq3A_152 : i1
      %convert_element_type3A_154 = arith.extui %and3A_153 : i1 to i32
      %cond3A_155 = arith.constant 0 : i32
      %cond3A_156 = arith.cmpi ne, %convert_element_type3A_154, %cond3A_155 : i32
      scf.if %cond3A_156 {
        %dma_wait3A_202 = arith.constant 0 : i32
        %dma_wait3A_203 = arith.constant 0 : i32
        %dma_wait3A_204 = arith.constant 0 : i32
        %dma_wait3A_205 = arith.constant 0 : i32
        %dma_wait3A_206 = tpu.memref_slice %arg6[%dma_wait3A_203, %dma_wait3A_204, %dma_wait3A_205] : memref<2x8x128xi32, #tpu.memory_space<vmem>> -> memref<1x8x128xi32, #tpu.memory_space<vmem>>
        %dma_wait3A_207 = tpu.memref_squeeze %dma_wait3A_206 : memref<1x8x128xi32, #tpu.memory_space<vmem>> -> memref<8x128xi32, #tpu.memory_space<vmem>>
        %dma_wait3A_208 = arith.constant 0 : i32
        %dma_wait3A_209 = arith.constant 0 : i32
        %dma_wait3A_210 = tpu.memref_slice %arg3[%add3A, %dma_wait3A_202, %dma_wait3A_208, %dma_wait3A_209] : memref<32x10x8x128xi32, #tpu.memory_space<hbm>> -> memref<1x1x8x128xi32, #tpu.memory_space<hbm>>
        %dma_wait3A_211 = tpu.memref_squeeze %dma_wait3A_210 : memref<1x1x8x128xi32, #tpu.memory_space<hbm>> -> memref<8x128xi32, #tpu.memory_space<hbm>>
        %dma_wait3A_212 = arith.constant 0 : i32
        %dma_wait3A_213 = arith.constant 0 : i32
        %dma_wait3A_214 = tpu.memref_slice %arg6[%dma_wait3A_203, %dma_wait3A_212, %dma_wait3A_213] : memref<2x8x128xi32, #tpu.memory_space<vmem>> -> memref<1x8x128xi32, #tpu.memory_space<vmem>>
        %dma_wait3A_215 = tpu.memref_squeeze %dma_wait3A_214 : memref<1x8x128xi32, #tpu.memory_space<vmem>> -> memref<8x128xi32, #tpu.memory_space<vmem>>
        %dma_wait3A_216 = arith.constant 0 : i32
        %dma_wait3A_217 = arith.constant 0 : i32
        %dma_wait3A_218 = tpu.memref_slice %arg3[%add3A, %dma_wait3A_202, %dma_wait3A_216, %dma_wait3A_217] : memref<32x10x8x128xi32, #tpu.memory_space<hbm>> -> memref<1x1x8x128xi32, #tpu.memory_space<hbm>>
        %dma_wait3A_219 = tpu.memref_squeeze %dma_wait3A_218 : memref<1x1x8x128xi32, #tpu.memory_space<hbm>> -> memref<8x128xi32, #tpu.memory_space<hbm>>
        tpu.wait_dma2 semaphore(%arg12 : memref<!tpu.dma_semaphore, #tpu.memory_space<semaphore_mem>>) src(%dma_wait3A_219 : memref<8x128xi32, #tpu.memory_space<hbm>>) dst(%dma_wait3A_215 : memref<8x128xi32, #tpu.memory_space<vmem>>)
        %dma_wait3A_220 = arith.constant 0 : i32
        %dma_wait3A_221 = arith.constant 0 : i32
        %dma_wait3A_222 = arith.constant 0 : i32
        %dma_wait3A_223 = arith.constant 0 : i32
        %dma_wait3A_224 = tpu.memref_slice %arg6[%dma_wait3A_221, %dma_wait3A_222, %dma_wait3A_223] : memref<2x8x128xi32, #tpu.memory_space<vmem>> -> memref<1x8x128xi32, #tpu.memory_space<vmem>>
        %dma_wait3A_225 = tpu.memref_squeeze %dma_wait3A_224 : memref<1x8x128xi32, #tpu.memory_space<vmem>> -> memref<8x128xi32, #tpu.memory_space<vmem>>
        %dma_wait3A_226 = arith.constant 0 : i32
        %dma_wait3A_227 = arith.constant 0 : i32
        %dma_wait3A_228 = tpu.memref_slice %arg3[%add3A, %dma_wait3A_220, %dma_wait3A_226, %dma_wait3A_227] : memref<32x10x8x128xi32, #tpu.memory_space<hbm>> -> memref<1x1x8x128xi32, #tpu.memory_space<hbm>>
        %dma_wait3A_229 = tpu.memref_squeeze %dma_wait3A_228 : memref<1x1x8x128xi32, #tpu.memory_space<hbm>> -> memref<8x128xi32, #tpu.memory_space<hbm>>
        %dma_wait3A_230 = arith.constant 0 : i32
        %dma_wait3A_231 = arith.constant 0 : i32
        %dma_wait3A_232 = tpu.memref_slice %arg6[%dma_wait3A_221, %dma_wait3A_230, %dma_wait3A_231] : memref<2x8x128xi32, #tpu.memory_space<vmem>> -> memref<1x8x128xi32, #tpu.memory_space<vmem>>
        %dma_wait3A_233 = tpu.memref_squeeze %dma_wait3A_232 : memref<1x8x128xi32, #tpu.memory_space<vmem>> -> memref<8x128xi32, #tpu.memory_space<vmem>>
        %dma_wait3A_234 = arith.constant 0 : i32
        %dma_wait3A_235 = arith.constant 0 : i32
        %dma_wait3A_236 = tpu.memref_slice %arg3[%add3A, %dma_wait3A_220, %dma_wait3A_234, %dma_wait3A_235] : memref<32x10x8x128xi32, #tpu.memory_space<hbm>> -> memref<1x1x8x128xi32, #tpu.memory_space<hbm>>
        %dma_wait3A_237 = tpu.memref_squeeze %dma_wait3A_236 : memref<1x1x8x128xi32, #tpu.memory_space<hbm>> -> memref<8x128xi32, #tpu.memory_space<hbm>>
        tpu.wait_dma2 semaphore(%arg12 : memref<!tpu.dma_semaphore, #tpu.memory_space<semaphore_mem>>) src(%dma_wait3A_237 : memref<8x128xi32, #tpu.memory_space<hbm>>) dst(%dma_wait3A_233 : memref<8x128xi32, #tpu.memory_space<vmem>>)
      } else {
      }
      %add3A_157 = arith.constant 1 : i32
      %add3A_158 = arith.addi %scan3A_83, %add3A_157 : i32
      %lt3A_159 = arith.constant 80 : i32
      %lt3A_160 = arith.cmpi slt, %add3A_158, %lt3A_159 : i32
      %convert_element_type3A_161 = arith.extui %lt3A_160 : i1 to i32
      %cond3A_162 = arith.constant 0 : i32
      %cond3A_163 = arith.cmpi ne, %convert_element_type3A_161, %cond3A_162 : i32
      scf.if %cond3A_163 {
        %sub3A_202 = arith.constant 1 : i32
        %sub3A_203 = arith.subi %sub3A_202, %rem3A_107 : i32
        %dma_start3A_204 = arith.constant 0 : i32
        %dma_start3A_205 = arith.constant 0 : i32
        %dma_start3A_206 = tpu.memref_slice %arg8[%sub3A_203, %dma_start3A_204, %dma_start3A_205] : memref<2x128x128xf32, #tpu.memory_space<vmem>> -> memref<1x128x128xf32, #tpu.memory_space<vmem>>
        %dma_start3A_207 = tpu.memref_squeeze %dma_start3A_206 : memref<1x128x128xf32, #tpu.memory_space<vmem>> -> memref<128x128xf32, #tpu.memory_space<vmem>>
        %dma_start3A_208 = arith.constant 0 : i32
        %dma_start3A_209 = arith.constant 0 : i32
        %dma_start3A_210 = tpu.memref_slice %arg6[%rem3A_139, %dma_start3A_208, %dma_start3A_209] : memref<2x8x128xi32, #tpu.memory_space<vmem>> -> memref<1x8x128xi32, #tpu.memory_space<vmem>>
        %dma_start3A_211 = tpu.memref_squeeze %dma_start3A_210 : memref<1x8x128xi32, #tpu.memory_space<vmem>> -> memref<8x128xi32, #tpu.memory_space<vmem>>
        %dma_start3A_212 = arith.constant 0 : i32
        %dma_start3A_213 = tpu.memref_slice %dma_start3A_211[%rem3A_137, %dma_start3A_212] : memref<8x128xi32, #tpu.memory_space<vmem>> -> memref<1x128xi32, #tpu.memory_space<vmem>>
        %dma_start3A_214 = tpu.memref_squeeze %dma_start3A_213 : memref<1x128xi32, #tpu.memory_space<vmem>> -> memref<128xi32, #tpu.memory_space<vmem>>
        %dma_start3A_215 = arith.constant 0 : i32
        %dma_start3A_216 = arith.constant 0 : i32
        %dma_start3A_217 = tpu.memref_slice %arg2[%dma_start3A_215, %dma_start3A_216] : memref<10000x128xf32, #tpu.memory_space<hbm>> -> memref<10000x128xf32, #tpu.memory_space<hbm>>
        tpu.enqueue_indirect_dma source(%dma_start3A_217 : memref<10000x128xf32, #tpu.memory_space<hbm>>) target(%dma_start3A_207 : memref<128x128xf32, #tpu.memory_space<vmem>>) offsets(%dma_start3A_214 : memref<128xi32, #tpu.memory_space<vmem>>) semaphore(%arg10 : memref<!tpu.dma_semaphore, #tpu.memory_space<semaphore_mem>>)
      } else {
      }
      %dma_start3A_164 = arith.constant 0 : i32
      %dma_start3A_165 = arith.constant 0 : i32
      %dma_start3A_166 = tpu.memref_slice %arg8[%rem3A_107, %dma_start3A_164, %dma_start3A_165] : memref<2x128x128xf32, #tpu.memory_space<vmem>> -> memref<1x128x128xf32, #tpu.memory_space<vmem>>
      %dma_start3A_167 = tpu.memref_squeeze %dma_start3A_166 : memref<1x128x128xf32, #tpu.memory_space<vmem>> -> memref<128x128xf32, #tpu.memory_space<vmem>>
      %dma_start3A_168 = arith.constant 0 : i32
      %dma_start3A_169 = arith.constant 0 : i32
      %dma_start3A_170 = tpu.memref_slice %arg7[%rem3A_105, %dma_start3A_168, %dma_start3A_169] : memref<2x8x128xi32, #tpu.memory_space<vmem>> -> memref<1x8x128xi32, #tpu.memory_space<vmem>>
      %dma_start3A_171 = tpu.memref_squeeze %dma_start3A_170 : memref<1x8x128xi32, #tpu.memory_space<vmem>> -> memref<8x128xi32, #tpu.memory_space<vmem>>
      %dma_start3A_172 = arith.constant 0 : i32
      %dma_start3A_173 = tpu.memref_slice %dma_start3A_171[%rem3A_103, %dma_start3A_172] : memref<8x128xi32, #tpu.memory_space<vmem>> -> memref<1x128xi32, #tpu.memory_space<vmem>>
      %dma_start3A_174 = tpu.memref_squeeze %dma_start3A_173 : memref<1x128xi32, #tpu.memory_space<vmem>> -> memref<128xi32, #tpu.memory_space<vmem>>
      %dma_start3A_175 = arith.constant 0 : i32
      %dma_start3A_176 = arith.constant 0 : i32
      %dma_start3A_177 = tpu.memref_slice %arg9[%dma_start3A_175, %dma_start3A_176] : memref<10240x128xf32, #tpu.memory_space<vmem_shared>> -> memref<10240x128xf32, #tpu.memory_space<vmem_shared>>
      tpu.enqueue_indirect_dma source(%dma_start3A_167 : memref<128x128xf32, #tpu.memory_space<vmem>>) target(%dma_start3A_177 : memref<10240x128xf32, #tpu.memory_space<vmem_shared>>) offsets(%dma_start3A_174 : memref<128xi32, #tpu.memory_space<vmem>>) semaphore(%arg11 : memref<!tpu.dma_semaphore, #tpu.memory_space<semaphore_mem>>) {add = true}
      %dma_wait3A_178 = arith.constant 0 : i32
      %dma_wait3A_179 = arith.constant 0 : i32
      %dma_wait3A_180 = arith.constant 0 : i32
      %dma_wait3A_181 = arith.constant 0 : i32
      %dma_wait3A_182 = arith.constant 0 : i32
      %dma_wait3A_183 = tpu.memref_slice %arg8[%dma_wait3A_180, %dma_wait3A_181, %dma_wait3A_182] : memref<2x128x128xf32, #tpu.memory_space<vmem>> -> memref<1x128x128xf32, #tpu.memory_space<vmem>>
      %dma_wait3A_184 = tpu.memref_squeeze %dma_wait3A_183 : memref<1x128x128xf32, #tpu.memory_space<vmem>> -> memref<128x128xf32, #tpu.memory_space<vmem>>
      %dma_wait3A_185 = arith.constant 0 : i32
      %dma_wait3A_186 = arith.constant 0 : i32
      %dma_wait3A_187 = tpu.memref_slice %arg6[%dma_wait3A_178, %dma_wait3A_185, %dma_wait3A_186] : memref<2x8x128xi32, #tpu.memory_space<vmem>> -> memref<1x8x128xi32, #tpu.memory_space<vmem>>
      %dma_wait3A_188 = tpu.memref_squeeze %dma_wait3A_187 : memref<1x8x128xi32, #tpu.memory_space<vmem>> -> memref<8x128xi32, #tpu.memory_space<vmem>>
      %dma_wait3A_189 = arith.constant 0 : i32
      %dma_wait3A_190 = tpu.memref_slice %dma_wait3A_188[%dma_wait3A_179, %dma_wait3A_189] : memref<8x128xi32, #tpu.memory_space<vmem>> -> memref<1x128xi32, #tpu.memory_space<vmem>>
      %dma_wait3A_191 = tpu.memref_squeeze %dma_wait3A_190 : memref<1x128xi32, #tpu.memory_space<vmem>> -> memref<128xi32, #tpu.memory_space<vmem>>
      %dma_wait3A_192 = arith.constant 0 : i32
      %dma_wait3A_193 = arith.constant 0 : i32
      %dma_wait3A_194 = tpu.memref_slice %arg2[%dma_wait3A_192, %dma_wait3A_193] : memref<10000x128xf32, #tpu.memory_space<hbm>> -> memref<10000x128xf32, #tpu.memory_space<hbm>>
      tpu.wait_indirect_dma semaphore(%arg11 : memref<!tpu.dma_semaphore, #tpu.memory_space<semaphore_mem>>) src(%dma_wait3A_194 : memref<10000x128xf32, #tpu.memory_space<hbm>>) dst(%dma_wait3A_184 : memref<128x128xf32, #tpu.memory_space<vmem>>)
      %add3A_195 = arith.constant 1 : i32
      %add3A_196 = arith.addi %scan3A_83, %add3A_195 : i32
      %lt3A_197 = arith.constant 80 : i32
      %lt3A_198 = arith.cmpi slt, %add3A_196, %lt3A_197 : i32
      %convert_element_type3A_199 = arith.extui %lt3A_198 : i1 to i32
      %cond3A_200 = arith.constant 0 : i32
      %cond3A_201 = arith.cmpi ne, %convert_element_type3A_199, %cond3A_200 : i32
      scf.if %cond3A_201 {
        %dma_wait3A_202 = arith.constant 0 : i32
        %dma_wait3A_203 = arith.constant 0 : i32
        %dma_wait3A_204 = arith.constant 0 : i32
        %dma_wait3A_205 = arith.constant 0 : i32
        %dma_wait3A_206 = arith.constant 0 : i32
        %dma_wait3A_207 = tpu.memref_slice %arg8[%dma_wait3A_204, %dma_wait3A_205, %dma_wait3A_206] : memref<2x128x128xf32, #tpu.memory_space<vmem>> -> memref<1x128x128xf32, #tpu.memory_space<vmem>>
        %dma_wait3A_208 = tpu.memref_squeeze %dma_wait3A_207 : memref<1x128x128xf32, #tpu.memory_space<vmem>> -> memref<128x128xf32, #tpu.memory_space<vmem>>
        %dma_wait3A_209 = arith.constant 0 : i32
        %dma_wait3A_210 = arith.constant 0 : i32
        %dma_wait3A_211 = tpu.memref_slice %arg6[%dma_wait3A_202, %dma_wait3A_209, %dma_wait3A_210] : memref<2x8x128xi32, #tpu.memory_space<vmem>> -> memref<1x8x128xi32, #tpu.memory_space<vmem>>
        %dma_wait3A_212 = tpu.memref_squeeze %dma_wait3A_211 : memref<1x8x128xi32, #tpu.memory_space<vmem>> -> memref<8x128xi32, #tpu.memory_space<vmem>>
        %dma_wait3A_213 = arith.constant 0 : i32
        %dma_wait3A_214 = tpu.memref_slice %dma_wait3A_212[%dma_wait3A_203, %dma_wait3A_213] : memref<8x128xi32, #tpu.memory_space<vmem>> -> memref<1x128xi32, #tpu.memory_space<vmem>>
        %dma_wait3A_215 = tpu.memref_squeeze %dma_wait3A_214 : memref<1x128xi32, #tpu.memory_space<vmem>> -> memref<128xi32, #tpu.memory_space<vmem>>
        %dma_wait3A_216 = arith.constant 0 : i32
        %dma_wait3A_217 = arith.constant 0 : i32
        %dma_wait3A_218 = tpu.memref_slice %arg2[%dma_wait3A_216, %dma_wait3A_217] : memref<10000x128xf32, #tpu.memory_space<hbm>> -> memref<10000x128xf32, #tpu.memory_space<hbm>>
        tpu.wait_indirect_dma semaphore(%arg10 : memref<!tpu.dma_semaphore, #tpu.memory_space<semaphore_mem>>) src(%dma_wait3A_218 : memref<10000x128xf32, #tpu.memory_space<hbm>>) dst(%dma_wait3A_208 : memref<128x128xf32, #tpu.memory_space<vmem>>)
      } else {
      }
    }
    %scan3A_77 = arith.constant 80 : i32
    %barrier3A_78 = arith.constant 0 : index
    tpu.barrier barrier_id(%barrier3A_78)
    %mul3A_79 = arith.constant 640 : i32
    %mul3A_80 = arith.muli %arg1, %mul3A_79 : i32
    %mul3A_81 = arith.constant 640 : i32
    %mul3A_82 = arith.muli %arg1, %mul3A_81 : i32
    "tpu.region"() ({
      %run_scoped3A_83 = tpu.sem_alloc : memref<!tpu.dma_semaphore, #tpu.memory_space<semaphore_mem>>
      %dma_start3A_84 = arith.constant 0 : i32
      %dma_start3A_85 = tpu.memref_slice %arg5[%arg0, %mul3A_82, %dma_start3A_84] : memref<2x10240x128xf32, #tpu.memory_space<hbm>> -> memref<1x640x128xf32, #tpu.memory_space<hbm>>
      %dma_start3A_86 = tpu.memref_squeeze %dma_start3A_85 : memref<1x640x128xf32, #tpu.memory_space<hbm>> -> memref<640x128xf32, #tpu.memory_space<hbm>>
      %dma_start3A_87 = arith.constant 0 : i32
      %dma_start3A_88 = tpu.memref_slice %arg9[%mul3A_80, %dma_start3A_87] : memref<10240x128xf32, #tpu.memory_space<vmem_shared>> -> memref<640x128xf32, #tpu.memory_space<vmem_shared>>
      tpu.enqueue_dma source(%dma_start3A_88 : memref<640x128xf32, #tpu.memory_space<vmem_shared>>) target(%dma_start3A_86 : memref<640x128xf32, #tpu.memory_space<hbm>>) target_semaphore(%run_scoped3A_83 : memref<!tpu.dma_semaphore, #tpu.memory_space<semaphore_mem>>)
      %dma_wait3A_89 = arith.constant 0 : i32
      %dma_wait3A_90 = tpu.memref_slice %arg5[%arg0, %mul3A_82, %dma_wait3A_89] : memref<2x10240x128xf32, #tpu.memory_space<hbm>> -> memref<1x640x128xf32, #tpu.memory_space<hbm>>
      %dma_wait3A_91 = tpu.memref_squeeze %dma_wait3A_90 : memref<1x640x128xf32, #tpu.memory_space<hbm>> -> memref<640x128xf32, #tpu.memory_space<hbm>>
      %dma_wait3A_92 = arith.constant 0 : i32
      %dma_wait3A_93 = tpu.memref_slice %arg9[%mul3A_80, %dma_wait3A_92] : memref<10240x128xf32, #tpu.memory_space<vmem_shared>> -> memref<640x128xf32, #tpu.memory_space<vmem_shared>>
      tpu.wait_dma2 semaphore(%run_scoped3A_83 : memref<!tpu.dma_semaphore, #tpu.memory_space<semaphore_mem>>) src(%dma_wait3A_93 : memref<640x128xf32, #tpu.memory_space<vmem_shared>>) dst(%dma_wait3A_91 : memref<640x128xf32, #tpu.memory_space<hbm>>)
      tpu.yield
    }) : () -> ()
    return
  }
}

module attributes {stable_mosaic.version = 14 : i64} {
  func.func @_mm_body(%arg0: i32, %arg1: memref<2x1024x128xf32, #tpu.memory_space<vmem>>, %arg2: memref<32x1024xf32, #tpu.memory_space<vmem>>, %arg3: memref<1024x128xf32, #tpu.memory_space<vmem>>, %arg4: memref<128x128xf32, #tpu.memory_space<vmem>>, %arg5: memref<128x128xf32, #tpu.memory_space<vmem>>, %arg6: memref<1x128xf32, #tpu.memory_space<vmem>>, %arg7: memref<1024x128xf32, #tpu.memory_space<vmem>>) attributes {dimension_semantics = [#tpu.dimension_semantics<arbitrary>], iteration_bounds = array<i64: 10>, scalar_prefetch = 0 : i64, scratch_operands = 0 : i64, tpu.core_type = #tpu.core_type<tc>, window_params = [{transform_indices = @transform_0, window_bounds = array<i64: 2, 1024, 128>}, {transform_indices = @transform_1, window_bounds = array<i64: 32, 1024>}, {transform_indices = @transform_2, window_bounds = array<i64: 1024, 128>}, {pipeline_mode = #tpu.pipeline_mode<synchronous>, transform_indices = @transform_3, window_bounds = array<i64: 128, 128>}, {pipeline_mode = #tpu.pipeline_mode<synchronous>, transform_indices = @transform_4, window_bounds = array<i64: 128, 128>}, {pipeline_mode = #tpu.pipeline_mode<synchronous>, transform_indices = @transform_5, window_bounds = array<i64: 1, 128>}, {transform_indices = @transform_6, window_bounds = array<i64: 1024, 128>}]} {
    %get3A = arith.constant 0 : index
    %get3A_0 = arith.constant 0 : index
    %get3A_1 = arith.constant 0 : index
    %get3A_2 = vector.load %arg1[%get3A, %get3A_0, %get3A_1] : memref<2x1024x128xf32, #tpu.memory_space<vmem>>, vector<1x1024x128xf32>
    %get3A_3 = vector.shape_cast %get3A_2 : vector<1x1024x128xf32> to vector<1024x128xf32>
    %get3A_4 = arith.constant 1 : index
    %get3A_5 = arith.constant 0 : index
    %get3A_6 = arith.constant 0 : index
    %get3A_7 = vector.load %arg1[%get3A_4, %get3A_5, %get3A_6] : memref<2x1024x128xf32, #tpu.memory_space<vmem>>, vector<1x1024x128xf32>
    %get3A_8 = vector.shape_cast %get3A_7 : vector<1x1024x128xf32> to vector<1024x128xf32>
    %add3A = arith.addf %get3A_3, %get3A_8 : vector<1024x128xf32>
    %get3A_9 = arith.constant 0 : index
    %get3A_10 = arith.constant 0 : index
    %get3A_11 = vector.load %arg2[%get3A_9, %get3A_10] : memref<32x1024xf32, #tpu.memory_space<vmem>>, vector<32x1024xf32>
    %reduce_sum3A = arith.constant dense<0.000000e+00> : vector<1024xf32>
    %reduce_sum3A_12 = vector.multi_reduction <add>, %get3A_11, %reduce_sum3A [0] : vector<32x1024xf32> to vector<1024xf32>
    %max3A = arith.constant 1.000000e+00 : f32
    %max3A_13 = vector.broadcast %max3A : f32 to vector<1024xf32>
    %max3A_14 = arith.maximumf %reduce_sum3A_12, %max3A_13 : vector<1024xf32>
    %div3A = arith.constant 1.000000e+00 : f32
    %div3A_15 = vector.broadcast %div3A : f32 to vector<1024xf32>
    %div3A_16 = arith.divf %div3A_15, %max3A_14 : vector<1024xf32>
    %broadcast_in_dim3A = vector.shape_cast %div3A_16 : vector<1024xf32> to vector<1024x1xf32>
    %mul3A = vector.broadcast %broadcast_in_dim3A : vector<1024x1xf32> to vector<1024x128xf32>
    %mul3A_17 = arith.mulf %add3A, %mul3A : vector<1024x128xf32>
    %get3A_18 = arith.constant 0 : index
    %get3A_19 = arith.constant 0 : index
    %get3A_20 = vector.load %arg4[%get3A_18, %get3A_19] : memref<128x128xf32, #tpu.memory_space<vmem>>, vector<128x128xf32>
    %dot_general3A = arith.constant dense<0.000000e+00> : vector<1024x128xf32>
    %dot_general3A_21 = tpu.matmul %mul3A_17, %get3A_20, %dot_general3A {dimension_numbers = #tpu.dot_dimension_numbers<[1], [0], [0], [1], [0, 0, 1, 1], [], []>, transpose_lhs_hint = false} : vector<1024x128xf32>, vector<128x128xf32>, vector<1024x128xf32> -> vector<1024x128xf32>
    %get3A_22 = arith.constant 0 : index
    %get3A_23 = arith.constant 0 : index
    %get3A_24 = vector.load %arg3[%get3A_22, %get3A_23] : memref<1024x128xf32, #tpu.memory_space<vmem>>, vector<1024x128xf32>
    %get3A_25 = arith.constant 0 : index
    %get3A_26 = arith.constant 0 : index
    %get3A_27 = vector.load %arg5[%get3A_25, %get3A_26] : memref<128x128xf32, #tpu.memory_space<vmem>>, vector<128x128xf32>
    %dot_general3A_28 = arith.constant dense<0.000000e+00> : vector<1024x128xf32>
    %dot_general3A_29 = tpu.matmul %get3A_24, %get3A_27, %dot_general3A_28 {dimension_numbers = #tpu.dot_dimension_numbers<[1], [0], [0], [1], [0, 0, 1, 1], [], []>, transpose_lhs_hint = false} : vector<1024x128xf32>, vector<128x128xf32>, vector<1024x128xf32> -> vector<1024x128xf32>
    %add3A_30 = arith.addf %dot_general3A_21, %dot_general3A_29 : vector<1024x128xf32>
    %get3A_31 = arith.constant 0 : index
    %get3A_32 = arith.constant 0 : index
    %get3A_33 = vector.load %arg6[%get3A_31, %get3A_32] : memref<1x128xf32, #tpu.memory_space<vmem>>, vector<1x128xf32>
    %add3A_34 = vector.broadcast %get3A_33 : vector<1x128xf32> to vector<1024x128xf32>
    %add3A_35 = arith.addf %add3A_30, %add3A_34 : vector<1024x128xf32>
    %max3A_36 = arith.constant 0.000000e+00 : f32
    %max3A_37 = vector.broadcast %max3A_36 : f32 to vector<1024x128xf32>
    %max3A_38 = arith.maximumf %add3A_35, %max3A_37 : vector<1024x128xf32>
    %swap3A = arith.constant 0 : index
    %swap3A_39 = arith.constant 0 : index
    %swap3A_40 = vector.load %arg7[%swap3A, %swap3A_39] : memref<1024x128xf32, #tpu.memory_space<vmem>>, vector<1024x128xf32>
    tpu.vector_store %arg7[%swap3A, %swap3A_39], %max3A_38 {strides = array<i32>} : memref<1024x128xf32, #tpu.memory_space<vmem>>, vector<1024x128xf32>,
    return
  }
  func.func @transform_0(%arg0: i32) -> (i32, i32, i32) {
    %c0_i32 = arith.constant 0 : i32
    %c0_i32_0 = arith.constant 0 : i32
    %c0_i32_1 = arith.constant 0 : i32
    return %c0_i32, %arg0, %c0_i32_0 : i32, i32, i32
  }
  func.func @transform_1(%arg0: i32) -> (i32, i32) {
    %c0_i32 = arith.constant 0 : i32
    %c0_i32_0 = arith.constant 0 : i32
    return %c0_i32, %arg0 : i32, i32
  }
  func.func @transform_2(%arg0: i32) -> (i32, i32) {
    %c0_i32 = arith.constant 0 : i32
    %c0_i32_0 = arith.constant 0 : i32
    return %arg0, %c0_i32 : i32, i32
  }
  func.func @transform_3(%arg0: i32) -> (i32, i32) {
    %c0_i32 = arith.constant 0 : i32
    %c0_i32_0 = arith.constant 0 : i32
    %c0_i32_1 = arith.constant 0 : i32
    return %c0_i32, %c0_i32_0 : i32, i32
  }
  func.func @transform_4(%arg0: i32) -> (i32, i32) {
    %c0_i32 = arith.constant 0 : i32
    %c0_i32_0 = arith.constant 0 : i32
    %c0_i32_1 = arith.constant 0 : i32
    return %c0_i32, %c0_i32_0 : i32, i32
  }
  func.func @transform_5(%arg0: i32) -> (i32, i32) {
    %c0_i32 = arith.constant 0 : i32
    %c0_i32_0 = arith.constant 0 : i32
    %c0_i32_1 = arith.constant 0 : i32
    return %c0_i32, %c0_i32_0 : i32, i32
  }
  func.func @transform_6(%arg0: i32) -> (i32, i32) {
    %c0_i32 = arith.constant 0 : i32
    %c0_i32_0 = arith.constant 0 : i32
    return %arg0, %c0_i32 : i32, i32
  }
}

module attributes {stable_mosaic.version = 14 : i64} {
  func.func @_mm_body(%arg0: i32, %arg1: memref<2x1024x128xf32, #tpu.memory_space<vmem>>, %arg2: memref<32x1024xf32, #tpu.memory_space<vmem>>, %arg3: memref<1024x128xf32, #tpu.memory_space<vmem>>, %arg4: memref<128x128xf32, #tpu.memory_space<vmem>>, %arg5: memref<128x128xf32, #tpu.memory_space<vmem>>, %arg6: memref<1x128xf32, #tpu.memory_space<vmem>>, %arg7: memref<1024x128xf32, #tpu.memory_space<vmem>>) attributes {dimension_semantics = [#tpu.dimension_semantics<arbitrary>], iteration_bounds = array<i64: 10>, scalar_prefetch = 0 : i64, scratch_operands = 0 : i64, tpu.core_type = #tpu.core_type<tc>, window_params = [{transform_indices = @transform_0, window_bounds = array<i64: 2, 1024, 128>}, {transform_indices = @transform_1, window_bounds = array<i64: 32, 1024>}, {transform_indices = @transform_2, window_bounds = array<i64: 1024, 128>}, {pipeline_mode = #tpu.pipeline_mode<synchronous>, transform_indices = @transform_3, window_bounds = array<i64: 128, 128>}, {pipeline_mode = #tpu.pipeline_mode<synchronous>, transform_indices = @transform_4, window_bounds = array<i64: 128, 128>}, {pipeline_mode = #tpu.pipeline_mode<synchronous>, transform_indices = @transform_5, window_bounds = array<i64: 1, 128>}, {transform_indices = @transform_6, window_bounds = array<i64: 1024, 128>}]} {
    %get3A = arith.constant 0 : index
    %get3A_0 = arith.constant 0 : index
    %get3A_1 = arith.constant 0 : index
    %get3A_2 = vector.load %arg1[%get3A, %get3A_0, %get3A_1] : memref<2x1024x128xf32, #tpu.memory_space<vmem>>, vector<1x1024x128xf32>
    %get3A_3 = vector.shape_cast %get3A_2 : vector<1x1024x128xf32> to vector<1024x128xf32>
    %get3A_4 = arith.constant 1 : index
    %get3A_5 = arith.constant 0 : index
    %get3A_6 = arith.constant 0 : index
    %get3A_7 = vector.load %arg1[%get3A_4, %get3A_5, %get3A_6] : memref<2x1024x128xf32, #tpu.memory_space<vmem>>, vector<1x1024x128xf32>
    %get3A_8 = vector.shape_cast %get3A_7 : vector<1x1024x128xf32> to vector<1024x128xf32>
    %add3A = arith.addf %get3A_3, %get3A_8 : vector<1024x128xf32>
    %get3A_9 = arith.constant 0 : index
    %get3A_10 = arith.constant 0 : index
    %get3A_11 = vector.load %arg2[%get3A_9, %get3A_10] : memref<32x1024xf32, #tpu.memory_space<vmem>>, vector<32x1024xf32>
    %reduce_sum3A = arith.constant dense<0.000000e+00> : vector<1024xf32>
    %reduce_sum3A_12 = vector.multi_reduction <add>, %get3A_11, %reduce_sum3A [0] : vector<32x1024xf32> to vector<1024xf32>
    %max3A = arith.constant 1.000000e+00 : f32
    %max3A_13 = vector.broadcast %max3A : f32 to vector<1024xf32>
    %max3A_14 = arith.maximumf %reduce_sum3A_12, %max3A_13 : vector<1024xf32>
    %div3A = arith.constant 1.000000e+00 : f32
    %div3A_15 = vector.broadcast %div3A : f32 to vector<1024xf32>
    %div3A_16 = arith.divf %div3A_15, %max3A_14 : vector<1024xf32>
    %broadcast_in_dim3A = vector.shape_cast %div3A_16 : vector<1024xf32> to vector<1024x1xf32>
    %mul3A = vector.broadcast %broadcast_in_dim3A : vector<1024x1xf32> to vector<1024x128xf32>
    %mul3A_17 = arith.mulf %add3A, %mul3A : vector<1024x128xf32>
    %get3A_18 = arith.constant 0 : index
    %get3A_19 = arith.constant 0 : index
    %get3A_20 = vector.load %arg4[%get3A_18, %get3A_19] : memref<128x128xf32, #tpu.memory_space<vmem>>, vector<128x128xf32>
    %dot_general3A = arith.constant dense<0.000000e+00> : vector<1024x128xf32>
    %dot_general3A_21 = tpu.matmul %mul3A_17, %get3A_20, %dot_general3A {dimension_numbers = #tpu.dot_dimension_numbers<[1], [0], [0], [1], [0, 0, 1, 1], [], []>, transpose_lhs_hint = false} : vector<1024x128xf32>, vector<128x128xf32>, vector<1024x128xf32> -> vector<1024x128xf32>
    %get3A_22 = arith.constant 0 : index
    %get3A_23 = arith.constant 0 : index
    %get3A_24 = vector.load %arg3[%get3A_22, %get3A_23] : memref<1024x128xf32, #tpu.memory_space<vmem>>, vector<1024x128xf32>
    %get3A_25 = arith.constant 0 : index
    %get3A_26 = arith.constant 0 : index
    %get3A_27 = vector.load %arg5[%get3A_25, %get3A_26] : memref<128x128xf32, #tpu.memory_space<vmem>>, vector<128x128xf32>
    %dot_general3A_28 = arith.constant dense<0.000000e+00> : vector<1024x128xf32>
    %dot_general3A_29 = tpu.matmul %get3A_24, %get3A_27, %dot_general3A_28 {dimension_numbers = #tpu.dot_dimension_numbers<[1], [0], [0], [1], [0, 0, 1, 1], [], []>, transpose_lhs_hint = false} : vector<1024x128xf32>, vector<128x128xf32>, vector<1024x128xf32> -> vector<1024x128xf32>
    %add3A_30 = arith.addf %dot_general3A_21, %dot_general3A_29 : vector<1024x128xf32>
    %get3A_31 = arith.constant 0 : index
    %get3A_32 = arith.constant 0 : index
    %get3A_33 = vector.load %arg6[%get3A_31, %get3A_32] : memref<1x128xf32, #tpu.memory_space<vmem>>, vector<1x128xf32>
    %add3A_34 = vector.broadcast %get3A_33 : vector<1x128xf32> to vector<1024x128xf32>
    %add3A_35 = arith.addf %add3A_30, %add3A_34 : vector<1024x128xf32>
    %swap3A = arith.constant 0 : index
    %swap3A_36 = arith.constant 0 : index
    %swap3A_37 = vector.load %arg7[%swap3A, %swap3A_36] : memref<1024x128xf32, #tpu.memory_space<vmem>>, vector<1024x128xf32>
    tpu.vector_store %arg7[%swap3A, %swap3A_36], %add3A_35 {strides = array<i32>} : memref<1024x128xf32, #tpu.memory_space<vmem>>, vector<1024x128xf32>,
    return
  }
  func.func @transform_0(%arg0: i32) -> (i32, i32, i32) {
    %c0_i32 = arith.constant 0 : i32
    %c0_i32_0 = arith.constant 0 : i32
    %c0_i32_1 = arith.constant 0 : i32
    return %c0_i32, %arg0, %c0_i32_0 : i32, i32, i32
  }
  func.func @transform_1(%arg0: i32) -> (i32, i32) {
    %c0_i32 = arith.constant 0 : i32
    %c0_i32_0 = arith.constant 0 : i32
    return %c0_i32, %arg0 : i32, i32
  }
  func.func @transform_2(%arg0: i32) -> (i32, i32) {
    %c0_i32 = arith.constant 0 : i32
    %c0_i32_0 = arith.constant 0 : i32
    return %arg0, %c0_i32 : i32, i32
  }
  func.func @transform_3(%arg0: i32) -> (i32, i32) {
    %c0_i32 = arith.constant 0 : i32
    %c0_i32_0 = arith.constant 0 : i32
    %c0_i32_1 = arith.constant 0 : i32
    return %c0_i32, %c0_i32_0 : i32, i32
  }
  func.func @transform_4(%arg0: i32) -> (i32, i32) {
    %c0_i32 = arith.constant 0 : i32
    %c0_i32_0 = arith.constant 0 : i32
    %c0_i32_1 = arith.constant 0 : i32
    return %c0_i32, %c0_i32_0 : i32, i32
  }
  func.func @transform_5(%arg0: i32) -> (i32, i32) {
    %c0_i32 = arith.constant 0 : i32
    %c0_i32_0 = arith.constant 0 : i32
    %c0_i32_1 = arith.constant 0 : i32
    return %c0_i32, %c0_i32_0 : i32, i32
  }
  func.func @transform_6(%arg0: i32) -> (i32, i32) {
    %c0_i32 = arith.constant 0 : i32
    %c0_i32_0 = arith.constant 0 : i32
    return %arg0, %c0_i32 : i32, i32
  }
}

</mosaic_0001>

<sc_bundles>
// kernel: kernel.6.cloned.1.call-start
scs
__scs_entry_jumppad:
0x0: {  	(pc) =	sbr.rel $0x88, $3  }
0x1: {  	(tag) =	ssettag $0x0;
	lr =	simm.s32 $0x1  }
0x2: {  	[smem:$0x3F98] =	sst lr;
	_ =	strace $0xD0000000  }
0x3: {  	_ = 	snop  }
0x4: {  	_ = 	snop  }
0x5: {  	_ = 	snop  }
0x6: {  	_ = 	snop  }
0x7: {  	_ = 	snop  }
__scs_overlays_trampoline_lowered:
0x8: {  	[smem:$0x3FA7] =	sst s0  }
0x9: {  	[smem:$0x3FA8] =	sst s1  }
0xa: {  	[smem:$0x3FA9] =	sst s2  }
0xb: {  	[smem:$0x3FAA] =	sst s3  }
0xc: {  	[smem:$0x3FAB] =	sst s4  }
0xd: {  	[smem:$0x3FAC] =	sst s5  }
0xe: {  	[smem:$0x3FAD] =	sst s6  }
0xf: {  	[smem:$0x3FAE] =	sst s7  }
0x10: {  	[smem:$0x3FAF] =	sst s8  }
0x11: {  	[smem:$0x3FB0] =	sst s9;
	s0 =	simm.s32 @!p0 $0x0  }
0x12: {  	s1 =	sld [smem:$0x3F96];
	s0 =	simm.s32 @p0 $0x1  }
0x13: {  	[smem:$0x3FB1] =	sst s0;
	s0 =	simm.s32 @!p1 $0x0  }
0x14: {  	s2 =	sld [smem:$0x3F95];
	s0 =	simm.s32 @p1 $0x1  }
0x15: {  	[smem:$0x3FB2] =	sst s0;
	s0 =	simm.s32 @!p2 $0x0  }
0x16: {  	s3 =	sld [smem:$0x3FDB];
	s0 =	simm.s32 @p2 $0x1  }
0x17: {  	s4 =	simm.s32 $0x1BF5;
	[smem:$0x3FB4] =	sst s0  }
0x18: {  	s0 =	sld [smem:$0x3F97];
	_ =	swait.ge [sflag:s4], $0x0  }
0x19: {  	s7 =	sld [smem:$0x3F98]  }
0x1a: {  	s8 =	sadd.s32 $0xFFFFE003, lr  }
0x1b: {  	s9 =	sadd.s32 $0xFFFFFEF7, lr;
	s5 =	simm.s32 $0xFFFFFFFF;
	p2 =	slt.u32 s8, $0xFFFFF086  }
0x1c: {  	p1 =	slt.u32 s9, $0xF7A;
	s5 =	simm.s32 @!p2 $0x0  }
0x1d: {  	s5 =	simm.s32 @p1 $0x1;
	p0 =	seq.s32 s7, s2  }
0x1e: {  	s7 =	smul.u32 @!p0 $0xF7A, s2;
	p2 =	seq.s32 @!p0 s5, $0x0  }
0x1f: {  	s9 =	smul.u32 $0xF7A, s1;
	s8 =	simm.s32 @!p0 $0x1BF5;
	p2 =	por !p2, p0  }
0x20: {  	[sflag:s8] =	ssyncset.s32 @!p0 $0xFFFFF086;
	s6 =	sadd.s32 @!p0 s3, s7;
	s7 =	simm.s32 @!p0 $0x108  }
0x21: {  	s3 =	sadd.s32 s3, s9;
	s6 =	sadd.s32 @!p0 $0x88, s6;
	s7 =	simm.s32 @p2 $0x1082  }
0x22: {  	[simem:s7], [sflag:s8] =	dma.local @!p0 [hbm:s6], $0xF7A  }
0x23: {  	s9 =	sor.u32 $0xD0000000, s2;
	s6 =	simm.s32 $0x108;
	_ =	swait.ge @!p0 [sflag:s8], $0x0  }
0x24: {  	s3 =	sadd.s32 $0x88, s3;
	s6 =	simm.s32 @!p1 $0x1082;
	[sflag:s4] =	ssyncset.s32 $0xFFFFF086  }
0x25: {  	[simem:s6], [sflag:s4] =	dma.local [hbm:s3], $0xF7A  }
0x26: {  	[smem:$0x3F98] =	sst s1;
	(tag) =	ssettag s2;
	_ =	strace s9  }
0x27: {  	s1 =	sld [smem:$0x3FA8]  }
0x28: {  	s2 =	sld [smem:$0x3FA9]  }
0x29: {  	s4 =	sld [smem:$0x3FAB]  }
0x2a: {  	p0 =	seq.s32 s5, $0x0;
	s5 =	sld [smem:$0x3FAC]  }
0x2b: {  	s6 =	sld [smem:$0x3FAD]  }
0x2c: {  	s7 =	sld [smem:$0x3FAE]  }
0x2d: {  	s3 =	simm.s32 $0x108;
	s8 =	sld [smem:$0x3FAF]  }
0x2e: {  	s3 =	simm.s32 @!p0 $0x1082;
	s9 =	sld [smem:$0x3FB0]  }
0x2f: {  	lr =	sadd.s32 s0, s3;
	s0 =	sld [smem:$0x3FA7]  }
0x30: {  	s3 =	sld [smem:$0x3FAA]  }
0x31: {  	[smem:$0x3FB3] =	sst s10  }
0x32: {  	s10 =	sld [smem:$0x3FB1];
	_ =	sdelay $0x3  }
0x33: {  	p0 =	seq.s32 s10, $0x1;
	s10 =	sld [smem:$0x3FB3];
	_ =	sdelay $0x3  }
0x34: {  	[smem:$0x3FB3] =	sst s10  }
0x35: {  	s10 =	sld [smem:$0x3FB2];
	_ =	sdelay $0x3  }
0x36: {  	p1 =	seq.s32 s10, $0x1;
	s10 =	sld [smem:$0x3FB3];
	_ =	sdelay $0x3  }
0x37: {  	[smem:$0x3FB3] =	sst s10  }
0x38: {  	s10 =	sld [smem:$0x3FB4]  }
0x39: {  	_ = 	snop;
	(pc) =	sbr.ind lr, $3  }
0x3a: {  	_ = 	snop  }
0x3b: {  	_ = 	snop  }
0x3c: {  	p2 =	seq.s32 s10, $0x1;
	s10 =	sld [smem:$0x3FB3]  }
0x3d: {  	_ =	shalt  }
0x3e: {  	_ =	shalt  }
0x3f: {  	_ =	shalt  }
0x40: {  	_ =	shalt  }
0x41: {  	_ =	shalt  }
0x42: {  	_ =	shalt  }
0x43: {  	_ =	shalt  }
0x44: {  	_ =	shalt  }
0x45: {  	_ =	shalt  }
0x46: {  	_ =	shalt  }
0x47: {  	_ =	shalt  }
0x48: {  	_ =	shalt  }
0x49: {  	_ =	shalt  }
0x4a: {  	_ =	shalt  }
0x4b: {  	_ =	shalt  }
0x4c: {  	_ =	shalt  }
0x4d: {  	_ =	shalt  }
0x4e: {  	_ =	shalt  }
0x4f: {  	_ =	shalt  }
0x50: {  	_ =	shalt  }
0x51: {  	_ =	shalt  }
0x52: {  	_ =	shalt  }
0x53: {  	_ =	shalt  }
0x54: {  	_ =	shalt  }
0x55: {  	_ =	shalt  }
0x56: {  	_ =	shalt  }
0x57: {  	_ =	shalt  }
0x58: {  	_ =	shalt  }
0x59: {  	_ =	shalt  }
0x5a: {  	_ =	shalt  }
0x5b: {  	_ =	shalt  }
0x5c: {  	_ =	shalt  }
0x5d: {  	_ =	shalt  }
0x5e: {  	_ =	shalt  }
0x5f: {  	_ =	shalt  }
0x60: {  	_ =	shalt  }
0x61: {  	_ =	shalt  }
0x62: {  	_ =	shalt  }
0x63: {  	_ =	shalt  }
0x64: {  	_ =	shalt  }
0x65: {  	_ =	shalt  }
0x66: {  	_ =	shalt  }
0x67: {  	_ =	shalt  }
0x68: {  	_ =	shalt  }
0x69: {  	_ =	shalt  }
0x6a: {  	_ =	shalt  }
0x6b: {  	_ =	shalt  }
0x6c: {  	_ =	shalt  }
0x6d: {  	_ =	shalt  }
0x6e: {  	_ =	shalt  }
0x6f: {  	_ =	shalt  }
0x70: {  	_ =	shalt  }
0x71: {  	_ =	shalt  }
0x72: {  	_ =	shalt  }
0x73: {  	_ =	shalt  }
0x74: {  	_ =	shalt  }
0x75: {  	_ =	shalt  }
0x76: {  	_ =	shalt  }
0x77: {  	_ =	shalt  }
0x78: {  	_ =	shalt  }
0x79: {  	_ =	shalt  }
0x7a: {  	_ =	shalt  }
0x7b: {  	_ =	shalt  }
0x7c: {  	_ =	shalt  }
0x7d: {  	_ =	shalt  }
0x7e: {  	_ =	shalt  }
0x7f: {  	_ =	shalt  }
0x80: {  	_ =	shalt  }
0x81: {  	_ =	shalt  }
0x82: {  	_ =	shalt  }
0x83: {  	_ =	shalt  }
0x84: {  	_ =	shalt  }
0x85: {  	_ =	shalt  }
0x86: {  	_ =	shalt  }
0x87: {  	_ =	shalt  }
.Lfunc_end0:
.L_simem_size_0:
called_computation_lowered:
.L_overlay_start_0:
0x88: {  	s2 =	sld [smem:$0x3FD9]  }
0x89: {  	s3 =	sld [smem:$0x3FFE];
	_ =	sdelay $0x1  }
0x8a: {  	s1 =	srdreg.scid  }
0x8b: {  	s0 =	sand.u32 $0x1, s1  }
0x8c: {  	s17 =	sshll.u32 s0, $0xA;
	s2 =	sadd.s32 s3, s2  }
0x8d: {  	s2 =	sadd.s32 s2, s17  }
0x8e: {  	[smem:$0x3FBF] =	sst s2  }
0x8f: {  	_ = 	snop  }
0x90: {  	s2 =	sld [smem:$0x3FC9];
	(tm) =	ssettm $0x1  }
0x91: {  	s18 =	sld [smem:$0x3FFB];
	_ =	sdelay $0x3  }
0x92: {  	_ =	strace s18  }
0x93: {  	s3 =	sld [smem:$0x3FFC];
	_ =	sdelay $0x3  }
0x94: {  	_ =	strace s3  }
0x95: {  	s3 =	sld [smem:$0x3FFD];
	_ =	sdelay $0x3  }
0x96: {  	_ =	strace s3  }
0x97: {  	_ =	strace $0x8FFFFFFF  }
0x98: {  	s19 =	sld [smem:$0x3FDB];
	_ =	sdelay $0x1  }
0x99: {  	s4 =	simm.s32 $_scs_section_size  }
0x9a: {  	s5 =	simm.s32 $_size__tile_overlayer_lowered;
	s6 =	simm.s32 $_tile_overlayer_lowered  }
0x9b: {  	s22 =	simm.s32 $0x1BFF;
	s21 =	sshll.u32 s6, $0x1;
	s3 =	sadd.s32 s4, s19  }
0x9c: {  	s7 =	simm.s32 $0x0;
	s20 =	sshll.u32 s5, $0x1;
	s5 =	sadd.s32 s21, s3  }
0x9d: {  	[timem:s7], [sflag:s22] =	dma.local [hbm:s5], s20  }
0x9e: {  	_ =	swait.ge [sflag:s22], s20  }
0x9f: {  	s4 =	ssub.s32 $0x0, s20;
	[sflag:s22] =	ssyncset.done $0x0  }
0xa0: {  	[sflag:s22] =	ssyncadd.s32 s4;
	_ =	sdelay $0x1  }
0xa1: {  	s23 =	simm.s32 $0x1B8B  }
0xa2: {  	_ =	swait.ge [sflag:s23], $0x1  }
0xa3: {  	[sflag:s23] =	ssyncset.done $0x0  }
0xa4: {  	s25 =	simm.s32 $0x1B8E;
	s24 =	sld [smem:$0x3FFE];
	[sflag:s23] =	ssyncadd.s32 $0xFFFFFFFF  }
0xa5: {  	s26 =	simm.s32 $execute0_lowered;
	[smem:$0x3FD2] =	sst s25  }
0xa6: {  	s5 =	sshll.u32 s26, $0x1;
	_ =	strace $0x80000046;
	[dreg:$0x1] =	wrdreg $0xFFFFFFFF  }
0xa7: {  	s28 =	simm.s32 $_size_execute0_lowered;
	s3 =	sadd.s32 s3, s5;
	[dreg:$0x0] =	wrdreg $0x0  }
0xa8: {  	s5 =	sshll.u32 s28, $0x1;
	[dreg:$0x2] =	wrdreg s3  }
0xa9: {  	[dreg:$0x3] =	wrdreg s5  }
0xaa: {  	[dreg:$0x4] =	wrdreg $0xC0  }
0xab: {  	_ =	task [dreg:s7], $0x5FFFF  }
0xac: {  	[dreg:$0x1] =	wrdreg $0xFFFFFFFF  }
0xad: {  	[dreg:$0x0] =	wrdreg $0x60  }
0xae: {  	[dreg:$0x2] =	wrdreg s2  }
0xaf: {  	[dreg:$0x3] =	wrdreg s24  }
0xb0: {  	[dreg:$0x4] =	wrdreg $0xB8000  }
0xb1: {  	[dreg:$0x5] =	wrdreg $0x9  }
0xb2: {  	_ =	task.clear_ibuf [dreg:s7], $0x6FFFF;
	_ =	strace $0x90000046  }
0xb3: {  	s29 =	simm.s32 $0x9;
	_ =	strace $0x80000048  }
0xb4: {  	_ =	swait.ge [sflag:s29], $0x1  }
0xb5: {  	[sflag:s29] =	ssyncadd.s32 $0xFFFFFFFF  }
0xb6: {  	_ =	strace $0x90000048  }
0xb7: {  	_ =	sfence  }
0xb8: {  	s30 =	sld [smem:$0x0];
	_ =	sdelay $0x2  }
0xb9: {  	s31 =	sshll.u32 s1, $0xD;
	s1 =	sshrl.u32 s1, $0x2  }
0xba: {  	s3 =	sand.u32 $0x4000, s31;
	s1 =	sadd.s32 s1, s30  }
0xbb: {  	s0 =	sor.u32 s3, s0;
	s1 =	sshll.u32 s1, $0x11  }
0xbc: {  	s0 =	sor.u32 s1, s0  }
0xbd: {  	s0 =	sadd.s32 $0x8F2B, s0  }
0xbe: {  	[sflag:s0] =	ssyncadd.remote.s32 $0x1  }
0xbf: {  	_ =	sfence.sel $0xFFFF  }
0xc0: {  	[dreg:$0x0] =	wrdreg $0xFFFFFFFF;
	(pc) =	sbr.abs _section_cstart, $3  }
0xc1: {  	[dreg:$0x1] =	wrdreg $0xFFFFFFFF  }
0xc2: {  	_ =	task.clear_ibuf [dreg:s7], $0x2FFFF;
	_ =	strace $0x9FFFFFFF  }
0xc3: {  	(tm) =	ssettm $0x7FFFFFFF  }
tec
execute0_lowered:
.L_overlay_start_1:
0x0: {  	(tag) =	ssettag $0x1  }
0x1: {  	s1 =	rddreg [dreg:$0x0]  }
0x2: {  	s0 =	rddreg [dreg:$0x1];
	s2 =	srdreg.scid  }
0x3: {  	s3 =	rddreg [dreg:$0x2];
	s24 =	stileid.u32  }
0x4: {  	s4 =	simm.s32 $0x0;
	s18 =	simm.s32 $0x1000;
	s19 =	simm.s32 $0x4  }
0x5: {  	s21 =	simm.s32 $0x80;
	s22 =	simm.s32 $0x1;
	s23 =	simm.s32 $0x3  }
0x6: {  	s7 =	sand.u32 $0x1, s2;
	[smem:$0x7FF] =	sst s4;
	s9 =	smul.u32 $0x14000, s24  }
0x7: {  	s11 =	sshll.u32 s24, $0x7;
	s28 =	smul.u32 $0x50000, s24;
	s5 =	sshll.u32 s7, $0x4  }
0x8: {  	s6 =	smul.u32 $0x140000, s7;
	_ =	strace $0x80000047;
	s25 =	sand.u32 $0x380, s11  }
0x9: {  	s29 =	ssub.s32 $0x2, s7;
	s8 =	sor.u32 s24, s5;
	s30 =	sshrl.u32 s28, $0x2  }
0xa: {  	s31 =	sshrl.u32 s29, $0x1;
	s24 =	simm.s32 $0x2;
	s5 =	sshrl.u32 s8, $0x3  }
0xb: {  	s6 =	sadd.s32 s9, s6;
	s7 =	sadd.s32 s30, s3;
	s14 =	smul.u32 $0x2800, s8  }
0xc: {  	s17 =	ssub.s32 s29, s31;
	s10 =	smul.u32 $0x14000, s5;
	s5 =	sadd.s32 $0xC400, s0  }
0xd: {  	s26 =	sshrl.u32 s6, $0x3;
	s6 =	sadd.s32 $0x2400, s0;
	s8 =	sadd.s32 $0x4000, s7  }
.Ltmp0:
0xe: {  	s11 =	sadd.s32 $0x10000, s7;
	s17 =	smax.u32 s17, $0x1;
	(pc) =	sbr.rel .LBB2_1-.Ltmp0, $4  }
0xf: {  	s15 =	sadd.s32 s26, s0;
	s13 =	sshrl.u32 s14, $0x3;
	s9 =	sor.u32 s25, s10  }
0x10: {  	s14 =	sor.u32 $0x400, s14;
	s10 =	sadd.s32 $0xC000, s7;
	s9 =	sshrl.u32 s9, $0x3  }
0x11: {  	v0 =	vimm.f32 $0.0e+00;
	vm0 =	vcmask $0x300;
	s12 =	sadd.s32 s5, s13;
	s13 =	sadd.s32 s6, s13;
	s0 =	sadd.s32 s9, s0  }
0x12: {  	v1 =	vsel vm0, $0x3F800000, v0;
	s15 =	sadd.s32 $0x16400, s15;
	s9 =	sadd.s32 $0x8000, s7;
	s16 =	sadd.s32 $0x66400, s0  }
.LBB2_11:
0x13: {  	s0 =	stileid.u32  }
0x14: {  	s0 =	sshll.u32 s0, $0x6  }
0x15: {  	[bflag:$0x0] =	sbarrier.arrive $0xFFFF;
	s2 =	sshrl.u32 s7, $0x3;
	s0 =	sor.u32 $0x1C04, s0  }
0x16: {  	[hbm:s15], [sflag:s0] =	dma.local [spmem:s2], $0x2800  }
0x17: {  	s4 =	sadd.s32 $0x1, s4;
	_ =	swait.ge [sflag:s19], $0x2800  }
0x18: {  	s30 =	simm.s32 $0x400;
	p0 =	sne.s32 s4, s17;
	[sflag:s19] =	ssyncset.done $0x0  }
.Ltmp1:
0x19: {  	s31 =	simm.s32 $0x9000;
	[sflag:s19] =	ssyncadd.s32 $0xFFFFD800;
	(pc) =	sbr.rel @!p0 .LBB2_12-.Ltmp1, $4  }
0x1a: {  	[hbm4b:s16+s21] =	stream.strided.scatter [tilespmem:s31], [sflag:$0x4], $0x2800, s30, s21, $0x38;
	[tilespmem:$0x1F800] =	vst v63  }
0x1b: {  	_ =	swait.ge [sflag:s19], $0x2800  }
0x1c: {  	[sflag:s19] =	ssyncset.done $0x0  }
0x1d: {  	[sflag:s19] =	ssyncadd.s32 $0xFFFFD800  }
.LBB2_1:
0x1e: {  	s28 =	simm.s32 $0x0;
	s0 =	simm.s32 $0x200  }
.LBB2_2:
0x1f: {  	p0 =	sne.s32 s0, $0xFE00;
	[tilespmem:s28+$0x1070] =	vst v0  }
0x20: {  	[tilespmem:s28+$0x1000] =	vst v0  }
0x21: {  	[tilespmem:s28+$0x1010] =	vst v0  }
.Ltmp2:
0x22: {  	[tilespmem:s28+$0x1020] =	vst v0;
	(pc) =	sbr.rel @p0 .LBB2_2-.Ltmp2, $4  }
0x23: {  	[tilespmem:s28+$0x1030] =	vst v0  }
0x24: {  	[tilespmem:s28+$0x1040] =	vst v0  }
0x25: {  	[tilespmem:s28+$0x1050] =	vst v0  }
0x26: {  	[tilespmem:s28+$0x1060] =	vst v0;
	s28 =	sshra.s32 s0, $0x2;
	s0 =	sadd.s32 $0x200, s0  }
0x27: {  	[tilespmem:s28+$0x1070] =	vst v0  }
0x28: {  	[tilespmem:s28+$0x1000] =	vst v0  }
0x29: {  	[tilespmem:s28+$0x1010] =	vst v0  }
0x2a: {  	[tilespmem:s28+$0x1020] =	vst v0  }
0x2b: {  	[tilespmem:s28+$0x1030] =	vst v0  }
0x2c: {  	[tilespmem:s28+$0x1040] =	vst v0  }
0x2d: {  	[tilespmem:s28+$0x1050] =	vst v0  }
0x2e: {  	[tilespmem:s28+$0x1060] =	vst v0  }
0x2f: {  	[spmem:s7] =	stream.linear.scatter [tilespmem:s18], [sflag:$0x4], $0x4000, $0x38;
	[tilespmem:$0x1F800] =	vst v63  }
0x30: {  	_ =	swait.ge [sflag:s19], $0x4000  }
0x31: {  	[sflag:s19] =	ssyncset.done $0x0  }
0x32: {  	[sflag:s19] =	ssyncadd.s32 $0xFFFFC000  }
0x33: {  	[spmem:s8] =	stream.linear.scatter [tilespmem:s18], [sflag:$0x4], $0x4000, $0x38;
	[tilespmem:$0x1F800] =	vst v63  }
0x34: {  	_ =	swait.ge [sflag:s19], $0x4000  }
0x35: {  	[sflag:s19] =	ssyncset.done $0x0  }
0x36: {  	[sflag:s19] =	ssyncadd.s32 $0xFFFFC000  }
0x37: {  	[spmem:s9] =	stream.linear.scatter [tilespmem:s18], [sflag:$0x4], $0x4000, $0x38;
	[tilespmem:$0x1F800] =	vst v63  }
0x38: {  	_ =	swait.ge [sflag:s19], $0x4000  }
0x39: {  	[sflag:s19] =	ssyncset.done $0x0  }
0x3a: {  	[sflag:s19] =	ssyncadd.s32 $0xFFFFC000  }
0x3b: {  	[spmem:s10] =	stream.linear.scatter [tilespmem:s18], [sflag:$0x4], $0x4000, $0x38;
	[tilespmem:$0x1F800] =	vst v63  }
0x3c: {  	_ =	swait.ge [sflag:s19], $0x4000  }
0x3d: {  	[sflag:s19] =	ssyncset.done $0x0  }
0x3e: {  	[sflag:s19] =	ssyncadd.s32 $0xFFFFC000  }
0x3f: {  	[spmem:s11] =	stream.linear.scatter [tilespmem:s18], [sflag:$0x4], $0x4000, $0x38;
	[tilespmem:$0x1F800] =	vst v63  }
0x40: {  	_ =	swait.ge [sflag:s19], $0x4000  }
0x41: {  	[sflag:s19] =	ssyncset.done $0x0  }
0x42: {  	s0 =	simm.s32 $0x40;
	s20 =	simm.s32 $0x0;
	[sflag:s19] =	ssyncadd.s32 $0xFFFFC000  }
.LBB2_4:
0x43: {  	p0 =	sne.s32 s0, $0x9FC0;
	[tilespmem:s20+$0x9000] =	vst v0;
	s20 =	smov.u32 s0;
	s0 =	sadd.s32 $0x40, s0  }
.Ltmp3:
0x44: {  	(pc) =	sbr.rel @p0 .LBB2_4-.Ltmp3, $2  }
0x45: {  	_ =	sdelay $0x2  }
0x46: {  	s20 =	sshra.s32 s20, $0x2  }
0x47: {  	[tilespmem:s20+$0x9000] =	vst v0  }
0x48: {  	s29 =	simm.s32 $0x0;
	[bflag:$0x0] =	sbarrier.arrive $0xFFFF  }
0x49: {  	[tilespmem:s29], [sflag:$0x4] =	stream.linear.gather [hbm4b:s12+s29], $0x400, $0x38;
	[tilespmem:$0x1F800] =	vst v63  }
0x4a: {  	_ =	swait.ge [sflag:s19], $0x400  }
0x4b: {  	[sflag:s19] =	ssyncset.done $0x0  }
0x4c: {  	s0 =	simm.s32 $0x800;
	[sflag:s19] =	ssyncadd.s32 $0xFFFFFC00  }
0x4d: {  	[tilespmem:s0], [sflag:$0x4] =	stream.linear.gather [hbm4b:s13+s29], $0x400, $0x38;
	[tilespmem:$0x1F800] =	vst v63  }
0x4e: {  	_ =	swait.ge [sflag:s19], $0x400  }
0x4f: {  	[sflag:s19] =	ssyncset.done $0x0  }
.Ltmp4:
0x50: {  	[sflag:s19] =	ssyncadd.s32 $0xFFFFFC00;
	(pc) =	sbr.rel .LBB2_6-.Ltmp4, $4  }
0x51: {  	[tilespmem:s18], [sflag:$0x1] =	stream.indirect.gather [hbm4b:s1+s21], $0x80, s29, s21, $0xb8;
	[tilespmem:$0x1F800] =	vst v63  }
0x52: {  	_ =	swait.ge [sflag:s22], $0x4000  }
0x53: {  	[sflag:s22] =	ssyncset.done $0x0  }
0x54: {  	s28 =	simm.s32 $0x200;
	[sflag:s22] =	ssyncadd.s32 $0xFFFFC000  }
.LBB2_7:
0x55: {  	_ =	swait.ge [sflag:s23], $0x400  }
0x56: {  	[sflag:s23] =	ssyncset.done $0x0  }
0x57: {  	[sflag:s23] =	ssyncadd.s32 $0xFFFFFC00  }
0x58: {  	_ =	swait.ge [sflag:s23], $0x400  }
0x59: {  	[sflag:s23] =	ssyncset.done $0x0  }
0x5a: {  	[sflag:s23] =	ssyncadd.s32 $0xFFFFFC00  }
.LBB2_9:
0x5b: {  	s2 =	sand.u32 $0x1000, s28  }
0x5c: {  	s25 =	sshll.u32 s0, $0xE;
	s20 =	sshll.u32 s20, $0x7;
	s2 =	sshrl.u32 s2, $0x2  }
0x5d: {  	s25 =	sxor.u32 $0x5000, s25;
	s2 =	sor.u32 s20, s2  }
0x5e: {  	[tilespmem:s25], [sflag:$0x1] =	stream.indirect.gather [hbm4b:s1+s21], $0x80, s2, s21, $0xb8;
	[tilespmem:$0x1F800] =	vst v63  }
.LBB2_10:
0x5f: {  	s2 =	sshll.u32 s31, $0xA;
	s20 =	sshll.u32 s30, $0x7  }
0x60: {  	s0 =	sshll.u32 s0, $0xE;
	s30 =	sor.u32 s20, s2  }
0x61: {  	s0 =	sor.u32 $0x1000, s0;
	s2 =	sor.u32 $0x800, s30  }
0x62: {  	[spmem:s3] =	stream.indirect.scatter.add.f32 [tilespmem:s0], [sflag:$0x2], $0x80, s2, s21, $0xb8;
	[tilespmem:$0x1F800] =	vst v63  }
0x63: {  	v2 =	vld [tilespmem:s30+$0x800];
	_ =	sdelay $0x4  }
0x64: {  	v2 =	vadd.s32 $0x9000, v2  }
0x65: {  	(v2sf) =	vpush v2, $0x1  }
0x66: {  	(v2sf) =	vpush v2, $0x0;
	_ =	sdelay $0xd  }
0x67: {  	s20 =	spop (v2sf)  }
0x68: {  	(v2sf) =	vpush v2, $0x3;
	s25 =	spop (v2sf)  }
0x69: {  	(v2sf) =	vpush v2, $0x2;
	v3 =	vld [tilespmem:s25+$0x0];
	_ =	sdelay $0x4  }
0x6a: {  	v3 =	vadd.f32 v1, v3;
	_ =	sdelay $0x1  }
0x6b: {  	[tilespmem:s25+$0x0] =	vst v3  }
0x6c: {  	v3 =	vld [tilespmem:s20+$0x0];
	_ =	sdelay $0x4  }
0x6d: {  	v3 =	vadd.f32 v1, v3  }
0x6e: {  	s26 =	spop (v2sf)  }
0x6f: {  	(v2sf) =	vpush v2, $0x5;
	s31 =	spop (v2sf);
	[tilespmem:s20+$0x0] =	vst v3  }
0x70: {  	(v2sf) =	vpush v2, $0x4;
	v3 =	vld [tilespmem:s31+$0x0];
	_ =	sdelay $0x4  }
0x71: {  	v3 =	vadd.f32 v1, v3;
	_ =	sdelay $0x1  }
0x72: {  	[tilespmem:s31+$0x0] =	vst v3  }
0x73: {  	v3 =	vld [tilespmem:s26+$0x0];
	_ =	sdelay $0x4  }
0x74: {  	v3 =	vadd.f32 v1, v3  }
0x75: {  	s20 =	spop (v2sf)  }
0x76: {  	s25 =	spop (v2sf);
	[tilespmem:s26+$0x0] =	vst v3  }
0x77: {  	v3 =	vld [tilespmem:s25+$0x0];
	_ =	sdelay $0x4  }
0x78: {  	v3 =	vadd.f32 v1, v3;
	_ =	sdelay $0x1  }
0x79: {  	[tilespmem:s25+$0x0] =	vst v3  }
0x7a: {  	v3 =	vld [tilespmem:s20+$0x0];
	_ =	sdelay $0x4  }
0x7b: {  	v3 =	vadd.f32 v1, v3;
	_ =	sdelay $0x1  }
0x7c: {  	[tilespmem:s20+$0x0] =	vst v3  }
0x7d: {  	(v2sf) =	vpush v2, $0x7  }
0x7e: {  	(v2sf) =	vpush v2, $0x6;
	_ =	sdelay $0xd  }
0x7f: {  	s0 =	spop (v2sf)  }
0x80: {  	(v2sf) =	vpush v2, $0x9;
	s26 =	spop (v2sf)  }
0x81: {  	(v2sf) =	vpush v2, $0x8;
	v3 =	vld [tilespmem:s26+$0x0];
	_ =	sdelay $0x4  }
0x82: {  	v3 =	vadd.f32 v1, v3;
	_ =	sdelay $0x1  }
0x83: {  	[tilespmem:s26+$0x0] =	vst v3  }
0x84: {  	v3 =	vld [tilespmem:s0+$0x0];
	_ =	sdelay $0x4  }
0x85: {  	v3 =	vadd.f32 v1, v3  }
0x86: {  	s31 =	spop (v2sf)  }
0x87: {  	(v2sf) =	vpush v2, $0xB;
	s20 =	spop (v2sf);
	[tilespmem:s0+$0x0] =	vst v3  }
0x88: {  	(v2sf) =	vpush v2, $0xA;
	v3 =	vld [tilespmem:s20+$0x0];
	_ =	sdelay $0x4  }
0x89: {  	v3 =	vadd.f32 v1, v3;
	_ =	sdelay $0x1  }
0x8a: {  	[tilespmem:s20+$0x0] =	vst v3  }
0x8b: {  	v3 =	vld [tilespmem:s31+$0x0];
	_ =	sdelay $0x4  }
0x8c: {  	v3 =	vadd.f32 v1, v3  }
0x8d: {  	s25 =	spop (v2sf)  }
0x8e: {  	(v2sf) =	vpush v2, $0xD;
	s26 =	spop (v2sf);
	[tilespmem:s31+$0x0] =	vst v3  }
0x8f: {  	(v2sf) =	vpush v2, $0xC;
	v3 =	vld [tilespmem:s26+$0x0];
	_ =	sdelay $0x4  }
0x90: {  	v3 =	vadd.f32 v1, v3;
	_ =	sdelay $0x1  }
0x91: {  	[tilespmem:s26+$0x0] =	vst v3  }
0x92: {  	v3 =	vld [tilespmem:s25+$0x0];
	_ =	sdelay $0x4  }
0x93: {  	v3 =	vadd.f32 v1, v3  }
0x94: {  	s31 =	spop (v2sf)  }
0x95: {  	(v2sf) =	vpush v2, $0xF;
	s20 =	spop (v2sf);
	[tilespmem:s25+$0x0] =	vst v3  }
0x96: {  	(v2sf) =	vpush v2, $0xE;
	v3 =	vld [tilespmem:s20+$0x0];
	_ =	sdelay $0x4  }
0x97: {  	v2 =	vadd.f32 v1, v3;
	_ =	sdelay $0x1  }
0x98: {  	[tilespmem:s20+$0x0] =	vst v2  }
0x99: {  	v2 =	vld [tilespmem:s31+$0x0];
	_ =	sdelay $0x4  }
0x9a: {  	v2 =	vadd.f32 v1, v2  }
0x9b: {  	s25 =	spop (v2sf)  }
0x9c: {  	s26 =	spop (v2sf);
	[tilespmem:s31+$0x0] =	vst v2  }
0x9d: {  	v2 =	vld [tilespmem:s26+$0x0];
	_ =	sdelay $0x4  }
0x9e: {  	v2 =	vadd.f32 v1, v2;
	_ =	sdelay $0x1  }
0x9f: {  	[tilespmem:s26+$0x0] =	vst v2  }
0xa0: {  	v2 =	vld [tilespmem:s25+$0x0];
	_ =	sdelay $0x4  }
0xa1: {  	v2 =	vadd.f32 v1, v2;
	_ =	sdelay $0x1  }
0xa2: {  	[tilespmem:s25+$0x0] =	vst v2  }
0xa3: {  	v2 =	vld [tilespmem:s30+$0x810];
	_ =	sdelay $0x4  }
0xa4: {  	v2 =	vadd.s32 $0x9000, v2  }
0xa5: {  	(v2sf) =	vpush v2, $0x1  }
0xa6: {  	(v2sf) =	vpush v2, $0x0;
	_ =	sdelay $0xd  }
0xa7: {  	s31 =	spop (v2sf)  }
0xa8: {  	(v2sf) =	vpush v2, $0x3;
	s20 =	spop (v2sf)  }
0xa9: {  	(v2sf) =	vpush v2, $0x2;
	v3 =	vld [tilespmem:s20+$0x0];
	_ =	sdelay $0x4  }
0xaa: {  	v3 =	vadd.f32 v1, v3;
	_ =	sdelay $0x1  }
0xab: {  	[tilespmem:s20+$0x0] =	vst v3  }
0xac: {  	v3 =	vld [tilespmem:s31+$0x0];
	_ =	sdelay $0x4  }
0xad: {  	v3 =	vadd.f32 v1, v3  }
0xae: {  	s25 =	spop (v2sf)  }
0xaf: {  	(v2sf) =	vpush v2, $0x5;
	s26 =	spop (v2sf);
	[tilespmem:s31+$0x0] =	vst v3  }
0xb0: {  	(v2sf) =	vpush v2, $0x4;
	v3 =	vld [tilespmem:s26+$0x0];
	_ =	sdelay $0x4  }
0xb1: {  	v3 =	vadd.f32 v1, v3;
	_ =	sdelay $0x1  }
0xb2: {  	[tilespmem:s26+$0x0] =	vst v3  }
0xb3: {  	v3 =	vld [tilespmem:s25+$0x0];
	_ =	sdelay $0x4  }
0xb4: {  	v3 =	vadd.f32 v1, v3  }
0xb5: {  	s31 =	spop (v2sf)  }
0xb6: {  	(v2sf) =	vpush v2, $0x7;
	s20 =	spop (v2sf);
	[tilespmem:s25+$0x0] =	vst v3  }
0xb7: {  	(v2sf) =	vpush v2, $0x6;
	v3 =	vld [tilespmem:s20+$0x0];
	_ =	sdelay $0x4  }
0xb8: {  	v3 =	vadd.f32 v1, v3;
	_ =	sdelay $0x1  }
0xb9: {  	[tilespmem:s20+$0x0] =	vst v3  }
0xba: {  	v3 =	vld [tilespmem:s31+$0x0];
	_ =	sdelay $0x4  }
0xbb: {  	v3 =	vadd.f32 v1, v3  }
0xbc: {  	s25 =	spop (v2sf)  }
0xbd: {  	(v2sf) =	vpush v2, $0x9;
	s26 =	spop (v2sf);
	[tilespmem:s31+$0x0] =	vst v3  }
0xbe: {  	(v2sf) =	vpush v2, $0x8;
	v3 =	vld [tilespmem:s26+$0x0];
	_ =	sdelay $0x4  }
0xbf: {  	v3 =	vadd.f32 v1, v3;
	_ =	sdelay $0x1  }
0xc0: {  	[tilespmem:s26+$0x0] =	vst v3  }
0xc1: {  	v3 =	vld [tilespmem:s25+$0x0];
	_ =	sdelay $0x4  }
0xc2: {  	v3 =	vadd.f32 v1, v3  }
0xc3: {  	s31 =	spop (v2sf)  }
0xc4: {  	(v2sf) =	vpush v2, $0xB;
	s20 =	spop (v2sf);
	[tilespmem:s25+$0x0] =	vst v3  }
0xc5: {  	(v2sf) =	vpush v2, $0xA;
	v3 =	vld [tilespmem:s20+$0x0];
	_ =	sdelay $0x4  }
0xc6: {  	v3 =	vadd.f32 v1, v3;
	_ =	sdelay $0x1  }
0xc7: {  	[tilespmem:s20+$0x0] =	vst v3  }
0xc8: {  	v3 =	vld [tilespmem:s31+$0x0];
	_ =	sdelay $0x4  }
0xc9: {  	v3 =	vadd.f32 v1, v3  }
0xca: {  	s25 =	spop (v2sf)  }
0xcb: {  	(v2sf) =	vpush v2, $0xD;
	s26 =	spop (v2sf);
	[tilespmem:s31+$0x0] =	vst v3  }
0xcc: {  	(v2sf) =	vpush v2, $0xC;
	v3 =	vld [tilespmem:s26+$0x0];
	_ =	sdelay $0x4  }
0xcd: {  	v3 =	vadd.f32 v1, v3;
	_ =	sdelay $0x1  }
0xce: {  	[tilespmem:s26+$0x0] =	vst v3  }
0xcf: {  	v3 =	vld [tilespmem:s25+$0x0];
	_ =	sdelay $0x4  }
0xd0: {  	v3 =	vadd.f32 v1, v3  }
0xd1: {  	s31 =	spop (v2sf)  }
0xd2: {  	(v2sf) =	vpush v2, $0xF;
	s20 =	spop (v2sf);
	[tilespmem:s25+$0x0] =	vst v3  }
0xd3: {  	(v2sf) =	vpush v2, $0xE;
	v3 =	vld [tilespmem:s20+$0x0];
	_ =	sdelay $0x4  }
0xd4: {  	v2 =	vadd.f32 v1, v3;
	_ =	sdelay $0x1  }
0xd5: {  	[tilespmem:s20+$0x0] =	vst v2  }
0xd6: {  	v2 =	vld [tilespmem:s31+$0x0];
	_ =	sdelay $0x4  }
0xd7: {  	v2 =	vadd.f32 v1, v2  }
0xd8: {  	s25 =	spop (v2sf)  }
0xd9: {  	s26 =	spop (v2sf);
	[tilespmem:s31+$0x0] =	vst v2  }
0xda: {  	v2 =	vld [tilespmem:s26+$0x0];
	_ =	sdelay $0x4  }
0xdb: {  	v2 =	vadd.f32 v1, v2;
	_ =	sdelay $0x1  }
0xdc: {  	[tilespmem:s26+$0x0] =	vst v2  }
0xdd: {  	v2 =	vld [tilespmem:s25+$0x0];
	_ =	sdelay $0x4  }
0xde: {  	v2 =	vadd.f32 v1, v2;
	_ =	sdelay $0x1  }
0xdf: {  	[tilespmem:s25+$0x0] =	vst v2  }
0xe0: {  	v2 =	vld [tilespmem:s30+$0x820];
	_ =	sdelay $0x4  }
0xe1: {  	v2 =	vadd.s32 $0x9000, v2  }
0xe2: {  	(v2sf) =	vpush v2, $0x1  }
0xe3: {  	(v2sf) =	vpush v2, $0x0;
	_ =	sdelay $0xd  }
0xe4: {  	s31 =	spop (v2sf)  }
0xe5: {  	(v2sf) =	vpush v2, $0x3;
	s20 =	spop (v2sf)  }
0xe6: {  	(v2sf) =	vpush v2, $0x2;
	v3 =	vld [tilespmem:s20+$0x0];
	_ =	sdelay $0x4  }
0xe7: {  	v3 =	vadd.f32 v1, v3;
	_ =	sdelay $0x1  }
0xe8: {  	[tilespmem:s20+$0x0] =	vst v3  }
0xe9: {  	v3 =	vld [tilespmem:s31+$0x0];
	_ =	sdelay $0x4  }
0xea: {  	v3 =	vadd.f32 v1, v3  }
0xeb: {  	s25 =	spop (v2sf)  }
0xec: {  	(v2sf) =	vpush v2, $0x5;
	s26 =	spop (v2sf);
	[tilespmem:s31+$0x0] =	vst v3  }
0xed: {  	(v2sf) =	vpush v2, $0x4;
	v3 =	vld [tilespmem:s26+$0x0];
	_ =	sdelay $0x4  }
0xee: {  	v3 =	vadd.f32 v1, v3;
	_ =	sdelay $0x1  }
0xef: {  	[tilespmem:s26+$0x0] =	vst v3  }
0xf0: {  	v3 =	vld [tilespmem:s25+$0x0];
	_ =	sdelay $0x4  }
0xf1: {  	v3 =	vadd.f32 v1, v3  }
0xf2: {  	s31 =	spop (v2sf)  }
0xf3: {  	(v2sf) =	vpush v2, $0x7;
	s20 =	spop (v2sf);
	[tilespmem:s25+$0x0] =	vst v3  }
0xf4: {  	(v2sf) =	vpush v2, $0x6;
	v3 =	vld [tilespmem:s20+$0x0];
	_ =	sdelay $0x4  }
0xf5: {  	v3 =	vadd.f32 v1, v3;
	_ =	sdelay $0x1  }
0xf6: {  	[tilespmem:s20+$0x0] =	vst v3  }
0xf7: {  	v3 =	vld [tilespmem:s31+$0x0];
	_ =	sdelay $0x4  }
0xf8: {  	v3 =	vadd.f32 v1, v3  }
0xf9: {  	s25 =	spop (v2sf)  }
0xfa: {  	(v2sf) =	vpush v2, $0x9;
	s26 =	spop (v2sf);
	[tilespmem:s31+$0x0] =	vst v3  }
0xfb: {  	(v2sf) =	vpush v2, $0x8;
	v3 =	vld [tilespmem:s26+$0x0];
	_ =	sdelay $0x4  }
0xfc: {  	v3 =	vadd.f32 v1, v3;
	_ =	sdelay $0x1  }
0xfd: {  	[tilespmem:s26+$0x0] =	vst v3  }
0xfe: {  	v3 =	vld [tilespmem:s25+$0x0];
	_ =	sdelay $0x4  }
0xff: {  	v3 =	vadd.f32 v1, v3  }
0x100: {  	s31 =	spop (v2sf)  }
0x101: {  	(v2sf) =	vpush v2, $0xB;
	s20 =	spop (v2sf);
	[tilespmem:s25+$0x0] =	vst v3  }
0x102: {  	(v2sf) =	vpush v2, $0xA;
	v3 =	vld [tilespmem:s20+$0x0];
	_ =	sdelay $0x4  }
0x103: {  	v3 =	vadd.f32 v1, v3;
	_ =	sdelay $0x1  }
0x104: {  	[tilespmem:s20+$0x0] =	vst v3  }
0x105: {  	v3 =	vld [tilespmem:s31+$0x0];
	_ =	sdelay $0x4  }
0x106: {  	v3 =	vadd.f32 v1, v3  }
0x107: {  	s25 =	spop (v2sf)  }
0x108: {  	(v2sf) =	vpush v2, $0xD;
	s26 =	spop (v2sf);
	[tilespmem:s31+$0x0] =	vst v3  }
0x109: {  	(v2sf) =	vpush v2, $0xC;
	v3 =	vld [tilespmem:s26+$0x0];
	_ =	sdelay $0x4  }
0x10a: {  	v3 =	vadd.f32 v1, v3;
	_ =	sdelay $0x1  }
0x10b: {  	[tilespmem:s26+$0x0] =	vst v3  }
0x10c: {  	v3 =	vld [tilespmem:s25+$0x0];
	_ =	sdelay $0x4  }
0x10d: {  	v3 =	vadd.f32 v1, v3  }
0x10e: {  	s31 =	spop (v2sf)  }
0x10f: {  	(v2sf) =	vpush v2, $0xF;
	s20 =	spop (v2sf);
	[tilespmem:s25+$0x0] =	vst v3  }
0x110: {  	(v2sf) =	vpush v2, $0xE;
	v3 =	vld [tilespmem:s20+$0x0];
	_ =	sdelay $0x4  }
0x111: {  	v2 =	vadd.f32 v1, v3;
	_ =	sdelay $0x1  }
0x112: {  	[tilespmem:s20+$0x0] =	vst v2  }
0x113: {  	v2 =	vld [tilespmem:s31+$0x0];
	_ =	sdelay $0x4  }
0x114: {  	v2 =	vadd.f32 v1, v2  }
0x115: {  	s25 =	spop (v2sf)  }
0x116: {  	s26 =	spop (v2sf);
	[tilespmem:s31+$0x0] =	vst v2  }
0x117: {  	v2 =	vld [tilespmem:s26+$0x0];
	_ =	sdelay $0x4  }
0x118: {  	v2 =	vadd.f32 v1, v2;
	_ =	sdelay $0x1  }
0x119: {  	[tilespmem:s26+$0x0] =	vst v2  }
0x11a: {  	v2 =	vld [tilespmem:s25+$0x0];
	_ =	sdelay $0x4  }
0x11b: {  	v2 =	vadd.f32 v1, v2;
	_ =	sdelay $0x1  }
0x11c: {  	[tilespmem:s25+$0x0] =	vst v2  }
0x11d: {  	v2 =	vld [tilespmem:s30+$0x830];
	_ =	sdelay $0x4  }
0x11e: {  	v2 =	vadd.s32 $0x9000, v2  }
0x11f: {  	(v2sf) =	vpush v2, $0x1  }
0x120: {  	(v2sf) =	vpush v2, $0x0;
	_ =	sdelay $0xd  }
0x121: {  	s31 =	spop (v2sf)  }
0x122: {  	(v2sf) =	vpush v2, $0x3;
	s20 =	spop (v2sf)  }
0x123: {  	(v2sf) =	vpush v2, $0x2;
	v3 =	vld [tilespmem:s20+$0x0];
	_ =	sdelay $0x4  }
0x124: {  	v3 =	vadd.f32 v1, v3;
	_ =	sdelay $0x1  }
0x125: {  	[tilespmem:s20+$0x0] =	vst v3  }
0x126: {  	v3 =	vld [tilespmem:s31+$0x0];
	_ =	sdelay $0x4  }
0x127: {  	v3 =	vadd.f32 v1, v3  }
0x128: {  	s25 =	spop (v2sf)  }
0x129: {  	(v2sf) =	vpush v2, $0x5;
	s26 =	spop (v2sf);
	[tilespmem:s31+$0x0] =	vst v3  }
0x12a: {  	(v2sf) =	vpush v2, $0x4;
	v3 =	vld [tilespmem:s26+$0x0];
	_ =	sdelay $0x4  }
0x12b: {  	v3 =	vadd.f32 v1, v3;
	_ =	sdelay $0x1  }
0x12c: {  	[tilespmem:s26+$0x0] =	vst v3  }
0x12d: {  	v3 =	vld [tilespmem:s25+$0x0];
	_ =	sdelay $0x4  }
0x12e: {  	v3 =	vadd.f32 v1, v3  }
0x12f: {  	s31 =	spop (v2sf)  }
0x130: {  	(v2sf) =	vpush v2, $0x7;
	s20 =	spop (v2sf);
	[tilespmem:s25+$0x0] =	vst v3  }
0x131: {  	(v2sf) =	vpush v2, $0x6;
	v3 =	vld [tilespmem:s20+$0x0];
	_ =	sdelay $0x4  }
0x132: {  	v3 =	vadd.f32 v1, v3;
	_ =	sdelay $0x1  }
0x133: {  	[tilespmem:s20+$0x0] =	vst v3  }
0x134: {  	v3 =	vld [tilespmem:s31+$0x0];
	_ =	sdelay $0x4  }
0x135: {  	v3 =	vadd.f32 v1, v3  }
0x136: {  	s25 =	spop (v2sf)  }
0x137: {  	(v2sf) =	vpush v2, $0x9;
	s26 =	spop (v2sf);
	[tilespmem:s31+$0x0] =	vst v3  }
0x138: {  	(v2sf) =	vpush v2, $0x8;
	v3 =	vld [tilespmem:s26+$0x0];
	_ =	sdelay $0x4  }
0x139: {  	v3 =	vadd.f32 v1, v3;
	_ =	sdelay $0x1  }
0x13a: {  	[tilespmem:s26+$0x0] =	vst v3  }
0x13b: {  	v3 =	vld [tilespmem:s25+$0x0];
	_ =	sdelay $0x4  }
0x13c: {  	v3 =	vadd.f32 v1, v3  }
0x13d: {  	s31 =	spop (v2sf)  }
0x13e: {  	(v2sf) =	vpush v2, $0xB;
	s20 =	spop (v2sf);
	[tilespmem:s25+$0x0] =	vst v3  }
0x13f: {  	(v2sf) =	vpush v2, $0xA;
	v3 =	vld [tilespmem:s20+$0x0];
	_ =	sdelay $0x4  }
0x140: {  	v3 =	vadd.f32 v1, v3;
	_ =	sdelay $0x1  }
0x141: {  	[tilespmem:s20+$0x0] =	vst v3  }
0x142: {  	v3 =	vld [tilespmem:s31+$0x0];
	_ =	sdelay $0x4  }
0x143: {  	v3 =	vadd.f32 v1, v3  }
0x144: {  	s25 =	spop (v2sf)  }
0x145: {  	(v2sf) =	vpush v2, $0xD;
	s26 =	spop (v2sf);
	[tilespmem:s31+$0x0] =	vst v3  }
0x146: {  	(v2sf) =	vpush v2, $0xC;
	v3 =	vld [tilespmem:s26+$0x0];
	_ =	sdelay $0x4  }
0x147: {  	v3 =	vadd.f32 v1, v3;
	_ =	sdelay $0x1  }
0x148: {  	[tilespmem:s26+$0x0] =	vst v3  }
0x149: {  	v3 =	vld [tilespmem:s25+$0x0];
	_ =	sdelay $0x4  }
0x14a: {  	v3 =	vadd.f32 v1, v3  }
0x14b: {  	s31 =	spop (v2sf)  }
0x14c: {  	(v2sf) =	vpush v2, $0xF;
	s20 =	spop (v2sf);
	[tilespmem:s25+$0x0] =	vst v3  }
0x14d: {  	(v2sf) =	vpush v2, $0xE;
	v3 =	vld [tilespmem:s20+$0x0];
	_ =	sdelay $0x4  }
0x14e: {  	v2 =	vadd.f32 v1, v3;
	_ =	sdelay $0x1  }
0x14f: {  	[tilespmem:s20+$0x0] =	vst v2  }
0x150: {  	v2 =	vld [tilespmem:s31+$0x0];
	_ =	sdelay $0x4  }
0x151: {  	v2 =	vadd.f32 v1, v2  }
0x152: {  	s25 =	spop (v2sf)  }
0x153: {  	s26 =	spop (v2sf);
	[tilespmem:s31+$0x0] =	vst v2  }
0x154: {  	v2 =	vld [tilespmem:s26+$0x0];
	_ =	sdelay $0x4  }
0x155: {  	v2 =	vadd.f32 v1, v2;
	_ =	sdelay $0x1  }
0x156: {  	[tilespmem:s26+$0x0] =	vst v2  }
0x157: {  	v2 =	vld [tilespmem:s25+$0x0];
	_ =	sdelay $0x4  }
0x158: {  	v2 =	vadd.f32 v1, v2;
	_ =	sdelay $0x1  }
0x159: {  	[tilespmem:s25+$0x0] =	vst v2  }
0x15a: {  	v2 =	vld [tilespmem:s30+$0x840];
	_ =	sdelay $0x4  }
0x15b: {  	v2 =	vadd.s32 $0x9000, v2  }
0x15c: {  	(v2sf) =	vpush v2, $0x1  }
0x15d: {  	(v2sf) =	vpush v2, $0x0;
	_ =	sdelay $0xd  }
0x15e: {  	s31 =	spop (v2sf)  }
0x15f: {  	(v2sf) =	vpush v2, $0x3;
	s20 =	spop (v2sf)  }
0x160: {  	(v2sf) =	vpush v2, $0x2;
	v3 =	vld [tilespmem:s20+$0x0];
	_ =	sdelay $0x4  }
0x161: {  	v3 =	vadd.f32 v1, v3;
	_ =	sdelay $0x1  }
0x162: {  	[tilespmem:s20+$0x0] =	vst v3  }
0x163: {  	v3 =	vld [tilespmem:s31+$0x0];
	_ =	sdelay $0x4  }
0x164: {  	v3 =	vadd.f32 v1, v3  }
0x165: {  	s25 =	spop (v2sf)  }
0x166: {  	(v2sf) =	vpush v2, $0x5;
	s26 =	spop (v2sf);
	[tilespmem:s31+$0x0] =	vst v3  }
0x167: {  	(v2sf) =	vpush v2, $0x4;
	v3 =	vld [tilespmem:s26+$0x0];
	_ =	sdelay $0x4  }
0x168: {  	v3 =	vadd.f32 v1, v3;
	_ =	sdelay $0x1  }
0x169: {  	[tilespmem:s26+$0x0] =	vst v3  }
0x16a: {  	v3 =	vld [tilespmem:s25+$0x0];
	_ =	sdelay $0x4  }
0x16b: {  	v3 =	vadd.f32 v1, v3  }
0x16c: {  	s31 =	spop (v2sf)  }
0x16d: {  	(v2sf) =	vpush v2, $0x7;
	s20 =	spop (v2sf);
	[tilespmem:s25+$0x0] =	vst v3  }
0x16e: {  	(v2sf) =	vpush v2, $0x6;
	v3 =	vld [tilespmem:s20+$0x0];
	_ =	sdelay $0x4  }
0x16f: {  	v3 =	vadd.f32 v1, v3;
	_ =	sdelay $0x1  }
0x170: {  	[tilespmem:s20+$0x0] =	vst v3  }
0x171: {  	v3 =	vld [tilespmem:s31+$0x0];
	_ =	sdelay $0x4  }
0x172: {  	v3 =	vadd.f32 v1, v3  }
0x173: {  	s25 =	spop (v2sf)  }
0x174: {  	(v2sf) =	vpush v2, $0x9;
	s26 =	spop (v2sf);
	[tilespmem:s31+$0x0] =	vst v3  }
0x175: {  	(v2sf) =	vpush v2, $0x8;
	v3 =	vld [tilespmem:s26+$0x0];
	_ =	sdelay $0x4  }
0x176: {  	v3 =	vadd.f32 v1, v3;
	_ =	sdelay $0x1  }
0x177: {  	[tilespmem:s26+$0x0] =	vst v3  }
0x178: {  	v3 =	vld [tilespmem:s25+$0x0];
	_ =	sdelay $0x4  }
0x179: {  	v3 =	vadd.f32 v1, v3  }
0x17a: {  	s31 =	spop (v2sf)  }
0x17b: {  	(v2sf) =	vpush v2, $0xB;
	s20 =	spop (v2sf);
	[tilespmem:s25+$0x0] =	vst v3  }
0x17c: {  	(v2sf) =	vpush v2, $0xA;
	v3 =	vld [tilespmem:s20+$0x0];
	_ =	sdelay $0x4  }
0x17d: {  	v3 =	vadd.f32 v1, v3;
	_ =	sdelay $0x1  }
0x17e: {  	[tilespmem:s20+$0x0] =	vst v3  }
0x17f: {  	v3 =	vld [tilespmem:s31+$0x0];
	_ =	sdelay $0x4  }
0x180: {  	v3 =	vadd.f32 v1, v3  }
0x181: {  	s25 =	spop (v2sf)  }
0x182: {  	(v2sf) =	vpush v2, $0xD;
	s26 =	spop (v2sf);
	[tilespmem:s31+$0x0] =	vst v3  }
0x183: {  	(v2sf) =	vpush v2, $0xC;
	v3 =	vld [tilespmem:s26+$0x0];
	_ =	sdelay $0x4  }
0x184: {  	v3 =	vadd.f32 v1, v3;
	_ =	sdelay $0x1  }
0x185: {  	[tilespmem:s26+$0x0] =	vst v3  }
0x186: {  	v3 =	vld [tilespmem:s25+$0x0];
	_ =	sdelay $0x4  }
0x187: {  	v3 =	vadd.f32 v1, v3  }
0x188: {  	s31 =	spop (v2sf)  }
0x189: {  	(v2sf) =	vpush v2, $0xF;
	s20 =	spop (v2sf);
	[tilespmem:s25+$0x0] =	vst v3  }
0x18a: {  	(v2sf) =	vpush v2, $0xE;
	v3 =	vld [tilespmem:s20+$0x0];
	_ =	sdelay $0x4  }
0x18b: {  	v2 =	vadd.f32 v1, v3;
	_ =	sdelay $0x1  }
0x18c: {  	[tilespmem:s20+$0x0] =	vst v2  }
0x18d: {  	v2 =	vld [tilespmem:s31+$0x0];
	_ =	sdelay $0x4  }
0x18e: {  	v2 =	vadd.f32 v1, v2  }
0x18f: {  	s25 =	spop (v2sf)  }
0x190: {  	s26 =	spop (v2sf);
	[tilespmem:s31+$0x0] =	vst v2  }
0x191: {  	v2 =	vld [tilespmem:s26+$0x0];
	_ =	sdelay $0x4  }
0x192: {  	v2 =	vadd.f32 v1, v2;
	_ =	sdelay $0x1  }
0x193: {  	[tilespmem:s26+$0x0] =	vst v2  }
0x194: {  	v2 =	vld [tilespmem:s25+$0x0];
	_ =	sdelay $0x4  }
0x195: {  	v2 =	vadd.f32 v1, v2;
	_ =	sdelay $0x1  }
0x196: {  	[tilespmem:s25+$0x0] =	vst v2  }
0x197: {  	v2 =	vld [tilespmem:s30+$0x850];
	_ =	sdelay $0x4  }
0x198: {  	v2 =	vadd.s32 $0x9000, v2  }
0x199: {  	(v2sf) =	vpush v2, $0x1  }
0x19a: {  	(v2sf) =	vpush v2, $0x0;
	_ =	sdelay $0xd  }
0x19b: {  	s31 =	spop (v2sf)  }
0x19c: {  	(v2sf) =	vpush v2, $0x3;
	s20 =	spop (v2sf)  }
0x19d: {  	(v2sf) =	vpush v2, $0x2;
	v3 =	vld [tilespmem:s20+$0x0];
	_ =	sdelay $0x4  }
0x19e: {  	v3 =	vadd.f32 v1, v3;
	_ =	sdelay $0x1  }
0x19f: {  	[tilespmem:s20+$0x0] =	vst v3  }
0x1a0: {  	v3 =	vld [tilespmem:s31+$0x0];
	_ =	sdelay $0x4  }
0x1a1: {  	v3 =	vadd.f32 v1, v3  }
0x1a2: {  	s25 =	spop (v2sf)  }
0x1a3: {  	(v2sf) =	vpush v2, $0x5;
	s26 =	spop (v2sf);
	[tilespmem:s31+$0x0] =	vst v3  }
0x1a4: {  	(v2sf) =	vpush v2, $0x4;
	v3 =	vld [tilespmem:s26+$0x0];
	_ =	sdelay $0x4  }
0x1a5: {  	v3 =	vadd.f32 v1, v3;
	_ =	sdelay $0x1  }
0x1a6: {  	[tilespmem:s26+$0x0] =	vst v3  }
0x1a7: {  	v3 =	vld [tilespmem:s25+$0x0];
	_ =	sdelay $0x4  }
0x1a8: {  	v3 =	vadd.f32 v1, v3  }
0x1a9: {  	s31 =	spop (v2sf)  }
0x1aa: {  	(v2sf) =	vpush v2, $0x7;
	s20 =	spop (v2sf);
	[tilespmem:s25+$0x0] =	vst v3  }
0x1ab: {  	(v2sf) =	vpush v2, $0x6;
	v3 =	vld [tilespmem:s20+$0x0];
	_ =	sdelay $0x4  }
0x1ac: {  	v3 =	vadd.f32 v1, v3;
	_ =	sdelay $0x1  }
0x1ad: {  	[tilespmem:s20+$0x0] =	vst v3  }
0x1ae: {  	v3 =	vld [tilespmem:s31+$0x0];
	_ =	sdelay $0x4  }
0x1af: {  	v3 =	vadd.f32 v1, v3  }
0x1b0: {  	s25 =	spop (v2sf)  }
0x1b1: {  	(v2sf) =	vpush v2, $0x9;
	s26 =	spop (v2sf);
	[tilespmem:s31+$0x0] =	vst v3  }
0x1b2: {  	(v2sf) =	vpush v2, $0x8;
	v3 =	vld [tilespmem:s26+$0x0];
	_ =	sdelay $0x4  }
0x1b3: {  	v3 =	vadd.f32 v1, v3;
	_ =	sdelay $0x1  }
0x1b4: {  	[tilespmem:s26+$0x0] =	vst v3  }
0x1b5: {  	v3 =	vld [tilespmem:s25+$0x0];
	_ =	sdelay $0x4  }
0x1b6: {  	v3 =	vadd.f32 v1, v3  }
0x1b7: {  	s31 =	spop (v2sf)  }
0x1b8: {  	(v2sf) =	vpush v2, $0xB;
	s20 =	spop (v2sf);
	[tilespmem:s25+$0x0] =	vst v3  }
0x1b9: {  	(v2sf) =	vpush v2, $0xA;
	v3 =	vld [tilespmem:s20+$0x0];
	_ =	sdelay $0x4  }
0x1ba: {  	v3 =	vadd.f32 v1, v3;
	_ =	sdelay $0x1  }
0x1bb: {  	[tilespmem:s20+$0x0] =	vst v3  }
0x1bc: {  	v3 =	vld [tilespmem:s31+$0x0];
	_ =	sdelay $0x4  }
0x1bd: {  	v3 =	vadd.f32 v1, v3  }
0x1be: {  	s25 =	spop (v2sf)  }
0x1bf: {  	(v2sf) =	vpush v2, $0xD;
	s26 =	spop (v2sf);
	[tilespmem:s31+$0x0] =	vst v3  }
0x1c0: {  	(v2sf) =	vpush v2, $0xC;
	v3 =	vld [tilespmem:s26+$0x0];
	_ =	sdelay $0x4  }
0x1c1: {  	v3 =	vadd.f32 v1, v3;
	_ =	sdelay $0x1  }
0x1c2: {  	[tilespmem:s26+$0x0] =	vst v3  }
0x1c3: {  	v3 =	vld [tilespmem:s25+$0x0];
	_ =	sdelay $0x4  }
0x1c4: {  	v3 =	vadd.f32 v1, v3  }
0x1c5: {  	s31 =	spop (v2sf)  }
0x1c6: {  	(v2sf) =	vpush v2, $0xF;
	s20 =	spop (v2sf);
	[tilespmem:s25+$0x0] =	vst v3  }
0x1c7: {  	(v2sf) =	vpush v2, $0xE;
	v3 =	vld [tilespmem:s20+$0x0];
	_ =	sdelay $0x4  }
0x1c8: {  	v2 =	vadd.f32 v1, v3;
	_ =	sdelay $0x1  }
0x1c9: {  	[tilespmem:s20+$0x0] =	vst v2  }
0x1ca: {  	v2 =	vld [tilespmem:s31+$0x0];
	_ =	sdelay $0x4  }
0x1cb: {  	v2 =	vadd.f32 v1, v2  }
0x1cc: {  	s25 =	spop (v2sf)  }
0x1cd: {  	s26 =	spop (v2sf);
	[tilespmem:s31+$0x0] =	vst v2  }
0x1ce: {  	v2 =	vld [tilespmem:s26+$0x0];
	_ =	sdelay $0x4  }
0x1cf: {  	v2 =	vadd.f32 v1, v2;
	_ =	sdelay $0x1  }
0x1d0: {  	[tilespmem:s26+$0x0] =	vst v2  }
0x1d1: {  	v2 =	vld [tilespmem:s25+$0x0];
	_ =	sdelay $0x4  }
0x1d2: {  	v2 =	vadd.f32 v1, v2;
	_ =	sdelay $0x1  }
0x1d3: {  	[tilespmem:s25+$0x0] =	vst v2  }
0x1d4: {  	v2 =	vld [tilespmem:s30+$0x860];
	_ =	sdelay $0x4  }
0x1d5: {  	v2 =	vadd.s32 $0x9000, v2  }
0x1d6: {  	(v2sf) =	vpush v2, $0x1  }
0x1d7: {  	(v2sf) =	vpush v2, $0x0;
	_ =	sdelay $0xd  }
0x1d8: {  	s31 =	spop (v2sf)  }
0x1d9: {  	(v2sf) =	vpush v2, $0x3;
	s20 =	spop (v2sf)  }
0x1da: {  	(v2sf) =	vpush v2, $0x2;
	v3 =	vld [tilespmem:s20+$0x0];
	_ =	sdelay $0x4  }
0x1db: {  	v3 =	vadd.f32 v1, v3;
	_ =	sdelay $0x1  }
0x1dc: {  	[tilespmem:s20+$0x0] =	vst v3  }
0x1dd: {  	v3 =	vld [tilespmem:s31+$0x0];
	_ =	sdelay $0x4  }
0x1de: {  	v3 =	vadd.f32 v1, v3  }
0x1df: {  	s25 =	spop (v2sf)  }
0x1e0: {  	(v2sf) =	vpush v2, $0x5;
	s26 =	spop (v2sf);
	[tilespmem:s31+$0x0] =	vst v3  }
0x1e1: {  	(v2sf) =	vpush v2, $0x4;
	v3 =	vld [tilespmem:s26+$0x0];
	_ =	sdelay $0x4  }
0x1e2: {  	v3 =	vadd.f32 v1, v3;
	_ =	sdelay $0x1  }
0x1e3: {  	[tilespmem:s26+$0x0] =	vst v3  }
0x1e4: {  	v3 =	vld [tilespmem:s25+$0x0];
	_ =	sdelay $0x4  }
0x1e5: {  	v3 =	vadd.f32 v1, v3  }
0x1e6: {  	s31 =	spop (v2sf)  }
0x1e7: {  	(v2sf) =	vpush v2, $0x7;
	s20 =	spop (v2sf);
	[tilespmem:s25+$0x0] =	vst v3  }
0x1e8: {  	(v2sf) =	vpush v2, $0x6;
	v3 =	vld [tilespmem:s20+$0x0];
	_ =	sdelay $0x4  }
0x1e9: {  	v3 =	vadd.f32 v1, v3;
	_ =	sdelay $0x1  }
0x1ea: {  	[tilespmem:s20+$0x0] =	vst v3  }
0x1eb: {  	v3 =	vld [tilespmem:s31+$0x0];
	_ =	sdelay $0x4  }
0x1ec: {  	v3 =	vadd.f32 v1, v3  }
0x1ed: {  	s25 =	spop (v2sf)  }
0x1ee: {  	(v2sf) =	vpush v2, $0x9;
	s26 =	spop (v2sf);
	[tilespmem:s31+$0x0] =	vst v3  }
0x1ef: {  	(v2sf) =	vpush v2, $0x8;
	v3 =	vld [tilespmem:s26+$0x0];
	_ =	sdelay $0x4  }
0x1f0: {  	v3 =	vadd.f32 v1, v3;
	_ =	sdelay $0x1  }
0x1f1: {  	[tilespmem:s26+$0x0] =	vst v3  }
0x1f2: {  	v3 =	vld [tilespmem:s25+$0x0];
	_ =	sdelay $0x4  }
0x1f3: {  	v3 =	vadd.f32 v1, v3  }
0x1f4: {  	s31 =	spop (v2sf)  }
0x1f5: {  	(v2sf) =	vpush v2, $0xB;
	s20 =	spop (v2sf);
	[tilespmem:s25+$0x0] =	vst v3  }
0x1f6: {  	(v2sf) =	vpush v2, $0xA;
	v3 =	vld [tilespmem:s20+$0x0];
	_ =	sdelay $0x4  }
0x1f7: {  	v3 =	vadd.f32 v1, v3;
	_ =	sdelay $0x1  }
0x1f8: {  	[tilespmem:s20+$0x0] =	vst v3  }
0x1f9: {  	v3 =	vld [tilespmem:s31+$0x0];
	_ =	sdelay $0x4  }
0x1fa: {  	v3 =	vadd.f32 v1, v3  }
0x1fb: {  	s25 =	spop (v2sf)  }
0x1fc: {  	(v2sf) =	vpush v2, $0xD;
	s26 =	spop (v2sf);
	[tilespmem:s31+$0x0] =	vst v3  }
0x1fd: {  	(v2sf) =	vpush v2, $0xC;
	v3 =	vld [tilespmem:s26+$0x0];
	_ =	sdelay $0x4  }
0x1fe: {  	v3 =	vadd.f32 v1, v3;
	_ =	sdelay $0x1  }
0x1ff: {  	[tilespmem:s26+$0x0] =	vst v3  }
0x200: {  	v3 =	vld [tilespmem:s25+$0x0];
	_ =	sdelay $0x4  }
0x201: {  	v3 =	vadd.f32 v1, v3  }
0x202: {  	s31 =	spop (v2sf)  }
0x203: {  	(v2sf) =	vpush v2, $0xF;
	s20 =	spop (v2sf);
	[tilespmem:s25+$0x0] =	vst v3  }
0x204: {  	(v2sf) =	vpush v2, $0xE;
	v3 =	vld [tilespmem:s20+$0x0];
	_ =	sdelay $0x4  }
0x205: {  	v2 =	vadd.f32 v1, v3;
	_ =	sdelay $0x1  }
0x206: {  	[tilespmem:s20+$0x0] =	vst v2  }
0x207: {  	v2 =	vld [tilespmem:s31+$0x0];
	_ =	sdelay $0x4  }
0x208: {  	v2 =	vadd.f32 v1, v2  }
0x209: {  	s25 =	spop (v2sf)  }
0x20a: {  	s26 =	spop (v2sf);
	[tilespmem:s31+$0x0] =	vst v2  }
0x20b: {  	v2 =	vld [tilespmem:s26+$0x0];
	_ =	sdelay $0x4  }
0x20c: {  	v2 =	vadd.f32 v1, v2;
	_ =	sdelay $0x1  }
0x20d: {  	[tilespmem:s26+$0x0] =	vst v2  }
0x20e: {  	v2 =	vld [tilespmem:s25+$0x0];
	_ =	sdelay $0x4  }
0x20f: {  	v2 =	vadd.f32 v1, v2;
	_ =	sdelay $0x1  }
0x210: {  	[tilespmem:s25+$0x0] =	vst v2  }
0x211: {  	v2 =	vld [tilespmem:s30+$0x870];
	_ =	sdelay $0x4  }
0x212: {  	v2 =	vadd.s32 $0x9000, v2  }
0x213: {  	(v2sf) =	vpush v2, $0x1  }
0x214: {  	(v2sf) =	vpush v2, $0x0;
	_ =	sdelay $0xd  }
0x215: {  	s31 =	spop (v2sf)  }
0x216: {  	(v2sf) =	vpush v2, $0x3;
	s20 =	spop (v2sf)  }
0x217: {  	(v2sf) =	vpush v2, $0x2;
	v3 =	vld [tilespmem:s20+$0x0];
	_ =	sdelay $0x4  }
0x218: {  	v3 =	vadd.f32 v1, v3;
	_ =	sdelay $0x1  }
0x219: {  	[tilespmem:s20+$0x0] =	vst v3  }
0x21a: {  	v3 =	vld [tilespmem:s31+$0x0];
	_ =	sdelay $0x4  }
0x21b: {  	v3 =	vadd.f32 v1, v3  }
0x21c: {  	s25 =	spop (v2sf)  }
0x21d: {  	(v2sf) =	vpush v2, $0x5;
	s26 =	spop (v2sf);
	[tilespmem:s31+$0x0] =	vst v3  }
0x21e: {  	(v2sf) =	vpush v2, $0x4;
	v3 =	vld [tilespmem:s26+$0x0];
	_ =	sdelay $0x4  }
0x21f: {  	v3 =	vadd.f32 v1, v3;
	_ =	sdelay $0x1  }
0x220: {  	[tilespmem:s26+$0x0] =	vst v3  }
0x221: {  	v3 =	vld [tilespmem:s25+$0x0];
	_ =	sdelay $0x4  }
0x222: {  	v3 =	vadd.f32 v1, v3  }
0x223: {  	s30 =	spop (v2sf)  }
0x224: {  	(v2sf) =	vpush v2, $0x7;
	s31 =	spop (v2sf);
	[tilespmem:s25+$0x0] =	vst v3  }
0x225: {  	(v2sf) =	vpush v2, $0x6;
	v3 =	vld [tilespmem:s31+$0x0];
	_ =	sdelay $0x4  }
0x226: {  	v3 =	vadd.f32 v1, v3;
	_ =	sdelay $0x1  }
0x227: {  	[tilespmem:s31+$0x0] =	vst v3  }
0x228: {  	v3 =	vld [tilespmem:s30+$0x0];
	_ =	sdelay $0x4  }
0x229: {  	v3 =	vadd.f32 v1, v3  }
0x22a: {  	s20 =	spop (v2sf)  }
0x22b: {  	(v2sf) =	vpush v2, $0x9;
	s25 =	spop (v2sf);
	[tilespmem:s30+$0x0] =	vst v3  }
0x22c: {  	(v2sf) =	vpush v2, $0x8;
	v3 =	vld [tilespmem:s25+$0x0];
	_ =	sdelay $0x4  }
0x22d: {  	v3 =	vadd.f32 v1, v3;
	_ =	sdelay $0x1  }
0x22e: {  	[tilespmem:s25+$0x0] =	vst v3  }
0x22f: {  	v3 =	vld [tilespmem:s20+$0x0];
	_ =	sdelay $0x4  }
0x230: {  	v3 =	vadd.f32 v1, v3  }
0x231: {  	s26 =	spop (v2sf)  }
0x232: {  	(v2sf) =	vpush v2, $0xB;
	s30 =	spop (v2sf);
	[tilespmem:s20+$0x0] =	vst v3  }
0x233: {  	(v2sf) =	vpush v2, $0xA;
	v3 =	vld [tilespmem:s30+$0x0];
	_ =	sdelay $0x4  }
0x234: {  	v3 =	vadd.f32 v1, v3;
	_ =	sdelay $0x1  }
0x235: {  	[tilespmem:s30+$0x0] =	vst v3  }
0x236: {  	v3 =	vld [tilespmem:s26+$0x0];
	_ =	sdelay $0x4  }
0x237: {  	v3 =	vadd.f32 v1, v3  }
0x238: {  	s31 =	spop (v2sf)  }
0x239: {  	(v2sf) =	vpush v2, $0xD;
	s20 =	spop (v2sf);
	[tilespmem:s26+$0x0] =	vst v3  }
0x23a: {  	(v2sf) =	vpush v2, $0xC;
	v3 =	vld [tilespmem:s20+$0x0];
	_ =	sdelay $0x4  }
0x23b: {  	v3 =	vadd.f32 v1, v3;
	_ =	sdelay $0x1  }
0x23c: {  	[tilespmem:s20+$0x0] =	vst v3  }
0x23d: {  	v3 =	vld [tilespmem:s31+$0x0];
	_ =	sdelay $0x4  }
0x23e: {  	v3 =	vadd.f32 v1, v3  }
0x23f: {  	s25 =	spop (v2sf)  }
0x240: {  	(v2sf) =	vpush v2, $0xF;
	s26 =	spop (v2sf);
	[tilespmem:s31+$0x0] =	vst v3  }
0x241: {  	(v2sf) =	vpush v2, $0xE;
	v3 =	vld [tilespmem:s26+$0x0];
	_ =	sdelay $0x4  }
0x242: {  	v2 =	vadd.f32 v1, v3;
	_ =	sdelay $0x1  }
0x243: {  	[tilespmem:s26+$0x0] =	vst v2  }
0x244: {  	v2 =	vld [tilespmem:s25+$0x0];
	_ =	sdelay $0x4  }
0x245: {  	v2 =	vadd.f32 v1, v2  }
0x246: {  	s30 =	spop (v2sf)  }
0x247: {  	s31 =	spop (v2sf);
	[tilespmem:s25+$0x0] =	vst v2  }
0x248: {  	v2 =	vld [tilespmem:s31+$0x0];
	_ =	sdelay $0x4  }
0x249: {  	v2 =	vadd.f32 v1, v2;
	_ =	sdelay $0x1  }
0x24a: {  	[tilespmem:s31+$0x0] =	vst v2  }
0x24b: {  	v2 =	vld [tilespmem:s30+$0x0];
	_ =	sdelay $0x4  }
0x24c: {  	v2 =	vadd.f32 v1, v2;
	_ =	sdelay $0x1  }
0x24d: {  	p1 =	sne.s32 @!p0 s29, $0x50;
	[tilespmem:s30+$0x0] =	vst v2  }
0x24e: {  	p1 =	por p0, !p1;
	_ =	swait.ge [sflag:s24], $0x4000  }
.Ltmp5:
0x24f: {  	[sflag:s24] =	ssyncset.done $0x0;
	(pc) =	sbr.rel @p1 .LBB2_11-.Ltmp5, $4  }
0x250: {  	s0 =	simm.s32 @!p0 $0x1;
	[sflag:s24] =	ssyncadd.s32 $0xFFFFC000  }
0x251: {  	_ =	swait.ge @!p0 [sflag:s0], $0x4000  }
0x252: {  	[sflag:s0] =	ssyncset.done @!p0 $0x0  }
0x253: {  	s28 =	sadd.s32 @!p0 $0x200, s28;
	[sflag:s0] =	ssyncadd.s32 @!p0 $0xFFFFC000  }
.LBB2_6:
0x254: {  	s30 =	sand.u32 $0x7, s29;
	p0 =	sgt.u32 s29, $0x47  }
0x255: {  	p1 =	sne.s32 @!p0 s30, $0x0  }
0x256: {  	s20 =	sshrl.u32 s29, $0x3;
	p0 =	por p1, p0  }
0x257: {  	s0 =	smov.u32 s29;
	s29 =	sshll.u32 @!p0 s20, $0xA  }
0x258: {  	s31 =	sand.u32 $0x1, s20;
	s20 =	sadd.s32 @!p0 s29, s14  }
0x259: {  	s25 =	sshll.u32 @!p0 s31, $0xA;
	s20 =	sshrl.u32 @!p0 s20, $0x3  }
0x25a: {  	s2 =	simm.s32 @!p0 $0x0;
	s29 =	sxor.u32 @!p0 $0x400, s25;
	s26 =	sadd.s32 @!p0 s5, s20  }
0x25b: {  	[tilespmem:s29], [sflag:$0x3] =	stream.linear.gather @!p0 [hbm4b:s26+s2], $0x400, $0x38;
	[tilespmem:$0x1F800] =	vst v63  }
0x25c: {  	s25 =	sxor.u32 @!p0 $0xC00, s25;
	s20 =	sadd.s32 @!p0 s6, s20;
	s29 =	sadd.s32 $0x1, s0  }
0x25d: {  	[tilespmem:s25], [sflag:$0x3] =	stream.linear.gather @!p0 [hbm4b:s20+s2], $0x400, $0x38;
	[tilespmem:$0x1F800] =	vst v63  }
0x25e: {  	s20 =	sand.u32 $0x7, s29;
	p0 =	seq.s32 s0, $0x4F  }
0x25f: {  	p1 =	sne.s32 @!p0 s20, $0x0  }
0x260: {  	p1 =	por p0, p1  }
.Ltmp6:
0x261: {  	_ = 	snop;
	(pc) =	sbr.rel @!p1 .LBB2_7-.Ltmp6, $2  }
0x262: {  	_ =	sdelay $0x2  }
0x263: {  	s0 =	sand.u32 $0x1, s0  }
.Ltmp7:
0x264: {  	(pc) =	sbr.rel @p0 .LBB2_10-.Ltmp7, $4  }
.Ltmp8:
0x265: {  	(pc) =	sbr.rel @!p0 .LBB2_9-.Ltmp8, $4  }
0x266: {  	_ = 	snop  }
0x267: {  	_ = 	snop  }
0x268: {  	_ = 	snop  }
0x269: {  	_ = 	snop  }
.LBB2_12:
0x26a: {  	_ =	sfence.sel $0x180000  }
0x26b: {  	[bflag:$0x0] =	sbarrier.arrive $0xFFFF  }
0x26c: {  	_ =	strace $0x90000047  }
0x26d: {  	s0 =	stileid.u32;
	[bflag:$0x2] =	sbarrier.arrive $0xFFFF  }
0x26e: {  	p0 =	sne.s32 s0, $0x0;
	s0 =	rddreg [dreg:$0x3]  }
0x26f: {  	s0 =	sadd.s32 @!p0 $0x100000, s0  }
0x270: {  	[sflag:s0] =	ssyncadd.tile.s32 @!p0 $0x1;
	_ =	shalt  }
.Lfunc_end2:
_tile_overlayer_lowered:
.L_overlay_start_2:
0x271: {  	(tag) =	ssettag $0x2  }
0x272: {  	s0 =	rddreg [dreg:$0x0];
	s2 =	stileid.u32  }
0x273: {  	s1 =	rddreg [dreg:$0x1];
	p0 =	sne.s32 s2, $0x0  }
0x274: {  	s3 =	rddreg [dreg:$0x2];
	[bflag:$0x3] =	sbarrier.arrive $0xFFFF;
	s2 =	simm.s32 @!p0 $0x1C04  }
0x275: {  	[timem:s3], [sflag:s2] =	dma.local @!p0 [hbm:s0], s1  }
0x276: {  	s0 =	simm.s32 @!p0 $0x4  }
0x277: {  	_ =	swait.ge @!p0 [sflag:s0], s1  }
0x278: {  	s1 =	ssub.s32 @!p0 $0x0, s1;
	[sflag:s0] =	ssyncset.done @!p0 $0x0  }
0x279: {  	[sflag:s0] =	ssyncadd.s32 @!p0 s1  }
0x27a: {  	[bflag:$0x3] =	sbarrier.arrive $0xFFFF  }
0x27b: {  	_ =	shalt  }

// kernel: kernel.9.cloned.1.call-start
scs
__scs_entry_jumppad:
0x0: {  	(pc) =	sbr.rel $0x88, $3  }
0x1: {  	(tag) =	ssettag $0x0;
	lr =	simm.s32 $0x1  }
0x2: {  	[smem:$0x3F98] =	sst lr;
	_ =	strace $0xD0000000  }
0x3: {  	_ = 	snop  }
0x4: {  	_ = 	snop  }
0x5: {  	_ = 	snop  }
0x6: {  	_ = 	snop  }
0x7: {  	_ = 	snop  }
__scs_overlays_trampoline_lowered:
0x8: {  	[smem:$0x3FA7] =	sst s0  }
0x9: {  	[smem:$0x3FA8] =	sst s1  }
0xa: {  	[smem:$0x3FA9] =	sst s2  }
0xb: {  	[smem:$0x3FAA] =	sst s3  }
0xc: {  	[smem:$0x3FAB] =	sst s4  }
0xd: {  	[smem:$0x3FAC] =	sst s5  }
0xe: {  	[smem:$0x3FAD] =	sst s6  }
0xf: {  	[smem:$0x3FAE] =	sst s7  }
0x10: {  	[smem:$0x3FAF] =	sst s8  }
0x11: {  	[smem:$0x3FB0] =	sst s9;
	s0 =	simm.s32 @!p0 $0x0  }
0x12: {  	s1 =	sld [smem:$0x3F96];
	s0 =	simm.s32 @p0 $0x1  }
0x13: {  	[smem:$0x3FB1] =	sst s0;
	s0 =	simm.s32 @!p1 $0x0  }
0x14: {  	s2 =	sld [smem:$0x3F95];
	s0 =	simm.s32 @p1 $0x1  }
0x15: {  	[smem:$0x3FB2] =	sst s0;
	s0 =	simm.s32 @!p2 $0x0  }
0x16: {  	s3 =	sld [smem:$0x3FDB];
	s0 =	simm.s32 @p2 $0x1  }
0x17: {  	s4 =	simm.s32 $0x1BF5;
	[smem:$0x3FB4] =	sst s0  }
0x18: {  	s0 =	sld [smem:$0x3F97];
	_ =	swait.ge [sflag:s4], $0x0  }
0x19: {  	s7 =	sld [smem:$0x3F98]  }
0x1a: {  	s8 =	sadd.s32 $0xFFFFE003, lr  }
0x1b: {  	s9 =	sadd.s32 $0xFFFFFEF7, lr;
	s5 =	simm.s32 $0xFFFFFFFF;
	p2 =	slt.u32 s8, $0xFFFFF086  }
0x1c: {  	p1 =	slt.u32 s9, $0xF7A;
	s5 =	simm.s32 @!p2 $0x0  }
0x1d: {  	s5 =	simm.s32 @p1 $0x1;
	p0 =	seq.s32 s7, s2  }
0x1e: {  	s7 =	smul.u32 @!p0 $0xF7A, s2;
	p2 =	seq.s32 @!p0 s5, $0x0  }
0x1f: {  	s9 =	smul.u32 $0xF7A, s1;
	s8 =	simm.s32 @!p0 $0x1BF5;
	p2 =	por !p2, p0  }
0x20: {  	[sflag:s8] =	ssyncset.s32 @!p0 $0xFFFFF086;
	s6 =	sadd.s32 @!p0 s3, s7;
	s7 =	simm.s32 @!p0 $0x108  }
0x21: {  	s3 =	sadd.s32 s3, s9;
	s6 =	sadd.s32 @!p0 $0x88, s6;
	s7 =	simm.s32 @p2 $0x1082  }
0x22: {  	[simem:s7], [sflag:s8] =	dma.local @!p0 [hbm:s6], $0xF7A  }
0x23: {  	s9 =	sor.u32 $0xD0000000, s2;
	s6 =	simm.s32 $0x108;
	_ =	swait.ge @!p0 [sflag:s8], $0x0  }
0x24: {  	s3 =	sadd.s32 $0x88, s3;
	s6 =	simm.s32 @!p1 $0x1082;
	[sflag:s4] =	ssyncset.s32 $0xFFFFF086  }
0x25: {  	[simem:s6], [sflag:s4] =	dma.local [hbm:s3], $0xF7A  }
0x26: {  	[smem:$0x3F98] =	sst s1;
	(tag) =	ssettag s2;
	_ =	strace s9  }
0x27: {  	s1 =	sld [smem:$0x3FA8]  }
0x28: {  	s2 =	sld [smem:$0x3FA9]  }
0x29: {  	s4 =	sld [smem:$0x3FAB]  }
0x2a: {  	p0 =	seq.s32 s5, $0x0;
	s5 =	sld [smem:$0x3FAC]  }
0x2b: {  	s6 =	sld [smem:$0x3FAD]  }
0x2c: {  	s7 =	sld [smem:$0x3FAE]  }
0x2d: {  	s3 =	simm.s32 $0x108;
	s8 =	sld [smem:$0x3FAF]  }
0x2e: {  	s3 =	simm.s32 @!p0 $0x1082;
	s9 =	sld [smem:$0x3FB0]  }
0x2f: {  	lr =	sadd.s32 s0, s3;
	s0 =	sld [smem:$0x3FA7]  }
0x30: {  	s3 =	sld [smem:$0x3FAA]  }
0x31: {  	[smem:$0x3FB3] =	sst s10  }
0x32: {  	s10 =	sld [smem:$0x3FB1];
	_ =	sdelay $0x3  }
0x33: {  	p0 =	seq.s32 s10, $0x1;
	s10 =	sld [smem:$0x3FB3];
	_ =	sdelay $0x3  }
0x34: {  	[smem:$0x3FB3] =	sst s10  }
0x35: {  	s10 =	sld [smem:$0x3FB2];
	_ =	sdelay $0x3  }
0x36: {  	p1 =	seq.s32 s10, $0x1;
	s10 =	sld [smem:$0x3FB3];
	_ =	sdelay $0x3  }
0x37: {  	[smem:$0x3FB3] =	sst s10  }
0x38: {  	s10 =	sld [smem:$0x3FB4]  }
0x39: {  	_ = 	snop;
	(pc) =	sbr.ind lr, $3  }
0x3a: {  	_ = 	snop  }
0x3b: {  	_ = 	snop  }
0x3c: {  	p2 =	seq.s32 s10, $0x1;
	s10 =	sld [smem:$0x3FB3]  }
0x3d: {  	_ =	shalt  }
0x3e: {  	_ =	shalt  }
0x3f: {  	_ =	shalt  }
0x40: {  	_ =	shalt  }
0x41: {  	_ =	shalt  }
0x42: {  	_ =	shalt  }
0x43: {  	_ =	shalt  }
0x44: {  	_ =	shalt  }
0x45: {  	_ =	shalt  }
0x46: {  	_ =	shalt  }
0x47: {  	_ =	shalt  }
0x48: {  	_ =	shalt  }
0x49: {  	_ =	shalt  }
0x4a: {  	_ =	shalt  }
0x4b: {  	_ =	shalt  }
0x4c: {  	_ =	shalt  }
0x4d: {  	_ =	shalt  }
0x4e: {  	_ =	shalt  }
0x4f: {  	_ =	shalt  }
0x50: {  	_ =	shalt  }
0x51: {  	_ =	shalt  }
0x52: {  	_ =	shalt  }
0x53: {  	_ =	shalt  }
0x54: {  	_ =	shalt  }
0x55: {  	_ =	shalt  }
0x56: {  	_ =	shalt  }
0x57: {  	_ =	shalt  }
0x58: {  	_ =	shalt  }
0x59: {  	_ =	shalt  }
0x5a: {  	_ =	shalt  }
0x5b: {  	_ =	shalt  }
0x5c: {  	_ =	shalt  }
0x5d: {  	_ =	shalt  }
0x5e: {  	_ =	shalt  }
0x5f: {  	_ =	shalt  }
0x60: {  	_ =	shalt  }
0x61: {  	_ =	shalt  }
0x62: {  	_ =	shalt  }
0x63: {  	_ =	shalt  }
0x64: {  	_ =	shalt  }
0x65: {  	_ =	shalt  }
0x66: {  	_ =	shalt  }
0x67: {  	_ =	shalt  }
0x68: {  	_ =	shalt  }
0x69: {  	_ =	shalt  }
0x6a: {  	_ =	shalt  }
0x6b: {  	_ =	shalt  }
0x6c: {  	_ =	shalt  }
0x6d: {  	_ =	shalt  }
0x6e: {  	_ =	shalt  }
0x6f: {  	_ =	shalt  }
0x70: {  	_ =	shalt  }
0x71: {  	_ =	shalt  }
0x72: {  	_ =	shalt  }
0x73: {  	_ =	shalt  }
0x74: {  	_ =	shalt  }
0x75: {  	_ =	shalt  }
0x76: {  	_ =	shalt  }
0x77: {  	_ =	shalt  }
0x78: {  	_ =	shalt  }
0x79: {  	_ =	shalt  }
0x7a: {  	_ =	shalt  }
0x7b: {  	_ =	shalt  }
0x7c: {  	_ =	shalt  }
0x7d: {  	_ =	shalt  }
0x7e: {  	_ =	shalt  }
0x7f: {  	_ =	shalt  }
0x80: {  	_ =	shalt  }
0x81: {  	_ =	shalt  }
0x82: {  	_ =	shalt  }
0x83: {  	_ =	shalt  }
0x84: {  	_ =	shalt  }
0x85: {  	_ =	shalt  }
0x86: {  	_ =	shalt  }
0x87: {  	_ =	shalt  }
.Lfunc_end0:
.L_simem_size_0:
called_computation.1_lowered:
.L_overlay_start_0:
0x88: {  	s2 =	sld [smem:$0x3FD9]  }
0x89: {  	s3 =	sld [smem:$0x3FFE];
	_ =	sdelay $0x1  }
0x8a: {  	s1 =	srdreg.scid  }
0x8b: {  	s0 =	sand.u32 $0x1, s1  }
0x8c: {  	s17 =	sshll.u32 s0, $0xA;
	s2 =	sadd.s32 s3, s2  }
0x8d: {  	s2 =	sadd.s32 s2, s17  }
0x8e: {  	[smem:$0x3FBF] =	sst s2  }
0x8f: {  	_ = 	snop  }
0x90: {  	s2 =	sld [smem:$0x3FD0];
	(tm) =	ssettm $0x1  }
0x91: {  	s18 =	sld [smem:$0x3FFB];
	_ =	sdelay $0x3  }
0x92: {  	_ =	strace s18  }
0x93: {  	s3 =	sld [smem:$0x3FFC];
	_ =	sdelay $0x3  }
0x94: {  	_ =	strace s3  }
0x95: {  	s3 =	sld [smem:$0x3FFD];
	_ =	sdelay $0x3  }
0x96: {  	_ =	strace s3  }
0x97: {  	_ =	strace $0x8FFFFFFF  }
0x98: {  	s19 =	sld [smem:$0x3FDB];
	_ =	sdelay $0x1  }
0x99: {  	s4 =	simm.s32 $_scs_section_size  }
0x9a: {  	s5 =	simm.s32 $_size__tile_overlayer_lowered;
	s6 =	simm.s32 $_tile_overlayer_lowered  }
0x9b: {  	s22 =	simm.s32 $0x1BFF;
	s21 =	sshll.u32 s6, $0x1;
	s3 =	sadd.s32 s4, s19  }
0x9c: {  	s7 =	simm.s32 $0x0;
	s20 =	sshll.u32 s5, $0x1;
	s5 =	sadd.s32 s21, s3  }
0x9d: {  	[timem:s7], [sflag:s22] =	dma.local [hbm:s5], s20  }
0x9e: {  	_ =	swait.ge [sflag:s22], s20  }
0x9f: {  	s4 =	ssub.s32 $0x0, s20;
	[sflag:s22] =	ssyncset.done $0x0  }
0xa0: {  	[sflag:s22] =	ssyncadd.s32 s4;
	_ =	sdelay $0x1  }
0xa1: {  	s23 =	simm.s32 $0x1B8B  }
0xa2: {  	_ =	swait.ge [sflag:s23], $0x1  }
0xa3: {  	[sflag:s23] =	ssyncset.done $0x0  }
0xa4: {  	s25 =	simm.s32 $0x1B8E;
	s24 =	sld [smem:$0x3FFE];
	[sflag:s23] =	ssyncadd.s32 $0xFFFFFFFF  }
0xa5: {  	s26 =	simm.s32 $execute0_lowered;
	[smem:$0x3FD2] =	sst s25  }
0xa6: {  	s5 =	sshll.u32 s26, $0x1;
	_ =	strace $0x80000049;
	[dreg:$0x1] =	wrdreg $0xFFFFFFFF  }
0xa7: {  	s28 =	simm.s32 $_size_execute0_lowered;
	s3 =	sadd.s32 s3, s5;
	[dreg:$0x0] =	wrdreg $0x0  }
0xa8: {  	s5 =	sshll.u32 s28, $0x1;
	[dreg:$0x2] =	wrdreg s3  }
0xa9: {  	[dreg:$0x3] =	wrdreg s5  }
0xaa: {  	[dreg:$0x4] =	wrdreg $0xC0  }
0xab: {  	_ =	task [dreg:s7], $0x5FFFF  }
0xac: {  	[dreg:$0x1] =	wrdreg $0xFFFFFFFF  }
0xad: {  	[dreg:$0x0] =	wrdreg $0x60  }
0xae: {  	[dreg:$0x2] =	wrdreg s2  }
0xaf: {  	[dreg:$0x3] =	wrdreg s24  }
0xb0: {  	[dreg:$0x4] =	wrdreg $0x90000  }
0xb1: {  	[dreg:$0x5] =	wrdreg $0x9  }
0xb2: {  	_ =	task.clear_ibuf [dreg:s7], $0x6FFFF;
	_ =	strace $0x90000049  }
0xb3: {  	s29 =	simm.s32 $0x9;
	_ =	strace $0x8000004B  }
0xb4: {  	_ =	swait.ge [sflag:s29], $0x1  }
0xb5: {  	[sflag:s29] =	ssyncadd.s32 $0xFFFFFFFF  }
0xb6: {  	_ =	strace $0x9000004B  }
0xb7: {  	_ =	sfence  }
0xb8: {  	s30 =	sld [smem:$0x0];
	_ =	sdelay $0x2  }
0xb9: {  	s31 =	sshll.u32 s1, $0xD;
	s1 =	sshrl.u32 s1, $0x2  }
0xba: {  	s3 =	sand.u32 $0x4000, s31;
	s1 =	sadd.s32 s1, s30  }
0xbb: {  	s0 =	sor.u32 s3, s0;
	s1 =	sshll.u32 s1, $0x11  }
0xbc: {  	s0 =	sor.u32 s1, s0  }
0xbd: {  	s0 =	sadd.s32 $0x8F2B, s0  }
0xbe: {  	[sflag:s0] =	ssyncadd.remote.s32 $0x1  }
0xbf: {  	_ =	sfence.sel $0xFFFF  }
0xc0: {  	[dreg:$0x0] =	wrdreg $0xFFFFFFFF;
	(pc) =	sbr.abs _section_cstart, $3  }
0xc1: {  	[dreg:$0x1] =	wrdreg $0xFFFFFFFF  }
0xc2: {  	_ =	task.clear_ibuf [dreg:s7], $0x2FFFF;
	_ =	strace $0x9FFFFFFF  }
0xc3: {  	(tm) =	ssettm $0x7FFFFFFF  }
tec
execute0_lowered:
.L_overlay_start_1:
0x0: {  	(tag) =	ssettag $0x1  }
0x1: {  	s0 =	rddreg [dreg:$0x0]  }
0x2: {  	s7 =	rddreg [dreg:$0x1]  }
0x3: {  	s1 =	srdreg.scid;
	s3 =	rddreg [dreg:$0x2]  }
0x4: {  	s25 =	stileid.u32;
	s4 =	simm.s32 $0x0;
	s17 =	simm.s32 $0x4  }
0x5: {  	s19 =	simm.s32 $0x80;
	s20 =	simm.s32 $0x2;
	s6 =	smul.u32 $0x14000, s25  }
0x6: {  	s21 =	simm.s32 $0x1;
	s8 =	sand.u32 $0x1, s1;
	s10 =	smul.u32 $0x50000, s25  }
0x7: {  	s24 =	simm.s32 $0x0;
	[smem:$0x7FF] =	sst s4;
	s5 =	smul.u32 $0x140000, s8  }
0x8: {  	_ =	strace $0x8000004A;
	s26 =	sshll.u32 s8, $0x4;
	s8 =	ssub.s32 $0x2, s8  }
0x9: {  	s28 =	sor.u32 s25, s26;
	s29 =	sshrl.u32 s10, $0x2;
	s30 =	sshrl.u32 s8, $0x1  }
0xa: {  	s6 =	sadd.s32 s6, s5;
	s5 =	sadd.s32 $0xC400, s7;
	s15 =	smul.u32 $0x2800, s28  }
0xb: {  	s16 =	ssub.s32 s8, s30;
	s9 =	sshrl.u32 s6, $0x3;
	s6 =	sadd.s32 $0x2400, s7  }
0xc: {  	s14 =	sadd.s32 s9, s7;
	s7 =	sadd.s32 s29, s3;
	s13 =	sshrl.u32 s15, $0x3  }
0xd: {  	s15 =	sor.u32 $0x400, s15;
	s31 =	sadd.s32 $0x4000, s7;
	s9 =	sadd.s32 $0x8000, s7  }
0xe: {  	s10 =	sadd.s32 $0xC000, s7;
	s11 =	sadd.s32 $0x10000, s7;
	s12 =	sadd.s32 s5, s13  }
0xf: {  	s13 =	sadd.s32 s6, s13;
	[dreg:$0x4] =	wrdreg s15;
	s14 =	sadd.s32 $0x16400, s14  }
0x10: {  	v0 =	vimm.f32 $0.0e+00;
	s15 =	smax.u32 s16, $0x1;
	s16 =	simm.s32 $0x1000;
	[dreg:$0x5] =	wrdreg s31  }
.LBB2_1:
0x11: {  	s25 =	simm.s32 $0x0;
	s26 =	simm.s32 $0x200  }
.LBB2_2:
0x12: {  	p0 =	sne.s32 s26, $0xFE00;
	[tilespmem:s25+$0x1070] =	vst v0  }
0x13: {  	[tilespmem:s25+$0x1000] =	vst v0  }
0x14: {  	[tilespmem:s25+$0x1010] =	vst v0  }
.Ltmp0:
0x15: {  	[tilespmem:s25+$0x1020] =	vst v0;
	(pc) =	sbr.rel @p0 .LBB2_2-.Ltmp0, $4  }
0x16: {  	[tilespmem:s25+$0x1030] =	vst v0  }
0x17: {  	[tilespmem:s25+$0x1040] =	vst v0  }
0x18: {  	[tilespmem:s25+$0x1050] =	vst v0  }
0x19: {  	[tilespmem:s25+$0x1060] =	vst v0;
	s25 =	sshra.s32 s26, $0x2;
	s26 =	sadd.s32 $0x200, s26  }
0x1a: {  	[tilespmem:s25+$0x1070] =	vst v0  }
0x1b: {  	[tilespmem:s25+$0x1000] =	vst v0  }
0x1c: {  	[tilespmem:s25+$0x1010] =	vst v0  }
0x1d: {  	[tilespmem:s25+$0x1020] =	vst v0  }
0x1e: {  	[tilespmem:s25+$0x1030] =	vst v0  }
0x1f: {  	[tilespmem:s25+$0x1040] =	vst v0  }
0x20: {  	[tilespmem:s25+$0x1050] =	vst v0  }
0x21: {  	[tilespmem:s25+$0x1060] =	vst v0  }
0x22: {  	[spmem:s7] =	stream.linear.scatter [tilespmem:s16], [sflag:$0x4], $0x4000, $0x38;
	[tilespmem:$0x1D000] =	vst v63  }
0x23: {  	_ =	swait.ge [sflag:s17], $0x4000  }
0x24: {  	[sflag:s17] =	ssyncset.done $0x0  }
0x25: {  	s1 =	rddreg [dreg:$0x5];
	[sflag:s17] =	ssyncadd.s32 $0xFFFFC000  }
0x26: {  	[spmem:s1] =	stream.linear.scatter [tilespmem:s16], [sflag:$0x4], $0x4000, $0x38;
	[tilespmem:$0x1D000] =	vst v63  }
0x27: {  	_ =	swait.ge [sflag:s17], $0x4000  }
0x28: {  	[sflag:s17] =	ssyncset.done $0x0  }
0x29: {  	[sflag:s17] =	ssyncadd.s32 $0xFFFFC000  }
0x2a: {  	[spmem:s9] =	stream.linear.scatter [tilespmem:s16], [sflag:$0x4], $0x4000, $0x38;
	[tilespmem:$0x1D000] =	vst v63  }
0x2b: {  	_ =	swait.ge [sflag:s17], $0x4000  }
0x2c: {  	[sflag:s17] =	ssyncset.done $0x0  }
0x2d: {  	[sflag:s17] =	ssyncadd.s32 $0xFFFFC000  }
0x2e: {  	[spmem:s10] =	stream.linear.scatter [tilespmem:s16], [sflag:$0x4], $0x4000, $0x38;
	[tilespmem:$0x1D000] =	vst v63  }
0x2f: {  	_ =	swait.ge [sflag:s17], $0x4000  }
0x30: {  	[sflag:s17] =	ssyncset.done $0x0  }
0x31: {  	[sflag:s17] =	ssyncadd.s32 $0xFFFFC000  }
0x32: {  	[spmem:s11] =	stream.linear.scatter [tilespmem:s16], [sflag:$0x4], $0x4000, $0x38;
	[tilespmem:$0x1D000] =	vst v63  }
0x33: {  	_ =	swait.ge [sflag:s17], $0x4000  }
0x34: {  	[sflag:s17] =	ssyncset.done $0x0  }
0x35: {  	[sflag:s17] =	ssyncadd.s32 $0xFFFFC000  }
0x36: {  	[bflag:$0x0] =	sbarrier.arrive $0xFFFF  }
0x37: {  	[tilespmem:s4], [sflag:$0x4] =	stream.linear.gather [hbm4b:s12+s4], $0x400, $0x38;
	[tilespmem:$0x1D000] =	vst v63  }
0x38: {  	_ =	swait.ge [sflag:s17], $0x400  }
0x39: {  	[sflag:s17] =	ssyncset.done $0x0  }
0x3a: {  	s18 =	simm.s32 $0x800;
	[sflag:s17] =	ssyncadd.s32 $0xFFFFFC00  }
0x3b: {  	[tilespmem:s18], [sflag:$0x4] =	stream.linear.gather [hbm4b:s13+s4], $0x400, $0x38;
	[tilespmem:$0x1D000] =	vst v63  }
0x3c: {  	_ =	swait.ge [sflag:s17], $0x400  }
0x3d: {  	s22 =	simm.s32 $0x1;
	s26 =	simm.s32 $0x0;
	[sflag:s17] =	ssyncset.done $0x0  }
0x3e: {  	p0 =	por $0x0, $0x0;
	s28 =	sand.u32 $0x7, s26;
	[sflag:s17] =	ssyncadd.s32 $0xFFFFFC00  }
0x3f: {  	[tilespmem:s16], [sflag:$0x1] =	stream.indirect.gather [hbm4b:s0+s19], $0x80, s4, s19, $0xb8;
	[tilespmem:$0x1D000] =	vst v63  }
0x40: {  	s30 =	simm.s32 $0x0;
	p1 =	sne.s32 @!p0 s28, $0x0;
	_ =	swait.ge [sflag:s22], $0x4000  }
0x41: {  	s30 =	sand.u32 $0x1, s30;
	p0 =	por p1, p0;
	s29 =	rddreg [dreg:$0x4]  }
0x42: {  	s31 =	sshll.u32 @!p0 s30, $0xA;
	s29 =	sadd.s32 @!p0 $0x0, s29  }
0x43: {  	s1 =	simm.s32 @!p0 $0x0;
	[sflag:s22] =	ssyncset.done $0x0;
	s29 =	sshrl.u32 @!p0 s29, $0x3  }
0x44: {  	s2 =	sxor.u32 @!p0 $0x400, s31;
	[sflag:s22] =	ssyncadd.s32 $0xFFFFC000;
	s18 =	sadd.s32 @!p0 s5, s29  }
0x45: {  	[tilespmem:s2], [sflag:$0x3] =	stream.linear.gather @!p0 [hbm4b:s18+s1], $0x400, $0x38;
	[tilespmem:$0x1D000] =	vst v63  }
0x46: {  	s23 =	sand.u32 $0x7, s22;
	s2 =	sxor.u32 @!p0 $0xC00, s31;
	s18 =	sadd.s32 @!p0 s6, s29  }
0x47: {  	[tilespmem:s2], [sflag:$0x3] =	stream.linear.gather @!p0 [hbm4b:s18+s1], $0x400, $0x38;
	[tilespmem:$0x1D000] =	vst v63  }
0x48: {  	p0 =	sne.s32 s23, $0x0  }
0x49: {  	s2 =	simm.s32 @!p0 $0x3  }
0x4a: {  	s8 =	simm.s32 $0x200;
	_ =	swait.ge @!p0 [sflag:s2], $0x400  }
0x4b: {  	s26 =	sand.u32 $0x1, s26;
	s25 =	sshll.u32 s28, $0x7;
	[sflag:s2] =	ssyncset.done @!p0 $0x0  }
0x4c: {  	s26 =	sshll.u32 s26, $0xE;
	s31 =	sshll.u32 s30, $0xA;
	[sflag:s2] =	ssyncadd.s32 @!p0 $0xFFFFFC00  }
0x4d: {  	s18 =	sor.u32 s25, s31;
	s25 =	sand.u32 $0x1000, s8;
	_ =	swait.ge @!p0 [sflag:s2], $0x400  }
0x4e: {  	s1 =	sshll.u32 s23, $0x7;
	s25 =	sshrl.u32 s25, $0x2;
	[sflag:s2] =	ssyncset.done @!p0 $0x0  }
0x4f: {  	s22 =	sxor.u32 $0x5000, s26;
	s1 =	sor.u32 s1, s25;
	[sflag:s2] =	ssyncadd.s32 @!p0 $0xFFFFFC00  }
0x50: {  	[tilespmem:s22], [sflag:$0x1] =	stream.indirect.gather [hbm4b:s0+s19], $0x80, s1, s19, $0xb8;
	[tilespmem:$0x1D000] =	vst v63  }
0x51: {  	s30 =	simm.s32 $0x1;
	s31 =	sor.u32 $0x1000, s26;
	s18 =	sor.u32 $0x800, s18  }
0x52: {  	[spmem:s3] =	stream.indirect.scatter.add.f32 [tilespmem:s31], [sflag:$0x2], $0x80, s18, s19, $0xb8;
	[tilespmem:$0x1D000] =	vst v63  }
0x53: {  	p1 =	por $0x0, $0x0;
	s29 =	sand.u32 $0x7, s30;
	_ =	swait.ge [sflag:s20], $0x4000  }
0x54: {  	s23 =	simm.s32 $0x2;
	s26 =	simm.s32 $0x3;
	[sflag:s20] =	ssyncset.done $0x0  }
0x55: {  	s28 =	sand.u32 $0x7, s23;
	s25 =	simm.s32 $0x400;
	[sflag:s20] =	ssyncadd.s32 $0xFFFFC000  }
.LBB2_4:
0x56: {  	p0 =	sne.s32 @!p1 s29, $0x0  }
0x57: {  	_ =	swait.ge [sflag:s21], $0x4000;
	s2 =	sshrl.u32 s30, $0x3;
	p0 =	por p0, p1  }
0x58: {  	s18 =	rddreg [dreg:$0x4];
	s31 =	sand.u32 $0x1, s2;
	s2 =	sshll.u32 @!p0 s2, $0xA  }
0x59: {  	[sflag:s21] =	ssyncset.done $0x0;
	s2 =	sadd.s32 @!p0 s2, s18  }
0x5a: {  	s22 =	simm.s32 @!p0 $0x0;
	s23 =	sshll.u32 @!p0 s31, $0xA;
	s2 =	sshrl.u32 @!p0 s2, $0x3  }
0x5b: {  	[sflag:s21] =	ssyncadd.s32 $0xFFFFC000;
	s18 =	sxor.u32 @!p0 $0x400, s23;
	s8 =	sadd.s32 @!p0 s5, s2  }
0x5c: {  	[tilespmem:s18], [sflag:$0x3] =	stream.linear.gather @!p0 [hbm4b:s8+s22], $0x400, $0x38;
	[tilespmem:$0x1D000] =	vst v63  }
0x5d: {  	p1 =	sne.s32 s28, $0x0;
	s23 =	sxor.u32 @!p0 $0xC00, s23;
	s2 =	sadd.s32 @!p0 s6, s2  }
0x5e: {  	[tilespmem:s23], [sflag:$0x3] =	stream.linear.gather @!p0 [hbm4b:s2+s22], $0x400, $0x38;
	[tilespmem:$0x1D000] =	vst v63  }
0x5f: {  	s1 =	sshll.u32 s29, $0x7;
	s2 =	simm.s32 @!p1 $0x3  }
0x60: {  	s29 =	smov.u32 s26;
	s30 =	sand.u32 $0x1, s30;
	_ =	swait.ge @!p1 [sflag:s2], $0x400  }
0x61: {  	s26 =	sadd.s32 $0x1, s26;
	s31 =	sshll.u32 s31, $0xA;
	[sflag:s2] =	ssyncset.done @!p1 $0x0  }
0x62: {  	s1 =	sor.u32 s1, s31;
	s31 =	sand.u32 $0x1000, s25;
	[sflag:s2] =	ssyncadd.s32 @!p1 $0xFFFFFC00  }
0x63: {  	s8 =	sshll.u32 s28, $0x7;
	s18 =	sshll.u32 s30, $0xE;
	_ =	swait.ge @!p1 [sflag:s2], $0x400  }
0x64: {  	p0 =	sne.s32 s26, $0x50;
	s22 =	sshrl.u32 s31, $0x2;
	[sflag:s2] =	ssyncset.done @!p1 $0x0  }
0x65: {  	s23 =	sxor.u32 $0x5000, s18;
	s8 =	sor.u32 s8, s22;
	[sflag:s2] =	ssyncadd.s32 @!p1 $0xFFFFFC00  }
0x66: {  	[tilespmem:s23], [sflag:$0x1] =	stream.indirect.gather [hbm4b:s0+s19], $0x80, s8, s19, $0xb8;
	[tilespmem:$0x1D000] =	vst v63  }
.Ltmp1:
0x67: {  	s1 =	sor.u32 $0x800, s1;
	s31 =	sor.u32 $0x1000, s18;
	(pc) =	sbr.rel @p0 .LBB2_4-.Ltmp1, $4  }
0x68: {  	[spmem:s3] =	stream.indirect.scatter.add.f32 [tilespmem:s31], [sflag:$0x2], $0x80, s1, s19, $0xb8;
	[tilespmem:$0x1D000] =	vst v63  }
0x69: {  	s25 =	sadd.s32 $0x200, s25;
	_ =	swait.ge [sflag:s20], $0x4000  }
0x6a: {  	s30 =	sadd.s32 $0xFFFFFFFF, s29;
	s28 =	sand.u32 $0x7, s29;
	[sflag:s20] =	ssyncset.done $0x0  }
0x6b: {  	s29 =	sand.u32 $0x7, s30;
	p1 =	sgt.u32 s30, $0x47;
	[sflag:s20] =	ssyncadd.s32 $0xFFFFC000  }
0x6c: {  	p0 =	sne.s32 @!p1 s29, $0x0  }
0x6d: {  	_ =	swait.ge [sflag:s21], $0x4000;
	s2 =	sshrl.u32 s30, $0x3;
	p1 =	por p0, p1  }
0x6e: {  	s1 =	rddreg [dreg:$0x4];
	s8 =	sshll.u32 @!p1 s2, $0xA  }
0x6f: {  	[sflag:s21] =	ssyncset.done $0x0;
	s2 =	sand.u32 $0x1, s2;
	s1 =	sadd.s32 @!p1 s8, s1  }
0x70: {  	s18 =	simm.s32 @!p1 $0x0;
	s8 =	sshll.u32 @!p1 s2, $0xA;
	s1 =	sshrl.u32 @!p1 s1, $0x3  }
0x71: {  	[sflag:s21] =	ssyncadd.s32 $0xFFFFC000;
	s22 =	sxor.u32 @!p1 $0x400, s8;
	s23 =	sadd.s32 @!p1 s5, s1  }
0x72: {  	[tilespmem:s22], [sflag:$0x3] =	stream.linear.gather @!p1 [hbm4b:s23+s18], $0x400, $0x38;
	[tilespmem:$0x1D000] =	vst v63  }
0x73: {  	p0 =	sne.s32 s28, $0x0;
	s8 =	sxor.u32 @!p1 $0xC00, s8;
	s1 =	sadd.s32 @!p1 s6, s1  }
0x74: {  	[tilespmem:s8], [sflag:$0x3] =	stream.linear.gather @!p1 [hbm4b:s1+s18], $0x400, $0x38;
	[tilespmem:$0x1D000] =	vst v63  }
0x75: {  	s1 =	simm.s32 @!p0 $0x3  }
0x76: {  	_ =	swait.ge @!p0 [sflag:s1], $0x400  }
0x77: {  	s29 =	sshll.u32 s29, $0x7;
	s30 =	sand.u32 $0x1, s30;
	[sflag:s1] =	ssyncset.done @!p0 $0x0  }
0x78: {  	s31 =	sshll.u32 s28, $0x7;
	s2 =	sshll.u32 s2, $0xA;
	[sflag:s1] =	ssyncadd.s32 @!p0 $0xFFFFFC00  }
0x79: {  	s2 =	sor.u32 s29, s2;
	s23 =	sand.u32 $0x1000, s25;
	_ =	swait.ge @!p0 [sflag:s1], $0x400  }
0x7a: {  	s22 =	sshrl.u32 s23, $0x2;
	s18 =	sshll.u32 s30, $0xE;
	[sflag:s1] =	ssyncset.done @!p0 $0x0  }
0x7b: {  	s8 =	sor.u32 s31, s22;
	s25 =	sxor.u32 $0x5000, s18;
	[sflag:s1] =	ssyncadd.s32 @!p0 $0xFFFFFC00  }
0x7c: {  	[tilespmem:s25], [sflag:$0x1] =	stream.indirect.gather [hbm4b:s0+s19], $0x80, s8, s19, $0xb8;
	[tilespmem:$0x1D000] =	vst v63  }
0x7d: {  	s2 =	sor.u32 $0x800, s2;
	s26 =	sor.u32 $0x1000, s18  }
0x7e: {  	[spmem:s3] =	stream.indirect.scatter.add.f32 [tilespmem:s26], [sflag:$0x2], $0x80, s2, s19, $0xb8;
	[tilespmem:$0x1D000] =	vst v63  }
0x7f: {  	_ =	swait.ge [sflag:s20], $0x4000  }
0x80: {  	[sflag:s20] =	ssyncset.done $0x0  }
0x81: {  	[sflag:s20] =	ssyncadd.s32 $0xFFFFC000  }
0x82: {  	_ =	swait.ge [sflag:s21], $0x4000  }
0x83: {  	[sflag:s21] =	ssyncset.done $0x0  }
0x84: {  	s28 =	simm.s32 $0xF80;
	s29 =	simm.s32 $0x5000;
	[sflag:s21] =	ssyncadd.s32 $0xFFFFC000  }
0x85: {  	[spmem:s3] =	stream.indirect.scatter.add.f32 [tilespmem:s29], [sflag:$0x2], $0x80, s28, s19, $0xb8;
	[tilespmem:$0x1D000] =	vst v63  }
0x86: {  	s24 =	sadd.s32 $0x1, s24;
	_ =	swait.ge [sflag:s20], $0x4000  }
0x87: {  	s30 =	stileid.u32;
	s31 =	sshrl.u32 s7, $0x3;
	[sflag:s20] =	ssyncset.done $0x0  }
0x88: {  	s1 =	sshll.u32 s30, $0x6;
	p0 =	sne.s32 s24, s15;
	[sflag:s20] =	ssyncadd.s32 $0xFFFFC000  }
.Ltmp2:
0x89: {  	s1 =	sor.u32 $0x1C04, s1;
	[bflag:$0x0] =	sbarrier.arrive $0xFFFF;
	(pc) =	sbr.rel @p0 .LBB2_1-.Ltmp2, $4  }
0x8a: {  	[hbm:s14], [sflag:s1] =	dma.local [spmem:s31], $0x2800  }
0x8b: {  	_ =	swait.ge [sflag:s17], $0x2800  }
0x8c: {  	[sflag:s17] =	ssyncset.done $0x0  }
0x8d: {  	[sflag:s17] =	ssyncadd.s32 $0xFFFFD800  }
0x8e: {  	_ =	sfence.sel $0x180000  }
0x8f: {  	[bflag:$0x0] =	sbarrier.arrive $0xFFFF  }
0x90: {  	_ =	strace $0x9000004A  }
0x91: {  	s0 =	stileid.u32;
	[bflag:$0x2] =	sbarrier.arrive $0xFFFF  }
0x92: {  	p0 =	sne.s32 s0, $0x0;
	s0 =	rddreg [dreg:$0x3]  }
0x93: {  	s0 =	sadd.s32 @!p0 $0x100000, s0  }
0x94: {  	[sflag:s0] =	ssyncadd.tile.s32 @!p0 $0x1;
	_ =	shalt  }
.Lfunc_end2:
_tile_overlayer_lowered:
.L_overlay_start_2:
0x95: {  	(tag) =	ssettag $0x2  }
0x96: {  	s0 =	rddreg [dreg:$0x0];
	s2 =	stileid.u32  }
0x97: {  	s1 =	rddreg [dreg:$0x1];
	p0 =	sne.s32 s2, $0x0  }
0x98: {  	s3 =	rddreg [dreg:$0x2];
	[bflag:$0x3] =	sbarrier.arrive $0xFFFF;
	s2 =	simm.s32 @!p0 $0x1C04  }
0x99: {  	[timem:s3], [sflag:s2] =	dma.local @!p0 [hbm:s0], s1  }
0x9a: {  	s0 =	simm.s32 @!p0 $0x4  }
0x9b: {  	_ =	swait.ge @!p0 [sflag:s0], s1  }
0x9c: {  	s1 =	ssub.s32 @!p0 $0x0, s1;
	[sflag:s0] =	ssyncset.done @!p0 $0x0  }
0x9d: {  	[sflag:s0] =	ssyncadd.s32 @!p0 s1  }
0x9e: {  	[bflag:$0x3] =	sbarrier.arrive $0xFFFF  }
0x9f: {  	_ =	shalt  }

</sc_bundles>
